<compile_context>
chip_gen: v7x
topology: tpu7x:2x2x1
jax: 0.10.2.dev20260603
libtpu: 0.0.44.dev20260713+nightly
codegen_flags: <defaults>
</compile_context>

<pallas_src>
import jax
import jax.numpy as jnp
from jax import lax
from jax.experimental import pallas as pl
from jax.experimental.pallas import tpu as pltpu
from jax.experimental.pallas import tpu_sc as plsc

NC = 2
NS = 16
NW = NC * NS
EDGE_BATCH = 128



def _make_sc_aggregate(n_pad, e, h, with_count):
  assert e % (NW * EDGE_BATCH) == 0
  nb = e // (NW * EDGE_BATCH)
  assert n_pad % (NS * 16) == 0
  rows_per_tile = n_pad // NS

  mesh = plsc.VectorSubcoreMesh(
      core_axis_name="c", subcore_axis_name="s",
      num_cores=NC, num_subcores=NS)

  NBUF = 8
  PREF = 5
  assert nb >= NBUF

  out_type = [jax.ShapeDtypeStruct((NC * n_pad, h), jnp.float32)]
  scratch = [
      pltpu.VMEM_SHARED((n_pad, h), jnp.float32),
      pltpu.VMEM((nb, EDGE_BATCH), jnp.int32),
      pltpu.VMEM((nb, EDGE_BATCH), jnp.int32),
      [pltpu.VMEM((EDGE_BATCH, h), jnp.float32) for _ in range(NBUF)],
      pltpu.VMEM((rows_per_tile, h), jnp.float32),
      [pltpu.SemaphoreType.DMA for _ in range(NBUF)],
      [pltpu.SemaphoreType.DMA for _ in range(NBUF)],
  ]
  if with_count:
    out_type.append(jax.ShapeDtypeStruct((NC * n_pad,), jnp.float32))
    scratch += [
        pltpu.VMEM_SHARED((n_pad,), jnp.float32),
        pltpu.VMEM((EDGE_BATCH,), jnp.float32),
        pltpu.VMEM((rows_per_tile,), jnp.float32),
        pltpu.SemaphoreType.DMA,
    ]

  def body(feat_hbm, src_hbm, dst_hbm, agg_hbm, *rest):
    if with_count:
      (cnt_hbm, agg_sh, src_l, dst_l, rows, stage_v, gsem, ssem,
       cnt_sh, ones_v, cstage_v, csem) = rest
    else:
      agg_sh, src_l, dst_l, rows, stage_v, gsem, ssem = rest
    cid = lax.axis_index("c")
    sid = lax.axis_index("s")
    wid = sid * NC + cid
    row0 = sid * rows_per_tile

    pltpu.sync_copy(src_hbm.at[pl.ds(wid * nb, nb)], src_l)
    pltpu.sync_copy(dst_hbm.at[pl.ds(wid * nb, nb)], dst_l)

    def zrow(i, _):
      stage_v[i] = jnp.zeros((h,), jnp.float32)
      return 0
    lax.fori_loop(0, rows_per_tile, zrow, 0)
    pltpu.sync_copy(stage_v, agg_sh.at[pl.ds(row0, rows_per_tile)])
    if with_count:
      def zc(i, _):
        cstage_v[pl.ds(i * 16, 16)] = jnp.zeros((16,), jnp.float32)
        return 0
      lax.fori_loop(0, rows_per_tile // 16, zc, 0)
      pltpu.sync_copy(cstage_v, cnt_sh.at[pl.ds(row0, rows_per_tile)])
      def oc(i, _):
        ones_v[pl.ds(i * 16, 16)] = jnp.ones((16,), jnp.float32)
        return 0
      lax.fori_loop(0, EDGE_BATCH // 16, oc, 0)
    plsc.subcore_barrier()

    def start_gather(b, j):
      pltpu.async_copy(feat_hbm.at[src_l.at[b]], rows[j], gsem[j])

    def wait_gather(j):
      pltpu.make_async_copy(feat_hbm.at[src_l.at[0]], rows[j], gsem[j]).wait()

    def start_scatter(b, j):
      pltpu.async_copy(rows[j], agg_sh.at[dst_l.at[b]], ssem[j], add=True)
      if with_count:
        pltpu.async_copy(ones_v, cnt_sh.at[dst_l.at[b]], csem, add=True)

    def wait_scatter(j):
      pltpu.make_async_copy(rows[j], agg_sh.at[dst_l.at[0]], ssem[j]).wait()

    def pipe_body(b, j, static_tail):
      jn = (j + PREF) % NBUF
      wait_gather(j)
      start_scatter(b, j)
      bn = b + PREF
      if static_tail:
        if bn < nb:
          if bn >= NBUF:
            wait_scatter(jn)
          start_gather(bn, jn)
      else:
        @pl.when(bn < nb)
        def _():
          wait_scatter(jn)
          start_gather(bn, jn)

    for b in range(PREF):
      start_gather(b, b)
    n_groups = nb // NBUF
    for j in range(NBUF):
      pipe_body(j, j, static_tail=True)

    def group(g, _):
      b0 = g * NBUF
      for j in range(NBUF):
        pipe_body(b0 + j, j, static_tail=False)
      return 0
    lax.fori_loop(1, n_groups, group, 0)
    for b in range(n_groups * NBUF, nb):
      pipe_body(b, b % NBUF, static_tail=True)

    for b in range(nb - NBUF, nb):
      wait_scatter(b % NBUF)
    if with_count:
      def cdrain(i, _):
        pltpu.make_async_copy(ones_v, cnt_sh.at[dst_l.at[0]], csem).wait()
        return 0
      lax.fori_loop(0, nb, cdrain, 0)
    plsc.subcore_barrier()

    out0 = cid * n_pad + row0
    pltpu.sync_copy(agg_sh.at[pl.ds(row0, rows_per_tile)], stage_v)
    pltpu.sync_copy(stage_v, agg_hbm.at[pl.ds(out0, rows_per_tile)])
    if with_count:
      pltpu.sync_copy(cnt_sh.at[pl.ds(row0, rows_per_tile)], cstage_v)
      pltpu.sync_copy(cstage_v, cnt_hbm.at[pl.ds(out0, rows_per_tile)])

  return pl.kernel(
      body, out_type=out_type, mesh=mesh, scratch_types=scratch,
      compiler_params=pltpu.CompilerParams(
          use_tc_tiling_on_sc=False,
          disable_bounds_checks=True,
          disable_semaphore_checks=True))





def _tc_project(np8, xp, wbig_l, wbig_r, b1_tile):

  def body(x_ref, wl_ref, wr_ref, b_ref, xl_ref, xr_ref):
    xv = x_ref[...]
    xl_ref[...] = jnp.dot(xv, wl_ref[...], preferred_element_type=jnp.float32)
    xr_ref[...] = (jnp.dot(xv, wr_ref[...], preferred_element_type=jnp.float32)
                   + b_ref[...])

  return pl.pallas_call(
      body,
      out_shape=[jax.ShapeDtypeStruct((np8, 128), jnp.float32),
                 jax.ShapeDtypeStruct((np8, 128), jnp.float32)],
  )(xp, wbig_l, wbig_r, b1_tile)


def _tc_mid(agg, cnt, xr_p, expand, w2l_bd, w2r_bd, b2_tile):
  np8 = agg.shape[1]

  def body(agg_ref, cnt_ref, xr_ref, e_ref, wl_ref, wr_ref, b_ref,
           hl_ref, hr_ref):
    a = agg_ref[0] + agg_ref[1]
    c = cnt_ref[0] + cnt_ref[1]
    inv = 1.0 / jnp.clip(c, 1.0)
    mean = a * jnp.dot(inv, e_ref[...], preferred_element_type=jnp.float32)
    hv = jnp.maximum(mean + xr_ref[...], 0.0)
    hl_ref[...] = jnp.dot(hv, wl_ref[...], preferred_element_type=jnp.float32)
    hr_ref[...] = (jnp.dot(hv, wr_ref[...], preferred_element_type=jnp.float32)
                   + b_ref[...])

  return pl.pallas_call(
      body,
      out_shape=[jax.ShapeDtypeStruct((np8, 128), jnp.float32),
                 jax.ShapeDtypeStruct((np8, 128), jnp.float32)],
  )(agg, cnt, xr_p, expand, w2l_bd, w2r_bd, b2_tile)


def _tc_post(n, c_dim, agg, cnt, hr_p, expand, gsum):
  np8 = agg.shape[1]

  def body(agg_ref, cnt_ref, hr_ref, e_ref, g_ref, out_ref):
    a = agg_ref[0] + agg_ref[1]
    c = cnt_ref[0] + cnt_ref[1]
    inv = 1.0 / jnp.clip(c, 1.0)
    z = (a * jnp.dot(inv, e_ref[...], preferred_element_type=jnp.float32)
         + hr_ref[...])
    m = jnp.max(z, axis=1, keepdims=True)
    ez = jnp.exp(z - m)
    s = jnp.dot(ez, g_ref[...], preferred_element_type=jnp.float32)
    out_ref[...] = (z - m) - jnp.dot(jnp.log(s), e_ref[...],
                                     preferred_element_type=jnp.float32)

  return pl.pallas_call(
      body,
      out_shape=jax.ShapeDtypeStruct((np8, 128), jnp.float32),
  )(agg, cnt, hr_p, expand, gsum)



def kernel(x, edge_index, W1_l, W1_r, b1, W2_l, W2_r, b2):
  n, d = x.shape
  e = edge_index.shape[1]
  hh = W1_l.shape[1]
  c_dim = W2_l.shape[1]
  n_pad = ((n + NS * 16) // (NS * 16)) * (NS * 16)

  assert e % EDGE_BATCH == 0
  rows = e // EDGE_BATCH
  rows_pad = ((rows + NW - 1) // NW) * NW
  n_extra = rows_pad - rows
  er = edge_index.astype(jnp.int32).reshape(2, rows, EDGE_BATCH)
  src = er[0]
  dst = er[1]
  if n_extra:
    fill = jnp.arange(n_extra * EDGE_BATCH, dtype=jnp.int32)
    src_fill = (fill % n).reshape(n_extra, EDGE_BATCH)
    dst_fill = (n + fill % (n_pad - n)).reshape(n_extra, EDGE_BATCH)
    src = jnp.concatenate([src, src_fill], axis=0)
    dst = jnp.concatenate([dst, dst_fill], axis=0)
  e_pad = rows_pad * EDGE_BATCH

  np8 = n_pad // 8
  gi = jnp.arange(8)
  eye8 = jnp.eye(8, dtype=jnp.float32)
  pad_cols = ((0, 0), (0, hh - c_dim))
  wbig_l = jnp.kron(eye8, W1_l)
  wbig_r = jnp.kron(eye8, W1_r)
  w2l_bd = jnp.kron(eye8, jnp.pad(W2_l, pad_cols))
  w2r_bd = jnp.kron(eye8, jnp.pad(W2_r, pad_cols))
  b1_tile = jnp.tile(b1, 8).reshape(1, 128)
  b2_tile = jnp.tile(jnp.pad(b2, (0, hh - c_dim)), 8).reshape(1, 128)
  lane = jnp.arange(128)
  expand = (lane[None, :] // hh == gi[:, None]).astype(jnp.float32)
  gsum = ((lane[:, None] // hh == gi[None, :])
          & (lane[:, None] % hh < c_dim)).astype(jnp.float32)

  assert n % 8 == 0 and d == 128
  xp = jnp.pad(x.reshape(n // 8, 8 * d), ((0, np8 - n // 8), (0, 0)))

  agg1_fn = _make_sc_aggregate(n_pad, e_pad, hh, with_count=True)
  agg2_fn = _make_sc_aggregate(n_pad, e_pad, hh, with_count=False)

  xl_p, xr_p = _tc_project(np8, xp, wbig_l, wbig_r, b1_tile)
  agg1, cnt = agg1_fn(xl_p.reshape(n_pad, hh), src, dst)
  agg1 = agg1.reshape(NC, np8, 128)
  cnt = cnt.reshape(NC, np8, 8)
  hl_p, hr_p = _tc_mid(agg1, cnt, xr_p, expand, w2l_bd, w2r_bd, b2_tile)
  (agg2,) = agg2_fn(hl_p.reshape(n_pad, hh), src, dst)
  agg2 = agg2.reshape(NC, np8, 128)
  out_p = _tc_post(n, c_dim, agg2, cnt, hr_p, expand, gsum)
  return out_p.reshape(n_pad, hh)[:n, :c_dim]

# --- scband reference (transcript-rebuilt; emitter-appended) ---
"""Pipeline reference for scband-graph-sage-74895639707856 (READ-ONLY COPY).

The authoritative reference and input builder live on the scoring server;
editing this copy changes nothing except your own understanding.
"""

import jax, jax.numpy as jnp
import numpy as np

N = 10000
E = 320000
D = 128
H = 16
C = 7


def setup_inputs(seed: int = 0) -> dict:
    key = jax.random.key(seed)
    ks = jax.random.split(key, 9)
    x = jax.random.normal(ks[0], (N, D), dtype=jnp.float32)
    edge_index = jax.random.randint(ks[1], (2, E), 0, N, dtype=jnp.int64)
    # SAGEConv layer 1: out = lin_l(mean_agg(x_nbr)) + lin_r(x_root)
    W1_l = jax.random.normal(ks[2], (D, H), dtype=jnp.float32) / np.sqrt(D)
    W1_r = jax.random.normal(ks[3], (D, H), dtype=jnp.float32) / np.sqrt(D)
    b1 = jnp.zeros((H,), dtype=jnp.float32)
    # SAGEConv layer 2
    W2_l = jax.random.normal(ks[4], (H, C), dtype=jnp.float32) / np.sqrt(H)
    W2_r = jax.random.normal(ks[5], (H, C), dtype=jnp.float32) / np.sqrt(H)
    b2 = jnp.zeros((C,), dtype=jnp.float32)
    return {"x": x, "edge_index": edge_index, "W1_l": W1_l, "W1_r": W1_r,
            "b1": b1, "W2_l": W2_l, "W2_r": W2_r, "b2": b2}


def _sage_conv(x, src, dst, W_l, W_r, b):
    # mean aggregation of source features into destination nodes
    msgs = jnp.take(x, src, axis=0)                     # gather  [E, d]
    agg = jax.ops.segment_sum(msgs, dst, num_segments=N)  # scatter-add [N, d]
    cnt = jax.ops.segment_sum(jnp.ones((src.shape[0],), dtype=x.dtype), dst,
                              num_segments=N)
    mean = agg / jnp.clip(cnt, 1.0)[:, None]
    return mean @ W_l + b + x @ W_r


def reference(x, edge_index, W1_l, W1_r, b1, W2_l, W2_r, b2):
    src = edge_index[0]
    dst = edge_index[1]
    h = _sage_conv(x, src, dst, W1_l, W1_r, b1)
    h = jax.nn.relu(h)
    # F.dropout(training=self.training) is identity in eval mode
    h = _sage_conv(h, src, dst, W2_l, W2_r, b2)
    return jax.nn.log_softmax(h, axis=1)

if __name__ == "__main__":
    import jax
    _d = setup_inputs()
    print(jax.jit(kernel)(*tuple(_d.values())))

</pallas_src>

<mosaic_0001>
#map = affine_map<(d0, d1) -> (0, 0)>
#map1 = affine_map<(d0, d1) -> (0)>
module attributes {stable_mosaic.version = 14 : i64} {
  func.func @body(%arg0: i32, %arg1: i32, %arg2: memref<10240x16xf32, #tpu.memory_space<hbm>>, %arg3: memref<2528x128xi32, #tpu.memory_space<hbm>>, %arg4: memref<2528x128xi32, #tpu.memory_space<hbm>>, %arg5: memref<20480x16xf32, #tpu.memory_space<hbm>>, %arg6: memref<20480xf32, #tpu.memory_space<hbm>>, %arg7: memref<10240x16xf32, #tpu.memory_space<vmem_shared>>, %arg8: memref<79x128xi32, #tpu.memory_space<vmem>>, %arg9: memref<79x128xi32, #tpu.memory_space<vmem>>, %arg10: memref<128x16xf32, #tpu.memory_space<vmem>>, %arg11: memref<128x16xf32, #tpu.memory_space<vmem>>, %arg12: memref<128x16xf32, #tpu.memory_space<vmem>>, %arg13: memref<128x16xf32, #tpu.memory_space<vmem>>, %arg14: memref<128x16xf32, #tpu.memory_space<vmem>>, %arg15: memref<128x16xf32, #tpu.memory_space<vmem>>, %arg16: memref<128x16xf32, #tpu.memory_space<vmem>>, %arg17: memref<128x16xf32, #tpu.memory_space<vmem>>, %arg18: memref<640x16xf32, #tpu.memory_space<vmem>>, %arg19: memref<!tpu.dma_semaphore, #tpu.memory_space<semaphore_mem>>, %arg20: memref<!tpu.dma_semaphore, #tpu.memory_space<semaphore_mem>>, %arg21: memref<!tpu.dma_semaphore, #tpu.memory_space<semaphore_mem>>, %arg22: memref<!tpu.dma_semaphore, #tpu.memory_space<semaphore_mem>>, %arg23: memref<!tpu.dma_semaphore, #tpu.memory_space<semaphore_mem>>, %arg24: memref<!tpu.dma_semaphore, #tpu.memory_space<semaphore_mem>>, %arg25: memref<!tpu.dma_semaphore, #tpu.memory_space<semaphore_mem>>, %arg26: memref<!tpu.dma_semaphore, #tpu.memory_space<semaphore_mem>>, %arg27: memref<!tpu.dma_semaphore, #tpu.memory_space<semaphore_mem>>, %arg28: memref<!tpu.dma_semaphore, #tpu.memory_space<semaphore_mem>>, %arg29: memref<!tpu.dma_semaphore, #tpu.memory_space<semaphore_mem>>, %arg30: memref<!tpu.dma_semaphore, #tpu.memory_space<semaphore_mem>>, %arg31: memref<!tpu.dma_semaphore, #tpu.memory_space<semaphore_mem>>, %arg32: memref<!tpu.dma_semaphore, #tpu.memory_space<semaphore_mem>>, %arg33: memref<!tpu.dma_semaphore, #tpu.memory_space<semaphore_mem>>, %arg34: memref<!tpu.dma_semaphore, #tpu.memory_space<semaphore_mem>>, %arg35: memref<10240xf32, #tpu.memory_space<vmem_shared>>, %arg36: memref<128xf32, #tpu.memory_space<vmem>>, %arg37: memref<640xf32, #tpu.memory_space<vmem>>, %arg38: memref<!tpu.dma_semaphore, #tpu.memory_space<semaphore_mem>>) attributes {dimension_semantics = [#tpu.dimension_semantics<core_parallel>, #tpu.dimension_semantics<subcore_parallel>], iteration_bounds = array<i64: 2, 16>, scalar_prefetch = 0 : i64, scratch_operands = 32 : i64, tpu.core_type = #tpu.core_type<sc_vector_subcore>, window_params = [{transform_indices = #map}, {transform_indices = #map}, {transform_indices = #map}, {transform_indices = #map}, {transform_indices = #map1}]} {
    %mul3A = arith.constant 2 : i32
    %mul3A_0 = arith.muli %arg1, %mul3A : i32
    %add3A = arith.addi %mul3A_0, %arg0 : i32
    %mul3A_1 = arith.constant 640 : i32
    %mul3A_2 = arith.muli %arg1, %mul3A_1 : i32
    %mul3A_3 = arith.constant 79 : i32
    %mul3A_4 = arith.muli %add3A, %mul3A_3 : i32
    "tpu.region"() ({
      %run_scoped3A = tpu.sem_alloc : memref<!tpu.dma_semaphore, #tpu.memory_space<semaphore_mem>>
      %dma_start3A_553 = arith.constant 0 : i32
      %dma_start3A_554 = tpu.memref_slice %arg3[%mul3A_4, %dma_start3A_553] : memref<2528x128xi32, #tpu.memory_space<hbm>> -> memref<79x128xi32, #tpu.memory_space<hbm>>
      %dma_start3A_555 = arith.constant 0 : i32
      %dma_start3A_556 = tpu.memref_slice %arg3[%mul3A_4, %dma_start3A_555] : memref<2528x128xi32, #tpu.memory_space<hbm>> -> memref<79x128xi32, #tpu.memory_space<hbm>>
      tpu.enqueue_dma source(%dma_start3A_556 : memref<79x128xi32, #tpu.memory_space<hbm>>) target(%arg8 : memref<79x128xi32, #tpu.memory_space<vmem>>) target_semaphore(%run_scoped3A : memref<!tpu.dma_semaphore, #tpu.memory_space<semaphore_mem>>)
      %dma_wait3A_557 = arith.constant 0 : i32
      %dma_wait3A_558 = tpu.memref_slice %arg3[%mul3A_4, %dma_wait3A_557] : memref<2528x128xi32, #tpu.memory_space<hbm>> -> memref<79x128xi32, #tpu.memory_space<hbm>>
      %dma_wait3A_559 = arith.constant 0 : i32
      %dma_wait3A_560 = tpu.memref_slice %arg3[%mul3A_4, %dma_wait3A_559] : memref<2528x128xi32, #tpu.memory_space<hbm>> -> memref<79x128xi32, #tpu.memory_space<hbm>>
      tpu.wait_dma2 semaphore(%run_scoped3A : memref<!tpu.dma_semaphore, #tpu.memory_space<semaphore_mem>>) src(%dma_wait3A_560 : memref<79x128xi32, #tpu.memory_space<hbm>>) dst(%arg8 : memref<79x128xi32, #tpu.memory_space<vmem>>)
      tpu.yield
    }) : () -> ()
    %mul3A_5 = arith.constant 79 : i32
    %mul3A_6 = arith.muli %add3A, %mul3A_5 : i32
    "tpu.region"() ({
      %run_scoped3A = tpu.sem_alloc : memref<!tpu.dma_semaphore, #tpu.memory_space<semaphore_mem>>
      %dma_start3A_553 = arith.constant 0 : i32
      %dma_start3A_554 = tpu.memref_slice %arg4[%mul3A_6, %dma_start3A_553] : memref<2528x128xi32, #tpu.memory_space<hbm>> -> memref<79x128xi32, #tpu.memory_space<hbm>>
      %dma_start3A_555 = arith.constant 0 : i32
      %dma_start3A_556 = tpu.memref_slice %arg4[%mul3A_6, %dma_start3A_555] : memref<2528x128xi32, #tpu.memory_space<hbm>> -> memref<79x128xi32, #tpu.memory_space<hbm>>
      tpu.enqueue_dma source(%dma_start3A_556 : memref<79x128xi32, #tpu.memory_space<hbm>>) target(%arg9 : memref<79x128xi32, #tpu.memory_space<vmem>>) target_semaphore(%run_scoped3A : memref<!tpu.dma_semaphore, #tpu.memory_space<semaphore_mem>>)
      %dma_wait3A_557 = arith.constant 0 : i32
      %dma_wait3A_558 = tpu.memref_slice %arg4[%mul3A_6, %dma_wait3A_557] : memref<2528x128xi32, #tpu.memory_space<hbm>> -> memref<79x128xi32, #tpu.memory_space<hbm>>
      %dma_wait3A_559 = arith.constant 0 : i32
      %dma_wait3A_560 = tpu.memref_slice %arg4[%mul3A_6, %dma_wait3A_559] : memref<2528x128xi32, #tpu.memory_space<hbm>> -> memref<79x128xi32, #tpu.memory_space<hbm>>
      tpu.wait_dma2 semaphore(%run_scoped3A : memref<!tpu.dma_semaphore, #tpu.memory_space<semaphore_mem>>) src(%dma_wait3A_560 : memref<79x128xi32, #tpu.memory_space<hbm>>) dst(%arg9 : memref<79x128xi32, #tpu.memory_space<vmem>>)
      tpu.yield
    }) : () -> ()
    %scan3A = arith.constant 0 : i32
    %scan3A_7 = arith.constant 0 : i32
    %scan3A_8 = arith.constant 640 : i32
    %scan3A_9 = arith.addi %scan3A_7, %scan3A_8 : i32
    %scan3A_10 = arith.constant 1 : i32
    %scan3A_11 = scf.for %scan3A_553 = %scan3A_7 to %scan3A_9 step %scan3A_10 iter_args(%scan3A_554 = %scan3A) -> (i32)  : i32 {
      %broadcast_in_dim3A = arith.constant 0.000000e+00 : f32
      %broadcast_in_dim3A_555 = vector.broadcast %broadcast_in_dim3A : f32 to vector<16xf32>
      %swap3A = arith.index_cast %scan3A_553 : i32 to index
      %swap3A_556 = arith.constant 0 : index
      %swap3A_557 = tpu.vector_load %arg18[%swap3A, %swap3A_556] {strides = array<i32>} : memref<640x16xf32, #tpu.memory_space<vmem>>, vector<1x16xf32>,
      %swap3A_558 = vector.shape_cast %swap3A_557 : vector<1x16xf32> to vector<16xf32>
      %swap3A_559 = vector.shape_cast %broadcast_in_dim3A_555 : vector<16xf32> to vector<1x16xf32>
      tpu.vector_store %arg18[%swap3A, %swap3A_556], %swap3A_559 {strides = array<i32>} : memref<640x16xf32, #tpu.memory_space<vmem>>, vector<1x16xf32>,
      %scan3A_560 = arith.constant 0 : i32
      scf.yield %scan3A_560 : i32
    }
    %scan3A_12 = arith.constant 640 : i32
    "tpu.region"() ({
      %run_scoped3A = tpu.sem_alloc : memref<!tpu.dma_semaphore, #tpu.memory_space<semaphore_mem>>
      %dma_start3A_553 = arith.constant 0 : i32
      %dma_start3A_554 = tpu.memref_slice %arg7[%mul3A_2, %dma_start3A_553] : memref<10240x16xf32, #tpu.memory_space<vmem_shared>> -> memref<640x16xf32, #tpu.memory_space<vmem_shared>>
      %dma_start3A_555 = arith.constant 0 : i32
      %dma_start3A_556 = tpu.memref_slice %arg7[%mul3A_2, %dma_start3A_555] : memref<10240x16xf32, #tpu.memory_space<vmem_shared>> -> memref<640x16xf32, #tpu.memory_space<vmem_shared>>
      tpu.enqueue_dma source(%arg18 : memref<640x16xf32, #tpu.memory_space<vmem>>) target(%dma_start3A_556 : memref<640x16xf32, #tpu.memory_space<vmem_shared>>) target_semaphore(%run_scoped3A : memref<!tpu.dma_semaphore, #tpu.memory_space<semaphore_mem>>)
      %dma_wait3A_557 = arith.constant 0 : i32
      %dma_wait3A_558 = tpu.memref_slice %arg7[%mul3A_2, %dma_wait3A_557] : memref<10240x16xf32, #tpu.memory_space<vmem_shared>> -> memref<640x16xf32, #tpu.memory_space<vmem_shared>>
      %dma_wait3A_559 = arith.constant 0 : i32
      %dma_wait3A_560 = tpu.memref_slice %arg7[%mul3A_2, %dma_wait3A_559] : memref<10240x16xf32, #tpu.memory_space<vmem_shared>> -> memref<640x16xf32, #tpu.memory_space<vmem_shared>>
      tpu.wait_dma2 semaphore(%run_scoped3A : memref<!tpu.dma_semaphore, #tpu.memory_space<semaphore_mem>>) src(%arg18 : memref<640x16xf32, #tpu.memory_space<vmem>>) dst(%dma_wait3A_560 : memref<640x16xf32, #tpu.memory_space<vmem_shared>>)
      tpu.yield
    }) : () -> ()
    %scan3A_13 = arith.constant 0 : i32
    %scan3A_14 = arith.constant 0 : i32
    %scan3A_15 = arith.constant 40 : i32
    %scan3A_16 = arith.addi %scan3A_14, %scan3A_15 : i32
    %scan3A_17 = arith.constant 1 : i32
    %scan3A_18 = scf.for %scan3A_553 = %scan3A_14 to %scan3A_16 step %scan3A_17 iter_args(%scan3A_554 = %scan3A_13) -> (i32)  : i32 {
      %broadcast_in_dim3A = arith.constant 0.000000e+00 : f32
      %broadcast_in_dim3A_555 = vector.broadcast %broadcast_in_dim3A : f32 to vector<16xf32>
      %mul3A_556 = arith.constant 16 : i32
      %mul3A_557 = arith.muli %scan3A_553, %mul3A_556 : i32
      %swap3A = arith.index_cast %mul3A_557 : i32 to index
      %swap3A_558 = tpu.vector_load %arg37[%swap3A] {strides = array<i32>} : memref<640xf32, #tpu.memory_space<vmem>>, vector<16xf32>,
      %swap3A_559 = vector.shape_cast %swap3A_558 : vector<16xf32> to vector<16xf32>
      %swap3A_560 = vector.shape_cast %broadcast_in_dim3A_555 : vector<16xf32> to vector<16xf32>
      tpu.vector_store %arg37[%swap3A], %swap3A_560 {strides = array<i32>} : memref<640xf32, #tpu.memory_space<vmem>>, vector<16xf32>,
      %scan3A_561 = arith.constant 0 : i32
      scf.yield %scan3A_561 : i32
    }
    %scan3A_19 = arith.constant 40 : i32
    "tpu.region"() ({
      %run_scoped3A = tpu.sem_alloc : memref<!tpu.dma_semaphore, #tpu.memory_space<semaphore_mem>>
      %dma_start3A_553 = tpu.memref_slice %arg35[%mul3A_2] : memref<10240xf32, #tpu.memory_space<vmem_shared>> -> memref<640xf32, #tpu.memory_space<vmem_shared>>
      %dma_start3A_554 = tpu.memref_slice %arg35[%mul3A_2] : memref<10240xf32, #tpu.memory_space<vmem_shared>> -> memref<640xf32, #tpu.memory_space<vmem_shared>>
      tpu.enqueue_dma source(%arg37 : memref<640xf32, #tpu.memory_space<vmem>>) target(%dma_start3A_554 : memref<640xf32, #tpu.memory_space<vmem_shared>>) target_semaphore(%run_scoped3A : memref<!tpu.dma_semaphore, #tpu.memory_space<semaphore_mem>>)
      %dma_wait3A_555 = tpu.memref_slice %arg35[%mul3A_2] : memref<10240xf32, #tpu.memory_space<vmem_shared>> -> memref<640xf32, #tpu.memory_space<vmem_shared>>
      %dma_wait3A_556 = tpu.memref_slice %arg35[%mul3A_2] : memref<10240xf32, #tpu.memory_space<vmem_shared>> -> memref<640xf32, #tpu.memory_space<vmem_shared>>
      tpu.wait_dma2 semaphore(%run_scoped3A : memref<!tpu.dma_semaphore, #tpu.memory_space<semaphore_mem>>) src(%arg37 : memref<640xf32, #tpu.memory_space<vmem>>) dst(%dma_wait3A_556 : memref<640xf32, #tpu.memory_space<vmem_shared>>)
      tpu.yield
    }) : () -> ()
    %scan3A_20 = arith.constant 0 : i32
    %scan3A_21 = arith.constant 0 : i32
    %scan3A_22 = arith.constant 8 : i32
    %scan3A_23 = arith.addi %scan3A_21, %scan3A_22 : i32
    %scan3A_24 = arith.constant 1 : i32
    %scan3A_25 = scf.for %scan3A_553 = %scan3A_21 to %scan3A_23 step %scan3A_24 iter_args(%scan3A_554 = %scan3A_20) -> (i32)  : i32 {
      %broadcast_in_dim3A = arith.constant 1.000000e+00 : f32
      %broadcast_in_dim3A_555 = vector.broadcast %broadcast_in_dim3A : f32 to vector<16xf32>
      %mul3A_556 = arith.constant 16 : i32
      %mul3A_557 = arith.muli %scan3A_553, %mul3A_556 : i32
      %swap3A = arith.index_cast %mul3A_557 : i32 to index
      %swap3A_558 = tpu.vector_load %arg36[%swap3A] {strides = array<i32>} : memref<128xf32, #tpu.memory_space<vmem>>, vector<16xf32>,
      %swap3A_559 = vector.shape_cast %swap3A_558 : vector<16xf32> to vector<16xf32>
      %swap3A_560 = vector.shape_cast %broadcast_in_dim3A_555 : vector<16xf32> to vector<16xf32>
      tpu.vector_store %arg36[%swap3A], %swap3A_560 {strides = array<i32>} : memref<128xf32, #tpu.memory_space<vmem>>, vector<16xf32>,
      %scan3A_561 = arith.constant 0 : i32
      scf.yield %scan3A_561 : i32
    }
    %scan3A_26 = arith.constant 8 : i32
    %barrier3A = arith.constant 0 : index
    tpu.barrier barrier_id(%barrier3A)
    %dma_start3A = arith.constant 0 : i32
    %dma_start3A_27 = arith.constant 0 : i32
    %dma_start3A_28 = tpu.memref_slice %arg8[%dma_start3A, %dma_start3A_27] : memref<79x128xi32, #tpu.memory_space<vmem>> -> memref<1x128xi32, #tpu.memory_space<vmem>>
    %dma_start3A_29 = tpu.memref_squeeze %dma_start3A_28 : memref<1x128xi32, #tpu.memory_space<vmem>> -> memref<128xi32, #tpu.memory_space<vmem>>
    %dma_start3A_30 = arith.constant 0 : i32
    %dma_start3A_31 = arith.constant 0 : i32
    %dma_start3A_32 = tpu.memref_slice %arg2[%dma_start3A_30, %dma_start3A_31] : memref<10240x16xf32, #tpu.memory_space<hbm>> -> memref<10240x16xf32, #tpu.memory_space<hbm>>
    tpu.enqueue_indirect_dma source(%dma_start3A_32 : memref<10240x16xf32, #tpu.memory_space<hbm>>) target(%arg10 : memref<128x16xf32, #tpu.memory_space<vmem>>) offsets(%dma_start3A_29 : memref<128xi32, #tpu.memory_space<vmem>>) semaphore(%arg19 : memref<!tpu.dma_semaphore, #tpu.memory_space<semaphore_mem>>)
    %dma_start3A_33 = arith.constant 1 : i32
    %dma_start3A_34 = arith.constant 0 : i32
    %dma_start3A_35 = tpu.memref_slice %arg8[%dma_start3A_33, %dma_start3A_34] : memref<79x128xi32, #tpu.memory_space<vmem>> -> memref<1x128xi32, #tpu.memory_space<vmem>>
    %dma_start3A_36 = tpu.memref_squeeze %dma_start3A_35 : memref<1x128xi32, #tpu.memory_space<vmem>> -> memref<128xi32, #tpu.memory_space<vmem>>
    %dma_start3A_37 = arith.constant 0 : i32
    %dma_start3A_38 = arith.constant 0 : i32
    %dma_start3A_39 = tpu.memref_slice %arg2[%dma_start3A_37, %dma_start3A_38] : memref<10240x16xf32, #tpu.memory_space<hbm>> -> memref<10240x16xf32, #tpu.memory_space<hbm>>
    tpu.enqueue_indirect_dma source(%dma_start3A_39 : memref<10240x16xf32, #tpu.memory_space<hbm>>) target(%arg11 : memref<128x16xf32, #tpu.memory_space<vmem>>) offsets(%dma_start3A_36 : memref<128xi32, #tpu.memory_space<vmem>>) semaphore(%arg20 : memref<!tpu.dma_semaphore, #tpu.memory_space<semaphore_mem>>)
    %dma_start3A_40 = arith.constant 2 : i32
    %dma_start3A_41 = arith.constant 0 : i32
    %dma_start3A_42 = tpu.memref_slice %arg8[%dma_start3A_40, %dma_start3A_41] : memref<79x128xi32, #tpu.memory_space<vmem>> -> memref<1x128xi32, #tpu.memory_space<vmem>>
    %dma_start3A_43 = tpu.memref_squeeze %dma_start3A_42 : memref<1x128xi32, #tpu.memory_space<vmem>> -> memref<128xi32, #tpu.memory_space<vmem>>
    %dma_start3A_44 = arith.constant 0 : i32
    %dma_start3A_45 = arith.constant 0 : i32
    %dma_start3A_46 = tpu.memref_slice %arg2[%dma_start3A_44, %dma_start3A_45] : memref<10240x16xf32, #tpu.memory_space<hbm>> -> memref<10240x16xf32, #tpu.memory_space<hbm>>
    tpu.enqueue_indirect_dma source(%dma_start3A_46 : memref<10240x16xf32, #tpu.memory_space<hbm>>) target(%arg12 : memref<128x16xf32, #tpu.memory_space<vmem>>) offsets(%dma_start3A_43 : memref<128xi32, #tpu.memory_space<vmem>>) semaphore(%arg21 : memref<!tpu.dma_semaphore, #tpu.memory_space<semaphore_mem>>)
    %dma_start3A_47 = arith.constant 3 : i32
    %dma_start3A_48 = arith.constant 0 : i32
    %dma_start3A_49 = tpu.memref_slice %arg8[%dma_start3A_47, %dma_start3A_48] : memref<79x128xi32, #tpu.memory_space<vmem>> -> memref<1x128xi32, #tpu.memory_space<vmem>>
    %dma_start3A_50 = tpu.memref_squeeze %dma_start3A_49 : memref<1x128xi32, #tpu.memory_space<vmem>> -> memref<128xi32, #tpu.memory_space<vmem>>
    %dma_start3A_51 = arith.constant 0 : i32
    %dma_start3A_52 = arith.constant 0 : i32
    %dma_start3A_53 = tpu.memref_slice %arg2[%dma_start3A_51, %dma_start3A_52] : memref<10240x16xf32, #tpu.memory_space<hbm>> -> memref<10240x16xf32, #tpu.memory_space<hbm>>
    tpu.enqueue_indirect_dma source(%dma_start3A_53 : memref<10240x16xf32, #tpu.memory_space<hbm>>) target(%arg13 : memref<128x16xf32, #tpu.memory_space<vmem>>) offsets(%dma_start3A_50 : memref<128xi32, #tpu.memory_space<vmem>>) semaphore(%arg22 : memref<!tpu.dma_semaphore, #tpu.memory_space<semaphore_mem>>)
    %dma_start3A_54 = arith.constant 4 : i32
    %dma_start3A_55 = arith.constant 0 : i32
    %dma_start3A_56 = tpu.memref_slice %arg8[%dma_start3A_54, %dma_start3A_55] : memref<79x128xi32, #tpu.memory_space<vmem>> -> memref<1x128xi32, #tpu.memory_space<vmem>>
    %dma_start3A_57 = tpu.memref_squeeze %dma_start3A_56 : memref<1x128xi32, #tpu.memory_space<vmem>> -> memref<128xi32, #tpu.memory_space<vmem>>
    %dma_start3A_58 = arith.constant 0 : i32
    %dma_start3A_59 = arith.constant 0 : i32
    %dma_start3A_60 = tpu.memref_slice %arg2[%dma_start3A_58, %dma_start3A_59] : memref<10240x16xf32, #tpu.memory_space<hbm>> -> memref<10240x16xf32, #tpu.memory_space<hbm>>
    tpu.enqueue_indirect_dma source(%dma_start3A_60 : memref<10240x16xf32, #tpu.memory_space<hbm>>) target(%arg14 : memref<128x16xf32, #tpu.memory_space<vmem>>) offsets(%dma_start3A_57 : memref<128xi32, #tpu.memory_space<vmem>>) semaphore(%arg23 : memref<!tpu.dma_semaphore, #tpu.memory_space<semaphore_mem>>)
    %dma_wait3A = arith.constant 0 : i32
    %dma_wait3A_61 = arith.constant 0 : i32
    %dma_wait3A_62 = tpu.memref_slice %arg8[%dma_wait3A, %dma_wait3A_61] : memref<79x128xi32, #tpu.memory_space<vmem>> -> memref<1x128xi32, #tpu.memory_space<vmem>>
    %dma_wait3A_63 = tpu.memref_squeeze %dma_wait3A_62 : memref<1x128xi32, #tpu.memory_space<vmem>> -> memref<128xi32, #tpu.memory_space<vmem>>
    %dma_wait3A_64 = arith.constant 0 : i32
    %dma_wait3A_65 = arith.constant 0 : i32
    %dma_wait3A_66 = tpu.memref_slice %arg2[%dma_wait3A_64, %dma_wait3A_65] : memref<10240x16xf32, #tpu.memory_space<hbm>> -> memref<10240x16xf32, #tpu.memory_space<hbm>>
    tpu.wait_indirect_dma semaphore(%arg19 : memref<!tpu.dma_semaphore, #tpu.memory_space<semaphore_mem>>) src(%dma_wait3A_66 : memref<10240x16xf32, #tpu.memory_space<hbm>>) dst(%arg10 : memref<128x16xf32, #tpu.memory_space<vmem>>)
    %dma_start3A_67 = arith.constant 0 : i32
    %dma_start3A_68 = arith.constant 0 : i32
    %dma_start3A_69 = tpu.memref_slice %arg9[%dma_start3A_67, %dma_start3A_68] : memref<79x128xi32, #tpu.memory_space<vmem>> -> memref<1x128xi32, #tpu.memory_space<vmem>>
    %dma_start3A_70 = tpu.memref_squeeze %dma_start3A_69 : memref<1x128xi32, #tpu.memory_space<vmem>> -> memref<128xi32, #tpu.memory_space<vmem>>
    %dma_start3A_71 = arith.constant 0 : i32
    %dma_start3A_72 = arith.constant 0 : i32
    %dma_start3A_73 = tpu.memref_slice %arg7[%dma_start3A_71, %dma_start3A_72] : memref<10240x16xf32, #tpu.memory_space<vmem_shared>> -> memref<10240x16xf32, #tpu.memory_space<vmem_shared>>
    tpu.enqueue_indirect_dma source(%arg10 : memref<128x16xf32, #tpu.memory_space<vmem>>) target(%dma_start3A_73 : memref<10240x16xf32, #tpu.memory_space<vmem_shared>>) offsets(%dma_start3A_70 : memref<128xi32, #tpu.memory_space<vmem>>) semaphore(%arg27 : memref<!tpu.dma_semaphore, #tpu.memory_space<semaphore_mem>>) {add = true}
    %dma_start3A_74 = arith.constant 0 : i32
    %dma_start3A_75 = arith.constant 0 : i32
    %dma_start3A_76 = tpu.memref_slice %arg9[%dma_start3A_74, %dma_start3A_75] : memref<79x128xi32, #tpu.memory_space<vmem>> -> memref<1x128xi32, #tpu.memory_space<vmem>>
    %dma_start3A_77 = tpu.memref_squeeze %dma_start3A_76 : memref<1x128xi32, #tpu.memory_space<vmem>> -> memref<128xi32, #tpu.memory_space<vmem>>
    %dma_start3A_78 = arith.constant 0 : i32
    %dma_start3A_79 = tpu.memref_slice %arg35[%dma_start3A_78] : memref<10240xf32, #tpu.memory_space<vmem_shared>> -> memref<10240xf32, #tpu.memory_space<vmem_shared>>
    tpu.enqueue_indirect_dma source(%arg36 : memref<128xf32, #tpu.memory_space<vmem>>) target(%dma_start3A_79 : memref<10240xf32, #tpu.memory_space<vmem_shared>>) offsets(%dma_start3A_77 : memref<128xi32, #tpu.memory_space<vmem>>) semaphore(%arg38 : memref<!tpu.dma_semaphore, #tpu.memory_space<semaphore_mem>>) {add = true}
    %dma_start3A_80 = arith.constant 5 : i32
    %dma_start3A_81 = arith.constant 0 : i32
    %dma_start3A_82 = tpu.memref_slice %arg8[%dma_start3A_80, %dma_start3A_81] : memref<79x128xi32, #tpu.memory_space<vmem>> -> memref<1x128xi32, #tpu.memory_space<vmem>>
    %dma_start3A_83 = tpu.memref_squeeze %dma_start3A_82 : memref<1x128xi32, #tpu.memory_space<vmem>> -> memref<128xi32, #tpu.memory_space<vmem>>
    %dma_start3A_84 = arith.constant 0 : i32
    %dma_start3A_85 = arith.constant 0 : i32
    %dma_start3A_86 = tpu.memref_slice %arg2[%dma_start3A_84, %dma_start3A_85] : memref<10240x16xf32, #tpu.memory_space<hbm>> -> memref<10240x16xf32, #tpu.memory_space<hbm>>
    tpu.enqueue_indirect_dma source(%dma_start3A_86 : memref<10240x16xf32, #tpu.memory_space<hbm>>) target(%arg15 : memref<128x16xf32, #tpu.memory_space<vmem>>) offsets(%dma_start3A_83 : memref<128xi32, #tpu.memory_space<vmem>>) semaphore(%arg24 : memref<!tpu.dma_semaphore, #tpu.memory_space<semaphore_mem>>)
    %dma_wait3A_87 = arith.constant 0 : i32
    %dma_wait3A_88 = arith.constant 0 : i32
    %dma_wait3A_89 = tpu.memref_slice %arg8[%dma_wait3A_87, %dma_wait3A_88] : memref<79x128xi32, #tpu.memory_space<vmem>> -> memref<1x128xi32, #tpu.memory_space<vmem>>
    %dma_wait3A_90 = tpu.memref_squeeze %dma_wait3A_89 : memref<1x128xi32, #tpu.memory_space<vmem>> -> memref<128xi32, #tpu.memory_space<vmem>>
    %dma_wait3A_91 = arith.constant 0 : i32
    %dma_wait3A_92 = arith.constant 0 : i32
    %dma_wait3A_93 = tpu.memref_slice %arg2[%dma_wait3A_91, %dma_wait3A_92] : memref<10240x16xf32, #tpu.memory_space<hbm>> -> memref<10240x16xf32, #tpu.memory_space<hbm>>
    tpu.wait_indirect_dma semaphore(%arg20 : memref<!tpu.dma_semaphore, #tpu.memory_space<semaphore_mem>>) src(%dma_wait3A_93 : memref<10240x16xf32, #tpu.memory_space<hbm>>) dst(%arg11 : memref<128x16xf32, #tpu.memory_space<vmem>>)
    %dma_start3A_94 = arith.constant 1 : i32
    %dma_start3A_95 = arith.constant 0 : i32
    %dma_start3A_96 = tpu.memref_slice %arg9[%dma_start3A_94, %dma_start3A_95] : memref<79x128xi32, #tpu.memory_space<vmem>> -> memref<1x128xi32, #tpu.memory_space<vmem>>
    %dma_start3A_97 = tpu.memref_squeeze %dma_start3A_96 : memref<1x128xi32, #tpu.memory_space<vmem>> -> memref<128xi32, #tpu.memory_space<vmem>>
    %dma_start3A_98 = arith.constant 0 : i32
    %dma_start3A_99 = arith.constant 0 : i32
    %dma_start3A_100 = tpu.memref_slice %arg7[%dma_start3A_98, %dma_start3A_99] : memref<10240x16xf32, #tpu.memory_space<vmem_shared>> -> memref<10240x16xf32, #tpu.memory_space<vmem_shared>>
    tpu.enqueue_indirect_dma source(%arg11 : memref<128x16xf32, #tpu.memory_space<vmem>>) target(%dma_start3A_100 : memref<10240x16xf32, #tpu.memory_space<vmem_shared>>) offsets(%dma_start3A_97 : memref<128xi32, #tpu.memory_space<vmem>>) semaphore(%arg28 : memref<!tpu.dma_semaphore, #tpu.memory_space<semaphore_mem>>) {add = true}
    %dma_start3A_101 = arith.constant 1 : i32
    %dma_start3A_102 = arith.constant 0 : i32
    %dma_start3A_103 = tpu.memref_slice %arg9[%dma_start3A_101, %dma_start3A_102] : memref<79x128xi32, #tpu.memory_space<vmem>> -> memref<1x128xi32, #tpu.memory_space<vmem>>
    %dma_start3A_104 = tpu.memref_squeeze %dma_start3A_103 : memref<1x128xi32, #tpu.memory_space<vmem>> -> memref<128xi32, #tpu.memory_space<vmem>>
    %dma_start3A_105 = arith.constant 0 : i32
    %dma_start3A_106 = tpu.memref_slice %arg35[%dma_start3A_105] : memref<10240xf32, #tpu.memory_space<vmem_shared>> -> memref<10240xf32, #tpu.memory_space<vmem_shared>>
    tpu.enqueue_indirect_dma source(%arg36 : memref<128xf32, #tpu.memory_space<vmem>>) target(%dma_start3A_106 : memref<10240xf32, #tpu.memory_space<vmem_shared>>) offsets(%dma_start3A_104 : memref<128xi32, #tpu.memory_space<vmem>>) semaphore(%arg38 : memref<!tpu.dma_semaphore, #tpu.memory_space<semaphore_mem>>) {add = true}
    %dma_start3A_107 = arith.constant 6 : i32
    %dma_start3A_108 = arith.constant 0 : i32
    %dma_start3A_109 = tpu.memref_slice %arg8[%dma_start3A_107, %dma_start3A_108] : memref<79x128xi32, #tpu.memory_space<vmem>> -> memref<1x128xi32, #tpu.memory_space<vmem>>
    %dma_start3A_110 = tpu.memref_squeeze %dma_start3A_109 : memref<1x128xi32, #tpu.memory_space<vmem>> -> memref<128xi32, #tpu.memory_space<vmem>>
    %dma_start3A_111 = arith.constant 0 : i32
    %dma_start3A_112 = arith.constant 0 : i32
    %dma_start3A_113 = tpu.memref_slice %arg2[%dma_start3A_111, %dma_start3A_112] : memref<10240x16xf32, #tpu.memory_space<hbm>> -> memref<10240x16xf32, #tpu.memory_space<hbm>>
    tpu.enqueue_indirect_dma source(%dma_start3A_113 : memref<10240x16xf32, #tpu.memory_space<hbm>>) target(%arg16 : memref<128x16xf32, #tpu.memory_space<vmem>>) offsets(%dma_start3A_110 : memref<128xi32, #tpu.memory_space<vmem>>) semaphore(%arg25 : memref<!tpu.dma_semaphore, #tpu.memory_space<semaphore_mem>>)
    %dma_wait3A_114 = arith.constant 0 : i32
    %dma_wait3A_115 = arith.constant 0 : i32
    %dma_wait3A_116 = tpu.memref_slice %arg8[%dma_wait3A_114, %dma_wait3A_115] : memref<79x128xi32, #tpu.memory_space<vmem>> -> memref<1x128xi32, #tpu.memory_space<vmem>>
    %dma_wait3A_117 = tpu.memref_squeeze %dma_wait3A_116 : memref<1x128xi32, #tpu.memory_space<vmem>> -> memref<128xi32, #tpu.memory_space<vmem>>
    %dma_wait3A_118 = arith.constant 0 : i32
    %dma_wait3A_119 = arith.constant 0 : i32
    %dma_wait3A_120 = tpu.memref_slice %arg2[%dma_wait3A_118, %dma_wait3A_119] : memref<10240x16xf32, #tpu.memory_space<hbm>> -> memref<10240x16xf32, #tpu.memory_space<hbm>>
    tpu.wait_indirect_dma semaphore(%arg21 : memref<!tpu.dma_semaphore, #tpu.memory_space<semaphore_mem>>) src(%dma_wait3A_120 : memref<10240x16xf32, #tpu.memory_space<hbm>>) dst(%arg12 : memref<128x16xf32, #tpu.memory_space<vmem>>)
    %dma_start3A_121 = arith.constant 2 : i32
    %dma_start3A_122 = arith.constant 0 : i32
    %dma_start3A_123 = tpu.memref_slice %arg9[%dma_start3A_121, %dma_start3A_122] : memref<79x128xi32, #tpu.memory_space<vmem>> -> memref<1x128xi32, #tpu.memory_space<vmem>>
    %dma_start3A_124 = tpu.memref_squeeze %dma_start3A_123 : memref<1x128xi32, #tpu.memory_space<vmem>> -> memref<128xi32, #tpu.memory_space<vmem>>
    %dma_start3A_125 = arith.constant 0 : i32
    %dma_start3A_126 = arith.constant 0 : i32
    %dma_start3A_127 = tpu.memref_slice %arg7[%dma_start3A_125, %dma_start3A_126] : memref<10240x16xf32, #tpu.memory_space<vmem_shared>> -> memref<10240x16xf32, #tpu.memory_space<vmem_shared>>
    tpu.enqueue_indirect_dma source(%arg12 : memref<128x16xf32, #tpu.memory_space<vmem>>) target(%dma_start3A_127 : memref<10240x16xf32, #tpu.memory_space<vmem_shared>>) offsets(%dma_start3A_124 : memref<128xi32, #tpu.memory_space<vmem>>) semaphore(%arg29 : memref<!tpu.dma_semaphore, #tpu.memory_space<semaphore_mem>>) {add = true}
    %dma_start3A_128 = arith.constant 2 : i32
    %dma_start3A_129 = arith.constant 0 : i32
    %dma_start3A_130 = tpu.memref_slice %arg9[%dma_start3A_128, %dma_start3A_129] : memref<79x128xi32, #tpu.memory_space<vmem>> -> memref<1x128xi32, #tpu.memory_space<vmem>>
    %dma_start3A_131 = tpu.memref_squeeze %dma_start3A_130 : memref<1x128xi32, #tpu.memory_space<vmem>> -> memref<128xi32, #tpu.memory_space<vmem>>
    %dma_start3A_132 = arith.constant 0 : i32
    %dma_start3A_133 = tpu.memref_slice %arg35[%dma_start3A_132] : memref<10240xf32, #tpu.memory_space<vmem_shared>> -> memref<10240xf32, #tpu.memory_space<vmem_shared>>
    tpu.enqueue_indirect_dma source(%arg36 : memref<128xf32, #tpu.memory_space<vmem>>) target(%dma_start3A_133 : memref<10240xf32, #tpu.memory_space<vmem_shared>>) offsets(%dma_start3A_131 : memref<128xi32, #tpu.memory_space<vmem>>) semaphore(%arg38 : memref<!tpu.dma_semaphore, #tpu.memory_space<semaphore_mem>>) {add = true}
    %dma_start3A_134 = arith.constant 7 : i32
    %dma_start3A_135 = arith.constant 0 : i32
    %dma_start3A_136 = tpu.memref_slice %arg8[%dma_start3A_134, %dma_start3A_135] : memref<79x128xi32, #tpu.memory_space<vmem>> -> memref<1x128xi32, #tpu.memory_space<vmem>>
    %dma_start3A_137 = tpu.memref_squeeze %dma_start3A_136 : memref<1x128xi32, #tpu.memory_space<vmem>> -> memref<128xi32, #tpu.memory_space<vmem>>
    %dma_start3A_138 = arith.constant 0 : i32
    %dma_start3A_139 = arith.constant 0 : i32
    %dma_start3A_140 = tpu.memref_slice %arg2[%dma_start3A_138, %dma_start3A_139] : memref<10240x16xf32, #tpu.memory_space<hbm>> -> memref<10240x16xf32, #tpu.memory_space<hbm>>
    tpu.enqueue_indirect_dma source(%dma_start3A_140 : memref<10240x16xf32, #tpu.memory_space<hbm>>) target(%arg17 : memref<128x16xf32, #tpu.memory_space<vmem>>) offsets(%dma_start3A_137 : memref<128xi32, #tpu.memory_space<vmem>>) semaphore(%arg26 : memref<!tpu.dma_semaphore, #tpu.memory_space<semaphore_mem>>)
    %dma_wait3A_141 = arith.constant 0 : i32
    %dma_wait3A_142 = arith.constant 0 : i32
    %dma_wait3A_143 = tpu.memref_slice %arg8[%dma_wait3A_141, %dma_wait3A_142] : memref<79x128xi32, #tpu.memory_space<vmem>> -> memref<1x128xi32, #tpu.memory_space<vmem>>
    %dma_wait3A_144 = tpu.memref_squeeze %dma_wait3A_143 : memref<1x128xi32, #tpu.memory_space<vmem>> -> memref<128xi32, #tpu.memory_space<vmem>>
    %dma_wait3A_145 = arith.constant 0 : i32
    %dma_wait3A_146 = arith.constant 0 : i32
    %dma_wait3A_147 = tpu.memref_slice %arg2[%dma_wait3A_145, %dma_wait3A_146] : memref<10240x16xf32, #tpu.memory_space<hbm>> -> memref<10240x16xf32, #tpu.memory_space<hbm>>
    tpu.wait_indirect_dma semaphore(%arg22 : memref<!tpu.dma_semaphore, #tpu.memory_space<semaphore_mem>>) src(%dma_wait3A_147 : memref<10240x16xf32, #tpu.memory_space<hbm>>) dst(%arg13 : memref<128x16xf32, #tpu.memory_space<vmem>>)
    %dma_start3A_148 = arith.constant 3 : i32
    %dma_start3A_149 = arith.constant 0 : i32
    %dma_start3A_150 = tpu.memref_slice %arg9[%dma_start3A_148, %dma_start3A_149] : memref<79x128xi32, #tpu.memory_space<vmem>> -> memref<1x128xi32, #tpu.memory_space<vmem>>
    %dma_start3A_151 = tpu.memref_squeeze %dma_start3A_150 : memref<1x128xi32, #tpu.memory_space<vmem>> -> memref<128xi32, #tpu.memory_space<vmem>>
    %dma_start3A_152 = arith.constant 0 : i32
    %dma_start3A_153 = arith.constant 0 : i32
    %dma_start3A_154 = tpu.memref_slice %arg7[%dma_start3A_152, %dma_start3A_153] : memref<10240x16xf32, #tpu.memory_space<vmem_shared>> -> memref<10240x16xf32, #tpu.memory_space<vmem_shared>>
    tpu.enqueue_indirect_dma source(%arg13 : memref<128x16xf32, #tpu.memory_space<vmem>>) target(%dma_start3A_154 : memref<10240x16xf32, #tpu.memory_space<vmem_shared>>) offsets(%dma_start3A_151 : memref<128xi32, #tpu.memory_space<vmem>>) semaphore(%arg30 : memref<!tpu.dma_semaphore, #tpu.memory_space<semaphore_mem>>) {add = true}
    %dma_start3A_155 = arith.constant 3 : i32
    %dma_start3A_156 = arith.constant 0 : i32
    %dma_start3A_157 = tpu.memref_slice %arg9[%dma_start3A_155, %dma_start3A_156] : memref<79x128xi32, #tpu.memory_space<vmem>> -> memref<1x128xi32, #tpu.memory_space<vmem>>
    %dma_start3A_158 = tpu.memref_squeeze %dma_start3A_157 : memref<1x128xi32, #tpu.memory_space<vmem>> -> memref<128xi32, #tpu.memory_space<vmem>>
    %dma_start3A_159 = arith.constant 0 : i32
    %dma_start3A_160 = tpu.memref_slice %arg35[%dma_start3A_159] : memref<10240xf32, #tpu.memory_space<vmem_shared>> -> memref<10240xf32, #tpu.memory_space<vmem_shared>>
    tpu.enqueue_indirect_dma source(%arg36 : memref<128xf32, #tpu.memory_space<vmem>>) target(%dma_start3A_160 : memref<10240xf32, #tpu.memory_space<vmem_shared>>) offsets(%dma_start3A_158 : memref<128xi32, #tpu.memory_space<vmem>>) semaphore(%arg38 : memref<!tpu.dma_semaphore, #tpu.memory_space<semaphore_mem>>) {add = true}
    %dma_wait3A_161 = arith.constant 0 : i32
    %dma_wait3A_162 = arith.constant 0 : i32
    %dma_wait3A_163 = tpu.memref_slice %arg9[%dma_wait3A_161, %dma_wait3A_162] : memref<79x128xi32, #tpu.memory_space<vmem>> -> memref<1x128xi32, #tpu.memory_space<vmem>>
    %dma_wait3A_164 = tpu.memref_squeeze %dma_wait3A_163 : memref<1x128xi32, #tpu.memory_space<vmem>> -> memref<128xi32, #tpu.memory_space<vmem>>
    %dma_wait3A_165 = arith.constant 0 : i32
    %dma_wait3A_166 = arith.constant 0 : i32
    %dma_wait3A_167 = tpu.memref_slice %arg7[%dma_wait3A_165, %dma_wait3A_166] : memref<10240x16xf32, #tpu.memory_space<vmem_shared>> -> memref<10240x16xf32, #tpu.memory_space<vmem_shared>>
    tpu.wait_indirect_dma semaphore(%arg27 : memref<!tpu.dma_semaphore, #tpu.memory_space<semaphore_mem>>) src(%arg10 : memref<128x16xf32, #tpu.memory_space<vmem>>) dst(%dma_wait3A_167 : memref<10240x16xf32, #tpu.memory_space<vmem_shared>>)
    %dma_start3A_168 = arith.constant 8 : i32
    %dma_start3A_169 = arith.constant 0 : i32
    %dma_start3A_170 = tpu.memref_slice %arg8[%dma_start3A_168, %dma_start3A_169] : memref<79x128xi32, #tpu.memory_space<vmem>> -> memref<1x128xi32, #tpu.memory_space<vmem>>
    %dma_start3A_171 = tpu.memref_squeeze %dma_start3A_170 : memref<1x128xi32, #tpu.memory_space<vmem>> -> memref<128xi32, #tpu.memory_space<vmem>>
    %dma_start3A_172 = arith.constant 0 : i32
    %dma_start3A_173 = arith.constant 0 : i32
    %dma_start3A_174 = tpu.memref_slice %arg2[%dma_start3A_172, %dma_start3A_173] : memref<10240x16xf32, #tpu.memory_space<hbm>> -> memref<10240x16xf32, #tpu.memory_space<hbm>>
    tpu.enqueue_indirect_dma source(%dma_start3A_174 : memref<10240x16xf32, #tpu.memory_space<hbm>>) target(%arg10 : memref<128x16xf32, #tpu.memory_space<vmem>>) offsets(%dma_start3A_171 : memref<128xi32, #tpu.memory_space<vmem>>) semaphore(%arg19 : memref<!tpu.dma_semaphore, #tpu.memory_space<semaphore_mem>>)
    %dma_wait3A_175 = arith.constant 0 : i32
    %dma_wait3A_176 = arith.constant 0 : i32
    %dma_wait3A_177 = tpu.memref_slice %arg8[%dma_wait3A_175, %dma_wait3A_176] : memref<79x128xi32, #tpu.memory_space<vmem>> -> memref<1x128xi32, #tpu.memory_space<vmem>>
    %dma_wait3A_178 = tpu.memref_squeeze %dma_wait3A_177 : memref<1x128xi32, #tpu.memory_space<vmem>> -> memref<128xi32, #tpu.memory_space<vmem>>
    %dma_wait3A_179 = arith.constant 0 : i32
    %dma_wait3A_180 = arith.constant 0 : i32
    %dma_wait3A_181 = tpu.memref_slice %arg2[%dma_wait3A_179, %dma_wait3A_180] : memref<10240x16xf32, #tpu.memory_space<hbm>> -> memref<10240x16xf32, #tpu.memory_space<hbm>>
    tpu.wait_indirect_dma semaphore(%arg23 : memref<!tpu.dma_semaphore, #tpu.memory_space<semaphore_mem>>) src(%dma_wait3A_181 : memref<10240x16xf32, #tpu.memory_space<hbm>>) dst(%arg14 : memref<128x16xf32, #tpu.memory_space<vmem>>)
    %dma_start3A_182 = arith.constant 4 : i32
    %dma_start3A_183 = arith.constant 0 : i32
    %dma_start3A_184 = tpu.memref_slice %arg9[%dma_start3A_182, %dma_start3A_183] : memref<79x128xi32, #tpu.memory_space<vmem>> -> memref<1x128xi32, #tpu.memory_space<vmem>>
    %dma_start3A_185 = tpu.memref_squeeze %dma_start3A_184 : memref<1x128xi32, #tpu.memory_space<vmem>> -> memref<128xi32, #tpu.memory_space<vmem>>
    %dma_start3A_186 = arith.constant 0 : i32
    %dma_start3A_187 = arith.constant 0 : i32
    %dma_start3A_188 = tpu.memref_slice %arg7[%dma_start3A_186, %dma_start3A_187] : memref<10240x16xf32, #tpu.memory_space<vmem_shared>> -> memref<10240x16xf32, #tpu.memory_space<vmem_shared>>
    tpu.enqueue_indirect_dma source(%arg14 : memref<128x16xf32, #tpu.memory_space<vmem>>) target(%dma_start3A_188 : memref<10240x16xf32, #tpu.memory_space<vmem_shared>>) offsets(%dma_start3A_185 : memref<128xi32, #tpu.memory_space<vmem>>) semaphore(%arg31 : memref<!tpu.dma_semaphore, #tpu.memory_space<semaphore_mem>>) {add = true}
    %dma_start3A_189 = arith.constant 4 : i32
    %dma_start3A_190 = arith.constant 0 : i32
    %dma_start3A_191 = tpu.memref_slice %arg9[%dma_start3A_189, %dma_start3A_190] : memref<79x128xi32, #tpu.memory_space<vmem>> -> memref<1x128xi32, #tpu.memory_space<vmem>>
    %dma_start3A_192 = tpu.memref_squeeze %dma_start3A_191 : memref<1x128xi32, #tpu.memory_space<vmem>> -> memref<128xi32, #tpu.memory_space<vmem>>
    %dma_start3A_193 = arith.constant 0 : i32
    %dma_start3A_194 = tpu.memref_slice %arg35[%dma_start3A_193] : memref<10240xf32, #tpu.memory_space<vmem_shared>> -> memref<10240xf32, #tpu.memory_space<vmem_shared>>
    tpu.enqueue_indirect_dma source(%arg36 : memref<128xf32, #tpu.memory_space<vmem>>) target(%dma_start3A_194 : memref<10240xf32, #tpu.memory_space<vmem_shared>>) offsets(%dma_start3A_192 : memref<128xi32, #tpu.memory_space<vmem>>) semaphore(%arg38 : memref<!tpu.dma_semaphore, #tpu.memory_space<semaphore_mem>>) {add = true}
    %dma_wait3A_195 = arith.constant 0 : i32
    %dma_wait3A_196 = arith.constant 0 : i32
    %dma_wait3A_197 = tpu.memref_slice %arg9[%dma_wait3A_195, %dma_wait3A_196] : memref<79x128xi32, #tpu.memory_space<vmem>> -> memref<1x128xi32, #tpu.memory_space<vmem>>
    %dma_wait3A_198 = tpu.memref_squeeze %dma_wait3A_197 : memref<1x128xi32, #tpu.memory_space<vmem>> -> memref<128xi32, #tpu.memory_space<vmem>>
    %dma_wait3A_199 = arith.constant 0 : i32
    %dma_wait3A_200 = arith.constant 0 : i32
    %dma_wait3A_201 = tpu.memref_slice %arg7[%dma_wait3A_199, %dma_wait3A_200] : memref<10240x16xf32, #tpu.memory_space<vmem_shared>> -> memref<10240x16xf32, #tpu.memory_space<vmem_shared>>
    tpu.wait_indirect_dma semaphore(%arg28 : memref<!tpu.dma_semaphore, #tpu.memory_space<semaphore_mem>>) src(%arg11 : memref<128x16xf32, #tpu.memory_space<vmem>>) dst(%dma_wait3A_201 : memref<10240x16xf32, #tpu.memory_space<vmem_shared>>)
    %dma_start3A_202 = arith.constant 9 : i32
    %dma_start3A_203 = arith.constant 0 : i32
    %dma_start3A_204 = tpu.memref_slice %arg8[%dma_start3A_202, %dma_start3A_203] : memref<79x128xi32, #tpu.memory_space<vmem>> -> memref<1x128xi32, #tpu.memory_space<vmem>>
    %dma_start3A_205 = tpu.memref_squeeze %dma_start3A_204 : memref<1x128xi32, #tpu.memory_space<vmem>> -> memref<128xi32, #tpu.memory_space<vmem>>
    %dma_start3A_206 = arith.constant 0 : i32
    %dma_start3A_207 = arith.constant 0 : i32
    %dma_start3A_208 = tpu.memref_slice %arg2[%dma_start3A_206, %dma_start3A_207] : memref<10240x16xf32, #tpu.memory_space<hbm>> -> memref<10240x16xf32, #tpu.memory_space<hbm>>
    tpu.enqueue_indirect_dma source(%dma_start3A_208 : memref<10240x16xf32, #tpu.memory_space<hbm>>) target(%arg11 : memref<128x16xf32, #tpu.memory_space<vmem>>) offsets(%dma_start3A_205 : memref<128xi32, #tpu.memory_space<vmem>>) semaphore(%arg20 : memref<!tpu.dma_semaphore, #tpu.memory_space<semaphore_mem>>)
    %dma_wait3A_209 = arith.constant 0 : i32
    %dma_wait3A_210 = arith.constant 0 : i32
    %dma_wait3A_211 = tpu.memref_slice %arg8[%dma_wait3A_209, %dma_wait3A_210] : memref<79x128xi32, #tpu.memory_space<vmem>> -> memref<1x128xi32, #tpu.memory_space<vmem>>
    %dma_wait3A_212 = tpu.memref_squeeze %dma_wait3A_211 : memref<1x128xi32, #tpu.memory_space<vmem>> -> memref<128xi32, #tpu.memory_space<vmem>>
    %dma_wait3A_213 = arith.constant 0 : i32
    %dma_wait3A_214 = arith.constant 0 : i32
    %dma_wait3A_215 = tpu.memref_slice %arg2[%dma_wait3A_213, %dma_wait3A_214] : memref<10240x16xf32, #tpu.memory_space<hbm>> -> memref<10240x16xf32, #tpu.memory_space<hbm>>
    tpu.wait_indirect_dma semaphore(%arg24 : memref<!tpu.dma_semaphore, #tpu.memory_space<semaphore_mem>>) src(%dma_wait3A_215 : memref<10240x16xf32, #tpu.memory_space<hbm>>) dst(%arg15 : memref<128x16xf32, #tpu.memory_space<vmem>>)
    %dma_start3A_216 = arith.constant 5 : i32
    %dma_start3A_217 = arith.constant 0 : i32
    %dma_start3A_218 = tpu.memref_slice %arg9[%dma_start3A_216, %dma_start3A_217] : memref<79x128xi32, #tpu.memory_space<vmem>> -> memref<1x128xi32, #tpu.memory_space<vmem>>
    %dma_start3A_219 = tpu.memref_squeeze %dma_start3A_218 : memref<1x128xi32, #tpu.memory_space<vmem>> -> memref<128xi32, #tpu.memory_space<vmem>>
    %dma_start3A_220 = arith.constant 0 : i32
    %dma_start3A_221 = arith.constant 0 : i32
    %dma_start3A_222 = tpu.memref_slice %arg7[%dma_start3A_220, %dma_start3A_221] : memref<10240x16xf32, #tpu.memory_space<vmem_shared>> -> memref<10240x16xf32, #tpu.memory_space<vmem_shared>>
    tpu.enqueue_indirect_dma source(%arg15 : memref<128x16xf32, #tpu.memory_space<vmem>>) target(%dma_start3A_222 : memref<10240x16xf32, #tpu.memory_space<vmem_shared>>) offsets(%dma_start3A_219 : memref<128xi32, #tpu.memory_space<vmem>>) semaphore(%arg32 : memref<!tpu.dma_semaphore, #tpu.memory_space<semaphore_mem>>) {add = true}
    %dma_start3A_223 = arith.constant 5 : i32
    %dma_start3A_224 = arith.constant 0 : i32
    %dma_start3A_225 = tpu.memref_slice %arg9[%dma_start3A_223, %dma_start3A_224] : memref<79x128xi32, #tpu.memory_space<vmem>> -> memref<1x128xi32, #tpu.memory_space<vmem>>
    %dma_start3A_226 = tpu.memref_squeeze %dma_start3A_225 : memref<1x128xi32, #tpu.memory_space<vmem>> -> memref<128xi32, #tpu.memory_space<vmem>>
    %dma_start3A_227 = arith.constant 0 : i32
    %dma_start3A_228 = tpu.memref_slice %arg35[%dma_start3A_227] : memref<10240xf32, #tpu.memory_space<vmem_shared>> -> memref<10240xf32, #tpu.memory_space<vmem_shared>>
    tpu.enqueue_indirect_dma source(%arg36 : memref<128xf32, #tpu.memory_space<vmem>>) target(%dma_start3A_228 : memref<10240xf32, #tpu.memory_space<vmem_shared>>) offsets(%dma_start3A_226 : memref<128xi32, #tpu.memory_space<vmem>>) semaphore(%arg38 : memref<!tpu.dma_semaphore, #tpu.memory_space<semaphore_mem>>) {add = true}
    %dma_wait3A_229 = arith.constant 0 : i32
    %dma_wait3A_230 = arith.constant 0 : i32
    %dma_wait3A_231 = tpu.memref_slice %arg9[%dma_wait3A_229, %dma_wait3A_230] : memref<79x128xi32, #tpu.memory_space<vmem>> -> memref<1x128xi32, #tpu.memory_space<vmem>>
    %dma_wait3A_232 = tpu.memref_squeeze %dma_wait3A_231 : memref<1x128xi32, #tpu.memory_space<vmem>> -> memref<128xi32, #tpu.memory_space<vmem>>
    %dma_wait3A_233 = arith.constant 0 : i32
    %dma_wait3A_234 = arith.constant 0 : i32
    %dma_wait3A_235 = tpu.memref_slice %arg7[%dma_wait3A_233, %dma_wait3A_234] : memref<10240x16xf32, #tpu.memory_space<vmem_shared>> -> memref<10240x16xf32, #tpu.memory_space<vmem_shared>>
    tpu.wait_indirect_dma semaphore(%arg29 : memref<!tpu.dma_semaphore, #tpu.memory_space<semaphore_mem>>) src(%arg12 : memref<128x16xf32, #tpu.memory_space<vmem>>) dst(%dma_wait3A_235 : memref<10240x16xf32, #tpu.memory_space<vmem_shared>>)
    %dma_start3A_236 = arith.constant 10 : i32
    %dma_start3A_237 = arith.constant 0 : i32
    %dma_start3A_238 = tpu.memref_slice %arg8[%dma_start3A_236, %dma_start3A_237] : memref<79x128xi32, #tpu.memory_space<vmem>> -> memref<1x128xi32, #tpu.memory_space<vmem>>
    %dma_start3A_239 = tpu.memref_squeeze %dma_start3A_238 : memref<1x128xi32, #tpu.memory_space<vmem>> -> memref<128xi32, #tpu.memory_space<vmem>>
    %dma_start3A_240 = arith.constant 0 : i32
    %dma_start3A_241 = arith.constant 0 : i32
    %dma_start3A_242 = tpu.memref_slice %arg2[%dma_start3A_240, %dma_start3A_241] : memref<10240x16xf32, #tpu.memory_space<hbm>> -> memref<10240x16xf32, #tpu.memory_space<hbm>>
    tpu.enqueue_indirect_dma source(%dma_start3A_242 : memref<10240x16xf32, #tpu.memory_space<hbm>>) target(%arg12 : memref<128x16xf32, #tpu.memory_space<vmem>>) offsets(%dma_start3A_239 : memref<128xi32, #tpu.memory_space<vmem>>) semaphore(%arg21 : memref<!tpu.dma_semaphore, #tpu.memory_space<semaphore_mem>>)
    %dma_wait3A_243 = arith.constant 0 : i32
    %dma_wait3A_244 = arith.constant 0 : i32
    %dma_wait3A_245 = tpu.memref_slice %arg8[%dma_wait3A_243, %dma_wait3A_244] : memref<79x128xi32, #tpu.memory_space<vmem>> -> memref<1x128xi32, #tpu.memory_space<vmem>>
    %dma_wait3A_246 = tpu.memref_squeeze %dma_wait3A_245 : memref<1x128xi32, #tpu.memory_space<vmem>> -> memref<128xi32, #tpu.memory_space<vmem>>
    %dma_wait3A_247 = arith.constant 0 : i32
    %dma_wait3A_248 = arith.constant 0 : i32
    %dma_wait3A_249 = tpu.memref_slice %arg2[%dma_wait3A_247, %dma_wait3A_248] : memref<10240x16xf32, #tpu.memory_space<hbm>> -> memref<10240x16xf32, #tpu.memory_space<hbm>>
    tpu.wait_indirect_dma semaphore(%arg25 : memref<!tpu.dma_semaphore, #tpu.memory_space<semaphore_mem>>) src(%dma_wait3A_249 : memref<10240x16xf32, #tpu.memory_space<hbm>>) dst(%arg16 : memref<128x16xf32, #tpu.memory_space<vmem>>)
    %dma_start3A_250 = arith.constant 6 : i32
    %dma_start3A_251 = arith.constant 0 : i32
    %dma_start3A_252 = tpu.memref_slice %arg9[%dma_start3A_250, %dma_start3A_251] : memref<79x128xi32, #tpu.memory_space<vmem>> -> memref<1x128xi32, #tpu.memory_space<vmem>>
    %dma_start3A_253 = tpu.memref_squeeze %dma_start3A_252 : memref<1x128xi32, #tpu.memory_space<vmem>> -> memref<128xi32, #tpu.memory_space<vmem>>
    %dma_start3A_254 = arith.constant 0 : i32
    %dma_start3A_255 = arith.constant 0 : i32
    %dma_start3A_256 = tpu.memref_slice %arg7[%dma_start3A_254, %dma_start3A_255] : memref<10240x16xf32, #tpu.memory_space<vmem_shared>> -> memref<10240x16xf32, #tpu.memory_space<vmem_shared>>
    tpu.enqueue_indirect_dma source(%arg16 : memref<128x16xf32, #tpu.memory_space<vmem>>) target(%dma_start3A_256 : memref<10240x16xf32, #tpu.memory_space<vmem_shared>>) offsets(%dma_start3A_253 : memref<128xi32, #tpu.memory_space<vmem>>) semaphore(%arg33 : memref<!tpu.dma_semaphore, #tpu.memory_space<semaphore_mem>>) {add = true}
    %dma_start3A_257 = arith.constant 6 : i32
    %dma_start3A_258 = arith.constant 0 : i32
    %dma_start3A_259 = tpu.memref_slice %arg9[%dma_start3A_257, %dma_start3A_258] : memref<79x128xi32, #tpu.memory_space<vmem>> -> memref<1x128xi32, #tpu.memory_space<vmem>>
    %dma_start3A_260 = tpu.memref_squeeze %dma_start3A_259 : memref<1x128xi32, #tpu.memory_space<vmem>> -> memref<128xi32, #tpu.memory_space<vmem>>
    %dma_start3A_261 = arith.constant 0 : i32
    %dma_start3A_262 = tpu.memref_slice %arg35[%dma_start3A_261] : memref<10240xf32, #tpu.memory_space<vmem_shared>> -> memref<10240xf32, #tpu.memory_space<vmem_shared>>
    tpu.enqueue_indirect_dma source(%arg36 : memref<128xf32, #tpu.memory_space<vmem>>) target(%dma_start3A_262 : memref<10240xf32, #tpu.memory_space<vmem_shared>>) offsets(%dma_start3A_260 : memref<128xi32, #tpu.memory_space<vmem>>) semaphore(%arg38 : memref<!tpu.dma_semaphore, #tpu.memory_space<semaphore_mem>>) {add = true}
    %dma_wait3A_263 = arith.constant 0 : i32
    %dma_wait3A_264 = arith.constant 0 : i32
    %dma_wait3A_265 = tpu.memref_slice %arg9[%dma_wait3A_263, %dma_wait3A_264] : memref<79x128xi32, #tpu.memory_space<vmem>> -> memref<1x128xi32, #tpu.memory_space<vmem>>
    %dma_wait3A_266 = tpu.memref_squeeze %dma_wait3A_265 : memref<1x128xi32, #tpu.memory_space<vmem>> -> memref<128xi32, #tpu.memory_space<vmem>>
    %dma_wait3A_267 = arith.constant 0 : i32
    %dma_wait3A_268 = arith.constant 0 : i32
    %dma_wait3A_269 = tpu.memref_slice %arg7[%dma_wait3A_267, %dma_wait3A_268] : memref<10240x16xf32, #tpu.memory_space<vmem_shared>> -> memref<10240x16xf32, #tpu.memory_space<vmem_shared>>
    tpu.wait_indirect_dma semaphore(%arg30 : memref<!tpu.dma_semaphore, #tpu.memory_space<semaphore_mem>>) src(%arg13 : memref<128x16xf32, #tpu.memory_space<vmem>>) dst(%dma_wait3A_269 : memref<10240x16xf32, #tpu.memory_space<vmem_shared>>)
    %dma_start3A_270 = arith.constant 11 : i32
    %dma_start3A_271 = arith.constant 0 : i32
    %dma_start3A_272 = tpu.memref_slice %arg8[%dma_start3A_270, %dma_start3A_271] : memref<79x128xi32, #tpu.memory_space<vmem>> -> memref<1x128xi32, #tpu.memory_space<vmem>>
    %dma_start3A_273 = tpu.memref_squeeze %dma_start3A_272 : memref<1x128xi32, #tpu.memory_space<vmem>> -> memref<128xi32, #tpu.memory_space<vmem>>
    %dma_start3A_274 = arith.constant 0 : i32
    %dma_start3A_275 = arith.constant 0 : i32
    %dma_start3A_276 = tpu.memref_slice %arg2[%dma_start3A_274, %dma_start3A_275] : memref<10240x16xf32, #tpu.memory_space<hbm>> -> memref<10240x16xf32, #tpu.memory_space<hbm>>
    tpu.enqueue_indirect_dma source(%dma_start3A_276 : memref<10240x16xf32, #tpu.memory_space<hbm>>) target(%arg13 : memref<128x16xf32, #tpu.memory_space<vmem>>) offsets(%dma_start3A_273 : memref<128xi32, #tpu.memory_space<vmem>>) semaphore(%arg22 : memref<!tpu.dma_semaphore, #tpu.memory_space<semaphore_mem>>)
    %dma_wait3A_277 = arith.constant 0 : i32
    %dma_wait3A_278 = arith.constant 0 : i32
    %dma_wait3A_279 = tpu.memref_slice %arg8[%dma_wait3A_277, %dma_wait3A_278] : memref<79x128xi32, #tpu.memory_space<vmem>> -> memref<1x128xi32, #tpu.memory_space<vmem>>
    %dma_wait3A_280 = tpu.memref_squeeze %dma_wait3A_279 : memref<1x128xi32, #tpu.memory_space<vmem>> -> memref<128xi32, #tpu.memory_space<vmem>>
    %dma_wait3A_281 = arith.constant 0 : i32
    %dma_wait3A_282 = arith.constant 0 : i32
    %dma_wait3A_283 = tpu.memref_slice %arg2[%dma_wait3A_281, %dma_wait3A_282] : memref<10240x16xf32, #tpu.memory_space<hbm>> -> memref<10240x16xf32, #tpu.memory_space<hbm>>
    tpu.wait_indirect_dma semaphore(%arg26 : memref<!tpu.dma_semaphore, #tpu.memory_space<semaphore_mem>>) src(%dma_wait3A_283 : memref<10240x16xf32, #tpu.memory_space<hbm>>) dst(%arg17 : memref<128x16xf32, #tpu.memory_space<vmem>>)
    %dma_start3A_284 = arith.constant 7 : i32
    %dma_start3A_285 = arith.constant 0 : i32
    %dma_start3A_286 = tpu.memref_slice %arg9[%dma_start3A_284, %dma_start3A_285] : memref<79x128xi32, #tpu.memory_space<vmem>> -> memref<1x128xi32, #tpu.memory_space<vmem>>
    %dma_start3A_287 = tpu.memref_squeeze %dma_start3A_286 : memref<1x128xi32, #tpu.memory_space<vmem>> -> memref<128xi32, #tpu.memory_space<vmem>>
    %dma_start3A_288 = arith.constant 0 : i32
    %dma_start3A_289 = arith.constant 0 : i32
    %dma_start3A_290 = tpu.memref_slice %arg7[%dma_start3A_288, %dma_start3A_289] : memref<10240x16xf32, #tpu.memory_space<vmem_shared>> -> memref<10240x16xf32, #tpu.memory_space<vmem_shared>>
    tpu.enqueue_indirect_dma source(%arg17 : memref<128x16xf32, #tpu.memory_space<vmem>>) target(%dma_start3A_290 : memref<10240x16xf32, #tpu.memory_space<vmem_shared>>) offsets(%dma_start3A_287 : memref<128xi32, #tpu.memory_space<vmem>>) semaphore(%arg34 : memref<!tpu.dma_semaphore, #tpu.memory_space<semaphore_mem>>) {add = true}
    %dma_start3A_291 = arith.constant 7 : i32
    %dma_start3A_292 = arith.constant 0 : i32
    %dma_start3A_293 = tpu.memref_slice %arg9[%dma_start3A_291, %dma_start3A_292] : memref<79x128xi32, #tpu.memory_space<vmem>> -> memref<1x128xi32, #tpu.memory_space<vmem>>
    %dma_start3A_294 = tpu.memref_squeeze %dma_start3A_293 : memref<1x128xi32, #tpu.memory_space<vmem>> -> memref<128xi32, #tpu.memory_space<vmem>>
    %dma_start3A_295 = arith.constant 0 : i32
    %dma_start3A_296 = tpu.memref_slice %arg35[%dma_start3A_295] : memref<10240xf32, #tpu.memory_space<vmem_shared>> -> memref<10240xf32, #tpu.memory_space<vmem_shared>>
    tpu.enqueue_indirect_dma source(%arg36 : memref<128xf32, #tpu.memory_space<vmem>>) target(%dma_start3A_296 : memref<10240xf32, #tpu.memory_space<vmem_shared>>) offsets(%dma_start3A_294 : memref<128xi32, #tpu.memory_space<vmem>>) semaphore(%arg38 : memref<!tpu.dma_semaphore, #tpu.memory_space<semaphore_mem>>) {add = true}
    %dma_wait3A_297 = arith.constant 0 : i32
    %dma_wait3A_298 = arith.constant 0 : i32
    %dma_wait3A_299 = tpu.memref_slice %arg9[%dma_wait3A_297, %dma_wait3A_298] : memref<79x128xi32, #tpu.memory_space<vmem>> -> memref<1x128xi32, #tpu.memory_space<vmem>>
    %dma_wait3A_300 = tpu.memref_squeeze %dma_wait3A_299 : memref<1x128xi32, #tpu.memory_space<vmem>> -> memref<128xi32, #tpu.memory_space<vmem>>
    %dma_wait3A_301 = arith.constant 0 : i32
    %dma_wait3A_302 = arith.constant 0 : i32
    %dma_wait3A_303 = tpu.memref_slice %arg7[%dma_wait3A_301, %dma_wait3A_302] : memref<10240x16xf32, #tpu.memory_space<vmem_shared>> -> memref<10240x16xf32, #tpu.memory_space<vmem_shared>>
    tpu.wait_indirect_dma semaphore(%arg31 : memref<!tpu.dma_semaphore, #tpu.memory_space<semaphore_mem>>) src(%arg14 : memref<128x16xf32, #tpu.memory_space<vmem>>) dst(%dma_wait3A_303 : memref<10240x16xf32, #tpu.memory_space<vmem_shared>>)
    %dma_start3A_304 = arith.constant 12 : i32
    %dma_start3A_305 = arith.constant 0 : i32
    %dma_start3A_306 = tpu.memref_slice %arg8[%dma_start3A_304, %dma_start3A_305] : memref<79x128xi32, #tpu.memory_space<vmem>> -> memref<1x128xi32, #tpu.memory_space<vmem>>
    %dma_start3A_307 = tpu.memref_squeeze %dma_start3A_306 : memref<1x128xi32, #tpu.memory_space<vmem>> -> memref<128xi32, #tpu.memory_space<vmem>>
    %dma_start3A_308 = arith.constant 0 : i32
    %dma_start3A_309 = arith.constant 0 : i32
    %dma_start3A_310 = tpu.memref_slice %arg2[%dma_start3A_308, %dma_start3A_309] : memref<10240x16xf32, #tpu.memory_space<hbm>> -> memref<10240x16xf32, #tpu.memory_space<hbm>>
    tpu.enqueue_indirect_dma source(%dma_start3A_310 : memref<10240x16xf32, #tpu.memory_space<hbm>>) target(%arg14 : memref<128x16xf32, #tpu.memory_space<vmem>>) offsets(%dma_start3A_307 : memref<128xi32, #tpu.memory_space<vmem>>) semaphore(%arg23 : memref<!tpu.dma_semaphore, #tpu.memory_space<semaphore_mem>>)
    %scan3A_311 = arith.constant 0 : i32
    %scan3A_312 = arith.constant 1 : i32
    %scan3A_313 = arith.constant 8 : i32
    %scan3A_314 = arith.addi %scan3A_312, %scan3A_313 : i32
    %scan3A_315 = arith.constant 1 : i32
    %scan3A_316 = scf.for %scan3A_553 = %scan3A_312 to %scan3A_314 step %scan3A_315 iter_args(%scan3A_554 = %scan3A_311) -> (i32)  : i32 {
      %mul3A_555 = arith.constant 8 : i32
      %mul3A_556 = arith.muli %scan3A_553, %mul3A_555 : i32
      %add3A_557 = arith.constant 0 : i32
      %add3A_558 = arith.addi %mul3A_556, %add3A_557 : i32
      %dma_wait3A_559 = arith.constant 0 : i32
      %dma_wait3A_560 = arith.constant 0 : i32
      %dma_wait3A_561 = tpu.memref_slice %arg8[%dma_wait3A_559, %dma_wait3A_560] : memref<79x128xi32, #tpu.memory_space<vmem>> -> memref<1x128xi32, #tpu.memory_space<vmem>>
      %dma_wait3A_562 = tpu.memref_squeeze %dma_wait3A_561 : memref<1x128xi32, #tpu.memory_space<vmem>> -> memref<128xi32, #tpu.memory_space<vmem>>
      %dma_wait3A_563 = arith.constant 0 : i32
      %dma_wait3A_564 = arith.constant 0 : i32
      %dma_wait3A_565 = tpu.memref_slice %arg2[%dma_wait3A_563, %dma_wait3A_564] : memref<10240x16xf32, #tpu.memory_space<hbm>> -> memref<10240x16xf32, #tpu.memory_space<hbm>>
      tpu.wait_indirect_dma semaphore(%arg19 : memref<!tpu.dma_semaphore, #tpu.memory_space<semaphore_mem>>) src(%dma_wait3A_565 : memref<10240x16xf32, #tpu.memory_space<hbm>>) dst(%arg10 : memref<128x16xf32, #tpu.memory_space<vmem>>)
      %dma_start3A_566 = arith.constant 0 : i32
      %dma_start3A_567 = tpu.memref_slice %arg9[%add3A_558, %dma_start3A_566] : memref<79x128xi32, #tpu.memory_space<vmem>> -> memref<1x128xi32, #tpu.memory_space<vmem>>
      %dma_start3A_568 = tpu.memref_squeeze %dma_start3A_567 : memref<1x128xi32, #tpu.memory_space<vmem>> -> memref<128xi32, #tpu.memory_space<vmem>>
      %dma_start3A_569 = arith.constant 0 : i32
      %dma_start3A_570 = arith.constant 0 : i32
      %dma_start3A_571 = tpu.memref_slice %arg7[%dma_start3A_569, %dma_start3A_570] : memref<10240x16xf32, #tpu.memory_space<vmem_shared>> -> memref<10240x16xf32, #tpu.memory_space<vmem_shared>>
      tpu.enqueue_indirect_dma source(%arg10 : memref<128x16xf32, #tpu.memory_space<vmem>>) target(%dma_start3A_571 : memref<10240x16xf32, #tpu.memory_space<vmem_shared>>) offsets(%dma_start3A_568 : memref<128xi32, #tpu.memory_space<vmem>>) semaphore(%arg27 : memref<!tpu.dma_semaphore, #tpu.memory_space<semaphore_mem>>) {add = true}
      %dma_start3A_572 = arith.constant 0 : i32
      %dma_start3A_573 = tpu.memref_slice %arg9[%add3A_558, %dma_start3A_572] : memref<79x128xi32, #tpu.memory_space<vmem>> -> memref<1x128xi32, #tpu.memory_space<vmem>>
      %dma_start3A_574 = tpu.memref_squeeze %dma_start3A_573 : memref<1x128xi32, #tpu.memory_space<vmem>> -> memref<128xi32, #tpu.memory_space<vmem>>
      %dma_start3A_575 = arith.constant 0 : i32
      %dma_start3A_576 = tpu.memref_slice %arg35[%dma_start3A_575] : memref<10240xf32, #tpu.memory_space<vmem_shared>> -> memref<10240xf32, #tpu.memory_space<vmem_shared>>
      tpu.enqueue_indirect_dma source(%arg36 : memref<128xf32, #tpu.memory_space<vmem>>) target(%dma_start3A_576 : memref<10240xf32, #tpu.memory_space<vmem_shared>>) offsets(%dma_start3A_574 : memref<128xi32, #tpu.memory_space<vmem>>) semaphore(%arg38 : memref<!tpu.dma_semaphore, #tpu.memory_space<semaphore_mem>>) {add = true}
      %add3A_577 = arith.constant 5 : i32
      %add3A_578 = arith.addi %add3A_558, %add3A_577 : i32
      %lt3A = arith.constant 79 : i32
      %lt3A_579 = arith.cmpi slt, %add3A_578, %lt3A : i32
      %convert_element_type3A = arith.extui %lt3A_579 : i1 to i32
      %cond3A = arith.constant 0 : i32
      %cond3A_580 = arith.cmpi ne, %convert_element_type3A, %cond3A : i32
      scf.if %cond3A_580 {
        %dma_wait3A_771 = arith.constant 0 : i32
        %dma_wait3A_772 = arith.constant 0 : i32
        %dma_wait3A_773 = tpu.memref_slice %arg9[%dma_wait3A_771, %dma_wait3A_772] : memref<79x128xi32, #tpu.memory_space<vmem>> -> memref<1x128xi32, #tpu.memory_space<vmem>>
        %dma_wait3A_774 = tpu.memref_squeeze %dma_wait3A_773 : memref<1x128xi32, #tpu.memory_space<vmem>> -> memref<128xi32, #tpu.memory_space<vmem>>
        %dma_wait3A_775 = arith.constant 0 : i32
        %dma_wait3A_776 = arith.constant 0 : i32
        %dma_wait3A_777 = tpu.memref_slice %arg7[%dma_wait3A_775, %dma_wait3A_776] : memref<10240x16xf32, #tpu.memory_space<vmem_shared>> -> memref<10240x16xf32, #tpu.memory_space<vmem_shared>>
        tpu.wait_indirect_dma semaphore(%arg32 : memref<!tpu.dma_semaphore, #tpu.memory_space<semaphore_mem>>) src(%arg15 : memref<128x16xf32, #tpu.memory_space<vmem>>) dst(%dma_wait3A_777 : memref<10240x16xf32, #tpu.memory_space<vmem_shared>>)
        %dma_start3A_778 = arith.constant 0 : i32
        %dma_start3A_779 = tpu.memref_slice %arg8[%add3A_578, %dma_start3A_778] : memref<79x128xi32, #tpu.memory_space<vmem>> -> memref<1x128xi32, #tpu.memory_space<vmem>>
        %dma_start3A_780 = tpu.memref_squeeze %dma_start3A_779 : memref<1x128xi32, #tpu.memory_space<vmem>> -> memref<128xi32, #tpu.memory_space<vmem>>
        %dma_start3A_781 = arith.constant 0 : i32
        %dma_start3A_782 = arith.constant 0 : i32
        %dma_start3A_783 = tpu.memref_slice %arg2[%dma_start3A_781, %dma_start3A_782] : memref<10240x16xf32, #tpu.memory_space<hbm>> -> memref<10240x16xf32, #tpu.memory_space<hbm>>
        tpu.enqueue_indirect_dma source(%dma_start3A_783 : memref<10240x16xf32, #tpu.memory_space<hbm>>) target(%arg15 : memref<128x16xf32, #tpu.memory_space<vmem>>) offsets(%dma_start3A_780 : memref<128xi32, #tpu.memory_space<vmem>>) semaphore(%arg24 : memref<!tpu.dma_semaphore, #tpu.memory_space<semaphore_mem>>)
      } else {
      }
      %add3A_581 = arith.constant 1 : i32
      %add3A_582 = arith.addi %mul3A_556, %add3A_581 : i32
      %dma_wait3A_583 = arith.constant 0 : i32
      %dma_wait3A_584 = arith.constant 0 : i32
      %dma_wait3A_585 = tpu.memref_slice %arg8[%dma_wait3A_583, %dma_wait3A_584] : memref<79x128xi32, #tpu.memory_space<vmem>> -> memref<1x128xi32, #tpu.memory_space<vmem>>
      %dma_wait3A_586 = tpu.memref_squeeze %dma_wait3A_585 : memref<1x128xi32, #tpu.memory_space<vmem>> -> memref<128xi32, #tpu.memory_space<vmem>>
      %dma_wait3A_587 = arith.constant 0 : i32
      %dma_wait3A_588 = arith.constant 0 : i32
      %dma_wait3A_589 = tpu.memref_slice %arg2[%dma_wait3A_587, %dma_wait3A_588] : memref<10240x16xf32, #tpu.memory_space<hbm>> -> memref<10240x16xf32, #tpu.memory_space<hbm>>
      tpu.wait_indirect_dma semaphore(%arg20 : memref<!tpu.dma_semaphore, #tpu.memory_space<semaphore_mem>>) src(%dma_wait3A_589 : memref<10240x16xf32, #tpu.memory_space<hbm>>) dst(%arg11 : memref<128x16xf32, #tpu.memory_space<vmem>>)
      %dma_start3A_590 = arith.constant 0 : i32
      %dma_start3A_591 = tpu.memref_slice %arg9[%add3A_582, %dma_start3A_590] : memref<79x128xi32, #tpu.memory_space<vmem>> -> memref<1x128xi32, #tpu.memory_space<vmem>>
      %dma_start3A_592 = tpu.memref_squeeze %dma_start3A_591 : memref<1x128xi32, #tpu.memory_space<vmem>> -> memref<128xi32, #tpu.memory_space<vmem>>
      %dma_start3A_593 = arith.constant 0 : i32
      %dma_start3A_594 = arith.constant 0 : i32
      %dma_start3A_595 = tpu.memref_slice %arg7[%dma_start3A_593, %dma_start3A_594] : memref<10240x16xf32, #tpu.memory_space<vmem_shared>> -> memref<10240x16xf32, #tpu.memory_space<vmem_shared>>
      tpu.enqueue_indirect_dma source(%arg11 : memref<128x16xf32, #tpu.memory_space<vmem>>) target(%dma_start3A_595 : memref<10240x16xf32, #tpu.memory_space<vmem_shared>>) offsets(%dma_start3A_592 : memref<128xi32, #tpu.memory_space<vmem>>) semaphore(%arg28 : memref<!tpu.dma_semaphore, #tpu.memory_space<semaphore_mem>>) {add = true}
      %dma_start3A_596 = arith.constant 0 : i32
      %dma_start3A_597 = tpu.memref_slice %arg9[%add3A_582, %dma_start3A_596] : memref<79x128xi32, #tpu.memory_space<vmem>> -> memref<1x128xi32, #tpu.memory_space<vmem>>
      %dma_start3A_598 = tpu.memref_squeeze %dma_start3A_597 : memref<1x128xi32, #tpu.memory_space<vmem>> -> memref<128xi32, #tpu.memory_space<vmem>>
      %dma_start3A_599 = arith.constant 0 : i32
      %dma_start3A_600 = tpu.memref_slice %arg35[%dma_start3A_599] : memref<10240xf32, #tpu.memory_space<vmem_shared>> -> memref<10240xf32, #tpu.memory_space<vmem_shared>>
      tpu.enqueue_indirect_dma source(%arg36 : memref<128xf32, #tpu.memory_space<vmem>>) target(%dma_start3A_600 : memref<10240xf32, #tpu.memory_space<vmem_shared>>) offsets(%dma_start3A_598 : memref<128xi32, #tpu.memory_space<vmem>>) semaphore(%arg38 : memref<!tpu.dma_semaphore, #tpu.memory_space<semaphore_mem>>) {add = true}
      %add3A_601 = arith.constant 5 : i32
      %add3A_602 = arith.addi %add3A_582, %add3A_601 : i32
      %lt3A_603 = arith.constant 79 : i32
      %lt3A_604 = arith.cmpi slt, %add3A_602, %lt3A_603 : i32
      %convert_element_type3A_605 = arith.extui %lt3A_604 : i1 to i32
      %cond3A_606 = arith.constant 0 : i32
      %cond3A_607 = arith.cmpi ne, %convert_element_type3A_605, %cond3A_606 : i32
      scf.if %cond3A_607 {
        %dma_wait3A_771 = arith.constant 0 : i32
        %dma_wait3A_772 = arith.constant 0 : i32
        %dma_wait3A_773 = tpu.memref_slice %arg9[%dma_wait3A_771, %dma_wait3A_772] : memref<79x128xi32, #tpu.memory_space<vmem>> -> memref<1x128xi32, #tpu.memory_space<vmem>>
        %dma_wait3A_774 = tpu.memref_squeeze %dma_wait3A_773 : memref<1x128xi32, #tpu.memory_space<vmem>> -> memref<128xi32, #tpu.memory_space<vmem>>
        %dma_wait3A_775 = arith.constant 0 : i32
        %dma_wait3A_776 = arith.constant 0 : i32
        %dma_wait3A_777 = tpu.memref_slice %arg7[%dma_wait3A_775, %dma_wait3A_776] : memref<10240x16xf32, #tpu.memory_space<vmem_shared>> -> memref<10240x16xf32, #tpu.memory_space<vmem_shared>>
        tpu.wait_indirect_dma semaphore(%arg33 : memref<!tpu.dma_semaphore, #tpu.memory_space<semaphore_mem>>) src(%arg16 : memref<128x16xf32, #tpu.memory_space<vmem>>) dst(%dma_wait3A_777 : memref<10240x16xf32, #tpu.memory_space<vmem_shared>>)
        %dma_start3A_778 = arith.constant 0 : i32
        %dma_start3A_779 = tpu.memref_slice %arg8[%add3A_602, %dma_start3A_778] : memref<79x128xi32, #tpu.memory_space<vmem>> -> memref<1x128xi32, #tpu.memory_space<vmem>>
        %dma_start3A_780 = tpu.memref_squeeze %dma_start3A_779 : memref<1x128xi32, #tpu.memory_space<vmem>> -> memref<128xi32, #tpu.memory_space<vmem>>
        %dma_start3A_781 = arith.constant 0 : i32
        %dma_start3A_782 = arith.constant 0 : i32
        %dma_start3A_783 = tpu.memref_slice %arg2[%dma_start3A_781, %dma_start3A_782] : memref<10240x16xf32, #tpu.memory_space<hbm>> -> memref<10240x16xf32, #tpu.memory_space<hbm>>
        tpu.enqueue_indirect_dma source(%dma_start3A_783 : memref<10240x16xf32, #tpu.memory_space<hbm>>) target(%arg16 : memref<128x16xf32, #tpu.memory_space<vmem>>) offsets(%dma_start3A_780 : memref<128xi32, #tpu.memory_space<vmem>>) semaphore(%arg25 : memref<!tpu.dma_semaphore, #tpu.memory_space<semaphore_mem>>)
      } else {
      }
      %add3A_608 = arith.constant 2 : i32
      %add3A_609 = arith.addi %mul3A_556, %add3A_608 : i32
      %dma_wait3A_610 = arith.constant 0 : i32
      %dma_wait3A_611 = arith.constant 0 : i32
      %dma_wait3A_612 = tpu.memref_slice %arg8[%dma_wait3A_610, %dma_wait3A_611] : memref<79x128xi32, #tpu.memory_space<vmem>> -> memref<1x128xi32, #tpu.memory_space<vmem>>
      %dma_wait3A_613 = tpu.memref_squeeze %dma_wait3A_612 : memref<1x128xi32, #tpu.memory_space<vmem>> -> memref<128xi32, #tpu.memory_space<vmem>>
      %dma_wait3A_614 = arith.constant 0 : i32
      %dma_wait3A_615 = arith.constant 0 : i32
      %dma_wait3A_616 = tpu.memref_slice %arg2[%dma_wait3A_614, %dma_wait3A_615] : memref<10240x16xf32, #tpu.memory_space<hbm>> -> memref<10240x16xf32, #tpu.memory_space<hbm>>
      tpu.wait_indirect_dma semaphore(%arg21 : memref<!tpu.dma_semaphore, #tpu.memory_space<semaphore_mem>>) src(%dma_wait3A_616 : memref<10240x16xf32, #tpu.memory_space<hbm>>) dst(%arg12 : memref<128x16xf32, #tpu.memory_space<vmem>>)
      %dma_start3A_617 = arith.constant 0 : i32
      %dma_start3A_618 = tpu.memref_slice %arg9[%add3A_609, %dma_start3A_617] : memref<79x128xi32, #tpu.memory_space<vmem>> -> memref<1x128xi32, #tpu.memory_space<vmem>>
      %dma_start3A_619 = tpu.memref_squeeze %dma_start3A_618 : memref<1x128xi32, #tpu.memory_space<vmem>> -> memref<128xi32, #tpu.memory_space<vmem>>
      %dma_start3A_620 = arith.constant 0 : i32
      %dma_start3A_621 = arith.constant 0 : i32
      %dma_start3A_622 = tpu.memref_slice %arg7[%dma_start3A_620, %dma_start3A_621] : memref<10240x16xf32, #tpu.memory_space<vmem_shared>> -> memref<10240x16xf32, #tpu.memory_space<vmem_shared>>
      tpu.enqueue_indirect_dma source(%arg12 : memref<128x16xf32, #tpu.memory_space<vmem>>) target(%dma_start3A_622 : memref<10240x16xf32, #tpu.memory_space<vmem_shared>>) offsets(%dma_start3A_619 : memref<128xi32, #tpu.memory_space<vmem>>) semaphore(%arg29 : memref<!tpu.dma_semaphore, #tpu.memory_space<semaphore_mem>>) {add = true}
      %dma_start3A_623 = arith.constant 0 : i32
      %dma_start3A_624 = tpu.memref_slice %arg9[%add3A_609, %dma_start3A_623] : memref<79x128xi32, #tpu.memory_space<vmem>> -> memref<1x128xi32, #tpu.memory_space<vmem>>
      %dma_start3A_625 = tpu.memref_squeeze %dma_start3A_624 : memref<1x128xi32, #tpu.memory_space<vmem>> -> memref<128xi32, #tpu.memory_space<vmem>>
      %dma_start3A_626 = arith.constant 0 : i32
      %dma_start3A_627 = tpu.memref_slice %arg35[%dma_start3A_626] : memref<10240xf32, #tpu.memory_space<vmem_shared>> -> memref<10240xf32, #tpu.memory_space<vmem_shared>>
      tpu.enqueue_indirect_dma source(%arg36 : memref<128xf32, #tpu.memory_space<vmem>>) target(%dma_start3A_627 : memref<10240xf32, #tpu.memory_space<vmem_shared>>) offsets(%dma_start3A_625 : memref<128xi32, #tpu.memory_space<vmem>>) semaphore(%arg38 : memref<!tpu.dma_semaphore, #tpu.memory_space<semaphore_mem>>) {add = true}
      %add3A_628 = arith.constant 5 : i32
      %add3A_629 = arith.addi %add3A_609, %add3A_628 : i32
      %lt3A_630 = arith.constant 79 : i32
      %lt3A_631 = arith.cmpi slt, %add3A_629, %lt3A_630 : i32
      %convert_element_type3A_632 = arith.extui %lt3A_631 : i1 to i32
      %cond3A_633 = arith.constant 0 : i32
      %cond3A_634 = arith.cmpi ne, %convert_element_type3A_632, %cond3A_633 : i32
      scf.if %cond3A_634 {
        %dma_wait3A_771 = arith.constant 0 : i32
        %dma_wait3A_772 = arith.constant 0 : i32
        %dma_wait3A_773 = tpu.memref_slice %arg9[%dma_wait3A_771, %dma_wait3A_772] : memref<79x128xi32, #tpu.memory_space<vmem>> -> memref<1x128xi32, #tpu.memory_space<vmem>>
        %dma_wait3A_774 = tpu.memref_squeeze %dma_wait3A_773 : memref<1x128xi32, #tpu.memory_space<vmem>> -> memref<128xi32, #tpu.memory_space<vmem>>
        %dma_wait3A_775 = arith.constant 0 : i32
        %dma_wait3A_776 = arith.constant 0 : i32
        %dma_wait3A_777 = tpu.memref_slice %arg7[%dma_wait3A_775, %dma_wait3A_776] : memref<10240x16xf32, #tpu.memory_space<vmem_shared>> -> memref<10240x16xf32, #tpu.memory_space<vmem_shared>>
        tpu.wait_indirect_dma semaphore(%arg34 : memref<!tpu.dma_semaphore, #tpu.memory_space<semaphore_mem>>) src(%arg17 : memref<128x16xf32, #tpu.memory_space<vmem>>) dst(%dma_wait3A_777 : memref<10240x16xf32, #tpu.memory_space<vmem_shared>>)
        %dma_start3A_778 = arith.constant 0 : i32
        %dma_start3A_779 = tpu.memref_slice %arg8[%add3A_629, %dma_start3A_778] : memref<79x128xi32, #tpu.memory_space<vmem>> -> memref<1x128xi32, #tpu.memory_space<vmem>>
        %dma_start3A_780 = tpu.memref_squeeze %dma_start3A_779 : memref<1x128xi32, #tpu.memory_space<vmem>> -> memref<128xi32, #tpu.memory_space<vmem>>
        %dma_start3A_781 = arith.constant 0 : i32
        %dma_start3A_782 = arith.constant 0 : i32
        %dma_start3A_783 = tpu.memref_slice %arg2[%dma_start3A_781, %dma_start3A_782] : memref<10240x16xf32, #tpu.memory_space<hbm>> -> memref<10240x16xf32, #tpu.memory_space<hbm>>
        tpu.enqueue_indirect_dma source(%dma_start3A_783 : memref<10240x16xf32, #tpu.memory_space<hbm>>) target(%arg17 : memref<128x16xf32, #tpu.memory_space<vmem>>) offsets(%dma_start3A_780 : memref<128xi32, #tpu.memory_space<vmem>>) semaphore(%arg26 : memref<!tpu.dma_semaphore, #tpu.memory_space<semaphore_mem>>)
      } else {
      }
      %add3A_635 = arith.constant 3 : i32
      %add3A_636 = arith.addi %mul3A_556, %add3A_635 : i32
      %dma_wait3A_637 = arith.constant 0 : i32
      %dma_wait3A_638 = arith.constant 0 : i32
      %dma_wait3A_639 = tpu.memref_slice %arg8[%dma_wait3A_637, %dma_wait3A_638] : memref<79x128xi32, #tpu.memory_space<vmem>> -> memref<1x128xi32, #tpu.memory_space<vmem>>
      %dma_wait3A_640 = tpu.memref_squeeze %dma_wait3A_639 : memref<1x128xi32, #tpu.memory_space<vmem>> -> memref<128xi32, #tpu.memory_space<vmem>>
      %dma_wait3A_641 = arith.constant 0 : i32
      %dma_wait3A_642 = arith.constant 0 : i32
      %dma_wait3A_643 = tpu.memref_slice %arg2[%dma_wait3A_641, %dma_wait3A_642] : memref<10240x16xf32, #tpu.memory_space<hbm>> -> memref<10240x16xf32, #tpu.memory_space<hbm>>
      tpu.wait_indirect_dma semaphore(%arg22 : memref<!tpu.dma_semaphore, #tpu.memory_space<semaphore_mem>>) src(%dma_wait3A_643 : memref<10240x16xf32, #tpu.memory_space<hbm>>) dst(%arg13 : memref<128x16xf32, #tpu.memory_space<vmem>>)
      %dma_start3A_644 = arith.constant 0 : i32
      %dma_start3A_645 = tpu.memref_slice %arg9[%add3A_636, %dma_start3A_644] : memref<79x128xi32, #tpu.memory_space<vmem>> -> memref<1x128xi32, #tpu.memory_space<vmem>>
      %dma_start3A_646 = tpu.memref_squeeze %dma_start3A_645 : memref<1x128xi32, #tpu.memory_space<vmem>> -> memref<128xi32, #tpu.memory_space<vmem>>
      %dma_start3A_647 = arith.constant 0 : i32
      %dma_start3A_648 = arith.constant 0 : i32
      %dma_start3A_649 = tpu.memref_slice %arg7[%dma_start3A_647, %dma_start3A_648] : memref<10240x16xf32, #tpu.memory_space<vmem_shared>> -> memref<10240x16xf32, #tpu.memory_space<vmem_shared>>
      tpu.enqueue_indirect_dma source(%arg13 : memref<128x16xf32, #tpu.memory_space<vmem>>) target(%dma_start3A_649 : memref<10240x16xf32, #tpu.memory_space<vmem_shared>>) offsets(%dma_start3A_646 : memref<128xi32, #tpu.memory_space<vmem>>) semaphore(%arg30 : memref<!tpu.dma_semaphore, #tpu.memory_space<semaphore_mem>>) {add = true}
      %dma_start3A_650 = arith.constant 0 : i32
      %dma_start3A_651 = tpu.memref_slice %arg9[%add3A_636, %dma_start3A_650] : memref<79x128xi32, #tpu.memory_space<vmem>> -> memref<1x128xi32, #tpu.memory_space<vmem>>
      %dma_start3A_652 = tpu.memref_squeeze %dma_start3A_651 : memref<1x128xi32, #tpu.memory_space<vmem>> -> memref<128xi32, #tpu.memory_space<vmem>>
      %dma_start3A_653 = arith.constant 0 : i32
      %dma_start3A_654 = tpu.memref_slice %arg35[%dma_start3A_653] : memref<10240xf32, #tpu.memory_space<vmem_shared>> -> memref<10240xf32, #tpu.memory_space<vmem_shared>>
      tpu.enqueue_indirect_dma source(%arg36 : memref<128xf32, #tpu.memory_space<vmem>>) target(%dma_start3A_654 : memref<10240xf32, #tpu.memory_space<vmem_shared>>) offsets(%dma_start3A_652 : memref<128xi32, #tpu.memory_space<vmem>>) semaphore(%arg38 : memref<!tpu.dma_semaphore, #tpu.memory_space<semaphore_mem>>) {add = true}
      %add3A_655 = arith.constant 5 : i32
      %add3A_656 = arith.addi %add3A_636, %add3A_655 : i32
      %lt3A_657 = arith.constant 79 : i32
      %lt3A_658 = arith.cmpi slt, %add3A_656, %lt3A_657 : i32
      %convert_element_type3A_659 = arith.extui %lt3A_658 : i1 to i32
      %cond3A_660 = arith.constant 0 : i32
      %cond3A_661 = arith.cmpi ne, %convert_element_type3A_659, %cond3A_660 : i32
      scf.if %cond3A_661 {
        %dma_wait3A_771 = arith.constant 0 : i32
        %dma_wait3A_772 = arith.constant 0 : i32
        %dma_wait3A_773 = tpu.memref_slice %arg9[%dma_wait3A_771, %dma_wait3A_772] : memref<79x128xi32, #tpu.memory_space<vmem>> -> memref<1x128xi32, #tpu.memory_space<vmem>>
        %dma_wait3A_774 = tpu.memref_squeeze %dma_wait3A_773 : memref<1x128xi32, #tpu.memory_space<vmem>> -> memref<128xi32, #tpu.memory_space<vmem>>
        %dma_wait3A_775 = arith.constant 0 : i32
        %dma_wait3A_776 = arith.constant 0 : i32
        %dma_wait3A_777 = tpu.memref_slice %arg7[%dma_wait3A_775, %dma_wait3A_776] : memref<10240x16xf32, #tpu.memory_space<vmem_shared>> -> memref<10240x16xf32, #tpu.memory_space<vmem_shared>>
        tpu.wait_indirect_dma semaphore(%arg27 : memref<!tpu.dma_semaphore, #tpu.memory_space<semaphore_mem>>) src(%arg10 : memref<128x16xf32, #tpu.memory_space<vmem>>) dst(%dma_wait3A_777 : memref<10240x16xf32, #tpu.memory_space<vmem_shared>>)
        %dma_start3A_778 = arith.constant 0 : i32
        %dma_start3A_779 = tpu.memref_slice %arg8[%add3A_656, %dma_start3A_778] : memref<79x128xi32, #tpu.memory_space<vmem>> -> memref<1x128xi32, #tpu.memory_space<vmem>>
        %dma_start3A_780 = tpu.memref_squeeze %dma_start3A_779 : memref<1x128xi32, #tpu.memory_space<vmem>> -> memref<128xi32, #tpu.memory_space<vmem>>
        %dma_start3A_781 = arith.constant 0 : i32
        %dma_start3A_782 = arith.constant 0 : i32
        %dma_start3A_783 = tpu.memref_slice %arg2[%dma_start3A_781, %dma_start3A_782] : memref<10240x16xf32, #tpu.memory_space<hbm>> -> memref<10240x16xf32, #tpu.memory_space<hbm>>
        tpu.enqueue_indirect_dma source(%dma_start3A_783 : memref<10240x16xf32, #tpu.memory_space<hbm>>) target(%arg10 : memref<128x16xf32, #tpu.memory_space<vmem>>) offsets(%dma_start3A_780 : memref<128xi32, #tpu.memory_space<vmem>>) semaphore(%arg19 : memref<!tpu.dma_semaphore, #tpu.memory_space<semaphore_mem>>)
      } else {
      }
      %add3A_662 = arith.constant 4 : i32
      %add3A_663 = arith.addi %mul3A_556, %add3A_662 : i32
      %dma_wait3A_664 = arith.constant 0 : i32
      %dma_wait3A_665 = arith.constant 0 : i32
      %dma_wait3A_666 = tpu.memref_slice %arg8[%dma_wait3A_664, %dma_wait3A_665] : memref<79x128xi32, #tpu.memory_space<vmem>> -> memref<1x128xi32, #tpu.memory_space<vmem>>
      %dma_wait3A_667 = tpu.memref_squeeze %dma_wait3A_666 : memref<1x128xi32, #tpu.memory_space<vmem>> -> memref<128xi32, #tpu.memory_space<vmem>>
      %dma_wait3A_668 = arith.constant 0 : i32
      %dma_wait3A_669 = arith.constant 0 : i32
      %dma_wait3A_670 = tpu.memref_slice %arg2[%dma_wait3A_668, %dma_wait3A_669] : memref<10240x16xf32, #tpu.memory_space<hbm>> -> memref<10240x16xf32, #tpu.memory_space<hbm>>
      tpu.wait_indirect_dma semaphore(%arg23 : memref<!tpu.dma_semaphore, #tpu.memory_space<semaphore_mem>>) src(%dma_wait3A_670 : memref<10240x16xf32, #tpu.memory_space<hbm>>) dst(%arg14 : memref<128x16xf32, #tpu.memory_space<vmem>>)
      %dma_start3A_671 = arith.constant 0 : i32
      %dma_start3A_672 = tpu.memref_slice %arg9[%add3A_663, %dma_start3A_671] : memref<79x128xi32, #tpu.memory_space<vmem>> -> memref<1x128xi32, #tpu.memory_space<vmem>>
      %dma_start3A_673 = tpu.memref_squeeze %dma_start3A_672 : memref<1x128xi32, #tpu.memory_space<vmem>> -> memref<128xi32, #tpu.memory_space<vmem>>
      %dma_start3A_674 = arith.constant 0 : i32
      %dma_start3A_675 = arith.constant 0 : i32
      %dma_start3A_676 = tpu.memref_slice %arg7[%dma_start3A_674, %dma_start3A_675] : memref<10240x16xf32, #tpu.memory_space<vmem_shared>> -> memref<10240x16xf32, #tpu.memory_space<vmem_shared>>
      tpu.enqueue_indirect_dma source(%arg14 : memref<128x16xf32, #tpu.memory_space<vmem>>) target(%dma_start3A_676 : memref<10240x16xf32, #tpu.memory_space<vmem_shared>>) offsets(%dma_start3A_673 : memref<128xi32, #tpu.memory_space<vmem>>) semaphore(%arg31 : memref<!tpu.dma_semaphore, #tpu.memory_space<semaphore_mem>>) {add = true}
      %dma_start3A_677 = arith.constant 0 : i32
      %dma_start3A_678 = tpu.memref_slice %arg9[%add3A_663, %dma_start3A_677] : memref<79x128xi32, #tpu.memory_space<vmem>> -> memref<1x128xi32, #tpu.memory_space<vmem>>
      %dma_start3A_679 = tpu.memref_squeeze %dma_start3A_678 : memref<1x128xi32, #tpu.memory_space<vmem>> -> memref<128xi32, #tpu.memory_space<vmem>>
      %dma_start3A_680 = arith.constant 0 : i32
      %dma_start3A_681 = tpu.memref_slice %arg35[%dma_start3A_680] : memref<10240xf32, #tpu.memory_space<vmem_shared>> -> memref<10240xf32, #tpu.memory_space<vmem_shared>>
      tpu.enqueue_indirect_dma source(%arg36 : memref<128xf32, #tpu.memory_space<vmem>>) target(%dma_start3A_681 : memref<10240xf32, #tpu.memory_space<vmem_shared>>) offsets(%dma_start3A_679 : memref<128xi32, #tpu.memory_space<vmem>>) semaphore(%arg38 : memref<!tpu.dma_semaphore, #tpu.memory_space<semaphore_mem>>) {add = true}
      %add3A_682 = arith.constant 5 : i32
      %add3A_683 = arith.addi %add3A_663, %add3A_682 : i32
      %lt3A_684 = arith.constant 79 : i32
      %lt3A_685 = arith.cmpi slt, %add3A_683, %lt3A_684 : i32
      %convert_element_type3A_686 = arith.extui %lt3A_685 : i1 to i32
      %cond3A_687 = arith.constant 0 : i32
      %cond3A_688 = arith.cmpi ne, %convert_element_type3A_686, %cond3A_687 : i32
      scf.if %cond3A_688 {
        %dma_wait3A_771 = arith.constant 0 : i32
        %dma_wait3A_772 = arith.constant 0 : i32
        %dma_wait3A_773 = tpu.memref_slice %arg9[%dma_wait3A_771, %dma_wait3A_772] : memref<79x128xi32, #tpu.memory_space<vmem>> -> memref<1x128xi32, #tpu.memory_space<vmem>>
        %dma_wait3A_774 = tpu.memref_squeeze %dma_wait3A_773 : memref<1x128xi32, #tpu.memory_space<vmem>> -> memref<128xi32, #tpu.memory_space<vmem>>
        %dma_wait3A_775 = arith.constant 0 : i32
        %dma_wait3A_776 = arith.constant 0 : i32
        %dma_wait3A_777 = tpu.memref_slice %arg7[%dma_wait3A_775, %dma_wait3A_776] : memref<10240x16xf32, #tpu.memory_space<vmem_shared>> -> memref<10240x16xf32, #tpu.memory_space<vmem_shared>>
        tpu.wait_indirect_dma semaphore(%arg28 : memref<!tpu.dma_semaphore, #tpu.memory_space<semaphore_mem>>) src(%arg11 : memref<128x16xf32, #tpu.memory_space<vmem>>) dst(%dma_wait3A_777 : memref<10240x16xf32, #tpu.memory_space<vmem_shared>>)
        %dma_start3A_778 = arith.constant 0 : i32
        %dma_start3A_779 = tpu.memref_slice %arg8[%add3A_683, %dma_start3A_778] : memref<79x128xi32, #tpu.memory_space<vmem>> -> memref<1x128xi32, #tpu.memory_space<vmem>>
        %dma_start3A_780 = tpu.memref_squeeze %dma_start3A_779 : memref<1x128xi32, #tpu.memory_space<vmem>> -> memref<128xi32, #tpu.memory_space<vmem>>
        %dma_start3A_781 = arith.constant 0 : i32
        %dma_start3A_782 = arith.constant 0 : i32
        %dma_start3A_783 = tpu.memref_slice %arg2[%dma_start3A_781, %dma_start3A_782] : memref<10240x16xf32, #tpu.memory_space<hbm>> -> memref<10240x16xf32, #tpu.memory_space<hbm>>
        tpu.enqueue_indirect_dma source(%dma_start3A_783 : memref<10240x16xf32, #tpu.memory_space<hbm>>) target(%arg11 : memref<128x16xf32, #tpu.memory_space<vmem>>) offsets(%dma_start3A_780 : memref<128xi32, #tpu.memory_space<vmem>>) semaphore(%arg20 : memref<!tpu.dma_semaphore, #tpu.memory_space<semaphore_mem>>)
      } else {
      }
      %add3A_689 = arith.constant 5 : i32
      %add3A_690 = arith.addi %mul3A_556, %add3A_689 : i32
      %dma_wait3A_691 = arith.constant 0 : i32
      %dma_wait3A_692 = arith.constant 0 : i32
      %dma_wait3A_693 = tpu.memref_slice %arg8[%dma_wait3A_691, %dma_wait3A_692] : memref<79x128xi32, #tpu.memory_space<vmem>> -> memref<1x128xi32, #tpu.memory_space<vmem>>
      %dma_wait3A_694 = tpu.memref_squeeze %dma_wait3A_693 : memref<1x128xi32, #tpu.memory_space<vmem>> -> memref<128xi32, #tpu.memory_space<vmem>>
      %dma_wait3A_695 = arith.constant 0 : i32
      %dma_wait3A_696 = arith.constant 0 : i32
      %dma_wait3A_697 = tpu.memref_slice %arg2[%dma_wait3A_695, %dma_wait3A_696] : memref<10240x16xf32, #tpu.memory_space<hbm>> -> memref<10240x16xf32, #tpu.memory_space<hbm>>
      tpu.wait_indirect_dma semaphore(%arg24 : memref<!tpu.dma_semaphore, #tpu.memory_space<semaphore_mem>>) src(%dma_wait3A_697 : memref<10240x16xf32, #tpu.memory_space<hbm>>) dst(%arg15 : memref<128x16xf32, #tpu.memory_space<vmem>>)
      %dma_start3A_698 = arith.constant 0 : i32
      %dma_start3A_699 = tpu.memref_slice %arg9[%add3A_690, %dma_start3A_698] : memref<79x128xi32, #tpu.memory_space<vmem>> -> memref<1x128xi32, #tpu.memory_space<vmem>>
      %dma_start3A_700 = tpu.memref_squeeze %dma_start3A_699 : memref<1x128xi32, #tpu.memory_space<vmem>> -> memref<128xi32, #tpu.memory_space<vmem>>
      %dma_start3A_701 = arith.constant 0 : i32
      %dma_start3A_702 = arith.constant 0 : i32
      %dma_start3A_703 = tpu.memref_slice %arg7[%dma_start3A_701, %dma_start3A_702] : memref<10240x16xf32, #tpu.memory_space<vmem_shared>> -> memref<10240x16xf32, #tpu.memory_space<vmem_shared>>
      tpu.enqueue_indirect_dma source(%arg15 : memref<128x16xf32, #tpu.memory_space<vmem>>) target(%dma_start3A_703 : memref<10240x16xf32, #tpu.memory_space<vmem_shared>>) offsets(%dma_start3A_700 : memref<128xi32, #tpu.memory_space<vmem>>) semaphore(%arg32 : memref<!tpu.dma_semaphore, #tpu.memory_space<semaphore_mem>>) {add = true}
      %dma_start3A_704 = arith.constant 0 : i32
      %dma_start3A_705 = tpu.memref_slice %arg9[%add3A_690, %dma_start3A_704] : memref<79x128xi32, #tpu.memory_space<vmem>> -> memref<1x128xi32, #tpu.memory_space<vmem>>
      %dma_start3A_706 = tpu.memref_squeeze %dma_start3A_705 : memref<1x128xi32, #tpu.memory_space<vmem>> -> memref<128xi32, #tpu.memory_space<vmem>>
      %dma_start3A_707 = arith.constant 0 : i32
      %dma_start3A_708 = tpu.memref_slice %arg35[%dma_start3A_707] : memref<10240xf32, #tpu.memory_space<vmem_shared>> -> memref<10240xf32, #tpu.memory_space<vmem_shared>>
      tpu.enqueue_indirect_dma source(%arg36 : memref<128xf32, #tpu.memory_space<vmem>>) target(%dma_start3A_708 : memref<10240xf32, #tpu.memory_space<vmem_shared>>) offsets(%dma_start3A_706 : memref<128xi32, #tpu.memory_space<vmem>>) semaphore(%arg38 : memref<!tpu.dma_semaphore, #tpu.memory_space<semaphore_mem>>) {add = true}
      %add3A_709 = arith.constant 5 : i32
      %add3A_710 = arith.addi %add3A_690, %add3A_709 : i32
      %lt3A_711 = arith.constant 79 : i32
      %lt3A_712 = arith.cmpi slt, %add3A_710, %lt3A_711 : i32
      %convert_element_type3A_713 = arith.extui %lt3A_712 : i1 to i32
      %cond3A_714 = arith.constant 0 : i32
      %cond3A_715 = arith.cmpi ne, %convert_element_type3A_713, %cond3A_714 : i32
      scf.if %cond3A_715 {
        %dma_wait3A_771 = arith.constant 0 : i32
        %dma_wait3A_772 = arith.constant 0 : i32
        %dma_wait3A_773 = tpu.memref_slice %arg9[%dma_wait3A_771, %dma_wait3A_772] : memref<79x128xi32, #tpu.memory_space<vmem>> -> memref<1x128xi32, #tpu.memory_space<vmem>>
        %dma_wait3A_774 = tpu.memref_squeeze %dma_wait3A_773 : memref<1x128xi32, #tpu.memory_space<vmem>> -> memref<128xi32, #tpu.memory_space<vmem>>
        %dma_wait3A_775 = arith.constant 0 : i32
        %dma_wait3A_776 = arith.constant 0 : i32
        %dma_wait3A_777 = tpu.memref_slice %arg7[%dma_wait3A_775, %dma_wait3A_776] : memref<10240x16xf32, #tpu.memory_space<vmem_shared>> -> memref<10240x16xf32, #tpu.memory_space<vmem_shared>>
        tpu.wait_indirect_dma semaphore(%arg29 : memref<!tpu.dma_semaphore, #tpu.memory_space<semaphore_mem>>) src(%arg12 : memref<128x16xf32, #tpu.memory_space<vmem>>) dst(%dma_wait3A_777 : memref<10240x16xf32, #tpu.memory_space<vmem_shared>>)
        %dma_start3A_778 = arith.constant 0 : i32
        %dma_start3A_779 = tpu.memref_slice %arg8[%add3A_710, %dma_start3A_778] : memref<79x128xi32, #tpu.memory_space<vmem>> -> memref<1x128xi32, #tpu.memory_space<vmem>>
        %dma_start3A_780 = tpu.memref_squeeze %dma_start3A_779 : memref<1x128xi32, #tpu.memory_space<vmem>> -> memref<128xi32, #tpu.memory_space<vmem>>
        %dma_start3A_781 = arith.constant 0 : i32
        %dma_start3A_782 = arith.constant 0 : i32
        %dma_start3A_783 = tpu.memref_slice %arg2[%dma_start3A_781, %dma_start3A_782] : memref<10240x16xf32, #tpu.memory_space<hbm>> -> memref<10240x16xf32, #tpu.memory_space<hbm>>
        tpu.enqueue_indirect_dma source(%dma_start3A_783 : memref<10240x16xf32, #tpu.memory_space<hbm>>) target(%arg12 : memref<128x16xf32, #tpu.memory_space<vmem>>) offsets(%dma_start3A_780 : memref<128xi32, #tpu.memory_space<vmem>>) semaphore(%arg21 : memref<!tpu.dma_semaphore, #tpu.memory_space<semaphore_mem>>)
      } else {
      }
      %add3A_716 = arith.constant 6 : i32
      %add3A_717 = arith.addi %mul3A_556, %add3A_716 : i32
      %dma_wait3A_718 = arith.constant 0 : i32
      %dma_wait3A_719 = arith.constant 0 : i32
      %dma_wait3A_720 = tpu.memref_slice %arg8[%dma_wait3A_718, %dma_wait3A_719] : memref<79x128xi32, #tpu.memory_space<vmem>> -> memref<1x128xi32, #tpu.memory_space<vmem>>
      %dma_wait3A_721 = tpu.memref_squeeze %dma_wait3A_720 : memref<1x128xi32, #tpu.memory_space<vmem>> -> memref<128xi32, #tpu.memory_space<vmem>>
      %dma_wait3A_722 = arith.constant 0 : i32
      %dma_wait3A_723 = arith.constant 0 : i32
      %dma_wait3A_724 = tpu.memref_slice %arg2[%dma_wait3A_722, %dma_wait3A_723] : memref<10240x16xf32, #tpu.memory_space<hbm>> -> memref<10240x16xf32, #tpu.memory_space<hbm>>
      tpu.wait_indirect_dma semaphore(%arg25 : memref<!tpu.dma_semaphore, #tpu.memory_space<semaphore_mem>>) src(%dma_wait3A_724 : memref<10240x16xf32, #tpu.memory_space<hbm>>) dst(%arg16 : memref<128x16xf32, #tpu.memory_space<vmem>>)
      %dma_start3A_725 = arith.constant 0 : i32
      %dma_start3A_726 = tpu.memref_slice %arg9[%add3A_717, %dma_start3A_725] : memref<79x128xi32, #tpu.memory_space<vmem>> -> memref<1x128xi32, #tpu.memory_space<vmem>>
      %dma_start3A_727 = tpu.memref_squeeze %dma_start3A_726 : memref<1x128xi32, #tpu.memory_space<vmem>> -> memref<128xi32, #tpu.memory_space<vmem>>
      %dma_start3A_728 = arith.constant 0 : i32
      %dma_start3A_729 = arith.constant 0 : i32
      %dma_start3A_730 = tpu.memref_slice %arg7[%dma_start3A_728, %dma_start3A_729] : memref<10240x16xf32, #tpu.memory_space<vmem_shared>> -> memref<10240x16xf32, #tpu.memory_space<vmem_shared>>
      tpu.enqueue_indirect_dma source(%arg16 : memref<128x16xf32, #tpu.memory_space<vmem>>) target(%dma_start3A_730 : memref<10240x16xf32, #tpu.memory_space<vmem_shared>>) offsets(%dma_start3A_727 : memref<128xi32, #tpu.memory_space<vmem>>) semaphore(%arg33 : memref<!tpu.dma_semaphore, #tpu.memory_space<semaphore_mem>>) {add = true}
      %dma_start3A_731 = arith.constant 0 : i32
      %dma_start3A_732 = tpu.memref_slice %arg9[%add3A_717, %dma_start3A_731] : memref<79x128xi32, #tpu.memory_space<vmem>> -> memref<1x128xi32, #tpu.memory_space<vmem>>
      %dma_start3A_733 = tpu.memref_squeeze %dma_start3A_732 : memref<1x128xi32, #tpu.memory_space<vmem>> -> memref<128xi32, #tpu.memory_space<vmem>>
      %dma_start3A_734 = arith.constant 0 : i32
      %dma_start3A_735 = tpu.memref_slice %arg35[%dma_start3A_734] : memref<10240xf32, #tpu.memory_space<vmem_shared>> -> memref<10240xf32, #tpu.memory_space<vmem_shared>>
      tpu.enqueue_indirect_dma source(%arg36 : memref<128xf32, #tpu.memory_space<vmem>>) target(%dma_start3A_735 : memref<10240xf32, #tpu.memory_space<vmem_shared>>) offsets(%dma_start3A_733 : memref<128xi32, #tpu.memory_space<vmem>>) semaphore(%arg38 : memref<!tpu.dma_semaphore, #tpu.memory_space<semaphore_mem>>) {add = true}
      %add3A_736 = arith.constant 5 : i32
      %add3A_737 = arith.addi %add3A_717, %add3A_736 : i32
      %lt3A_738 = arith.constant 79 : i32
      %lt3A_739 = arith.cmpi slt, %add3A_737, %lt3A_738 : i32
      %convert_element_type3A_740 = arith.extui %lt3A_739 : i1 to i32
      %cond3A_741 = arith.constant 0 : i32
      %cond3A_742 = arith.cmpi ne, %convert_element_type3A_740, %cond3A_741 : i32
      scf.if %cond3A_742 {
        %dma_wait3A_771 = arith.constant 0 : i32
        %dma_wait3A_772 = arith.constant 0 : i32
        %dma_wait3A_773 = tpu.memref_slice %arg9[%dma_wait3A_771, %dma_wait3A_772] : memref<79x128xi32, #tpu.memory_space<vmem>> -> memref<1x128xi32, #tpu.memory_space<vmem>>
        %dma_wait3A_774 = tpu.memref_squeeze %dma_wait3A_773 : memref<1x128xi32, #tpu.memory_space<vmem>> -> memref<128xi32, #tpu.memory_space<vmem>>
        %dma_wait3A_775 = arith.constant 0 : i32
        %dma_wait3A_776 = arith.constant 0 : i32
        %dma_wait3A_777 = tpu.memref_slice %arg7[%dma_wait3A_775, %dma_wait3A_776] : memref<10240x16xf32, #tpu.memory_space<vmem_shared>> -> memref<10240x16xf32, #tpu.memory_space<vmem_shared>>
        tpu.wait_indirect_dma semaphore(%arg30 : memref<!tpu.dma_semaphore, #tpu.memory_space<semaphore_mem>>) src(%arg13 : memref<128x16xf32, #tpu.memory_space<vmem>>) dst(%dma_wait3A_777 : memref<10240x16xf32, #tpu.memory_space<vmem_shared>>)
        %dma_start3A_778 = arith.constant 0 : i32
        %dma_start3A_779 = tpu.memref_slice %arg8[%add3A_737, %dma_start3A_778] : memref<79x128xi32, #tpu.memory_space<vmem>> -> memref<1x128xi32, #tpu.memory_space<vmem>>
        %dma_start3A_780 = tpu.memref_squeeze %dma_start3A_779 : memref<1x128xi32, #tpu.memory_space<vmem>> -> memref<128xi32, #tpu.memory_space<vmem>>
        %dma_start3A_781 = arith.constant 0 : i32
        %dma_start3A_782 = arith.constant 0 : i32
        %dma_start3A_783 = tpu.memref_slice %arg2[%dma_start3A_781, %dma_start3A_782] : memref<10240x16xf32, #tpu.memory_space<hbm>> -> memref<10240x16xf32, #tpu.memory_space<hbm>>
        tpu.enqueue_indirect_dma source(%dma_start3A_783 : memref<10240x16xf32, #tpu.memory_space<hbm>>) target(%arg13 : memref<128x16xf32, #tpu.memory_space<vmem>>) offsets(%dma_start3A_780 : memref<128xi32, #tpu.memory_space<vmem>>) semaphore(%arg22 : memref<!tpu.dma_semaphore, #tpu.memory_space<semaphore_mem>>)
      } else {
      }
      %add3A_743 = arith.constant 7 : i32
      %add3A_744 = arith.addi %mul3A_556, %add3A_743 : i32
      %dma_wait3A_745 = arith.constant 0 : i32
      %dma_wait3A_746 = arith.constant 0 : i32
      %dma_wait3A_747 = tpu.memref_slice %arg8[%dma_wait3A_745, %dma_wait3A_746] : memref<79x128xi32, #tpu.memory_space<vmem>> -> memref<1x128xi32, #tpu.memory_space<vmem>>
      %dma_wait3A_748 = tpu.memref_squeeze %dma_wait3A_747 : memref<1x128xi32, #tpu.memory_space<vmem>> -> memref<128xi32, #tpu.memory_space<vmem>>
      %dma_wait3A_749 = arith.constant 0 : i32
      %dma_wait3A_750 = arith.constant 0 : i32
      %dma_wait3A_751 = tpu.memref_slice %arg2[%dma_wait3A_749, %dma_wait3A_750] : memref<10240x16xf32, #tpu.memory_space<hbm>> -> memref<10240x16xf32, #tpu.memory_space<hbm>>
      tpu.wait_indirect_dma semaphore(%arg26 : memref<!tpu.dma_semaphore, #tpu.memory_space<semaphore_mem>>) src(%dma_wait3A_751 : memref<10240x16xf32, #tpu.memory_space<hbm>>) dst(%arg17 : memref<128x16xf32, #tpu.memory_space<vmem>>)
      %dma_start3A_752 = arith.constant 0 : i32
      %dma_start3A_753 = tpu.memref_slice %arg9[%add3A_744, %dma_start3A_752] : memref<79x128xi32, #tpu.memory_space<vmem>> -> memref<1x128xi32, #tpu.memory_space<vmem>>
      %dma_start3A_754 = tpu.memref_squeeze %dma_start3A_753 : memref<1x128xi32, #tpu.memory_space<vmem>> -> memref<128xi32, #tpu.memory_space<vmem>>
      %dma_start3A_755 = arith.constant 0 : i32
      %dma_start3A_756 = arith.constant 0 : i32
      %dma_start3A_757 = tpu.memref_slice %arg7[%dma_start3A_755, %dma_start3A_756] : memref<10240x16xf32, #tpu.memory_space<vmem_shared>> -> memref<10240x16xf32, #tpu.memory_space<vmem_shared>>
      tpu.enqueue_indirect_dma source(%arg17 : memref<128x16xf32, #tpu.memory_space<vmem>>) target(%dma_start3A_757 : memref<10240x16xf32, #tpu.memory_space<vmem_shared>>) offsets(%dma_start3A_754 : memref<128xi32, #tpu.memory_space<vmem>>) semaphore(%arg34 : memref<!tpu.dma_semaphore, #tpu.memory_space<semaphore_mem>>) {add = true}
      %dma_start3A_758 = arith.constant 0 : i32
      %dma_start3A_759 = tpu.memref_slice %arg9[%add3A_744, %dma_start3A_758] : memref<79x128xi32, #tpu.memory_space<vmem>> -> memref<1x128xi32, #tpu.memory_space<vmem>>
      %dma_start3A_760 = tpu.memref_squeeze %dma_start3A_759 : memref<1x128xi32, #tpu.memory_space<vmem>> -> memref<128xi32, #tpu.memory_space<vmem>>
      %dma_start3A_761 = arith.constant 0 : i32
      %dma_start3A_762 = tpu.memref_slice %arg35[%dma_start3A_761] : memref<10240xf32, #tpu.memory_space<vmem_shared>> -> memref<10240xf32, #tpu.memory_space<vmem_shared>>
      tpu.enqueue_indirect_dma source(%arg36 : memref<128xf32, #tpu.memory_space<vmem>>) target(%dma_start3A_762 : memref<10240xf32, #tpu.memory_space<vmem_shared>>) offsets(%dma_start3A_760 : memref<128xi32, #tpu.memory_space<vmem>>) semaphore(%arg38 : memref<!tpu.dma_semaphore, #tpu.memory_space<semaphore_mem>>) {add = true}
      %add3A_763 = arith.constant 5 : i32
      %add3A_764 = arith.addi %add3A_744, %add3A_763 : i32
      %lt3A_765 = arith.constant 79 : i32
      %lt3A_766 = arith.cmpi slt, %add3A_764, %lt3A_765 : i32
      %convert_element_type3A_767 = arith.extui %lt3A_766 : i1 to i32
      %cond3A_768 = arith.constant 0 : i32
      %cond3A_769 = arith.cmpi ne, %convert_element_type3A_767, %cond3A_768 : i32
      scf.if %cond3A_769 {
        %dma_wait3A_771 = arith.constant 0 : i32
        %dma_wait3A_772 = arith.constant 0 : i32
        %dma_wait3A_773 = tpu.memref_slice %arg9[%dma_wait3A_771, %dma_wait3A_772] : memref<79x128xi32, #tpu.memory_space<vmem>> -> memref<1x128xi32, #tpu.memory_space<vmem>>
        %dma_wait3A_774 = tpu.memref_squeeze %dma_wait3A_773 : memref<1x128xi32, #tpu.memory_space<vmem>> -> memref<128xi32, #tpu.memory_space<vmem>>
        %dma_wait3A_775 = arith.constant 0 : i32
        %dma_wait3A_776 = arith.constant 0 : i32
        %dma_wait3A_777 = tpu.memref_slice %arg7[%dma_wait3A_775, %dma_wait3A_776] : memref<10240x16xf32, #tpu.memory_space<vmem_shared>> -> memref<10240x16xf32, #tpu.memory_space<vmem_shared>>
        tpu.wait_indirect_dma semaphore(%arg31 : memref<!tpu.dma_semaphore, #tpu.memory_space<semaphore_mem>>) src(%arg14 : memref<128x16xf32, #tpu.memory_space<vmem>>) dst(%dma_wait3A_777 : memref<10240x16xf32, #tpu.memory_space<vmem_shared>>)
        %dma_start3A_778 = arith.constant 0 : i32
        %dma_start3A_779 = tpu.memref_slice %arg8[%add3A_764, %dma_start3A_778] : memref<79x128xi32, #tpu.memory_space<vmem>> -> memref<1x128xi32, #tpu.memory_space<vmem>>
        %dma_start3A_780 = tpu.memref_squeeze %dma_start3A_779 : memref<1x128xi32, #tpu.memory_space<vmem>> -> memref<128xi32, #tpu.memory_space<vmem>>
        %dma_start3A_781 = arith.constant 0 : i32
        %dma_start3A_782 = arith.constant 0 : i32
        %dma_start3A_783 = tpu.memref_slice %arg2[%dma_start3A_781, %dma_start3A_782] : memref<10240x16xf32, #tpu.memory_space<hbm>> -> memref<10240x16xf32, #tpu.memory_space<hbm>>
        tpu.enqueue_indirect_dma source(%dma_start3A_783 : memref<10240x16xf32, #tpu.memory_space<hbm>>) target(%arg14 : memref<128x16xf32, #tpu.memory_space<vmem>>) offsets(%dma_start3A_780 : memref<128xi32, #tpu.memory_space<vmem>>) semaphore(%arg23 : memref<!tpu.dma_semaphore, #tpu.memory_space<semaphore_mem>>)
      } else {
      }
      %scan3A_770 = arith.constant 0 : i32
      scf.yield %scan3A_770 : i32
    }
    %scan3A_317 = arith.constant 8 : i32
    %dma_wait3A_318 = arith.constant 0 : i32
    %dma_wait3A_319 = arith.constant 0 : i32
    %dma_wait3A_320 = tpu.memref_slice %arg8[%dma_wait3A_318, %dma_wait3A_319] : memref<79x128xi32, #tpu.memory_space<vmem>> -> memref<1x128xi32, #tpu.memory_space<vmem>>
    %dma_wait3A_321 = tpu.memref_squeeze %dma_wait3A_320 : memref<1x128xi32, #tpu.memory_space<vmem>> -> memref<128xi32, #tpu.memory_space<vmem>>
    %dma_wait3A_322 = arith.constant 0 : i32
    %dma_wait3A_323 = arith.constant 0 : i32
    %dma_wait3A_324 = tpu.memref_slice %arg2[%dma_wait3A_322, %dma_wait3A_323] : memref<10240x16xf32, #tpu.memory_space<hbm>> -> memref<10240x16xf32, #tpu.memory_space<hbm>>
    tpu.wait_indirect_dma semaphore(%arg19 : memref<!tpu.dma_semaphore, #tpu.memory_space<semaphore_mem>>) src(%dma_wait3A_324 : memref<10240x16xf32, #tpu.memory_space<hbm>>) dst(%arg10 : memref<128x16xf32, #tpu.memory_space<vmem>>)
    %dma_start3A_325 = arith.constant 72 : i32
    %dma_start3A_326 = arith.constant 0 : i32
    %dma_start3A_327 = tpu.memref_slice %arg9[%dma_start3A_325, %dma_start3A_326] : memref<79x128xi32, #tpu.memory_space<vmem>> -> memref<1x128xi32, #tpu.memory_space<vmem>>
    %dma_start3A_328 = tpu.memref_squeeze %dma_start3A_327 : memref<1x128xi32, #tpu.memory_space<vmem>> -> memref<128xi32, #tpu.memory_space<vmem>>
    %dma_start3A_329 = arith.constant 0 : i32
    %dma_start3A_330 = arith.constant 0 : i32
    %dma_start3A_331 = tpu.memref_slice %arg7[%dma_start3A_329, %dma_start3A_330] : memref<10240x16xf32, #tpu.memory_space<vmem_shared>> -> memref<10240x16xf32, #tpu.memory_space<vmem_shared>>
    tpu.enqueue_indirect_dma source(%arg10 : memref<128x16xf32, #tpu.memory_space<vmem>>) target(%dma_start3A_331 : memref<10240x16xf32, #tpu.memory_space<vmem_shared>>) offsets(%dma_start3A_328 : memref<128xi32, #tpu.memory_space<vmem>>) semaphore(%arg27 : memref<!tpu.dma_semaphore, #tpu.memory_space<semaphore_mem>>) {add = true}
    %dma_start3A_332 = arith.constant 72 : i32
    %dma_start3A_333 = arith.constant 0 : i32
    %dma_start3A_334 = tpu.memref_slice %arg9[%dma_start3A_332, %dma_start3A_333] : memref<79x128xi32, #tpu.memory_space<vmem>> -> memref<1x128xi32, #tpu.memory_space<vmem>>
    %dma_start3A_335 = tpu.memref_squeeze %dma_start3A_334 : memref<1x128xi32, #tpu.memory_space<vmem>> -> memref<128xi32, #tpu.memory_space<vmem>>
    %dma_start3A_336 = arith.constant 0 : i32
    %dma_start3A_337 = tpu.memref_slice %arg35[%dma_start3A_336] : memref<10240xf32, #tpu.memory_space<vmem_shared>> -> memref<10240xf32, #tpu.memory_space<vmem_shared>>
    tpu.enqueue_indirect_dma source(%arg36 : memref<128xf32, #tpu.memory_space<vmem>>) target(%dma_start3A_337 : memref<10240xf32, #tpu.memory_space<vmem_shared>>) offsets(%dma_start3A_335 : memref<128xi32, #tpu.memory_space<vmem>>) semaphore(%arg38 : memref<!tpu.dma_semaphore, #tpu.memory_space<semaphore_mem>>) {add = true}
    %dma_wait3A_338 = arith.constant 0 : i32
    %dma_wait3A_339 = arith.constant 0 : i32
    %dma_wait3A_340 = tpu.memref_slice %arg9[%dma_wait3A_338, %dma_wait3A_339] : memref<79x128xi32, #tpu.memory_space<vmem>> -> memref<1x128xi32, #tpu.memory_space<vmem>>
    %dma_wait3A_341 = tpu.memref_squeeze %dma_wait3A_340 : memref<1x128xi32, #tpu.memory_space<vmem>> -> memref<128xi32, #tpu.memory_space<vmem>>
    %dma_wait3A_342 = arith.constant 0 : i32
    %dma_wait3A_343 = arith.constant 0 : i32
    %dma_wait3A_344 = tpu.memref_slice %arg7[%dma_wait3A_342, %dma_wait3A_343] : memref<10240x16xf32, #tpu.memory_space<vmem_shared>> -> memref<10240x16xf32, #tpu.memory_space<vmem_shared>>
    tpu.wait_indirect_dma semaphore(%arg32 : memref<!tpu.dma_semaphore, #tpu.memory_space<semaphore_mem>>) src(%arg15 : memref<128x16xf32, #tpu.memory_space<vmem>>) dst(%dma_wait3A_344 : memref<10240x16xf32, #tpu.memory_space<vmem_shared>>)
    %dma_start3A_345 = arith.constant 77 : i32
    %dma_start3A_346 = arith.constant 0 : i32
    %dma_start3A_347 = tpu.memref_slice %arg8[%dma_start3A_345, %dma_start3A_346] : memref<79x128xi32, #tpu.memory_space<vmem>> -> memref<1x128xi32, #tpu.memory_space<vmem>>
    %dma_start3A_348 = tpu.memref_squeeze %dma_start3A_347 : memref<1x128xi32, #tpu.memory_space<vmem>> -> memref<128xi32, #tpu.memory_space<vmem>>
    %dma_start3A_349 = arith.constant 0 : i32
    %dma_start3A_350 = arith.constant 0 : i32
    %dma_start3A_351 = tpu.memref_slice %arg2[%dma_start3A_349, %dma_start3A_350] : memref<10240x16xf32, #tpu.memory_space<hbm>> -> memref<10240x16xf32, #tpu.memory_space<hbm>>
    tpu.enqueue_indirect_dma source(%dma_start3A_351 : memref<10240x16xf32, #tpu.memory_space<hbm>>) target(%arg15 : memref<128x16xf32, #tpu.memory_space<vmem>>) offsets(%dma_start3A_348 : memref<128xi32, #tpu.memory_space<vmem>>) semaphore(%arg24 : memref<!tpu.dma_semaphore, #tpu.memory_space<semaphore_mem>>)
    %dma_wait3A_352 = arith.constant 0 : i32
    %dma_wait3A_353 = arith.constant 0 : i32
    %dma_wait3A_354 = tpu.memref_slice %arg8[%dma_wait3A_352, %dma_wait3A_353] : memref<79x128xi32, #tpu.memory_space<vmem>> -> memref<1x128xi32, #tpu.memory_space<vmem>>
    %dma_wait3A_355 = tpu.memref_squeeze %dma_wait3A_354 : memref<1x128xi32, #tpu.memory_space<vmem>> -> memref<128xi32, #tpu.memory_space<vmem>>
    %dma_wait3A_356 = arith.constant 0 : i32
    %dma_wait3A_357 = arith.constant 0 : i32
    %dma_wait3A_358 = tpu.memref_slice %arg2[%dma_wait3A_356, %dma_wait3A_357] : memref<10240x16xf32, #tpu.memory_space<hbm>> -> memref<10240x16xf32, #tpu.memory_space<hbm>>
    tpu.wait_indirect_dma semaphore(%arg20 : memref<!tpu.dma_semaphore, #tpu.memory_space<semaphore_mem>>) src(%dma_wait3A_358 : memref<10240x16xf32, #tpu.memory_space<hbm>>) dst(%arg11 : memref<128x16xf32, #tpu.memory_space<vmem>>)
    %dma_start3A_359 = arith.constant 73 : i32
    %dma_start3A_360 = arith.constant 0 : i32
    %dma_start3A_361 = tpu.memref_slice %arg9[%dma_start3A_359, %dma_start3A_360] : memref<79x128xi32, #tpu.memory_space<vmem>> -> memref<1x128xi32, #tpu.memory_space<vmem>>
    %dma_start3A_362 = tpu.memref_squeeze %dma_start3A_361 : memref<1x128xi32, #tpu.memory_space<vmem>> -> memref<128xi32, #tpu.memory_space<vmem>>
    %dma_start3A_363 = arith.constant 0 : i32
    %dma_start3A_364 = arith.constant 0 : i32
    %dma_start3A_365 = tpu.memref_slice %arg7[%dma_start3A_363, %dma_start3A_364] : memref<10240x16xf32, #tpu.memory_space<vmem_shared>> -> memref<10240x16xf32, #tpu.memory_space<vmem_shared>>
    tpu.enqueue_indirect_dma source(%arg11 : memref<128x16xf32, #tpu.memory_space<vmem>>) target(%dma_start3A_365 : memref<10240x16xf32, #tpu.memory_space<vmem_shared>>) offsets(%dma_start3A_362 : memref<128xi32, #tpu.memory_space<vmem>>) semaphore(%arg28 : memref<!tpu.dma_semaphore, #tpu.memory_space<semaphore_mem>>) {add = true}
    %dma_start3A_366 = arith.constant 73 : i32
    %dma_start3A_367 = arith.constant 0 : i32
    %dma_start3A_368 = tpu.memref_slice %arg9[%dma_start3A_366, %dma_start3A_367] : memref<79x128xi32, #tpu.memory_space<vmem>> -> memref<1x128xi32, #tpu.memory_space<vmem>>
    %dma_start3A_369 = tpu.memref_squeeze %dma_start3A_368 : memref<1x128xi32, #tpu.memory_space<vmem>> -> memref<128xi32, #tpu.memory_space<vmem>>
    %dma_start3A_370 = arith.constant 0 : i32
    %dma_start3A_371 = tpu.memref_slice %arg35[%dma_start3A_370] : memref<10240xf32, #tpu.memory_space<vmem_shared>> -> memref<10240xf32, #tpu.memory_space<vmem_shared>>
    tpu.enqueue_indirect_dma source(%arg36 : memref<128xf32, #tpu.memory_space<vmem>>) target(%dma_start3A_371 : memref<10240xf32, #tpu.memory_space<vmem_shared>>) offsets(%dma_start3A_369 : memref<128xi32, #tpu.memory_space<vmem>>) semaphore(%arg38 : memref<!tpu.dma_semaphore, #tpu.memory_space<semaphore_mem>>) {add = true}
    %dma_wait3A_372 = arith.constant 0 : i32
    %dma_wait3A_373 = arith.constant 0 : i32
    %dma_wait3A_374 = tpu.memref_slice %arg9[%dma_wait3A_372, %dma_wait3A_373] : memref<79x128xi32, #tpu.memory_space<vmem>> -> memref<1x128xi32, #tpu.memory_space<vmem>>
    %dma_wait3A_375 = tpu.memref_squeeze %dma_wait3A_374 : memref<1x128xi32, #tpu.memory_space<vmem>> -> memref<128xi32, #tpu.memory_space<vmem>>
    %dma_wait3A_376 = arith.constant 0 : i32
    %dma_wait3A_377 = arith.constant 0 : i32
    %dma_wait3A_378 = tpu.memref_slice %arg7[%dma_wait3A_376, %dma_wait3A_377] : memref<10240x16xf32, #tpu.memory_space<vmem_shared>> -> memref<10240x16xf32, #tpu.memory_space<vmem_shared>>
    tpu.wait_indirect_dma semaphore(%arg33 : memref<!tpu.dma_semaphore, #tpu.memory_space<semaphore_mem>>) src(%arg16 : memref<128x16xf32, #tpu.memory_space<vmem>>) dst(%dma_wait3A_378 : memref<10240x16xf32, #tpu.memory_space<vmem_shared>>)
    %dma_start3A_379 = arith.constant 78 : i32
    %dma_start3A_380 = arith.constant 0 : i32
    %dma_start3A_381 = tpu.memref_slice %arg8[%dma_start3A_379, %dma_start3A_380] : memref<79x128xi32, #tpu.memory_space<vmem>> -> memref<1x128xi32, #tpu.memory_space<vmem>>
    %dma_start3A_382 = tpu.memref_squeeze %dma_start3A_381 : memref<1x128xi32, #tpu.memory_space<vmem>> -> memref<128xi32, #tpu.memory_space<vmem>>
    %dma_start3A_383 = arith.constant 0 : i32
    %dma_start3A_384 = arith.constant 0 : i32
    %dma_start3A_385 = tpu.memref_slice %arg2[%dma_start3A_383, %dma_start3A_384] : memref<10240x16xf32, #tpu.memory_space<hbm>> -> memref<10240x16xf32, #tpu.memory_space<hbm>>
    tpu.enqueue_indirect_dma source(%dma_start3A_385 : memref<10240x16xf32, #tpu.memory_space<hbm>>) target(%arg16 : memref<128x16xf32, #tpu.memory_space<vmem>>) offsets(%dma_start3A_382 : memref<128xi32, #tpu.memory_space<vmem>>) semaphore(%arg25 : memref<!tpu.dma_semaphore, #tpu.memory_space<semaphore_mem>>)
    %dma_wait3A_386 = arith.constant 0 : i32
    %dma_wait3A_387 = arith.constant 0 : i32
    %dma_wait3A_388 = tpu.memref_slice %arg8[%dma_wait3A_386, %dma_wait3A_387] : memref<79x128xi32, #tpu.memory_space<vmem>> -> memref<1x128xi32, #tpu.memory_space<vmem>>
    %dma_wait3A_389 = tpu.memref_squeeze %dma_wait3A_388 : memref<1x128xi32, #tpu.memory_space<vmem>> -> memref<128xi32, #tpu.memory_space<vmem>>
    %dma_wait3A_390 = arith.constant 0 : i32
    %dma_wait3A_391 = arith.constant 0 : i32
    %dma_wait3A_392 = tpu.memref_slice %arg2[%dma_wait3A_390, %dma_wait3A_391] : memref<10240x16xf32, #tpu.memory_space<hbm>> -> memref<10240x16xf32, #tpu.memory_space<hbm>>
    tpu.wait_indirect_dma semaphore(%arg21 : memref<!tpu.dma_semaphore, #tpu.memory_space<semaphore_mem>>) src(%dma_wait3A_392 : memref<10240x16xf32, #tpu.memory_space<hbm>>) dst(%arg12 : memref<128x16xf32, #tpu.memory_space<vmem>>)
    %dma_start3A_393 = arith.constant 74 : i32
    %dma_start3A_394 = arith.constant 0 : i32
    %dma_start3A_395 = tpu.memref_slice %arg9[%dma_start3A_393, %dma_start3A_394] : memref<79x128xi32, #tpu.memory_space<vmem>> -> memref<1x128xi32, #tpu.memory_space<vmem>>
    %dma_start3A_396 = tpu.memref_squeeze %dma_start3A_395 : memref<1x128xi32, #tpu.memory_space<vmem>> -> memref<128xi32, #tpu.memory_space<vmem>>
    %dma_start3A_397 = arith.constant 0 : i32
    %dma_start3A_398 = arith.constant 0 : i32
    %dma_start3A_399 = tpu.memref_slice %arg7[%dma_start3A_397, %dma_start3A_398] : memref<10240x16xf32, #tpu.memory_space<vmem_shared>> -> memref<10240x16xf32, #tpu.memory_space<vmem_shared>>
    tpu.enqueue_indirect_dma source(%arg12 : memref<128x16xf32, #tpu.memory_space<vmem>>) target(%dma_start3A_399 : memref<10240x16xf32, #tpu.memory_space<vmem_shared>>) offsets(%dma_start3A_396 : memref<128xi32, #tpu.memory_space<vmem>>) semaphore(%arg29 : memref<!tpu.dma_semaphore, #tpu.memory_space<semaphore_mem>>) {add = true}
    %dma_start3A_400 = arith.constant 74 : i32
    %dma_start3A_401 = arith.constant 0 : i32
    %dma_start3A_402 = tpu.memref_slice %arg9[%dma_start3A_400, %dma_start3A_401] : memref<79x128xi32, #tpu.memory_space<vmem>> -> memref<1x128xi32, #tpu.memory_space<vmem>>
    %dma_start3A_403 = tpu.memref_squeeze %dma_start3A_402 : memref<1x128xi32, #tpu.memory_space<vmem>> -> memref<128xi32, #tpu.memory_space<vmem>>
    %dma_start3A_404 = arith.constant 0 : i32
    %dma_start3A_405 = tpu.memref_slice %arg35[%dma_start3A_404] : memref<10240xf32, #tpu.memory_space<vmem_shared>> -> memref<10240xf32, #tpu.memory_space<vmem_shared>>
    tpu.enqueue_indirect_dma source(%arg36 : memref<128xf32, #tpu.memory_space<vmem>>) target(%dma_start3A_405 : memref<10240xf32, #tpu.memory_space<vmem_shared>>) offsets(%dma_start3A_403 : memref<128xi32, #tpu.memory_space<vmem>>) semaphore(%arg38 : memref<!tpu.dma_semaphore, #tpu.memory_space<semaphore_mem>>) {add = true}
    %dma_wait3A_406 = arith.constant 0 : i32
    %dma_wait3A_407 = arith.constant 0 : i32
    %dma_wait3A_408 = tpu.memref_slice %arg8[%dma_wait3A_406, %dma_wait3A_407] : memref<79x128xi32, #tpu.memory_space<vmem>> -> memref<1x128xi32, #tpu.memory_space<vmem>>
    %dma_wait3A_409 = tpu.memref_squeeze %dma_wait3A_408 : memref<1x128xi32, #tpu.memory_space<vmem>> -> memref<128xi32, #tpu.memory_space<vmem>>
    %dma_wait3A_410 = arith.constant 0 : i32
    %dma_wait3A_411 = arith.constant 0 : i32
    %dma_wait3A_412 = tpu.memref_slice %arg2[%dma_wait3A_410, %dma_wait3A_411] : memref<10240x16xf32, #tpu.memory_space<hbm>> -> memref<10240x16xf32, #tpu.memory_space<hbm>>
    tpu.wait_indirect_dma semaphore(%arg22 : memref<!tpu.dma_semaphore, #tpu.memory_space<semaphore_mem>>) src(%dma_wait3A_412 : memref<10240x16xf32, #tpu.memory_space<hbm>>) dst(%arg13 : memref<128x16xf32, #tpu.memory_space<vmem>>)
    %dma_start3A_413 = arith.constant 75 : i32
    %dma_start3A_414 = arith.constant 0 : i32
    %dma_start3A_415 = tpu.memref_slice %arg9[%dma_start3A_413, %dma_start3A_414] : memref<79x128xi32, #tpu.memory_space<vmem>> -> memref<1x128xi32, #tpu.memory_space<vmem>>
    %dma_start3A_416 = tpu.memref_squeeze %dma_start3A_415 : memref<1x128xi32, #tpu.memory_space<vmem>> -> memref<128xi32, #tpu.memory_space<vmem>>
    %dma_start3A_417 = arith.constant 0 : i32
    %dma_start3A_418 = arith.constant 0 : i32
    %dma_start3A_419 = tpu.memref_slice %arg7[%dma_start3A_417, %dma_start3A_418] : memref<10240x16xf32, #tpu.memory_space<vmem_shared>> -> memref<10240x16xf32, #tpu.memory_space<vmem_shared>>
    tpu.enqueue_indirect_dma source(%arg13 : memref<128x16xf32, #tpu.memory_space<vmem>>) target(%dma_start3A_419 : memref<10240x16xf32, #tpu.memory_space<vmem_shared>>) offsets(%dma_start3A_416 : memref<128xi32, #tpu.memory_space<vmem>>) semaphore(%arg30 : memref<!tpu.dma_semaphore, #tpu.memory_space<semaphore_mem>>) {add = true}
    %dma_start3A_420 = arith.constant 75 : i32
    %dma_start3A_421 = arith.constant 0 : i32
    %dma_start3A_422 = tpu.memref_slice %arg9[%dma_start3A_420, %dma_start3A_421] : memref<79x128xi32, #tpu.memory_space<vmem>> -> memref<1x128xi32, #tpu.memory_space<vmem>>
    %dma_start3A_423 = tpu.memref_squeeze %dma_start3A_422 : memref<1x128xi32, #tpu.memory_space<vmem>> -> memref<128xi32, #tpu.memory_space<vmem>>
    %dma_start3A_424 = arith.constant 0 : i32
    %dma_start3A_425 = tpu.memref_slice %arg35[%dma_start3A_424] : memref<10240xf32, #tpu.memory_space<vmem_shared>> -> memref<10240xf32, #tpu.memory_space<vmem_shared>>
    tpu.enqueue_indirect_dma source(%arg36 : memref<128xf32, #tpu.memory_space<vmem>>) target(%dma_start3A_425 : memref<10240xf32, #tpu.memory_space<vmem_shared>>) offsets(%dma_start3A_423 : memref<128xi32, #tpu.memory_space<vmem>>) semaphore(%arg38 : memref<!tpu.dma_semaphore, #tpu.memory_space<semaphore_mem>>) {add = true}
    %dma_wait3A_426 = arith.constant 0 : i32
    %dma_wait3A_427 = arith.constant 0 : i32
    %dma_wait3A_428 = tpu.memref_slice %arg8[%dma_wait3A_426, %dma_wait3A_427] : memref<79x128xi32, #tpu.memory_space<vmem>> -> memref<1x128xi32, #tpu.memory_space<vmem>>
    %dma_wait3A_429 = tpu.memref_squeeze %dma_wait3A_428 : memref<1x128xi32, #tpu.memory_space<vmem>> -> memref<128xi32, #tpu.memory_space<vmem>>
    %dma_wait3A_430 = arith.constant 0 : i32
    %dma_wait3A_431 = arith.constant 0 : i32
    %dma_wait3A_432 = tpu.memref_slice %arg2[%dma_wait3A_430, %dma_wait3A_431] : memref<10240x16xf32, #tpu.memory_space<hbm>> -> memref<10240x16xf32, #tpu.memory_space<hbm>>
    tpu.wait_indirect_dma semaphore(%arg23 : memref<!tpu.dma_semaphore, #tpu.memory_space<semaphore_mem>>) src(%dma_wait3A_432 : memref<10240x16xf32, #tpu.memory_space<hbm>>) dst(%arg14 : memref<128x16xf32, #tpu.memory_space<vmem>>)
    %dma_start3A_433 = arith.constant 76 : i32
    %dma_start3A_434 = arith.constant 0 : i32
    %dma_start3A_435 = tpu.memref_slice %arg9[%dma_start3A_433, %dma_start3A_434] : memref<79x128xi32, #tpu.memory_space<vmem>> -> memref<1x128xi32, #tpu.memory_space<vmem>>
    %dma_start3A_436 = tpu.memref_squeeze %dma_start3A_435 : memref<1x128xi32, #tpu.memory_space<vmem>> -> memref<128xi32, #tpu.memory_space<vmem>>
    %dma_start3A_437 = arith.constant 0 : i32
    %dma_start3A_438 = arith.constant 0 : i32
    %dma_start3A_439 = tpu.memref_slice %arg7[%dma_start3A_437, %dma_start3A_438] : memref<10240x16xf32, #tpu.memory_space<vmem_shared>> -> memref<10240x16xf32, #tpu.memory_space<vmem_shared>>
    tpu.enqueue_indirect_dma source(%arg14 : memref<128x16xf32, #tpu.memory_space<vmem>>) target(%dma_start3A_439 : memref<10240x16xf32, #tpu.memory_space<vmem_shared>>) offsets(%dma_start3A_436 : memref<128xi32, #tpu.memory_space<vmem>>) semaphore(%arg31 : memref<!tpu.dma_semaphore, #tpu.memory_space<semaphore_mem>>) {add = true}
    %dma_start3A_440 = arith.constant 76 : i32
    %dma_start3A_441 = arith.constant 0 : i32
    %dma_start3A_442 = tpu.memref_slice %arg9[%dma_start3A_440, %dma_start3A_441] : memref<79x128xi32, #tpu.memory_space<vmem>> -> memref<1x128xi32, #tpu.memory_space<vmem>>
    %dma_start3A_443 = tpu.memref_squeeze %dma_start3A_442 : memref<1x128xi32, #tpu.memory_space<vmem>> -> memref<128xi32, #tpu.memory_space<vmem>>
    %dma_start3A_444 = arith.constant 0 : i32
    %dma_start3A_445 = tpu.memref_slice %arg35[%dma_start3A_444] : memref<10240xf32, #tpu.memory_space<vmem_shared>> -> memref<10240xf32, #tpu.memory_space<vmem_shared>>
    tpu.enqueue_indirect_dma source(%arg36 : memref<128xf32, #tpu.memory_space<vmem>>) target(%dma_start3A_445 : memref<10240xf32, #tpu.memory_space<vmem_shared>>) offsets(%dma_start3A_443 : memref<128xi32, #tpu.memory_space<vmem>>) semaphore(%arg38 : memref<!tpu.dma_semaphore, #tpu.memory_space<semaphore_mem>>) {add = true}
    %dma_wait3A_446 = arith.constant 0 : i32
    %dma_wait3A_447 = arith.constant 0 : i32
    %dma_wait3A_448 = tpu.memref_slice %arg8[%dma_wait3A_446, %dma_wait3A_447] : memref<79x128xi32, #tpu.memory_space<vmem>> -> memref<1x128xi32, #tpu.memory_space<vmem>>
    %dma_wait3A_449 = tpu.memref_squeeze %dma_wait3A_448 : memref<1x128xi32, #tpu.memory_space<vmem>> -> memref<128xi32, #tpu.memory_space<vmem>>
    %dma_wait3A_450 = arith.constant 0 : i32
    %dma_wait3A_451 = arith.constant 0 : i32
    %dma_wait3A_452 = tpu.memref_slice %arg2[%dma_wait3A_450, %dma_wait3A_451] : memref<10240x16xf32, #tpu.memory_space<hbm>> -> memref<10240x16xf32, #tpu.memory_space<hbm>>
    tpu.wait_indirect_dma semaphore(%arg24 : memref<!tpu.dma_semaphore, #tpu.memory_space<semaphore_mem>>) src(%dma_wait3A_452 : memref<10240x16xf32, #tpu.memory_space<hbm>>) dst(%arg15 : memref<128x16xf32, #tpu.memory_space<vmem>>)
    %dma_start3A_453 = arith.constant 77 : i32
    %dma_start3A_454 = arith.constant 0 : i32
    %dma_start3A_455 = tpu.memref_slice %arg9[%dma_start3A_453, %dma_start3A_454] : memref<79x128xi32, #tpu.memory_space<vmem>> -> memref<1x128xi32, #tpu.memory_space<vmem>>
    %dma_start3A_456 = tpu.memref_squeeze %dma_start3A_455 : memref<1x128xi32, #tpu.memory_space<vmem>> -> memref<128xi32, #tpu.memory_space<vmem>>
    %dma_start3A_457 = arith.constant 0 : i32
    %dma_start3A_458 = arith.constant 0 : i32
    %dma_start3A_459 = tpu.memref_slice %arg7[%dma_start3A_457, %dma_start3A_458] : memref<10240x16xf32, #tpu.memory_space<vmem_shared>> -> memref<10240x16xf32, #tpu.memory_space<vmem_shared>>
    tpu.enqueue_indirect_dma source(%arg15 : memref<128x16xf32, #tpu.memory_space<vmem>>) target(%dma_start3A_459 : memref<10240x16xf32, #tpu.memory_space<vmem_shared>>) offsets(%dma_start3A_456 : memref<128xi32, #tpu.memory_space<vmem>>) semaphore(%arg32 : memref<!tpu.dma_semaphore, #tpu.memory_space<semaphore_mem>>) {add = true}
    %dma_start3A_460 = arith.constant 77 : i32
    %dma_start3A_461 = arith.constant 0 : i32
    %dma_start3A_462 = tpu.memref_slice %arg9[%dma_start3A_460, %dma_start3A_461] : memref<79x128xi32, #tpu.memory_space<vmem>> -> memref<1x128xi32, #tpu.memory_space<vmem>>
    %dma_start3A_463 = tpu.memref_squeeze %dma_start3A_462 : memref<1x128xi32, #tpu.memory_space<vmem>> -> memref<128xi32, #tpu.memory_space<vmem>>
    %dma_start3A_464 = arith.constant 0 : i32
    %dma_start3A_465 = tpu.memref_slice %arg35[%dma_start3A_464] : memref<10240xf32, #tpu.memory_space<vmem_shared>> -> memref<10240xf32, #tpu.memory_space<vmem_shared>>
    tpu.enqueue_indirect_dma source(%arg36 : memref<128xf32, #tpu.memory_space<vmem>>) target(%dma_start3A_465 : memref<10240xf32, #tpu.memory_space<vmem_shared>>) offsets(%dma_start3A_463 : memref<128xi32, #tpu.memory_space<vmem>>) semaphore(%arg38 : memref<!tpu.dma_semaphore, #tpu.memory_space<semaphore_mem>>) {add = true}
    %dma_wait3A_466 = arith.constant 0 : i32
    %dma_wait3A_467 = arith.constant 0 : i32
    %dma_wait3A_468 = tpu.memref_slice %arg8[%dma_wait3A_466, %dma_wait3A_467] : memref<79x128xi32, #tpu.memory_space<vmem>> -> memref<1x128xi32, #tpu.memory_space<vmem>>
    %dma_wait3A_469 = tpu.memref_squeeze %dma_wait3A_468 : memref<1x128xi32, #tpu.memory_space<vmem>> -> memref<128xi32, #tpu.memory_space<vmem>>
    %dma_wait3A_470 = arith.constant 0 : i32
    %dma_wait3A_471 = arith.constant 0 : i32
    %dma_wait3A_472 = tpu.memref_slice %arg2[%dma_wait3A_470, %dma_wait3A_471] : memref<10240x16xf32, #tpu.memory_space<hbm>> -> memref<10240x16xf32, #tpu.memory_space<hbm>>
    tpu.wait_indirect_dma semaphore(%arg25 : memref<!tpu.dma_semaphore, #tpu.memory_space<semaphore_mem>>) src(%dma_wait3A_472 : memref<10240x16xf32, #tpu.memory_space<hbm>>) dst(%arg16 : memref<128x16xf32, #tpu.memory_space<vmem>>)
    %dma_start3A_473 = arith.constant 78 : i32
    %dma_start3A_474 = arith.constant 0 : i32
    %dma_start3A_475 = tpu.memref_slice %arg9[%dma_start3A_473, %dma_start3A_474] : memref<79x128xi32, #tpu.memory_space<vmem>> -> memref<1x128xi32, #tpu.memory_space<vmem>>
    %dma_start3A_476 = tpu.memref_squeeze %dma_start3A_475 : memref<1x128xi32, #tpu.memory_space<vmem>> -> memref<128xi32, #tpu.memory_space<vmem>>
    %dma_start3A_477 = arith.constant 0 : i32
    %dma_start3A_478 = arith.constant 0 : i32
    %dma_start3A_479 = tpu.memref_slice %arg7[%dma_start3A_477, %dma_start3A_478] : memref<10240x16xf32, #tpu.memory_space<vmem_shared>> -> memref<10240x16xf32, #tpu.memory_space<vmem_shared>>
    tpu.enqueue_indirect_dma source(%arg16 : memref<128x16xf32, #tpu.memory_space<vmem>>) target(%dma_start3A_479 : memref<10240x16xf32, #tpu.memory_space<vmem_shared>>) offsets(%dma_start3A_476 : memref<128xi32, #tpu.memory_space<vmem>>) semaphore(%arg33 : memref<!tpu.dma_semaphore, #tpu.memory_space<semaphore_mem>>) {add = true}
    %dma_start3A_480 = arith.constant 78 : i32
    %dma_start3A_481 = arith.constant 0 : i32
    %dma_start3A_482 = tpu.memref_slice %arg9[%dma_start3A_480, %dma_start3A_481] : memref<79x128xi32, #tpu.memory_space<vmem>> -> memref<1x128xi32, #tpu.memory_space<vmem>>
    %dma_start3A_483 = tpu.memref_squeeze %dma_start3A_482 : memref<1x128xi32, #tpu.memory_space<vmem>> -> memref<128xi32, #tpu.memory_space<vmem>>
    %dma_start3A_484 = arith.constant 0 : i32
    %dma_start3A_485 = tpu.memref_slice %arg35[%dma_start3A_484] : memref<10240xf32, #tpu.memory_space<vmem_shared>> -> memref<10240xf32, #tpu.memory_space<vmem_shared>>
    tpu.enqueue_indirect_dma source(%arg36 : memref<128xf32, #tpu.memory_space<vmem>>) target(%dma_start3A_485 : memref<10240xf32, #tpu.memory_space<vmem_shared>>) offsets(%dma_start3A_483 : memref<128xi32, #tpu.memory_space<vmem>>) semaphore(%arg38 : memref<!tpu.dma_semaphore, #tpu.memory_space<semaphore_mem>>) {add = true}
    %dma_wait3A_486 = arith.constant 0 : i32
    %dma_wait3A_487 = arith.constant 0 : i32
    %dma_wait3A_488 = tpu.memref_slice %arg9[%dma_wait3A_486, %dma_wait3A_487] : memref<79x128xi32, #tpu.memory_space<vmem>> -> memref<1x128xi32, #tpu.memory_space<vmem>>
    %dma_wait3A_489 = tpu.memref_squeeze %dma_wait3A_488 : memref<1x128xi32, #tpu.memory_space<vmem>> -> memref<128xi32, #tpu.memory_space<vmem>>
    %dma_wait3A_490 = arith.constant 0 : i32
    %dma_wait3A_491 = arith.constant 0 : i32
    %dma_wait3A_492 = tpu.memref_slice %arg7[%dma_wait3A_490, %dma_wait3A_491] : memref<10240x16xf32, #tpu.memory_space<vmem_shared>> -> memref<10240x16xf32, #tpu.memory_space<vmem_shared>>
    tpu.wait_indirect_dma semaphore(%arg34 : memref<!tpu.dma_semaphore, #tpu.memory_space<semaphore_mem>>) src(%arg17 : memref<128x16xf32, #tpu.memory_space<vmem>>) dst(%dma_wait3A_492 : memref<10240x16xf32, #tpu.memory_space<vmem_shared>>)
    %dma_wait3A_493 = arith.constant 0 : i32
    %dma_wait3A_494 = arith.constant 0 : i32
    %dma_wait3A_495 = tpu.memref_slice %arg9[%dma_wait3A_493, %dma_wait3A_494] : memref<79x128xi32, #tpu.memory_space<vmem>> -> memref<1x128xi32, #tpu.memory_space<vmem>>
    %dma_wait3A_496 = tpu.memref_squeeze %dma_wait3A_495 : memref<1x128xi32, #tpu.memory_space<vmem>> -> memref<128xi32, #tpu.memory_space<vmem>>
    %dma_wait3A_497 = arith.constant 0 : i32
    %dma_wait3A_498 = arith.constant 0 : i32
    %dma_wait3A_499 = tpu.memref_slice %arg7[%dma_wait3A_497, %dma_wait3A_498] : memref<10240x16xf32, #tpu.memory_space<vmem_shared>> -> memref<10240x16xf32, #tpu.memory_space<vmem_shared>>
    tpu.wait_indirect_dma semaphore(%arg27 : memref<!tpu.dma_semaphore, #tpu.memory_space<semaphore_mem>>) src(%arg10 : memref<128x16xf32, #tpu.memory_space<vmem>>) dst(%dma_wait3A_499 : memref<10240x16xf32, #tpu.memory_space<vmem_shared>>)
    %dma_wait3A_500 = arith.constant 0 : i32
    %dma_wait3A_501 = arith.constant 0 : i32
    %dma_wait3A_502 = tpu.memref_slice %arg9[%dma_wait3A_500, %dma_wait3A_501] : memref<79x128xi32, #tpu.memory_space<vmem>> -> memref<1x128xi32, #tpu.memory_space<vmem>>
    %dma_wait3A_503 = tpu.memref_squeeze %dma_wait3A_502 : memref<1x128xi32, #tpu.memory_space<vmem>> -> memref<128xi32, #tpu.memory_space<vmem>>
    %dma_wait3A_504 = arith.constant 0 : i32
    %dma_wait3A_505 = arith.constant 0 : i32
    %dma_wait3A_506 = tpu.memref_slice %arg7[%dma_wait3A_504, %dma_wait3A_505] : memref<10240x16xf32, #tpu.memory_space<vmem_shared>> -> memref<10240x16xf32, #tpu.memory_space<vmem_shared>>
    tpu.wait_indirect_dma semaphore(%arg28 : memref<!tpu.dma_semaphore, #tpu.memory_space<semaphore_mem>>) src(%arg11 : memref<128x16xf32, #tpu.memory_space<vmem>>) dst(%dma_wait3A_506 : memref<10240x16xf32, #tpu.memory_space<vmem_shared>>)
    %dma_wait3A_507 = arith.constant 0 : i32
    %dma_wait3A_508 = arith.constant 0 : i32
    %dma_wait3A_509 = tpu.memref_slice %arg9[%dma_wait3A_507, %dma_wait3A_508] : memref<79x128xi32, #tpu.memory_space<vmem>> -> memref<1x128xi32, #tpu.memory_space<vmem>>
    %dma_wait3A_510 = tpu.memref_squeeze %dma_wait3A_509 : memref<1x128xi32, #tpu.memory_space<vmem>> -> memref<128xi32, #tpu.memory_space<vmem>>
    %dma_wait3A_511 = arith.constant 0 : i32
    %dma_wait3A_512 = arith.constant 0 : i32
    %dma_wait3A_513 = tpu.memref_slice %arg7[%dma_wait3A_511, %dma_wait3A_512] : memref<10240x16xf32, #tpu.memory_space<vmem_shared>> -> memref<10240x16xf32, #tpu.memory_space<vmem_shared>>
    tpu.wait_indirect_dma semaphore(%arg29 : memref<!tpu.dma_semaphore, #tpu.memory_space<semaphore_mem>>) src(%arg12 : memref<128x16xf32, #tpu.memory_space<vmem>>) dst(%dma_wait3A_513 : memref<10240x16xf32, #tpu.memory_space<vmem_shared>>)
    %dma_wait3A_514 = arith.constant 0 : i32
    %dma_wait3A_515 = arith.constant 0 : i32
    %dma_wait3A_516 = tpu.memref_slice %arg9[%dma_wait3A_514, %dma_wait3A_515] : memref<79x128xi32, #tpu.memory_space<vmem>> -> memref<1x128xi32, #tpu.memory_space<vmem>>
    %dma_wait3A_517 = tpu.memref_squeeze %dma_wait3A_516 : memref<1x128xi32, #tpu.memory_space<vmem>> -> memref<128xi32, #tpu.memory_space<vmem>>
    %dma_wait3A_518 = arith.constant 0 : i32
    %dma_wait3A_519 = arith.constant 0 : i32
    %dma_wait3A_520 = tpu.memref_slice %arg7[%dma_wait3A_518, %dma_wait3A_519] : memref<10240x16xf32, #tpu.memory_space<vmem_shared>> -> memref<10240x16xf32, #tpu.memory_space<vmem_shared>>
    tpu.wait_indirect_dma semaphore(%arg30 : memref<!tpu.dma_semaphore, #tpu.memory_space<semaphore_mem>>) src(%arg13 : memref<128x16xf32, #tpu.memory_space<vmem>>) dst(%dma_wait3A_520 : memref<10240x16xf32, #tpu.memory_space<vmem_shared>>)
    %dma_wait3A_521 = arith.constant 0 : i32
    %dma_wait3A_522 = arith.constant 0 : i32
    %dma_wait3A_523 = tpu.memref_slice %arg9[%dma_wait3A_521, %dma_wait3A_522] : memref<79x128xi32, #tpu.memory_space<vmem>> -> memref<1x128xi32, #tpu.memory_space<vmem>>
    %dma_wait3A_524 = tpu.memref_squeeze %dma_wait3A_523 : memref<1x128xi32, #tpu.memory_space<vmem>> -> memref<128xi32, #tpu.memory_space<vmem>>
    %dma_wait3A_525 = arith.constant 0 : i32
    %dma_wait3A_526 = arith.constant 0 : i32
    %dma_wait3A_527 = tpu.memref_slice %arg7[%dma_wait3A_525, %dma_wait3A_526] : memref<10240x16xf32, #tpu.memory_space<vmem_shared>> -> memref<10240x16xf32, #tpu.memory_space<vmem_shared>>
    tpu.wait_indirect_dma semaphore(%arg31 : memref<!tpu.dma_semaphore, #tpu.memory_space<semaphore_mem>>) src(%arg14 : memref<128x16xf32, #tpu.memory_space<vmem>>) dst(%dma_wait3A_527 : memref<10240x16xf32, #tpu.memory_space<vmem_shared>>)
    %dma_wait3A_528 = arith.constant 0 : i32
    %dma_wait3A_529 = arith.constant 0 : i32
    %dma_wait3A_530 = tpu.memref_slice %arg9[%dma_wait3A_528, %dma_wait3A_529] : memref<79x128xi32, #tpu.memory_space<vmem>> -> memref<1x128xi32, #tpu.memory_space<vmem>>
    %dma_wait3A_531 = tpu.memref_squeeze %dma_wait3A_530 : memref<1x128xi32, #tpu.memory_space<vmem>> -> memref<128xi32, #tpu.memory_space<vmem>>
    %dma_wait3A_532 = arith.constant 0 : i32
    %dma_wait3A_533 = arith.constant 0 : i32
    %dma_wait3A_534 = tpu.memref_slice %arg7[%dma_wait3A_532, %dma_wait3A_533] : memref<10240x16xf32, #tpu.memory_space<vmem_shared>> -> memref<10240x16xf32, #tpu.memory_space<vmem_shared>>
    tpu.wait_indirect_dma semaphore(%arg32 : memref<!tpu.dma_semaphore, #tpu.memory_space<semaphore_mem>>) src(%arg15 : memref<128x16xf32, #tpu.memory_space<vmem>>) dst(%dma_wait3A_534 : memref<10240x16xf32, #tpu.memory_space<vmem_shared>>)
    %dma_wait3A_535 = arith.constant 0 : i32
    %dma_wait3A_536 = arith.constant 0 : i32
    %dma_wait3A_537 = tpu.memref_slice %arg9[%dma_wait3A_535, %dma_wait3A_536] : memref<79x128xi32, #tpu.memory_space<vmem>> -> memref<1x128xi32, #tpu.memory_space<vmem>>
    %dma_wait3A_538 = tpu.memref_squeeze %dma_wait3A_537 : memref<1x128xi32, #tpu.memory_space<vmem>> -> memref<128xi32, #tpu.memory_space<vmem>>
    %dma_wait3A_539 = arith.constant 0 : i32
    %dma_wait3A_540 = arith.constant 0 : i32
    %dma_wait3A_541 = tpu.memref_slice %arg7[%dma_wait3A_539, %dma_wait3A_540] : memref<10240x16xf32, #tpu.memory_space<vmem_shared>> -> memref<10240x16xf32, #tpu.memory_space<vmem_shared>>
    tpu.wait_indirect_dma semaphore(%arg33 : memref<!tpu.dma_semaphore, #tpu.memory_space<semaphore_mem>>) src(%arg16 : memref<128x16xf32, #tpu.memory_space<vmem>>) dst(%dma_wait3A_541 : memref<10240x16xf32, #tpu.memory_space<vmem_shared>>)
    %scan3A_542 = arith.constant 0 : i32
    %scan3A_543 = arith.constant 0 : i32
    %scan3A_544 = arith.constant 79 : i32
    %scan3A_545 = arith.addi %scan3A_543, %scan3A_544 : i32
    %scan3A_546 = arith.constant 1 : i32
    %scan3A_547 = scf.for %scan3A_553 = %scan3A_543 to %scan3A_545 step %scan3A_546 iter_args(%scan3A_554 = %scan3A_542) -> (i32)  : i32 {
      %dma_wait3A_555 = arith.constant 0 : i32
      %dma_wait3A_556 = arith.constant 0 : i32
      %dma_wait3A_557 = tpu.memref_slice %arg9[%dma_wait3A_555, %dma_wait3A_556] : memref<79x128xi32, #tpu.memory_space<vmem>> -> memref<1x128xi32, #tpu.memory_space<vmem>>
      %dma_wait3A_558 = tpu.memref_squeeze %dma_wait3A_557 : memref<1x128xi32, #tpu.memory_space<vmem>> -> memref<128xi32, #tpu.memory_space<vmem>>
      %dma_wait3A_559 = arith.constant 0 : i32
      %dma_wait3A_560 = tpu.memref_slice %arg35[%dma_wait3A_559] : memref<10240xf32, #tpu.memory_space<vmem_shared>> -> memref<10240xf32, #tpu.memory_space<vmem_shared>>
      tpu.wait_indirect_dma semaphore(%arg38 : memref<!tpu.dma_semaphore, #tpu.memory_space<semaphore_mem>>) src(%arg36 : memref<128xf32, #tpu.memory_space<vmem>>) dst(%dma_wait3A_560 : memref<10240xf32, #tpu.memory_space<vmem_shared>>)
      %scan3A_561 = arith.constant 0 : i32
      scf.yield %scan3A_561 : i32
    }
    %scan3A_548 = arith.constant 79 : i32
    %barrier3A_549 = arith.constant 0 : index
    tpu.barrier barrier_id(%barrier3A_549)
    %mul3A_550 = arith.constant 10240 : i32
    %mul3A_551 = arith.muli %arg0, %mul3A_550 : i32
    %add3A_552 = arith.addi %mul3A_551, %mul3A_2 : i32
    "tpu.region"() ({
      %run_scoped3A = tpu.sem_alloc : memref<!tpu.dma_semaphore, #tpu.memory_space<semaphore_mem>>
      %dma_start3A_553 = arith.constant 0 : i32
      %dma_start3A_554 = tpu.memref_slice %arg7[%mul3A_2, %dma_start3A_553] : memref<10240x16xf32, #tpu.memory_space<vmem_shared>> -> memref<640x16xf32, #tpu.memory_space<vmem_shared>>
      %dma_start3A_555 = arith.constant 0 : i32
      %dma_start3A_556 = tpu.memref_slice %arg7[%mul3A_2, %dma_start3A_555] : memref<10240x16xf32, #tpu.memory_space<vmem_shared>> -> memref<640x16xf32, #tpu.memory_space<vmem_shared>>
      tpu.enqueue_dma source(%dma_start3A_556 : memref<640x16xf32, #tpu.memory_space<vmem_shared>>) target(%arg18 : memref<640x16xf32, #tpu.memory_space<vmem>>) target_semaphore(%run_scoped3A : memref<!tpu.dma_semaphore, #tpu.memory_space<semaphore_mem>>)
      %dma_wait3A_557 = arith.constant 0 : i32
      %dma_wait3A_558 = tpu.memref_slice %arg7[%mul3A_2, %dma_wait3A_557] : memref<10240x16xf32, #tpu.memory_space<vmem_shared>> -> memref<640x16xf32, #tpu.memory_space<vmem_shared>>
      %dma_wait3A_559 = arith.constant 0 : i32
      %dma_wait3A_560 = tpu.memref_slice %arg7[%mul3A_2, %dma_wait3A_559] : memref<10240x16xf32, #tpu.memory_space<vmem_shared>> -> memref<640x16xf32, #tpu.memory_space<vmem_shared>>
      tpu.wait_dma2 semaphore(%run_scoped3A : memref<!tpu.dma_semaphore, #tpu.memory_space<semaphore_mem>>) src(%dma_wait3A_560 : memref<640x16xf32, #tpu.memory_space<vmem_shared>>) dst(%arg18 : memref<640x16xf32, #tpu.memory_space<vmem>>)
      tpu.yield
    }) : () -> ()
    "tpu.region"() ({
      %run_scoped3A = tpu.sem_alloc : memref<!tpu.dma_semaphore, #tpu.memory_space<semaphore_mem>>
      %dma_start3A_553 = arith.constant 0 : i32
      %dma_start3A_554 = tpu.memref_slice %arg5[%add3A_552, %dma_start3A_553] : memref<20480x16xf32, #tpu.memory_space<hbm>> -> memref<640x16xf32, #tpu.memory_space<hbm>>
      %dma_start3A_555 = arith.constant 0 : i32
      %dma_start3A_556 = tpu.memref_slice %arg5[%add3A_552, %dma_start3A_555] : memref<20480x16xf32, #tpu.memory_space<hbm>> -> memref<640x16xf32, #tpu.memory_space<hbm>>
      tpu.enqueue_dma source(%arg18 : memref<640x16xf32, #tpu.memory_space<vmem>>) target(%dma_start3A_556 : memref<640x16xf32, #tpu.memory_space<hbm>>) target_semaphore(%run_scoped3A : memref<!tpu.dma_semaphore, #tpu.memory_space<semaphore_mem>>)
      %dma_wait3A_557 = arith.constant 0 : i32
      %dma_wait3A_558 = tpu.memref_slice %arg5[%add3A_552, %dma_wait3A_557] : memref<20480x16xf32, #tpu.memory_space<hbm>> -> memref<640x16xf32, #tpu.memory_space<hbm>>
      %dma_wait3A_559 = arith.constant 0 : i32
      %dma_wait3A_560 = tpu.memref_slice %arg5[%add3A_552, %dma_wait3A_559] : memref<20480x16xf32, #tpu.memory_space<hbm>> -> memref<640x16xf32, #tpu.memory_space<hbm>>
      tpu.wait_dma2 semaphore(%run_scoped3A : memref<!tpu.dma_semaphore, #tpu.memory_space<semaphore_mem>>) src(%arg18 : memref<640x16xf32, #tpu.memory_space<vmem>>) dst(%dma_wait3A_560 : memref<640x16xf32, #tpu.memory_space<hbm>>)
      tpu.yield
    }) : () -> ()
    "tpu.region"() ({
      %run_scoped3A = tpu.sem_alloc : memref<!tpu.dma_semaphore, #tpu.memory_space<semaphore_mem>>
      %dma_start3A_553 = tpu.memref_slice %arg35[%mul3A_2] : memref<10240xf32, #tpu.memory_space<vmem_shared>> -> memref<640xf32, #tpu.memory_space<vmem_shared>>
      %dma_start3A_554 = tpu.memref_slice %arg35[%mul3A_2] : memref<10240xf32, #tpu.memory_space<vmem_shared>> -> memref<640xf32, #tpu.memory_space<vmem_shared>>
      tpu.enqueue_dma source(%dma_start3A_554 : memref<640xf32, #tpu.memory_space<vmem_shared>>) target(%arg37 : memref<640xf32, #tpu.memory_space<vmem>>) target_semaphore(%run_scoped3A : memref<!tpu.dma_semaphore, #tpu.memory_space<semaphore_mem>>)
      %dma_wait3A_555 = tpu.memref_slice %arg35[%mul3A_2] : memref<10240xf32, #tpu.memory_space<vmem_shared>> -> memref<640xf32, #tpu.memory_space<vmem_shared>>
      %dma_wait3A_556 = tpu.memref_slice %arg35[%mul3A_2] : memref<10240xf32, #tpu.memory_space<vmem_shared>> -> memref<640xf32, #tpu.memory_space<vmem_shared>>
      tpu.wait_dma2 semaphore(%run_scoped3A : memref<!tpu.dma_semaphore, #tpu.memory_space<semaphore_mem>>) src(%dma_wait3A_556 : memref<640xf32, #tpu.memory_space<vmem_shared>>) dst(%arg37 : memref<640xf32, #tpu.memory_space<vmem>>)
      tpu.yield
    }) : () -> ()
    "tpu.region"() ({
      %run_scoped3A = tpu.sem_alloc : memref<!tpu.dma_semaphore, #tpu.memory_space<semaphore_mem>>
      %dma_start3A_553 = tpu.memref_slice %arg6[%add3A_552] : memref<20480xf32, #tpu.memory_space<hbm>> -> memref<640xf32, #tpu.memory_space<hbm>>
      %dma_start3A_554 = tpu.memref_slice %arg6[%add3A_552] : memref<20480xf32, #tpu.memory_space<hbm>> -> memref<640xf32, #tpu.memory_space<hbm>>
      tpu.enqueue_dma source(%arg37 : memref<640xf32, #tpu.memory_space<vmem>>) target(%dma_start3A_554 : memref<640xf32, #tpu.memory_space<hbm>>) target_semaphore(%run_scoped3A : memref<!tpu.dma_semaphore, #tpu.memory_space<semaphore_mem>>)
      %dma_wait3A_555 = tpu.memref_slice %arg6[%add3A_552] : memref<20480xf32, #tpu.memory_space<hbm>> -> memref<640xf32, #tpu.memory_space<hbm>>
      %dma_wait3A_556 = tpu.memref_slice %arg6[%add3A_552] : memref<20480xf32, #tpu.memory_space<hbm>> -> memref<640xf32, #tpu.memory_space<hbm>>
      tpu.wait_dma2 semaphore(%run_scoped3A : memref<!tpu.dma_semaphore, #tpu.memory_space<semaphore_mem>>) src(%arg37 : memref<640xf32, #tpu.memory_space<vmem>>) dst(%dma_wait3A_556 : memref<640xf32, #tpu.memory_space<hbm>>)
      tpu.yield
    }) : () -> ()
    return
  }
}

#map = affine_map<(d0, d1) -> (0, 0)>
module attributes {stable_mosaic.version = 14 : i64} {
  func.func @body(%arg0: i32, %arg1: i32, %arg2: memref<10240x16xf32, #tpu.memory_space<hbm>>, %arg3: memref<2528x128xi32, #tpu.memory_space<hbm>>, %arg4: memref<2528x128xi32, #tpu.memory_space<hbm>>, %arg5: memref<20480x16xf32, #tpu.memory_space<hbm>>, %arg6: memref<10240x16xf32, #tpu.memory_space<vmem_shared>>, %arg7: memref<79x128xi32, #tpu.memory_space<vmem>>, %arg8: memref<79x128xi32, #tpu.memory_space<vmem>>, %arg9: memref<128x16xf32, #tpu.memory_space<vmem>>, %arg10: memref<128x16xf32, #tpu.memory_space<vmem>>, %arg11: memref<128x16xf32, #tpu.memory_space<vmem>>, %arg12: memref<128x16xf32, #tpu.memory_space<vmem>>, %arg13: memref<128x16xf32, #tpu.memory_space<vmem>>, %arg14: memref<128x16xf32, #tpu.memory_space<vmem>>, %arg15: memref<128x16xf32, #tpu.memory_space<vmem>>, %arg16: memref<128x16xf32, #tpu.memory_space<vmem>>, %arg17: memref<640x16xf32, #tpu.memory_space<vmem>>, %arg18: memref<!tpu.dma_semaphore, #tpu.memory_space<semaphore_mem>>, %arg19: memref<!tpu.dma_semaphore, #tpu.memory_space<semaphore_mem>>, %arg20: memref<!tpu.dma_semaphore, #tpu.memory_space<semaphore_mem>>, %arg21: memref<!tpu.dma_semaphore, #tpu.memory_space<semaphore_mem>>, %arg22: memref<!tpu.dma_semaphore, #tpu.memory_space<semaphore_mem>>, %arg23: memref<!tpu.dma_semaphore, #tpu.memory_space<semaphore_mem>>, %arg24: memref<!tpu.dma_semaphore, #tpu.memory_space<semaphore_mem>>, %arg25: memref<!tpu.dma_semaphore, #tpu.memory_space<semaphore_mem>>, %arg26: memref<!tpu.dma_semaphore, #tpu.memory_space<semaphore_mem>>, %arg27: memref<!tpu.dma_semaphore, #tpu.memory_space<semaphore_mem>>, %arg28: memref<!tpu.dma_semaphore, #tpu.memory_space<semaphore_mem>>, %arg29: memref<!tpu.dma_semaphore, #tpu.memory_space<semaphore_mem>>, %arg30: memref<!tpu.dma_semaphore, #tpu.memory_space<semaphore_mem>>, %arg31: memref<!tpu.dma_semaphore, #tpu.memory_space<semaphore_mem>>, %arg32: memref<!tpu.dma_semaphore, #tpu.memory_space<semaphore_mem>>, %arg33: memref<!tpu.dma_semaphore, #tpu.memory_space<semaphore_mem>>) attributes {dimension_semantics = [#tpu.dimension_semantics<core_parallel>, #tpu.dimension_semantics<subcore_parallel>], iteration_bounds = array<i64: 2, 16>, scalar_prefetch = 0 : i64, scratch_operands = 28 : i64, tpu.core_type = #tpu.core_type<sc_vector_subcore>, window_params = [{transform_indices = #map}, {transform_indices = #map}, {transform_indices = #map}, {transform_indices = #map}]} {
    %mul3A = arith.constant 2 : i32
    %mul3A_0 = arith.muli %arg1, %mul3A : i32
    %add3A = arith.addi %mul3A_0, %arg0 : i32
    %mul3A_1 = arith.constant 640 : i32
    %mul3A_2 = arith.muli %arg1, %mul3A_1 : i32
    %mul3A_3 = arith.constant 79 : i32
    %mul3A_4 = arith.muli %add3A, %mul3A_3 : i32
    "tpu.region"() ({
      %run_scoped3A = tpu.sem_alloc : memref<!tpu.dma_semaphore, #tpu.memory_space<semaphore_mem>>
      %dma_start3A_442 = arith.constant 0 : i32
      %dma_start3A_443 = tpu.memref_slice %arg3[%mul3A_4, %dma_start3A_442] : memref<2528x128xi32, #tpu.memory_space<hbm>> -> memref<79x128xi32, #tpu.memory_space<hbm>>
      %dma_start3A_444 = arith.constant 0 : i32
      %dma_start3A_445 = tpu.memref_slice %arg3[%mul3A_4, %dma_start3A_444] : memref<2528x128xi32, #tpu.memory_space<hbm>> -> memref<79x128xi32, #tpu.memory_space<hbm>>
      tpu.enqueue_dma source(%dma_start3A_445 : memref<79x128xi32, #tpu.memory_space<hbm>>) target(%arg7 : memref<79x128xi32, #tpu.memory_space<vmem>>) target_semaphore(%run_scoped3A : memref<!tpu.dma_semaphore, #tpu.memory_space<semaphore_mem>>)
      %dma_wait3A_446 = arith.constant 0 : i32
      %dma_wait3A_447 = tpu.memref_slice %arg3[%mul3A_4, %dma_wait3A_446] : memref<2528x128xi32, #tpu.memory_space<hbm>> -> memref<79x128xi32, #tpu.memory_space<hbm>>
      %dma_wait3A_448 = arith.constant 0 : i32
      %dma_wait3A_449 = tpu.memref_slice %arg3[%mul3A_4, %dma_wait3A_448] : memref<2528x128xi32, #tpu.memory_space<hbm>> -> memref<79x128xi32, #tpu.memory_space<hbm>>
      tpu.wait_dma2 semaphore(%run_scoped3A : memref<!tpu.dma_semaphore, #tpu.memory_space<semaphore_mem>>) src(%dma_wait3A_449 : memref<79x128xi32, #tpu.memory_space<hbm>>) dst(%arg7 : memref<79x128xi32, #tpu.memory_space<vmem>>)
      tpu.yield
    }) : () -> ()
    %mul3A_5 = arith.constant 79 : i32
    %mul3A_6 = arith.muli %add3A, %mul3A_5 : i32
    "tpu.region"() ({
      %run_scoped3A = tpu.sem_alloc : memref<!tpu.dma_semaphore, #tpu.memory_space<semaphore_mem>>
      %dma_start3A_442 = arith.constant 0 : i32
      %dma_start3A_443 = tpu.memref_slice %arg4[%mul3A_6, %dma_start3A_442] : memref<2528x128xi32, #tpu.memory_space<hbm>> -> memref<79x128xi32, #tpu.memory_space<hbm>>
      %dma_start3A_444 = arith.constant 0 : i32
      %dma_start3A_445 = tpu.memref_slice %arg4[%mul3A_6, %dma_start3A_444] : memref<2528x128xi32, #tpu.memory_space<hbm>> -> memref<79x128xi32, #tpu.memory_space<hbm>>
      tpu.enqueue_dma source(%dma_start3A_445 : memref<79x128xi32, #tpu.memory_space<hbm>>) target(%arg8 : memref<79x128xi32, #tpu.memory_space<vmem>>) target_semaphore(%run_scoped3A : memref<!tpu.dma_semaphore, #tpu.memory_space<semaphore_mem>>)
      %dma_wait3A_446 = arith.constant 0 : i32
      %dma_wait3A_447 = tpu.memref_slice %arg4[%mul3A_6, %dma_wait3A_446] : memref<2528x128xi32, #tpu.memory_space<hbm>> -> memref<79x128xi32, #tpu.memory_space<hbm>>
      %dma_wait3A_448 = arith.constant 0 : i32
      %dma_wait3A_449 = tpu.memref_slice %arg4[%mul3A_6, %dma_wait3A_448] : memref<2528x128xi32, #tpu.memory_space<hbm>> -> memref<79x128xi32, #tpu.memory_space<hbm>>
      tpu.wait_dma2 semaphore(%run_scoped3A : memref<!tpu.dma_semaphore, #tpu.memory_space<semaphore_mem>>) src(%dma_wait3A_449 : memref<79x128xi32, #tpu.memory_space<hbm>>) dst(%arg8 : memref<79x128xi32, #tpu.memory_space<vmem>>)
      tpu.yield
    }) : () -> ()
    %scan3A = arith.constant 0 : i32
    %scan3A_7 = arith.constant 0 : i32
    %scan3A_8 = arith.constant 640 : i32
    %scan3A_9 = arith.addi %scan3A_7, %scan3A_8 : i32
    %scan3A_10 = arith.constant 1 : i32
    %scan3A_11 = scf.for %scan3A_442 = %scan3A_7 to %scan3A_9 step %scan3A_10 iter_args(%scan3A_443 = %scan3A) -> (i32)  : i32 {
      %broadcast_in_dim3A = arith.constant 0.000000e+00 : f32
      %broadcast_in_dim3A_444 = vector.broadcast %broadcast_in_dim3A : f32 to vector<16xf32>
      %swap3A = arith.index_cast %scan3A_442 : i32 to index
      %swap3A_445 = arith.constant 0 : index
      %swap3A_446 = tpu.vector_load %arg17[%swap3A, %swap3A_445] {strides = array<i32>} : memref<640x16xf32, #tpu.memory_space<vmem>>, vector<1x16xf32>,
      %swap3A_447 = vector.shape_cast %swap3A_446 : vector<1x16xf32> to vector<16xf32>
      %swap3A_448 = vector.shape_cast %broadcast_in_dim3A_444 : vector<16xf32> to vector<1x16xf32>
      tpu.vector_store %arg17[%swap3A, %swap3A_445], %swap3A_448 {strides = array<i32>} : memref<640x16xf32, #tpu.memory_space<vmem>>, vector<1x16xf32>,
      %scan3A_449 = arith.constant 0 : i32
      scf.yield %scan3A_449 : i32
    }
    %scan3A_12 = arith.constant 640 : i32
    "tpu.region"() ({
      %run_scoped3A = tpu.sem_alloc : memref<!tpu.dma_semaphore, #tpu.memory_space<semaphore_mem>>
      %dma_start3A_442 = arith.constant 0 : i32
      %dma_start3A_443 = tpu.memref_slice %arg6[%mul3A_2, %dma_start3A_442] : memref<10240x16xf32, #tpu.memory_space<vmem_shared>> -> memref<640x16xf32, #tpu.memory_space<vmem_shared>>
      %dma_start3A_444 = arith.constant 0 : i32
      %dma_start3A_445 = tpu.memref_slice %arg6[%mul3A_2, %dma_start3A_444] : memref<10240x16xf32, #tpu.memory_space<vmem_shared>> -> memref<640x16xf32, #tpu.memory_space<vmem_shared>>
      tpu.enqueue_dma source(%arg17 : memref<640x16xf32, #tpu.memory_space<vmem>>) target(%dma_start3A_445 : memref<640x16xf32, #tpu.memory_space<vmem_shared>>) target_semaphore(%run_scoped3A : memref<!tpu.dma_semaphore, #tpu.memory_space<semaphore_mem>>)
      %dma_wait3A_446 = arith.constant 0 : i32
      %dma_wait3A_447 = tpu.memref_slice %arg6[%mul3A_2, %dma_wait3A_446] : memref<10240x16xf32, #tpu.memory_space<vmem_shared>> -> memref<640x16xf32, #tpu.memory_space<vmem_shared>>
      %dma_wait3A_448 = arith.constant 0 : i32
      %dma_wait3A_449 = tpu.memref_slice %arg6[%mul3A_2, %dma_wait3A_448] : memref<10240x16xf32, #tpu.memory_space<vmem_shared>> -> memref<640x16xf32, #tpu.memory_space<vmem_shared>>
      tpu.wait_dma2 semaphore(%run_scoped3A : memref<!tpu.dma_semaphore, #tpu.memory_space<semaphore_mem>>) src(%arg17 : memref<640x16xf32, #tpu.memory_space<vmem>>) dst(%dma_wait3A_449 : memref<640x16xf32, #tpu.memory_space<vmem_shared>>)
      tpu.yield
    }) : () -> ()
    %barrier3A = arith.constant 0 : index
    tpu.barrier barrier_id(%barrier3A)
    %dma_start3A = arith.constant 0 : i32
    %dma_start3A_13 = arith.constant 0 : i32
    %dma_start3A_14 = tpu.memref_slice %arg7[%dma_start3A, %dma_start3A_13] : memref<79x128xi32, #tpu.memory_space<vmem>> -> memref<1x128xi32, #tpu.memory_space<vmem>>
    %dma_start3A_15 = tpu.memref_squeeze %dma_start3A_14 : memref<1x128xi32, #tpu.memory_space<vmem>> -> memref<128xi32, #tpu.memory_space<vmem>>
    %dma_start3A_16 = arith.constant 0 : i32
    %dma_start3A_17 = arith.constant 0 : i32
    %dma_start3A_18 = tpu.memref_slice %arg2[%dma_start3A_16, %dma_start3A_17] : memref<10240x16xf32, #tpu.memory_space<hbm>> -> memref<10240x16xf32, #tpu.memory_space<hbm>>
    tpu.enqueue_indirect_dma source(%dma_start3A_18 : memref<10240x16xf32, #tpu.memory_space<hbm>>) target(%arg9 : memref<128x16xf32, #tpu.memory_space<vmem>>) offsets(%dma_start3A_15 : memref<128xi32, #tpu.memory_space<vmem>>) semaphore(%arg18 : memref<!tpu.dma_semaphore, #tpu.memory_space<semaphore_mem>>)
    %dma_start3A_19 = arith.constant 1 : i32
    %dma_start3A_20 = arith.constant 0 : i32
    %dma_start3A_21 = tpu.memref_slice %arg7[%dma_start3A_19, %dma_start3A_20] : memref<79x128xi32, #tpu.memory_space<vmem>> -> memref<1x128xi32, #tpu.memory_space<vmem>>
    %dma_start3A_22 = tpu.memref_squeeze %dma_start3A_21 : memref<1x128xi32, #tpu.memory_space<vmem>> -> memref<128xi32, #tpu.memory_space<vmem>>
    %dma_start3A_23 = arith.constant 0 : i32
    %dma_start3A_24 = arith.constant 0 : i32
    %dma_start3A_25 = tpu.memref_slice %arg2[%dma_start3A_23, %dma_start3A_24] : memref<10240x16xf32, #tpu.memory_space<hbm>> -> memref<10240x16xf32, #tpu.memory_space<hbm>>
    tpu.enqueue_indirect_dma source(%dma_start3A_25 : memref<10240x16xf32, #tpu.memory_space<hbm>>) target(%arg10 : memref<128x16xf32, #tpu.memory_space<vmem>>) offsets(%dma_start3A_22 : memref<128xi32, #tpu.memory_space<vmem>>) semaphore(%arg19 : memref<!tpu.dma_semaphore, #tpu.memory_space<semaphore_mem>>)
    %dma_start3A_26 = arith.constant 2 : i32
    %dma_start3A_27 = arith.constant 0 : i32
    %dma_start3A_28 = tpu.memref_slice %arg7[%dma_start3A_26, %dma_start3A_27] : memref<79x128xi32, #tpu.memory_space<vmem>> -> memref<1x128xi32, #tpu.memory_space<vmem>>
    %dma_start3A_29 = tpu.memref_squeeze %dma_start3A_28 : memref<1x128xi32, #tpu.memory_space<vmem>> -> memref<128xi32, #tpu.memory_space<vmem>>
    %dma_start3A_30 = arith.constant 0 : i32
    %dma_start3A_31 = arith.constant 0 : i32
    %dma_start3A_32 = tpu.memref_slice %arg2[%dma_start3A_30, %dma_start3A_31] : memref<10240x16xf32, #tpu.memory_space<hbm>> -> memref<10240x16xf32, #tpu.memory_space<hbm>>
    tpu.enqueue_indirect_dma source(%dma_start3A_32 : memref<10240x16xf32, #tpu.memory_space<hbm>>) target(%arg11 : memref<128x16xf32, #tpu.memory_space<vmem>>) offsets(%dma_start3A_29 : memref<128xi32, #tpu.memory_space<vmem>>) semaphore(%arg20 : memref<!tpu.dma_semaphore, #tpu.memory_space<semaphore_mem>>)
    %dma_start3A_33 = arith.constant 3 : i32
    %dma_start3A_34 = arith.constant 0 : i32
    %dma_start3A_35 = tpu.memref_slice %arg7[%dma_start3A_33, %dma_start3A_34] : memref<79x128xi32, #tpu.memory_space<vmem>> -> memref<1x128xi32, #tpu.memory_space<vmem>>
    %dma_start3A_36 = tpu.memref_squeeze %dma_start3A_35 : memref<1x128xi32, #tpu.memory_space<vmem>> -> memref<128xi32, #tpu.memory_space<vmem>>
    %dma_start3A_37 = arith.constant 0 : i32
    %dma_start3A_38 = arith.constant 0 : i32
    %dma_start3A_39 = tpu.memref_slice %arg2[%dma_start3A_37, %dma_start3A_38] : memref<10240x16xf32, #tpu.memory_space<hbm>> -> memref<10240x16xf32, #tpu.memory_space<hbm>>
    tpu.enqueue_indirect_dma source(%dma_start3A_39 : memref<10240x16xf32, #tpu.memory_space<hbm>>) target(%arg12 : memref<128x16xf32, #tpu.memory_space<vmem>>) offsets(%dma_start3A_36 : memref<128xi32, #tpu.memory_space<vmem>>) semaphore(%arg21 : memref<!tpu.dma_semaphore, #tpu.memory_space<semaphore_mem>>)
    %dma_start3A_40 = arith.constant 4 : i32
    %dma_start3A_41 = arith.constant 0 : i32
    %dma_start3A_42 = tpu.memref_slice %arg7[%dma_start3A_40, %dma_start3A_41] : memref<79x128xi32, #tpu.memory_space<vmem>> -> memref<1x128xi32, #tpu.memory_space<vmem>>
    %dma_start3A_43 = tpu.memref_squeeze %dma_start3A_42 : memref<1x128xi32, #tpu.memory_space<vmem>> -> memref<128xi32, #tpu.memory_space<vmem>>
    %dma_start3A_44 = arith.constant 0 : i32
    %dma_start3A_45 = arith.constant 0 : i32
    %dma_start3A_46 = tpu.memref_slice %arg2[%dma_start3A_44, %dma_start3A_45] : memref<10240x16xf32, #tpu.memory_space<hbm>> -> memref<10240x16xf32, #tpu.memory_space<hbm>>
    tpu.enqueue_indirect_dma source(%dma_start3A_46 : memref<10240x16xf32, #tpu.memory_space<hbm>>) target(%arg13 : memref<128x16xf32, #tpu.memory_space<vmem>>) offsets(%dma_start3A_43 : memref<128xi32, #tpu.memory_space<vmem>>) semaphore(%arg22 : memref<!tpu.dma_semaphore, #tpu.memory_space<semaphore_mem>>)
    %dma_wait3A = arith.constant 0 : i32
    %dma_wait3A_47 = arith.constant 0 : i32
    %dma_wait3A_48 = tpu.memref_slice %arg7[%dma_wait3A, %dma_wait3A_47] : memref<79x128xi32, #tpu.memory_space<vmem>> -> memref<1x128xi32, #tpu.memory_space<vmem>>
    %dma_wait3A_49 = tpu.memref_squeeze %dma_wait3A_48 : memref<1x128xi32, #tpu.memory_space<vmem>> -> memref<128xi32, #tpu.memory_space<vmem>>
    %dma_wait3A_50 = arith.constant 0 : i32
    %dma_wait3A_51 = arith.constant 0 : i32
    %dma_wait3A_52 = tpu.memref_slice %arg2[%dma_wait3A_50, %dma_wait3A_51] : memref<10240x16xf32, #tpu.memory_space<hbm>> -> memref<10240x16xf32, #tpu.memory_space<hbm>>
    tpu.wait_indirect_dma semaphore(%arg18 : memref<!tpu.dma_semaphore, #tpu.memory_space<semaphore_mem>>) src(%dma_wait3A_52 : memref<10240x16xf32, #tpu.memory_space<hbm>>) dst(%arg9 : memref<128x16xf32, #tpu.memory_space<vmem>>)
    %dma_start3A_53 = arith.constant 0 : i32
    %dma_start3A_54 = arith.constant 0 : i32
    %dma_start3A_55 = tpu.memref_slice %arg8[%dma_start3A_53, %dma_start3A_54] : memref<79x128xi32, #tpu.memory_space<vmem>> -> memref<1x128xi32, #tpu.memory_space<vmem>>
    %dma_start3A_56 = tpu.memref_squeeze %dma_start3A_55 : memref<1x128xi32, #tpu.memory_space<vmem>> -> memref<128xi32, #tpu.memory_space<vmem>>
    %dma_start3A_57 = arith.constant 0 : i32
    %dma_start3A_58 = arith.constant 0 : i32
    %dma_start3A_59 = tpu.memref_slice %arg6[%dma_start3A_57, %dma_start3A_58] : memref<10240x16xf32, #tpu.memory_space<vmem_shared>> -> memref<10240x16xf32, #tpu.memory_space<vmem_shared>>
    tpu.enqueue_indirect_dma source(%arg9 : memref<128x16xf32, #tpu.memory_space<vmem>>) target(%dma_start3A_59 : memref<10240x16xf32, #tpu.memory_space<vmem_shared>>) offsets(%dma_start3A_56 : memref<128xi32, #tpu.memory_space<vmem>>) semaphore(%arg26 : memref<!tpu.dma_semaphore, #tpu.memory_space<semaphore_mem>>) {add = true}
    %dma_start3A_60 = arith.constant 5 : i32
    %dma_start3A_61 = arith.constant 0 : i32
    %dma_start3A_62 = tpu.memref_slice %arg7[%dma_start3A_60, %dma_start3A_61] : memref<79x128xi32, #tpu.memory_space<vmem>> -> memref<1x128xi32, #tpu.memory_space<vmem>>
    %dma_start3A_63 = tpu.memref_squeeze %dma_start3A_62 : memref<1x128xi32, #tpu.memory_space<vmem>> -> memref<128xi32, #tpu.memory_space<vmem>>
    %dma_start3A_64 = arith.constant 0 : i32
    %dma_start3A_65 = arith.constant 0 : i32
    %dma_start3A_66 = tpu.memref_slice %arg2[%dma_start3A_64, %dma_start3A_65] : memref<10240x16xf32, #tpu.memory_space<hbm>> -> memref<10240x16xf32, #tpu.memory_space<hbm>>
    tpu.enqueue_indirect_dma source(%dma_start3A_66 : memref<10240x16xf32, #tpu.memory_space<hbm>>) target(%arg14 : memref<128x16xf32, #tpu.memory_space<vmem>>) offsets(%dma_start3A_63 : memref<128xi32, #tpu.memory_space<vmem>>) semaphore(%arg23 : memref<!tpu.dma_semaphore, #tpu.memory_space<semaphore_mem>>)
    %dma_wait3A_67 = arith.constant 0 : i32
    %dma_wait3A_68 = arith.constant 0 : i32
    %dma_wait3A_69 = tpu.memref_slice %arg7[%dma_wait3A_67, %dma_wait3A_68] : memref<79x128xi32, #tpu.memory_space<vmem>> -> memref<1x128xi32, #tpu.memory_space<vmem>>
    %dma_wait3A_70 = tpu.memref_squeeze %dma_wait3A_69 : memref<1x128xi32, #tpu.memory_space<vmem>> -> memref<128xi32, #tpu.memory_space<vmem>>
    %dma_wait3A_71 = arith.constant 0 : i32
    %dma_wait3A_72 = arith.constant 0 : i32
    %dma_wait3A_73 = tpu.memref_slice %arg2[%dma_wait3A_71, %dma_wait3A_72] : memref<10240x16xf32, #tpu.memory_space<hbm>> -> memref<10240x16xf32, #tpu.memory_space<hbm>>
    tpu.wait_indirect_dma semaphore(%arg19 : memref<!tpu.dma_semaphore, #tpu.memory_space<semaphore_mem>>) src(%dma_wait3A_73 : memref<10240x16xf32, #tpu.memory_space<hbm>>) dst(%arg10 : memref<128x16xf32, #tpu.memory_space<vmem>>)
    %dma_start3A_74 = arith.constant 1 : i32
    %dma_start3A_75 = arith.constant 0 : i32
    %dma_start3A_76 = tpu.memref_slice %arg8[%dma_start3A_74, %dma_start3A_75] : memref<79x128xi32, #tpu.memory_space<vmem>> -> memref<1x128xi32, #tpu.memory_space<vmem>>
    %dma_start3A_77 = tpu.memref_squeeze %dma_start3A_76 : memref<1x128xi32, #tpu.memory_space<vmem>> -> memref<128xi32, #tpu.memory_space<vmem>>
    %dma_start3A_78 = arith.constant 0 : i32
    %dma_start3A_79 = arith.constant 0 : i32
    %dma_start3A_80 = tpu.memref_slice %arg6[%dma_start3A_78, %dma_start3A_79] : memref<10240x16xf32, #tpu.memory_space<vmem_shared>> -> memref<10240x16xf32, #tpu.memory_space<vmem_shared>>
    tpu.enqueue_indirect_dma source(%arg10 : memref<128x16xf32, #tpu.memory_space<vmem>>) target(%dma_start3A_80 : memref<10240x16xf32, #tpu.memory_space<vmem_shared>>) offsets(%dma_start3A_77 : memref<128xi32, #tpu.memory_space<vmem>>) semaphore(%arg27 : memref<!tpu.dma_semaphore, #tpu.memory_space<semaphore_mem>>) {add = true}
    %dma_start3A_81 = arith.constant 6 : i32
    %dma_start3A_82 = arith.constant 0 : i32
    %dma_start3A_83 = tpu.memref_slice %arg7[%dma_start3A_81, %dma_start3A_82] : memref<79x128xi32, #tpu.memory_space<vmem>> -> memref<1x128xi32, #tpu.memory_space<vmem>>
    %dma_start3A_84 = tpu.memref_squeeze %dma_start3A_83 : memref<1x128xi32, #tpu.memory_space<vmem>> -> memref<128xi32, #tpu.memory_space<vmem>>
    %dma_start3A_85 = arith.constant 0 : i32
    %dma_start3A_86 = arith.constant 0 : i32
    %dma_start3A_87 = tpu.memref_slice %arg2[%dma_start3A_85, %dma_start3A_86] : memref<10240x16xf32, #tpu.memory_space<hbm>> -> memref<10240x16xf32, #tpu.memory_space<hbm>>
    tpu.enqueue_indirect_dma source(%dma_start3A_87 : memref<10240x16xf32, #tpu.memory_space<hbm>>) target(%arg15 : memref<128x16xf32, #tpu.memory_space<vmem>>) offsets(%dma_start3A_84 : memref<128xi32, #tpu.memory_space<vmem>>) semaphore(%arg24 : memref<!tpu.dma_semaphore, #tpu.memory_space<semaphore_mem>>)
    %dma_wait3A_88 = arith.constant 0 : i32
    %dma_wait3A_89 = arith.constant 0 : i32
    %dma_wait3A_90 = tpu.memref_slice %arg7[%dma_wait3A_88, %dma_wait3A_89] : memref<79x128xi32, #tpu.memory_space<vmem>> -> memref<1x128xi32, #tpu.memory_space<vmem>>
    %dma_wait3A_91 = tpu.memref_squeeze %dma_wait3A_90 : memref<1x128xi32, #tpu.memory_space<vmem>> -> memref<128xi32, #tpu.memory_space<vmem>>
    %dma_wait3A_92 = arith.constant 0 : i32
    %dma_wait3A_93 = arith.constant 0 : i32
    %dma_wait3A_94 = tpu.memref_slice %arg2[%dma_wait3A_92, %dma_wait3A_93] : memref<10240x16xf32, #tpu.memory_space<hbm>> -> memref<10240x16xf32, #tpu.memory_space<hbm>>
    tpu.wait_indirect_dma semaphore(%arg20 : memref<!tpu.dma_semaphore, #tpu.memory_space<semaphore_mem>>) src(%dma_wait3A_94 : memref<10240x16xf32, #tpu.memory_space<hbm>>) dst(%arg11 : memref<128x16xf32, #tpu.memory_space<vmem>>)
    %dma_start3A_95 = arith.constant 2 : i32
    %dma_start3A_96 = arith.constant 0 : i32
    %dma_start3A_97 = tpu.memref_slice %arg8[%dma_start3A_95, %dma_start3A_96] : memref<79x128xi32, #tpu.memory_space<vmem>> -> memref<1x128xi32, #tpu.memory_space<vmem>>
    %dma_start3A_98 = tpu.memref_squeeze %dma_start3A_97 : memref<1x128xi32, #tpu.memory_space<vmem>> -> memref<128xi32, #tpu.memory_space<vmem>>
    %dma_start3A_99 = arith.constant 0 : i32
    %dma_start3A_100 = arith.constant 0 : i32
    %dma_start3A_101 = tpu.memref_slice %arg6[%dma_start3A_99, %dma_start3A_100] : memref<10240x16xf32, #tpu.memory_space<vmem_shared>> -> memref<10240x16xf32, #tpu.memory_space<vmem_shared>>
    tpu.enqueue_indirect_dma source(%arg11 : memref<128x16xf32, #tpu.memory_space<vmem>>) target(%dma_start3A_101 : memref<10240x16xf32, #tpu.memory_space<vmem_shared>>) offsets(%dma_start3A_98 : memref<128xi32, #tpu.memory_space<vmem>>) semaphore(%arg28 : memref<!tpu.dma_semaphore, #tpu.memory_space<semaphore_mem>>) {add = true}
    %dma_start3A_102 = arith.constant 7 : i32
    %dma_start3A_103 = arith.constant 0 : i32
    %dma_start3A_104 = tpu.memref_slice %arg7[%dma_start3A_102, %dma_start3A_103] : memref<79x128xi32, #tpu.memory_space<vmem>> -> memref<1x128xi32, #tpu.memory_space<vmem>>
    %dma_start3A_105 = tpu.memref_squeeze %dma_start3A_104 : memref<1x128xi32, #tpu.memory_space<vmem>> -> memref<128xi32, #tpu.memory_space<vmem>>
    %dma_start3A_106 = arith.constant 0 : i32
    %dma_start3A_107 = arith.constant 0 : i32
    %dma_start3A_108 = tpu.memref_slice %arg2[%dma_start3A_106, %dma_start3A_107] : memref<10240x16xf32, #tpu.memory_space<hbm>> -> memref<10240x16xf32, #tpu.memory_space<hbm>>
    tpu.enqueue_indirect_dma source(%dma_start3A_108 : memref<10240x16xf32, #tpu.memory_space<hbm>>) target(%arg16 : memref<128x16xf32, #tpu.memory_space<vmem>>) offsets(%dma_start3A_105 : memref<128xi32, #tpu.memory_space<vmem>>) semaphore(%arg25 : memref<!tpu.dma_semaphore, #tpu.memory_space<semaphore_mem>>)
    %dma_wait3A_109 = arith.constant 0 : i32
    %dma_wait3A_110 = arith.constant 0 : i32
    %dma_wait3A_111 = tpu.memref_slice %arg7[%dma_wait3A_109, %dma_wait3A_110] : memref<79x128xi32, #tpu.memory_space<vmem>> -> memref<1x128xi32, #tpu.memory_space<vmem>>
    %dma_wait3A_112 = tpu.memref_squeeze %dma_wait3A_111 : memref<1x128xi32, #tpu.memory_space<vmem>> -> memref<128xi32, #tpu.memory_space<vmem>>
    %dma_wait3A_113 = arith.constant 0 : i32
    %dma_wait3A_114 = arith.constant 0 : i32
    %dma_wait3A_115 = tpu.memref_slice %arg2[%dma_wait3A_113, %dma_wait3A_114] : memref<10240x16xf32, #tpu.memory_space<hbm>> -> memref<10240x16xf32, #tpu.memory_space<hbm>>
    tpu.wait_indirect_dma semaphore(%arg21 : memref<!tpu.dma_semaphore, #tpu.memory_space<semaphore_mem>>) src(%dma_wait3A_115 : memref<10240x16xf32, #tpu.memory_space<hbm>>) dst(%arg12 : memref<128x16xf32, #tpu.memory_space<vmem>>)
    %dma_start3A_116 = arith.constant 3 : i32
    %dma_start3A_117 = arith.constant 0 : i32
    %dma_start3A_118 = tpu.memref_slice %arg8[%dma_start3A_116, %dma_start3A_117] : memref<79x128xi32, #tpu.memory_space<vmem>> -> memref<1x128xi32, #tpu.memory_space<vmem>>
    %dma_start3A_119 = tpu.memref_squeeze %dma_start3A_118 : memref<1x128xi32, #tpu.memory_space<vmem>> -> memref<128xi32, #tpu.memory_space<vmem>>
    %dma_start3A_120 = arith.constant 0 : i32
    %dma_start3A_121 = arith.constant 0 : i32
    %dma_start3A_122 = tpu.memref_slice %arg6[%dma_start3A_120, %dma_start3A_121] : memref<10240x16xf32, #tpu.memory_space<vmem_shared>> -> memref<10240x16xf32, #tpu.memory_space<vmem_shared>>
    tpu.enqueue_indirect_dma source(%arg12 : memref<128x16xf32, #tpu.memory_space<vmem>>) target(%dma_start3A_122 : memref<10240x16xf32, #tpu.memory_space<vmem_shared>>) offsets(%dma_start3A_119 : memref<128xi32, #tpu.memory_space<vmem>>) semaphore(%arg29 : memref<!tpu.dma_semaphore, #tpu.memory_space<semaphore_mem>>) {add = true}
    %dma_wait3A_123 = arith.constant 0 : i32
    %dma_wait3A_124 = arith.constant 0 : i32
    %dma_wait3A_125 = tpu.memref_slice %arg8[%dma_wait3A_123, %dma_wait3A_124] : memref<79x128xi32, #tpu.memory_space<vmem>> -> memref<1x128xi32, #tpu.memory_space<vmem>>
    %dma_wait3A_126 = tpu.memref_squeeze %dma_wait3A_125 : memref<1x128xi32, #tpu.memory_space<vmem>> -> memref<128xi32, #tpu.memory_space<vmem>>
    %dma_wait3A_127 = arith.constant 0 : i32
    %dma_wait3A_128 = arith.constant 0 : i32
    %dma_wait3A_129 = tpu.memref_slice %arg6[%dma_wait3A_127, %dma_wait3A_128] : memref<10240x16xf32, #tpu.memory_space<vmem_shared>> -> memref<10240x16xf32, #tpu.memory_space<vmem_shared>>
    tpu.wait_indirect_dma semaphore(%arg26 : memref<!tpu.dma_semaphore, #tpu.memory_space<semaphore_mem>>) src(%arg9 : memref<128x16xf32, #tpu.memory_space<vmem>>) dst(%dma_wait3A_129 : memref<10240x16xf32, #tpu.memory_space<vmem_shared>>)
    %dma_start3A_130 = arith.constant 8 : i32
    %dma_start3A_131 = arith.constant 0 : i32
    %dma_start3A_132 = tpu.memref_slice %arg7[%dma_start3A_130, %dma_start3A_131] : memref<79x128xi32, #tpu.memory_space<vmem>> -> memref<1x128xi32, #tpu.memory_space<vmem>>
    %dma_start3A_133 = tpu.memref_squeeze %dma_start3A_132 : memref<1x128xi32, #tpu.memory_space<vmem>> -> memref<128xi32, #tpu.memory_space<vmem>>
    %dma_start3A_134 = arith.constant 0 : i32
    %dma_start3A_135 = arith.constant 0 : i32
    %dma_start3A_136 = tpu.memref_slice %arg2[%dma_start3A_134, %dma_start3A_135] : memref<10240x16xf32, #tpu.memory_space<hbm>> -> memref<10240x16xf32, #tpu.memory_space<hbm>>
    tpu.enqueue_indirect_dma source(%dma_start3A_136 : memref<10240x16xf32, #tpu.memory_space<hbm>>) target(%arg9 : memref<128x16xf32, #tpu.memory_space<vmem>>) offsets(%dma_start3A_133 : memref<128xi32, #tpu.memory_space<vmem>>) semaphore(%arg18 : memref<!tpu.dma_semaphore, #tpu.memory_space<semaphore_mem>>)
    %dma_wait3A_137 = arith.constant 0 : i32
    %dma_wait3A_138 = arith.constant 0 : i32
    %dma_wait3A_139 = tpu.memref_slice %arg7[%dma_wait3A_137, %dma_wait3A_138] : memref<79x128xi32, #tpu.memory_space<vmem>> -> memref<1x128xi32, #tpu.memory_space<vmem>>
    %dma_wait3A_140 = tpu.memref_squeeze %dma_wait3A_139 : memref<1x128xi32, #tpu.memory_space<vmem>> -> memref<128xi32, #tpu.memory_space<vmem>>
    %dma_wait3A_141 = arith.constant 0 : i32
    %dma_wait3A_142 = arith.constant 0 : i32
    %dma_wait3A_143 = tpu.memref_slice %arg2[%dma_wait3A_141, %dma_wait3A_142] : memref<10240x16xf32, #tpu.memory_space<hbm>> -> memref<10240x16xf32, #tpu.memory_space<hbm>>
    tpu.wait_indirect_dma semaphore(%arg22 : memref<!tpu.dma_semaphore, #tpu.memory_space<semaphore_mem>>) src(%dma_wait3A_143 : memref<10240x16xf32, #tpu.memory_space<hbm>>) dst(%arg13 : memref<128x16xf32, #tpu.memory_space<vmem>>)
    %dma_start3A_144 = arith.constant 4 : i32
    %dma_start3A_145 = arith.constant 0 : i32
    %dma_start3A_146 = tpu.memref_slice %arg8[%dma_start3A_144, %dma_start3A_145] : memref<79x128xi32, #tpu.memory_space<vmem>> -> memref<1x128xi32, #tpu.memory_space<vmem>>
    %dma_start3A_147 = tpu.memref_squeeze %dma_start3A_146 : memref<1x128xi32, #tpu.memory_space<vmem>> -> memref<128xi32, #tpu.memory_space<vmem>>
    %dma_start3A_148 = arith.constant 0 : i32
    %dma_start3A_149 = arith.constant 0 : i32
    %dma_start3A_150 = tpu.memref_slice %arg6[%dma_start3A_148, %dma_start3A_149] : memref<10240x16xf32, #tpu.memory_space<vmem_shared>> -> memref<10240x16xf32, #tpu.memory_space<vmem_shared>>
    tpu.enqueue_indirect_dma source(%arg13 : memref<128x16xf32, #tpu.memory_space<vmem>>) target(%dma_start3A_150 : memref<10240x16xf32, #tpu.memory_space<vmem_shared>>) offsets(%dma_start3A_147 : memref<128xi32, #tpu.memory_space<vmem>>) semaphore(%arg30 : memref<!tpu.dma_semaphore, #tpu.memory_space<semaphore_mem>>) {add = true}
    %dma_wait3A_151 = arith.constant 0 : i32
    %dma_wait3A_152 = arith.constant 0 : i32
    %dma_wait3A_153 = tpu.memref_slice %arg8[%dma_wait3A_151, %dma_wait3A_152] : memref<79x128xi32, #tpu.memory_space<vmem>> -> memref<1x128xi32, #tpu.memory_space<vmem>>
    %dma_wait3A_154 = tpu.memref_squeeze %dma_wait3A_153 : memref<1x128xi32, #tpu.memory_space<vmem>> -> memref<128xi32, #tpu.memory_space<vmem>>
    %dma_wait3A_155 = arith.constant 0 : i32
    %dma_wait3A_156 = arith.constant 0 : i32
    %dma_wait3A_157 = tpu.memref_slice %arg6[%dma_wait3A_155, %dma_wait3A_156] : memref<10240x16xf32, #tpu.memory_space<vmem_shared>> -> memref<10240x16xf32, #tpu.memory_space<vmem_shared>>
    tpu.wait_indirect_dma semaphore(%arg27 : memref<!tpu.dma_semaphore, #tpu.memory_space<semaphore_mem>>) src(%arg10 : memref<128x16xf32, #tpu.memory_space<vmem>>) dst(%dma_wait3A_157 : memref<10240x16xf32, #tpu.memory_space<vmem_shared>>)
    %dma_start3A_158 = arith.constant 9 : i32
    %dma_start3A_159 = arith.constant 0 : i32
    %dma_start3A_160 = tpu.memref_slice %arg7[%dma_start3A_158, %dma_start3A_159] : memref<79x128xi32, #tpu.memory_space<vmem>> -> memref<1x128xi32, #tpu.memory_space<vmem>>
    %dma_start3A_161 = tpu.memref_squeeze %dma_start3A_160 : memref<1x128xi32, #tpu.memory_space<vmem>> -> memref<128xi32, #tpu.memory_space<vmem>>
    %dma_start3A_162 = arith.constant 0 : i32
    %dma_start3A_163 = arith.constant 0 : i32
    %dma_start3A_164 = tpu.memref_slice %arg2[%dma_start3A_162, %dma_start3A_163] : memref<10240x16xf32, #tpu.memory_space<hbm>> -> memref<10240x16xf32, #tpu.memory_space<hbm>>
    tpu.enqueue_indirect_dma source(%dma_start3A_164 : memref<10240x16xf32, #tpu.memory_space<hbm>>) target(%arg10 : memref<128x16xf32, #tpu.memory_space<vmem>>) offsets(%dma_start3A_161 : memref<128xi32, #tpu.memory_space<vmem>>) semaphore(%arg19 : memref<!tpu.dma_semaphore, #tpu.memory_space<semaphore_mem>>)
    %dma_wait3A_165 = arith.constant 0 : i32
    %dma_wait3A_166 = arith.constant 0 : i32
    %dma_wait3A_167 = tpu.memref_slice %arg7[%dma_wait3A_165, %dma_wait3A_166] : memref<79x128xi32, #tpu.memory_space<vmem>> -> memref<1x128xi32, #tpu.memory_space<vmem>>
    %dma_wait3A_168 = tpu.memref_squeeze %dma_wait3A_167 : memref<1x128xi32, #tpu.memory_space<vmem>> -> memref<128xi32, #tpu.memory_space<vmem>>
    %dma_wait3A_169 = arith.constant 0 : i32
    %dma_wait3A_170 = arith.constant 0 : i32
    %dma_wait3A_171 = tpu.memref_slice %arg2[%dma_wait3A_169, %dma_wait3A_170] : memref<10240x16xf32, #tpu.memory_space<hbm>> -> memref<10240x16xf32, #tpu.memory_space<hbm>>
    tpu.wait_indirect_dma semaphore(%arg23 : memref<!tpu.dma_semaphore, #tpu.memory_space<semaphore_mem>>) src(%dma_wait3A_171 : memref<10240x16xf32, #tpu.memory_space<hbm>>) dst(%arg14 : memref<128x16xf32, #tpu.memory_space<vmem>>)
    %dma_start3A_172 = arith.constant 5 : i32
    %dma_start3A_173 = arith.constant 0 : i32
    %dma_start3A_174 = tpu.memref_slice %arg8[%dma_start3A_172, %dma_start3A_173] : memref<79x128xi32, #tpu.memory_space<vmem>> -> memref<1x128xi32, #tpu.memory_space<vmem>>
    %dma_start3A_175 = tpu.memref_squeeze %dma_start3A_174 : memref<1x128xi32, #tpu.memory_space<vmem>> -> memref<128xi32, #tpu.memory_space<vmem>>
    %dma_start3A_176 = arith.constant 0 : i32
    %dma_start3A_177 = arith.constant 0 : i32
    %dma_start3A_178 = tpu.memref_slice %arg6[%dma_start3A_176, %dma_start3A_177] : memref<10240x16xf32, #tpu.memory_space<vmem_shared>> -> memref<10240x16xf32, #tpu.memory_space<vmem_shared>>
    tpu.enqueue_indirect_dma source(%arg14 : memref<128x16xf32, #tpu.memory_space<vmem>>) target(%dma_start3A_178 : memref<10240x16xf32, #tpu.memory_space<vmem_shared>>) offsets(%dma_start3A_175 : memref<128xi32, #tpu.memory_space<vmem>>) semaphore(%arg31 : memref<!tpu.dma_semaphore, #tpu.memory_space<semaphore_mem>>) {add = true}
    %dma_wait3A_179 = arith.constant 0 : i32
    %dma_wait3A_180 = arith.constant 0 : i32
    %dma_wait3A_181 = tpu.memref_slice %arg8[%dma_wait3A_179, %dma_wait3A_180] : memref<79x128xi32, #tpu.memory_space<vmem>> -> memref<1x128xi32, #tpu.memory_space<vmem>>
    %dma_wait3A_182 = tpu.memref_squeeze %dma_wait3A_181 : memref<1x128xi32, #tpu.memory_space<vmem>> -> memref<128xi32, #tpu.memory_space<vmem>>
    %dma_wait3A_183 = arith.constant 0 : i32
    %dma_wait3A_184 = arith.constant 0 : i32
    %dma_wait3A_185 = tpu.memref_slice %arg6[%dma_wait3A_183, %dma_wait3A_184] : memref<10240x16xf32, #tpu.memory_space<vmem_shared>> -> memref<10240x16xf32, #tpu.memory_space<vmem_shared>>
    tpu.wait_indirect_dma semaphore(%arg28 : memref<!tpu.dma_semaphore, #tpu.memory_space<semaphore_mem>>) src(%arg11 : memref<128x16xf32, #tpu.memory_space<vmem>>) dst(%dma_wait3A_185 : memref<10240x16xf32, #tpu.memory_space<vmem_shared>>)
    %dma_start3A_186 = arith.constant 10 : i32
    %dma_start3A_187 = arith.constant 0 : i32
    %dma_start3A_188 = tpu.memref_slice %arg7[%dma_start3A_186, %dma_start3A_187] : memref<79x128xi32, #tpu.memory_space<vmem>> -> memref<1x128xi32, #tpu.memory_space<vmem>>
    %dma_start3A_189 = tpu.memref_squeeze %dma_start3A_188 : memref<1x128xi32, #tpu.memory_space<vmem>> -> memref<128xi32, #tpu.memory_space<vmem>>
    %dma_start3A_190 = arith.constant 0 : i32
    %dma_start3A_191 = arith.constant 0 : i32
    %dma_start3A_192 = tpu.memref_slice %arg2[%dma_start3A_190, %dma_start3A_191] : memref<10240x16xf32, #tpu.memory_space<hbm>> -> memref<10240x16xf32, #tpu.memory_space<hbm>>
    tpu.enqueue_indirect_dma source(%dma_start3A_192 : memref<10240x16xf32, #tpu.memory_space<hbm>>) target(%arg11 : memref<128x16xf32, #tpu.memory_space<vmem>>) offsets(%dma_start3A_189 : memref<128xi32, #tpu.memory_space<vmem>>) semaphore(%arg20 : memref<!tpu.dma_semaphore, #tpu.memory_space<semaphore_mem>>)
    %dma_wait3A_193 = arith.constant 0 : i32
    %dma_wait3A_194 = arith.constant 0 : i32
    %dma_wait3A_195 = tpu.memref_slice %arg7[%dma_wait3A_193, %dma_wait3A_194] : memref<79x128xi32, #tpu.memory_space<vmem>> -> memref<1x128xi32, #tpu.memory_space<vmem>>
    %dma_wait3A_196 = tpu.memref_squeeze %dma_wait3A_195 : memref<1x128xi32, #tpu.memory_space<vmem>> -> memref<128xi32, #tpu.memory_space<vmem>>
    %dma_wait3A_197 = arith.constant 0 : i32
    %dma_wait3A_198 = arith.constant 0 : i32
    %dma_wait3A_199 = tpu.memref_slice %arg2[%dma_wait3A_197, %dma_wait3A_198] : memref<10240x16xf32, #tpu.memory_space<hbm>> -> memref<10240x16xf32, #tpu.memory_space<hbm>>
    tpu.wait_indirect_dma semaphore(%arg24 : memref<!tpu.dma_semaphore, #tpu.memory_space<semaphore_mem>>) src(%dma_wait3A_199 : memref<10240x16xf32, #tpu.memory_space<hbm>>) dst(%arg15 : memref<128x16xf32, #tpu.memory_space<vmem>>)
    %dma_start3A_200 = arith.constant 6 : i32
    %dma_start3A_201 = arith.constant 0 : i32
    %dma_start3A_202 = tpu.memref_slice %arg8[%dma_start3A_200, %dma_start3A_201] : memref<79x128xi32, #tpu.memory_space<vmem>> -> memref<1x128xi32, #tpu.memory_space<vmem>>
    %dma_start3A_203 = tpu.memref_squeeze %dma_start3A_202 : memref<1x128xi32, #tpu.memory_space<vmem>> -> memref<128xi32, #tpu.memory_space<vmem>>
    %dma_start3A_204 = arith.constant 0 : i32
    %dma_start3A_205 = arith.constant 0 : i32
    %dma_start3A_206 = tpu.memref_slice %arg6[%dma_start3A_204, %dma_start3A_205] : memref<10240x16xf32, #tpu.memory_space<vmem_shared>> -> memref<10240x16xf32, #tpu.memory_space<vmem_shared>>
    tpu.enqueue_indirect_dma source(%arg15 : memref<128x16xf32, #tpu.memory_space<vmem>>) target(%dma_start3A_206 : memref<10240x16xf32, #tpu.memory_space<vmem_shared>>) offsets(%dma_start3A_203 : memref<128xi32, #tpu.memory_space<vmem>>) semaphore(%arg32 : memref<!tpu.dma_semaphore, #tpu.memory_space<semaphore_mem>>) {add = true}
    %dma_wait3A_207 = arith.constant 0 : i32
    %dma_wait3A_208 = arith.constant 0 : i32
    %dma_wait3A_209 = tpu.memref_slice %arg8[%dma_wait3A_207, %dma_wait3A_208] : memref<79x128xi32, #tpu.memory_space<vmem>> -> memref<1x128xi32, #tpu.memory_space<vmem>>
    %dma_wait3A_210 = tpu.memref_squeeze %dma_wait3A_209 : memref<1x128xi32, #tpu.memory_space<vmem>> -> memref<128xi32, #tpu.memory_space<vmem>>
    %dma_wait3A_211 = arith.constant 0 : i32
    %dma_wait3A_212 = arith.constant 0 : i32
    %dma_wait3A_213 = tpu.memref_slice %arg6[%dma_wait3A_211, %dma_wait3A_212] : memref<10240x16xf32, #tpu.memory_space<vmem_shared>> -> memref<10240x16xf32, #tpu.memory_space<vmem_shared>>
    tpu.wait_indirect_dma semaphore(%arg29 : memref<!tpu.dma_semaphore, #tpu.memory_space<semaphore_mem>>) src(%arg12 : memref<128x16xf32, #tpu.memory_space<vmem>>) dst(%dma_wait3A_213 : memref<10240x16xf32, #tpu.memory_space<vmem_shared>>)
    %dma_start3A_214 = arith.constant 11 : i32
    %dma_start3A_215 = arith.constant 0 : i32
    %dma_start3A_216 = tpu.memref_slice %arg7[%dma_start3A_214, %dma_start3A_215] : memref<79x128xi32, #tpu.memory_space<vmem>> -> memref<1x128xi32, #tpu.memory_space<vmem>>
    %dma_start3A_217 = tpu.memref_squeeze %dma_start3A_216 : memref<1x128xi32, #tpu.memory_space<vmem>> -> memref<128xi32, #tpu.memory_space<vmem>>
    %dma_start3A_218 = arith.constant 0 : i32
    %dma_start3A_219 = arith.constant 0 : i32
    %dma_start3A_220 = tpu.memref_slice %arg2[%dma_start3A_218, %dma_start3A_219] : memref<10240x16xf32, #tpu.memory_space<hbm>> -> memref<10240x16xf32, #tpu.memory_space<hbm>>
    tpu.enqueue_indirect_dma source(%dma_start3A_220 : memref<10240x16xf32, #tpu.memory_space<hbm>>) target(%arg12 : memref<128x16xf32, #tpu.memory_space<vmem>>) offsets(%dma_start3A_217 : memref<128xi32, #tpu.memory_space<vmem>>) semaphore(%arg21 : memref<!tpu.dma_semaphore, #tpu.memory_space<semaphore_mem>>)
    %dma_wait3A_221 = arith.constant 0 : i32
    %dma_wait3A_222 = arith.constant 0 : i32
    %dma_wait3A_223 = tpu.memref_slice %arg7[%dma_wait3A_221, %dma_wait3A_222] : memref<79x128xi32, #tpu.memory_space<vmem>> -> memref<1x128xi32, #tpu.memory_space<vmem>>
    %dma_wait3A_224 = tpu.memref_squeeze %dma_wait3A_223 : memref<1x128xi32, #tpu.memory_space<vmem>> -> memref<128xi32, #tpu.memory_space<vmem>>
    %dma_wait3A_225 = arith.constant 0 : i32
    %dma_wait3A_226 = arith.constant 0 : i32
    %dma_wait3A_227 = tpu.memref_slice %arg2[%dma_wait3A_225, %dma_wait3A_226] : memref<10240x16xf32, #tpu.memory_space<hbm>> -> memref<10240x16xf32, #tpu.memory_space<hbm>>
    tpu.wait_indirect_dma semaphore(%arg25 : memref<!tpu.dma_semaphore, #tpu.memory_space<semaphore_mem>>) src(%dma_wait3A_227 : memref<10240x16xf32, #tpu.memory_space<hbm>>) dst(%arg16 : memref<128x16xf32, #tpu.memory_space<vmem>>)
    %dma_start3A_228 = arith.constant 7 : i32
    %dma_start3A_229 = arith.constant 0 : i32
    %dma_start3A_230 = tpu.memref_slice %arg8[%dma_start3A_228, %dma_start3A_229] : memref<79x128xi32, #tpu.memory_space<vmem>> -> memref<1x128xi32, #tpu.memory_space<vmem>>
    %dma_start3A_231 = tpu.memref_squeeze %dma_start3A_230 : memref<1x128xi32, #tpu.memory_space<vmem>> -> memref<128xi32, #tpu.memory_space<vmem>>
    %dma_start3A_232 = arith.constant 0 : i32
    %dma_start3A_233 = arith.constant 0 : i32
    %dma_start3A_234 = tpu.memref_slice %arg6[%dma_start3A_232, %dma_start3A_233] : memref<10240x16xf32, #tpu.memory_space<vmem_shared>> -> memref<10240x16xf32, #tpu.memory_space<vmem_shared>>
    tpu.enqueue_indirect_dma source(%arg16 : memref<128x16xf32, #tpu.memory_space<vmem>>) target(%dma_start3A_234 : memref<10240x16xf32, #tpu.memory_space<vmem_shared>>) offsets(%dma_start3A_231 : memref<128xi32, #tpu.memory_space<vmem>>) semaphore(%arg33 : memref<!tpu.dma_semaphore, #tpu.memory_space<semaphore_mem>>) {add = true}
    %dma_wait3A_235 = arith.constant 0 : i32
    %dma_wait3A_236 = arith.constant 0 : i32
    %dma_wait3A_237 = tpu.memref_slice %arg8[%dma_wait3A_235, %dma_wait3A_236] : memref<79x128xi32, #tpu.memory_space<vmem>> -> memref<1x128xi32, #tpu.memory_space<vmem>>
    %dma_wait3A_238 = tpu.memref_squeeze %dma_wait3A_237 : memref<1x128xi32, #tpu.memory_space<vmem>> -> memref<128xi32, #tpu.memory_space<vmem>>
    %dma_wait3A_239 = arith.constant 0 : i32
    %dma_wait3A_240 = arith.constant 0 : i32
    %dma_wait3A_241 = tpu.memref_slice %arg6[%dma_wait3A_239, %dma_wait3A_240] : memref<10240x16xf32, #tpu.memory_space<vmem_shared>> -> memref<10240x16xf32, #tpu.memory_space<vmem_shared>>
    tpu.wait_indirect_dma semaphore(%arg30 : memref<!tpu.dma_semaphore, #tpu.memory_space<semaphore_mem>>) src(%arg13 : memref<128x16xf32, #tpu.memory_space<vmem>>) dst(%dma_wait3A_241 : memref<10240x16xf32, #tpu.memory_space<vmem_shared>>)
    %dma_start3A_242 = arith.constant 12 : i32
    %dma_start3A_243 = arith.constant 0 : i32
    %dma_start3A_244 = tpu.memref_slice %arg7[%dma_start3A_242, %dma_start3A_243] : memref<79x128xi32, #tpu.memory_space<vmem>> -> memref<1x128xi32, #tpu.memory_space<vmem>>
    %dma_start3A_245 = tpu.memref_squeeze %dma_start3A_244 : memref<1x128xi32, #tpu.memory_space<vmem>> -> memref<128xi32, #tpu.memory_space<vmem>>
    %dma_start3A_246 = arith.constant 0 : i32
    %dma_start3A_247 = arith.constant 0 : i32
    %dma_start3A_248 = tpu.memref_slice %arg2[%dma_start3A_246, %dma_start3A_247] : memref<10240x16xf32, #tpu.memory_space<hbm>> -> memref<10240x16xf32, #tpu.memory_space<hbm>>
    tpu.enqueue_indirect_dma source(%dma_start3A_248 : memref<10240x16xf32, #tpu.memory_space<hbm>>) target(%arg13 : memref<128x16xf32, #tpu.memory_space<vmem>>) offsets(%dma_start3A_245 : memref<128xi32, #tpu.memory_space<vmem>>) semaphore(%arg22 : memref<!tpu.dma_semaphore, #tpu.memory_space<semaphore_mem>>)
    %scan3A_249 = arith.constant 0 : i32
    %scan3A_250 = arith.constant 1 : i32
    %scan3A_251 = arith.constant 8 : i32
    %scan3A_252 = arith.addi %scan3A_250, %scan3A_251 : i32
    %scan3A_253 = arith.constant 1 : i32
    %scan3A_254 = scf.for %scan3A_442 = %scan3A_250 to %scan3A_252 step %scan3A_253 iter_args(%scan3A_443 = %scan3A_249) -> (i32)  : i32 {
      %mul3A_444 = arith.constant 8 : i32
      %mul3A_445 = arith.muli %scan3A_442, %mul3A_444 : i32
      %add3A_446 = arith.constant 0 : i32
      %add3A_447 = arith.addi %mul3A_445, %add3A_446 : i32
      %dma_wait3A_448 = arith.constant 0 : i32
      %dma_wait3A_449 = arith.constant 0 : i32
      %dma_wait3A_450 = tpu.memref_slice %arg7[%dma_wait3A_448, %dma_wait3A_449] : memref<79x128xi32, #tpu.memory_space<vmem>> -> memref<1x128xi32, #tpu.memory_space<vmem>>
      %dma_wait3A_451 = tpu.memref_squeeze %dma_wait3A_450 : memref<1x128xi32, #tpu.memory_space<vmem>> -> memref<128xi32, #tpu.memory_space<vmem>>
      %dma_wait3A_452 = arith.constant 0 : i32
      %dma_wait3A_453 = arith.constant 0 : i32
      %dma_wait3A_454 = tpu.memref_slice %arg2[%dma_wait3A_452, %dma_wait3A_453] : memref<10240x16xf32, #tpu.memory_space<hbm>> -> memref<10240x16xf32, #tpu.memory_space<hbm>>
      tpu.wait_indirect_dma semaphore(%arg18 : memref<!tpu.dma_semaphore, #tpu.memory_space<semaphore_mem>>) src(%dma_wait3A_454 : memref<10240x16xf32, #tpu.memory_space<hbm>>) dst(%arg9 : memref<128x16xf32, #tpu.memory_space<vmem>>)
      %dma_start3A_455 = arith.constant 0 : i32
      %dma_start3A_456 = tpu.memref_slice %arg8[%add3A_447, %dma_start3A_455] : memref<79x128xi32, #tpu.memory_space<vmem>> -> memref<1x128xi32, #tpu.memory_space<vmem>>
      %dma_start3A_457 = tpu.memref_squeeze %dma_start3A_456 : memref<1x128xi32, #tpu.memory_space<vmem>> -> memref<128xi32, #tpu.memory_space<vmem>>
      %dma_start3A_458 = arith.constant 0 : i32
      %dma_start3A_459 = arith.constant 0 : i32
      %dma_start3A_460 = tpu.memref_slice %arg6[%dma_start3A_458, %dma_start3A_459] : memref<10240x16xf32, #tpu.memory_space<vmem_shared>> -> memref<10240x16xf32, #tpu.memory_space<vmem_shared>>
      tpu.enqueue_indirect_dma source(%arg9 : memref<128x16xf32, #tpu.memory_space<vmem>>) target(%dma_start3A_460 : memref<10240x16xf32, #tpu.memory_space<vmem_shared>>) offsets(%dma_start3A_457 : memref<128xi32, #tpu.memory_space<vmem>>) semaphore(%arg26 : memref<!tpu.dma_semaphore, #tpu.memory_space<semaphore_mem>>) {add = true}
      %add3A_461 = arith.constant 5 : i32
      %add3A_462 = arith.addi %add3A_447, %add3A_461 : i32
      %lt3A = arith.constant 79 : i32
      %lt3A_463 = arith.cmpi slt, %add3A_462, %lt3A : i32
      %convert_element_type3A = arith.extui %lt3A_463 : i1 to i32
      %cond3A = arith.constant 0 : i32
      %cond3A_464 = arith.cmpi ne, %convert_element_type3A, %cond3A : i32
      scf.if %cond3A_464 {
        %dma_wait3A_620 = arith.constant 0 : i32
        %dma_wait3A_621 = arith.constant 0 : i32
        %dma_wait3A_622 = tpu.memref_slice %arg8[%dma_wait3A_620, %dma_wait3A_621] : memref<79x128xi32, #tpu.memory_space<vmem>> -> memref<1x128xi32, #tpu.memory_space<vmem>>
        %dma_wait3A_623 = tpu.memref_squeeze %dma_wait3A_622 : memref<1x128xi32, #tpu.memory_space<vmem>> -> memref<128xi32, #tpu.memory_space<vmem>>
        %dma_wait3A_624 = arith.constant 0 : i32
        %dma_wait3A_625 = arith.constant 0 : i32
        %dma_wait3A_626 = tpu.memref_slice %arg6[%dma_wait3A_624, %dma_wait3A_625] : memref<10240x16xf32, #tpu.memory_space<vmem_shared>> -> memref<10240x16xf32, #tpu.memory_space<vmem_shared>>
        tpu.wait_indirect_dma semaphore(%arg31 : memref<!tpu.dma_semaphore, #tpu.memory_space<semaphore_mem>>) src(%arg14 : memref<128x16xf32, #tpu.memory_space<vmem>>) dst(%dma_wait3A_626 : memref<10240x16xf32, #tpu.memory_space<vmem_shared>>)
        %dma_start3A_627 = arith.constant 0 : i32
        %dma_start3A_628 = tpu.memref_slice %arg7[%add3A_462, %dma_start3A_627] : memref<79x128xi32, #tpu.memory_space<vmem>> -> memref<1x128xi32, #tpu.memory_space<vmem>>
        %dma_start3A_629 = tpu.memref_squeeze %dma_start3A_628 : memref<1x128xi32, #tpu.memory_space<vmem>> -> memref<128xi32, #tpu.memory_space<vmem>>
        %dma_start3A_630 = arith.constant 0 : i32
        %dma_start3A_631 = arith.constant 0 : i32
        %dma_start3A_632 = tpu.memref_slice %arg2[%dma_start3A_630, %dma_start3A_631] : memref<10240x16xf32, #tpu.memory_space<hbm>> -> memref<10240x16xf32, #tpu.memory_space<hbm>>
        tpu.enqueue_indirect_dma source(%dma_start3A_632 : memref<10240x16xf32, #tpu.memory_space<hbm>>) target(%arg14 : memref<128x16xf32, #tpu.memory_space<vmem>>) offsets(%dma_start3A_629 : memref<128xi32, #tpu.memory_space<vmem>>) semaphore(%arg23 : memref<!tpu.dma_semaphore, #tpu.memory_space<semaphore_mem>>)
      } else {
      }
      %add3A_465 = arith.constant 1 : i32
      %add3A_466 = arith.addi %mul3A_445, %add3A_465 : i32
      %dma_wait3A_467 = arith.constant 0 : i32
      %dma_wait3A_468 = arith.constant 0 : i32
      %dma_wait3A_469 = tpu.memref_slice %arg7[%dma_wait3A_467, %dma_wait3A_468] : memref<79x128xi32, #tpu.memory_space<vmem>> -> memref<1x128xi32, #tpu.memory_space<vmem>>
      %dma_wait3A_470 = tpu.memref_squeeze %dma_wait3A_469 : memref<1x128xi32, #tpu.memory_space<vmem>> -> memref<128xi32, #tpu.memory_space<vmem>>
      %dma_wait3A_471 = arith.constant 0 : i32
      %dma_wait3A_472 = arith.constant 0 : i32
      %dma_wait3A_473 = tpu.memref_slice %arg2[%dma_wait3A_471, %dma_wait3A_472] : memref<10240x16xf32, #tpu.memory_space<hbm>> -> memref<10240x16xf32, #tpu.memory_space<hbm>>
      tpu.wait_indirect_dma semaphore(%arg19 : memref<!tpu.dma_semaphore, #tpu.memory_space<semaphore_mem>>) src(%dma_wait3A_473 : memref<10240x16xf32, #tpu.memory_space<hbm>>) dst(%arg10 : memref<128x16xf32, #tpu.memory_space<vmem>>)
      %dma_start3A_474 = arith.constant 0 : i32
      %dma_start3A_475 = tpu.memref_slice %arg8[%add3A_466, %dma_start3A_474] : memref<79x128xi32, #tpu.memory_space<vmem>> -> memref<1x128xi32, #tpu.memory_space<vmem>>
      %dma_start3A_476 = tpu.memref_squeeze %dma_start3A_475 : memref<1x128xi32, #tpu.memory_space<vmem>> -> memref<128xi32, #tpu.memory_space<vmem>>
      %dma_start3A_477 = arith.constant 0 : i32
      %dma_start3A_478 = arith.constant 0 : i32
      %dma_start3A_479 = tpu.memref_slice %arg6[%dma_start3A_477, %dma_start3A_478] : memref<10240x16xf32, #tpu.memory_space<vmem_shared>> -> memref<10240x16xf32, #tpu.memory_space<vmem_shared>>
      tpu.enqueue_indirect_dma source(%arg10 : memref<128x16xf32, #tpu.memory_space<vmem>>) target(%dma_start3A_479 : memref<10240x16xf32, #tpu.memory_space<vmem_shared>>) offsets(%dma_start3A_476 : memref<128xi32, #tpu.memory_space<vmem>>) semaphore(%arg27 : memref<!tpu.dma_semaphore, #tpu.memory_space<semaphore_mem>>) {add = true}
      %add3A_480 = arith.constant 5 : i32
      %add3A_481 = arith.addi %add3A_466, %add3A_480 : i32
      %lt3A_482 = arith.constant 79 : i32
      %lt3A_483 = arith.cmpi slt, %add3A_481, %lt3A_482 : i32
      %convert_element_type3A_484 = arith.extui %lt3A_483 : i1 to i32
      %cond3A_485 = arith.constant 0 : i32
      %cond3A_486 = arith.cmpi ne, %convert_element_type3A_484, %cond3A_485 : i32
      scf.if %cond3A_486 {
        %dma_wait3A_620 = arith.constant 0 : i32
        %dma_wait3A_621 = arith.constant 0 : i32
        %dma_wait3A_622 = tpu.memref_slice %arg8[%dma_wait3A_620, %dma_wait3A_621] : memref<79x128xi32, #tpu.memory_space<vmem>> -> memref<1x128xi32, #tpu.memory_space<vmem>>
        %dma_wait3A_623 = tpu.memref_squeeze %dma_wait3A_622 : memref<1x128xi32, #tpu.memory_space<vmem>> -> memref<128xi32, #tpu.memory_space<vmem>>
        %dma_wait3A_624 = arith.constant 0 : i32
        %dma_wait3A_625 = arith.constant 0 : i32
        %dma_wait3A_626 = tpu.memref_slice %arg6[%dma_wait3A_624, %dma_wait3A_625] : memref<10240x16xf32, #tpu.memory_space<vmem_shared>> -> memref<10240x16xf32, #tpu.memory_space<vmem_shared>>
        tpu.wait_indirect_dma semaphore(%arg32 : memref<!tpu.dma_semaphore, #tpu.memory_space<semaphore_mem>>) src(%arg15 : memref<128x16xf32, #tpu.memory_space<vmem>>) dst(%dma_wait3A_626 : memref<10240x16xf32, #tpu.memory_space<vmem_shared>>)
        %dma_start3A_627 = arith.constant 0 : i32
        %dma_start3A_628 = tpu.memref_slice %arg7[%add3A_481, %dma_start3A_627] : memref<79x128xi32, #tpu.memory_space<vmem>> -> memref<1x128xi32, #tpu.memory_space<vmem>>
        %dma_start3A_629 = tpu.memref_squeeze %dma_start3A_628 : memref<1x128xi32, #tpu.memory_space<vmem>> -> memref<128xi32, #tpu.memory_space<vmem>>
        %dma_start3A_630 = arith.constant 0 : i32
        %dma_start3A_631 = arith.constant 0 : i32
        %dma_start3A_632 = tpu.memref_slice %arg2[%dma_start3A_630, %dma_start3A_631] : memref<10240x16xf32, #tpu.memory_space<hbm>> -> memref<10240x16xf32, #tpu.memory_space<hbm>>
        tpu.enqueue_indirect_dma source(%dma_start3A_632 : memref<10240x16xf32, #tpu.memory_space<hbm>>) target(%arg15 : memref<128x16xf32, #tpu.memory_space<vmem>>) offsets(%dma_start3A_629 : memref<128xi32, #tpu.memory_space<vmem>>) semaphore(%arg24 : memref<!tpu.dma_semaphore, #tpu.memory_space<semaphore_mem>>)
      } else {
      }
      %add3A_487 = arith.constant 2 : i32
      %add3A_488 = arith.addi %mul3A_445, %add3A_487 : i32
      %dma_wait3A_489 = arith.constant 0 : i32
      %dma_wait3A_490 = arith.constant 0 : i32
      %dma_wait3A_491 = tpu.memref_slice %arg7[%dma_wait3A_489, %dma_wait3A_490] : memref<79x128xi32, #tpu.memory_space<vmem>> -> memref<1x128xi32, #tpu.memory_space<vmem>>
      %dma_wait3A_492 = tpu.memref_squeeze %dma_wait3A_491 : memref<1x128xi32, #tpu.memory_space<vmem>> -> memref<128xi32, #tpu.memory_space<vmem>>
      %dma_wait3A_493 = arith.constant 0 : i32
      %dma_wait3A_494 = arith.constant 0 : i32
      %dma_wait3A_495 = tpu.memref_slice %arg2[%dma_wait3A_493, %dma_wait3A_494] : memref<10240x16xf32, #tpu.memory_space<hbm>> -> memref<10240x16xf32, #tpu.memory_space<hbm>>
      tpu.wait_indirect_dma semaphore(%arg20 : memref<!tpu.dma_semaphore, #tpu.memory_space<semaphore_mem>>) src(%dma_wait3A_495 : memref<10240x16xf32, #tpu.memory_space<hbm>>) dst(%arg11 : memref<128x16xf32, #tpu.memory_space<vmem>>)
      %dma_start3A_496 = arith.constant 0 : i32
      %dma_start3A_497 = tpu.memref_slice %arg8[%add3A_488, %dma_start3A_496] : memref<79x128xi32, #tpu.memory_space<vmem>> -> memref<1x128xi32, #tpu.memory_space<vmem>>
      %dma_start3A_498 = tpu.memref_squeeze %dma_start3A_497 : memref<1x128xi32, #tpu.memory_space<vmem>> -> memref<128xi32, #tpu.memory_space<vmem>>
      %dma_start3A_499 = arith.constant 0 : i32
      %dma_start3A_500 = arith.constant 0 : i32
      %dma_start3A_501 = tpu.memref_slice %arg6[%dma_start3A_499, %dma_start3A_500] : memref<10240x16xf32, #tpu.memory_space<vmem_shared>> -> memref<10240x16xf32, #tpu.memory_space<vmem_shared>>
      tpu.enqueue_indirect_dma source(%arg11 : memref<128x16xf32, #tpu.memory_space<vmem>>) target(%dma_start3A_501 : memref<10240x16xf32, #tpu.memory_space<vmem_shared>>) offsets(%dma_start3A_498 : memref<128xi32, #tpu.memory_space<vmem>>) semaphore(%arg28 : memref<!tpu.dma_semaphore, #tpu.memory_space<semaphore_mem>>) {add = true}
      %add3A_502 = arith.constant 5 : i32
      %add3A_503 = arith.addi %add3A_488, %add3A_502 : i32
      %lt3A_504 = arith.constant 79 : i32
      %lt3A_505 = arith.cmpi slt, %add3A_503, %lt3A_504 : i32
      %convert_element_type3A_506 = arith.extui %lt3A_505 : i1 to i32
      %cond3A_507 = arith.constant 0 : i32
      %cond3A_508 = arith.cmpi ne, %convert_element_type3A_506, %cond3A_507 : i32
      scf.if %cond3A_508 {
        %dma_wait3A_620 = arith.constant 0 : i32
        %dma_wait3A_621 = arith.constant 0 : i32
        %dma_wait3A_622 = tpu.memref_slice %arg8[%dma_wait3A_620, %dma_wait3A_621] : memref<79x128xi32, #tpu.memory_space<vmem>> -> memref<1x128xi32, #tpu.memory_space<vmem>>
        %dma_wait3A_623 = tpu.memref_squeeze %dma_wait3A_622 : memref<1x128xi32, #tpu.memory_space<vmem>> -> memref<128xi32, #tpu.memory_space<vmem>>
        %dma_wait3A_624 = arith.constant 0 : i32
        %dma_wait3A_625 = arith.constant 0 : i32
        %dma_wait3A_626 = tpu.memref_slice %arg6[%dma_wait3A_624, %dma_wait3A_625] : memref<10240x16xf32, #tpu.memory_space<vmem_shared>> -> memref<10240x16xf32, #tpu.memory_space<vmem_shared>>
        tpu.wait_indirect_dma semaphore(%arg33 : memref<!tpu.dma_semaphore, #tpu.memory_space<semaphore_mem>>) src(%arg16 : memref<128x16xf32, #tpu.memory_space<vmem>>) dst(%dma_wait3A_626 : memref<10240x16xf32, #tpu.memory_space<vmem_shared>>)
        %dma_start3A_627 = arith.constant 0 : i32
        %dma_start3A_628 = tpu.memref_slice %arg7[%add3A_503, %dma_start3A_627] : memref<79x128xi32, #tpu.memory_space<vmem>> -> memref<1x128xi32, #tpu.memory_space<vmem>>
        %dma_start3A_629 = tpu.memref_squeeze %dma_start3A_628 : memref<1x128xi32, #tpu.memory_space<vmem>> -> memref<128xi32, #tpu.memory_space<vmem>>
        %dma_start3A_630 = arith.constant 0 : i32
        %dma_start3A_631 = arith.constant 0 : i32
        %dma_start3A_632 = tpu.memref_slice %arg2[%dma_start3A_630, %dma_start3A_631] : memref<10240x16xf32, #tpu.memory_space<hbm>> -> memref<10240x16xf32, #tpu.memory_space<hbm>>
        tpu.enqueue_indirect_dma source(%dma_start3A_632 : memref<10240x16xf32, #tpu.memory_space<hbm>>) target(%arg16 : memref<128x16xf32, #tpu.memory_space<vmem>>) offsets(%dma_start3A_629 : memref<128xi32, #tpu.memory_space<vmem>>) semaphore(%arg25 : memref<!tpu.dma_semaphore, #tpu.memory_space<semaphore_mem>>)
      } else {
      }
      %add3A_509 = arith.constant 3 : i32
      %add3A_510 = arith.addi %mul3A_445, %add3A_509 : i32
      %dma_wait3A_511 = arith.constant 0 : i32
      %dma_wait3A_512 = arith.constant 0 : i32
      %dma_wait3A_513 = tpu.memref_slice %arg7[%dma_wait3A_511, %dma_wait3A_512] : memref<79x128xi32, #tpu.memory_space<vmem>> -> memref<1x128xi32, #tpu.memory_space<vmem>>
      %dma_wait3A_514 = tpu.memref_squeeze %dma_wait3A_513 : memref<1x128xi32, #tpu.memory_space<vmem>> -> memref<128xi32, #tpu.memory_space<vmem>>
      %dma_wait3A_515 = arith.constant 0 : i32
      %dma_wait3A_516 = arith.constant 0 : i32
      %dma_wait3A_517 = tpu.memref_slice %arg2[%dma_wait3A_515, %dma_wait3A_516] : memref<10240x16xf32, #tpu.memory_space<hbm>> -> memref<10240x16xf32, #tpu.memory_space<hbm>>
      tpu.wait_indirect_dma semaphore(%arg21 : memref<!tpu.dma_semaphore, #tpu.memory_space<semaphore_mem>>) src(%dma_wait3A_517 : memref<10240x16xf32, #tpu.memory_space<hbm>>) dst(%arg12 : memref<128x16xf32, #tpu.memory_space<vmem>>)
      %dma_start3A_518 = arith.constant 0 : i32
      %dma_start3A_519 = tpu.memref_slice %arg8[%add3A_510, %dma_start3A_518] : memref<79x128xi32, #tpu.memory_space<vmem>> -> memref<1x128xi32, #tpu.memory_space<vmem>>
      %dma_start3A_520 = tpu.memref_squeeze %dma_start3A_519 : memref<1x128xi32, #tpu.memory_space<vmem>> -> memref<128xi32, #tpu.memory_space<vmem>>
      %dma_start3A_521 = arith.constant 0 : i32
      %dma_start3A_522 = arith.constant 0 : i32
      %dma_start3A_523 = tpu.memref_slice %arg6[%dma_start3A_521, %dma_start3A_522] : memref<10240x16xf32, #tpu.memory_space<vmem_shared>> -> memref<10240x16xf32, #tpu.memory_space<vmem_shared>>
      tpu.enqueue_indirect_dma source(%arg12 : memref<128x16xf32, #tpu.memory_space<vmem>>) target(%dma_start3A_523 : memref<10240x16xf32, #tpu.memory_space<vmem_shared>>) offsets(%dma_start3A_520 : memref<128xi32, #tpu.memory_space<vmem>>) semaphore(%arg29 : memref<!tpu.dma_semaphore, #tpu.memory_space<semaphore_mem>>) {add = true}
      %add3A_524 = arith.constant 5 : i32
      %add3A_525 = arith.addi %add3A_510, %add3A_524 : i32
      %lt3A_526 = arith.constant 79 : i32
      %lt3A_527 = arith.cmpi slt, %add3A_525, %lt3A_526 : i32
      %convert_element_type3A_528 = arith.extui %lt3A_527 : i1 to i32
      %cond3A_529 = arith.constant 0 : i32
      %cond3A_530 = arith.cmpi ne, %convert_element_type3A_528, %cond3A_529 : i32
      scf.if %cond3A_530 {
        %dma_wait3A_620 = arith.constant 0 : i32
        %dma_wait3A_621 = arith.constant 0 : i32
        %dma_wait3A_622 = tpu.memref_slice %arg8[%dma_wait3A_620, %dma_wait3A_621] : memref<79x128xi32, #tpu.memory_space<vmem>> -> memref<1x128xi32, #tpu.memory_space<vmem>>
        %dma_wait3A_623 = tpu.memref_squeeze %dma_wait3A_622 : memref<1x128xi32, #tpu.memory_space<vmem>> -> memref<128xi32, #tpu.memory_space<vmem>>
        %dma_wait3A_624 = arith.constant 0 : i32
        %dma_wait3A_625 = arith.constant 0 : i32
        %dma_wait3A_626 = tpu.memref_slice %arg6[%dma_wait3A_624, %dma_wait3A_625] : memref<10240x16xf32, #tpu.memory_space<vmem_shared>> -> memref<10240x16xf32, #tpu.memory_space<vmem_shared>>
        tpu.wait_indirect_dma semaphore(%arg26 : memref<!tpu.dma_semaphore, #tpu.memory_space<semaphore_mem>>) src(%arg9 : memref<128x16xf32, #tpu.memory_space<vmem>>) dst(%dma_wait3A_626 : memref<10240x16xf32, #tpu.memory_space<vmem_shared>>)
        %dma_start3A_627 = arith.constant 0 : i32
        %dma_start3A_628 = tpu.memref_slice %arg7[%add3A_525, %dma_start3A_627] : memref<79x128xi32, #tpu.memory_space<vmem>> -> memref<1x128xi32, #tpu.memory_space<vmem>>
        %dma_start3A_629 = tpu.memref_squeeze %dma_start3A_628 : memref<1x128xi32, #tpu.memory_space<vmem>> -> memref<128xi32, #tpu.memory_space<vmem>>
        %dma_start3A_630 = arith.constant 0 : i32
        %dma_start3A_631 = arith.constant 0 : i32
        %dma_start3A_632 = tpu.memref_slice %arg2[%dma_start3A_630, %dma_start3A_631] : memref<10240x16xf32, #tpu.memory_space<hbm>> -> memref<10240x16xf32, #tpu.memory_space<hbm>>
        tpu.enqueue_indirect_dma source(%dma_start3A_632 : memref<10240x16xf32, #tpu.memory_space<hbm>>) target(%arg9 : memref<128x16xf32, #tpu.memory_space<vmem>>) offsets(%dma_start3A_629 : memref<128xi32, #tpu.memory_space<vmem>>) semaphore(%arg18 : memref<!tpu.dma_semaphore, #tpu.memory_space<semaphore_mem>>)
      } else {
      }
      %add3A_531 = arith.constant 4 : i32
      %add3A_532 = arith.addi %mul3A_445, %add3A_531 : i32
      %dma_wait3A_533 = arith.constant 0 : i32
      %dma_wait3A_534 = arith.constant 0 : i32
      %dma_wait3A_535 = tpu.memref_slice %arg7[%dma_wait3A_533, %dma_wait3A_534] : memref<79x128xi32, #tpu.memory_space<vmem>> -> memref<1x128xi32, #tpu.memory_space<vmem>>
      %dma_wait3A_536 = tpu.memref_squeeze %dma_wait3A_535 : memref<1x128xi32, #tpu.memory_space<vmem>> -> memref<128xi32, #tpu.memory_space<vmem>>
      %dma_wait3A_537 = arith.constant 0 : i32
      %dma_wait3A_538 = arith.constant 0 : i32
      %dma_wait3A_539 = tpu.memref_slice %arg2[%dma_wait3A_537, %dma_wait3A_538] : memref<10240x16xf32, #tpu.memory_space<hbm>> -> memref<10240x16xf32, #tpu.memory_space<hbm>>
      tpu.wait_indirect_dma semaphore(%arg22 : memref<!tpu.dma_semaphore, #tpu.memory_space<semaphore_mem>>) src(%dma_wait3A_539 : memref<10240x16xf32, #tpu.memory_space<hbm>>) dst(%arg13 : memref<128x16xf32, #tpu.memory_space<vmem>>)
      %dma_start3A_540 = arith.constant 0 : i32
      %dma_start3A_541 = tpu.memref_slice %arg8[%add3A_532, %dma_start3A_540] : memref<79x128xi32, #tpu.memory_space<vmem>> -> memref<1x128xi32, #tpu.memory_space<vmem>>
      %dma_start3A_542 = tpu.memref_squeeze %dma_start3A_541 : memref<1x128xi32, #tpu.memory_space<vmem>> -> memref<128xi32, #tpu.memory_space<vmem>>
      %dma_start3A_543 = arith.constant 0 : i32
      %dma_start3A_544 = arith.constant 0 : i32
      %dma_start3A_545 = tpu.memref_slice %arg6[%dma_start3A_543, %dma_start3A_544] : memref<10240x16xf32, #tpu.memory_space<vmem_shared>> -> memref<10240x16xf32, #tpu.memory_space<vmem_shared>>
      tpu.enqueue_indirect_dma source(%arg13 : memref<128x16xf32, #tpu.memory_space<vmem>>) target(%dma_start3A_545 : memref<10240x16xf32, #tpu.memory_space<vmem_shared>>) offsets(%dma_start3A_542 : memref<128xi32, #tpu.memory_space<vmem>>) semaphore(%arg30 : memref<!tpu.dma_semaphore, #tpu.memory_space<semaphore_mem>>) {add = true}
      %add3A_546 = arith.constant 5 : i32
      %add3A_547 = arith.addi %add3A_532, %add3A_546 : i32
      %lt3A_548 = arith.constant 79 : i32
      %lt3A_549 = arith.cmpi slt, %add3A_547, %lt3A_548 : i32
      %convert_element_type3A_550 = arith.extui %lt3A_549 : i1 to i32
      %cond3A_551 = arith.constant 0 : i32
      %cond3A_552 = arith.cmpi ne, %convert_element_type3A_550, %cond3A_551 : i32
      scf.if %cond3A_552 {
        %dma_wait3A_620 = arith.constant 0 : i32
        %dma_wait3A_621 = arith.constant 0 : i32
        %dma_wait3A_622 = tpu.memref_slice %arg8[%dma_wait3A_620, %dma_wait3A_621] : memref<79x128xi32, #tpu.memory_space<vmem>> -> memref<1x128xi32, #tpu.memory_space<vmem>>
        %dma_wait3A_623 = tpu.memref_squeeze %dma_wait3A_622 : memref<1x128xi32, #tpu.memory_space<vmem>> -> memref<128xi32, #tpu.memory_space<vmem>>
        %dma_wait3A_624 = arith.constant 0 : i32
        %dma_wait3A_625 = arith.constant 0 : i32
        %dma_wait3A_626 = tpu.memref_slice %arg6[%dma_wait3A_624, %dma_wait3A_625] : memref<10240x16xf32, #tpu.memory_space<vmem_shared>> -> memref<10240x16xf32, #tpu.memory_space<vmem_shared>>
        tpu.wait_indirect_dma semaphore(%arg27 : memref<!tpu.dma_semaphore, #tpu.memory_space<semaphore_mem>>) src(%arg10 : memref<128x16xf32, #tpu.memory_space<vmem>>) dst(%dma_wait3A_626 : memref<10240x16xf32, #tpu.memory_space<vmem_shared>>)
        %dma_start3A_627 = arith.constant 0 : i32
        %dma_start3A_628 = tpu.memref_slice %arg7[%add3A_547, %dma_start3A_627] : memref<79x128xi32, #tpu.memory_space<vmem>> -> memref<1x128xi32, #tpu.memory_space<vmem>>
        %dma_start3A_629 = tpu.memref_squeeze %dma_start3A_628 : memref<1x128xi32, #tpu.memory_space<vmem>> -> memref<128xi32, #tpu.memory_space<vmem>>
        %dma_start3A_630 = arith.constant 0 : i32
        %dma_start3A_631 = arith.constant 0 : i32
        %dma_start3A_632 = tpu.memref_slice %arg2[%dma_start3A_630, %dma_start3A_631] : memref<10240x16xf32, #tpu.memory_space<hbm>> -> memref<10240x16xf32, #tpu.memory_space<hbm>>
        tpu.enqueue_indirect_dma source(%dma_start3A_632 : memref<10240x16xf32, #tpu.memory_space<hbm>>) target(%arg10 : memref<128x16xf32, #tpu.memory_space<vmem>>) offsets(%dma_start3A_629 : memref<128xi32, #tpu.memory_space<vmem>>) semaphore(%arg19 : memref<!tpu.dma_semaphore, #tpu.memory_space<semaphore_mem>>)
      } else {
      }
      %add3A_553 = arith.constant 5 : i32
      %add3A_554 = arith.addi %mul3A_445, %add3A_553 : i32
      %dma_wait3A_555 = arith.constant 0 : i32
      %dma_wait3A_556 = arith.constant 0 : i32
      %dma_wait3A_557 = tpu.memref_slice %arg7[%dma_wait3A_555, %dma_wait3A_556] : memref<79x128xi32, #tpu.memory_space<vmem>> -> memref<1x128xi32, #tpu.memory_space<vmem>>
      %dma_wait3A_558 = tpu.memref_squeeze %dma_wait3A_557 : memref<1x128xi32, #tpu.memory_space<vmem>> -> memref<128xi32, #tpu.memory_space<vmem>>
      %dma_wait3A_559 = arith.constant 0 : i32
      %dma_wait3A_560 = arith.constant 0 : i32
      %dma_wait3A_561 = tpu.memref_slice %arg2[%dma_wait3A_559, %dma_wait3A_560] : memref<10240x16xf32, #tpu.memory_space<hbm>> -> memref<10240x16xf32, #tpu.memory_space<hbm>>
      tpu.wait_indirect_dma semaphore(%arg23 : memref<!tpu.dma_semaphore, #tpu.memory_space<semaphore_mem>>) src(%dma_wait3A_561 : memref<10240x16xf32, #tpu.memory_space<hbm>>) dst(%arg14 : memref<128x16xf32, #tpu.memory_space<vmem>>)
      %dma_start3A_562 = arith.constant 0 : i32
      %dma_start3A_563 = tpu.memref_slice %arg8[%add3A_554, %dma_start3A_562] : memref<79x128xi32, #tpu.memory_space<vmem>> -> memref<1x128xi32, #tpu.memory_space<vmem>>
      %dma_start3A_564 = tpu.memref_squeeze %dma_start3A_563 : memref<1x128xi32, #tpu.memory_space<vmem>> -> memref<128xi32, #tpu.memory_space<vmem>>
      %dma_start3A_565 = arith.constant 0 : i32
      %dma_start3A_566 = arith.constant 0 : i32
      %dma_start3A_567 = tpu.memref_slice %arg6[%dma_start3A_565, %dma_start3A_566] : memref<10240x16xf32, #tpu.memory_space<vmem_shared>> -> memref<10240x16xf32, #tpu.memory_space<vmem_shared>>
      tpu.enqueue_indirect_dma source(%arg14 : memref<128x16xf32, #tpu.memory_space<vmem>>) target(%dma_start3A_567 : memref<10240x16xf32, #tpu.memory_space<vmem_shared>>) offsets(%dma_start3A_564 : memref<128xi32, #tpu.memory_space<vmem>>) semaphore(%arg31 : memref<!tpu.dma_semaphore, #tpu.memory_space<semaphore_mem>>) {add = true}
      %add3A_568 = arith.constant 5 : i32
      %add3A_569 = arith.addi %add3A_554, %add3A_568 : i32
      %lt3A_570 = arith.constant 79 : i32
      %lt3A_571 = arith.cmpi slt, %add3A_569, %lt3A_570 : i32
      %convert_element_type3A_572 = arith.extui %lt3A_571 : i1 to i32
      %cond3A_573 = arith.constant 0 : i32
      %cond3A_574 = arith.cmpi ne, %convert_element_type3A_572, %cond3A_573 : i32
      scf.if %cond3A_574 {
        %dma_wait3A_620 = arith.constant 0 : i32
        %dma_wait3A_621 = arith.constant 0 : i32
        %dma_wait3A_622 = tpu.memref_slice %arg8[%dma_wait3A_620, %dma_wait3A_621] : memref<79x128xi32, #tpu.memory_space<vmem>> -> memref<1x128xi32, #tpu.memory_space<vmem>>
        %dma_wait3A_623 = tpu.memref_squeeze %dma_wait3A_622 : memref<1x128xi32, #tpu.memory_space<vmem>> -> memref<128xi32, #tpu.memory_space<vmem>>
        %dma_wait3A_624 = arith.constant 0 : i32
        %dma_wait3A_625 = arith.constant 0 : i32
        %dma_wait3A_626 = tpu.memref_slice %arg6[%dma_wait3A_624, %dma_wait3A_625] : memref<10240x16xf32, #tpu.memory_space<vmem_shared>> -> memref<10240x16xf32, #tpu.memory_space<vmem_shared>>
        tpu.wait_indirect_dma semaphore(%arg28 : memref<!tpu.dma_semaphore, #tpu.memory_space<semaphore_mem>>) src(%arg11 : memref<128x16xf32, #tpu.memory_space<vmem>>) dst(%dma_wait3A_626 : memref<10240x16xf32, #tpu.memory_space<vmem_shared>>)
        %dma_start3A_627 = arith.constant 0 : i32
        %dma_start3A_628 = tpu.memref_slice %arg7[%add3A_569, %dma_start3A_627] : memref<79x128xi32, #tpu.memory_space<vmem>> -> memref<1x128xi32, #tpu.memory_space<vmem>>
        %dma_start3A_629 = tpu.memref_squeeze %dma_start3A_628 : memref<1x128xi32, #tpu.memory_space<vmem>> -> memref<128xi32, #tpu.memory_space<vmem>>
        %dma_start3A_630 = arith.constant 0 : i32
        %dma_start3A_631 = arith.constant 0 : i32
        %dma_start3A_632 = tpu.memref_slice %arg2[%dma_start3A_630, %dma_start3A_631] : memref<10240x16xf32, #tpu.memory_space<hbm>> -> memref<10240x16xf32, #tpu.memory_space<hbm>>
        tpu.enqueue_indirect_dma source(%dma_start3A_632 : memref<10240x16xf32, #tpu.memory_space<hbm>>) target(%arg11 : memref<128x16xf32, #tpu.memory_space<vmem>>) offsets(%dma_start3A_629 : memref<128xi32, #tpu.memory_space<vmem>>) semaphore(%arg20 : memref<!tpu.dma_semaphore, #tpu.memory_space<semaphore_mem>>)
      } else {
      }
      %add3A_575 = arith.constant 6 : i32
      %add3A_576 = arith.addi %mul3A_445, %add3A_575 : i32
      %dma_wait3A_577 = arith.constant 0 : i32
      %dma_wait3A_578 = arith.constant 0 : i32
      %dma_wait3A_579 = tpu.memref_slice %arg7[%dma_wait3A_577, %dma_wait3A_578] : memref<79x128xi32, #tpu.memory_space<vmem>> -> memref<1x128xi32, #tpu.memory_space<vmem>>
      %dma_wait3A_580 = tpu.memref_squeeze %dma_wait3A_579 : memref<1x128xi32, #tpu.memory_space<vmem>> -> memref<128xi32, #tpu.memory_space<vmem>>
      %dma_wait3A_581 = arith.constant 0 : i32
      %dma_wait3A_582 = arith.constant 0 : i32
      %dma_wait3A_583 = tpu.memref_slice %arg2[%dma_wait3A_581, %dma_wait3A_582] : memref<10240x16xf32, #tpu.memory_space<hbm>> -> memref<10240x16xf32, #tpu.memory_space<hbm>>
      tpu.wait_indirect_dma semaphore(%arg24 : memref<!tpu.dma_semaphore, #tpu.memory_space<semaphore_mem>>) src(%dma_wait3A_583 : memref<10240x16xf32, #tpu.memory_space<hbm>>) dst(%arg15 : memref<128x16xf32, #tpu.memory_space<vmem>>)
      %dma_start3A_584 = arith.constant 0 : i32
      %dma_start3A_585 = tpu.memref_slice %arg8[%add3A_576, %dma_start3A_584] : memref<79x128xi32, #tpu.memory_space<vmem>> -> memref<1x128xi32, #tpu.memory_space<vmem>>
      %dma_start3A_586 = tpu.memref_squeeze %dma_start3A_585 : memref<1x128xi32, #tpu.memory_space<vmem>> -> memref<128xi32, #tpu.memory_space<vmem>>
      %dma_start3A_587 = arith.constant 0 : i32
      %dma_start3A_588 = arith.constant 0 : i32
      %dma_start3A_589 = tpu.memref_slice %arg6[%dma_start3A_587, %dma_start3A_588] : memref<10240x16xf32, #tpu.memory_space<vmem_shared>> -> memref<10240x16xf32, #tpu.memory_space<vmem_shared>>
      tpu.enqueue_indirect_dma source(%arg15 : memref<128x16xf32, #tpu.memory_space<vmem>>) target(%dma_start3A_589 : memref<10240x16xf32, #tpu.memory_space<vmem_shared>>) offsets(%dma_start3A_586 : memref<128xi32, #tpu.memory_space<vmem>>) semaphore(%arg32 : memref<!tpu.dma_semaphore, #tpu.memory_space<semaphore_mem>>) {add = true}
      %add3A_590 = arith.constant 5 : i32
      %add3A_591 = arith.addi %add3A_576, %add3A_590 : i32
      %lt3A_592 = arith.constant 79 : i32
      %lt3A_593 = arith.cmpi slt, %add3A_591, %lt3A_592 : i32
      %convert_element_type3A_594 = arith.extui %lt3A_593 : i1 to i32
      %cond3A_595 = arith.constant 0 : i32
      %cond3A_596 = arith.cmpi ne, %convert_element_type3A_594, %cond3A_595 : i32
      scf.if %cond3A_596 {
        %dma_wait3A_620 = arith.constant 0 : i32
        %dma_wait3A_621 = arith.constant 0 : i32
        %dma_wait3A_622 = tpu.memref_slice %arg8[%dma_wait3A_620, %dma_wait3A_621] : memref<79x128xi32, #tpu.memory_space<vmem>> -> memref<1x128xi32, #tpu.memory_space<vmem>>
        %dma_wait3A_623 = tpu.memref_squeeze %dma_wait3A_622 : memref<1x128xi32, #tpu.memory_space<vmem>> -> memref<128xi32, #tpu.memory_space<vmem>>
        %dma_wait3A_624 = arith.constant 0 : i32
        %dma_wait3A_625 = arith.constant 0 : i32
        %dma_wait3A_626 = tpu.memref_slice %arg6[%dma_wait3A_624, %dma_wait3A_625] : memref<10240x16xf32, #tpu.memory_space<vmem_shared>> -> memref<10240x16xf32, #tpu.memory_space<vmem_shared>>
        tpu.wait_indirect_dma semaphore(%arg29 : memref<!tpu.dma_semaphore, #tpu.memory_space<semaphore_mem>>) src(%arg12 : memref<128x16xf32, #tpu.memory_space<vmem>>) dst(%dma_wait3A_626 : memref<10240x16xf32, #tpu.memory_space<vmem_shared>>)
        %dma_start3A_627 = arith.constant 0 : i32
        %dma_start3A_628 = tpu.memref_slice %arg7[%add3A_591, %dma_start3A_627] : memref<79x128xi32, #tpu.memory_space<vmem>> -> memref<1x128xi32, #tpu.memory_space<vmem>>
        %dma_start3A_629 = tpu.memref_squeeze %dma_start3A_628 : memref<1x128xi32, #tpu.memory_space<vmem>> -> memref<128xi32, #tpu.memory_space<vmem>>
        %dma_start3A_630 = arith.constant 0 : i32
        %dma_start3A_631 = arith.constant 0 : i32
        %dma_start3A_632 = tpu.memref_slice %arg2[%dma_start3A_630, %dma_start3A_631] : memref<10240x16xf32, #tpu.memory_space<hbm>> -> memref<10240x16xf32, #tpu.memory_space<hbm>>
        tpu.enqueue_indirect_dma source(%dma_start3A_632 : memref<10240x16xf32, #tpu.memory_space<hbm>>) target(%arg12 : memref<128x16xf32, #tpu.memory_space<vmem>>) offsets(%dma_start3A_629 : memref<128xi32, #tpu.memory_space<vmem>>) semaphore(%arg21 : memref<!tpu.dma_semaphore, #tpu.memory_space<semaphore_mem>>)
      } else {
      }
      %add3A_597 = arith.constant 7 : i32
      %add3A_598 = arith.addi %mul3A_445, %add3A_597 : i32
      %dma_wait3A_599 = arith.constant 0 : i32
      %dma_wait3A_600 = arith.constant 0 : i32
      %dma_wait3A_601 = tpu.memref_slice %arg7[%dma_wait3A_599, %dma_wait3A_600] : memref<79x128xi32, #tpu.memory_space<vmem>> -> memref<1x128xi32, #tpu.memory_space<vmem>>
      %dma_wait3A_602 = tpu.memref_squeeze %dma_wait3A_601 : memref<1x128xi32, #tpu.memory_space<vmem>> -> memref<128xi32, #tpu.memory_space<vmem>>
      %dma_wait3A_603 = arith.constant 0 : i32
      %dma_wait3A_604 = arith.constant 0 : i32
      %dma_wait3A_605 = tpu.memref_slice %arg2[%dma_wait3A_603, %dma_wait3A_604] : memref<10240x16xf32, #tpu.memory_space<hbm>> -> memref<10240x16xf32, #tpu.memory_space<hbm>>
      tpu.wait_indirect_dma semaphore(%arg25 : memref<!tpu.dma_semaphore, #tpu.memory_space<semaphore_mem>>) src(%dma_wait3A_605 : memref<10240x16xf32, #tpu.memory_space<hbm>>) dst(%arg16 : memref<128x16xf32, #tpu.memory_space<vmem>>)
      %dma_start3A_606 = arith.constant 0 : i32
      %dma_start3A_607 = tpu.memref_slice %arg8[%add3A_598, %dma_start3A_606] : memref<79x128xi32, #tpu.memory_space<vmem>> -> memref<1x128xi32, #tpu.memory_space<vmem>>
      %dma_start3A_608 = tpu.memref_squeeze %dma_start3A_607 : memref<1x128xi32, #tpu.memory_space<vmem>> -> memref<128xi32, #tpu.memory_space<vmem>>
      %dma_start3A_609 = arith.constant 0 : i32
      %dma_start3A_610 = arith.constant 0 : i32
      %dma_start3A_611 = tpu.memref_slice %arg6[%dma_start3A_609, %dma_start3A_610] : memref<10240x16xf32, #tpu.memory_space<vmem_shared>> -> memref<10240x16xf32, #tpu.memory_space<vmem_shared>>
      tpu.enqueue_indirect_dma source(%arg16 : memref<128x16xf32, #tpu.memory_space<vmem>>) target(%dma_start3A_611 : memref<10240x16xf32, #tpu.memory_space<vmem_shared>>) offsets(%dma_start3A_608 : memref<128xi32, #tpu.memory_space<vmem>>) semaphore(%arg33 : memref<!tpu.dma_semaphore, #tpu.memory_space<semaphore_mem>>) {add = true}
      %add3A_612 = arith.constant 5 : i32
      %add3A_613 = arith.addi %add3A_598, %add3A_612 : i32
      %lt3A_614 = arith.constant 79 : i32
      %lt3A_615 = arith.cmpi slt, %add3A_613, %lt3A_614 : i32
      %convert_element_type3A_616 = arith.extui %lt3A_615 : i1 to i32
      %cond3A_617 = arith.constant 0 : i32
      %cond3A_618 = arith.cmpi ne, %convert_element_type3A_616, %cond3A_617 : i32
      scf.if %cond3A_618 {
        %dma_wait3A_620 = arith.constant 0 : i32
        %dma_wait3A_621 = arith.constant 0 : i32
        %dma_wait3A_622 = tpu.memref_slice %arg8[%dma_wait3A_620, %dma_wait3A_621] : memref<79x128xi32, #tpu.memory_space<vmem>> -> memref<1x128xi32, #tpu.memory_space<vmem>>
        %dma_wait3A_623 = tpu.memref_squeeze %dma_wait3A_622 : memref<1x128xi32, #tpu.memory_space<vmem>> -> memref<128xi32, #tpu.memory_space<vmem>>
        %dma_wait3A_624 = arith.constant 0 : i32
        %dma_wait3A_625 = arith.constant 0 : i32
        %dma_wait3A_626 = tpu.memref_slice %arg6[%dma_wait3A_624, %dma_wait3A_625] : memref<10240x16xf32, #tpu.memory_space<vmem_shared>> -> memref<10240x16xf32, #tpu.memory_space<vmem_shared>>
        tpu.wait_indirect_dma semaphore(%arg30 : memref<!tpu.dma_semaphore, #tpu.memory_space<semaphore_mem>>) src(%arg13 : memref<128x16xf32, #tpu.memory_space<vmem>>) dst(%dma_wait3A_626 : memref<10240x16xf32, #tpu.memory_space<vmem_shared>>)
        %dma_start3A_627 = arith.constant 0 : i32
        %dma_start3A_628 = tpu.memref_slice %arg7[%add3A_613, %dma_start3A_627] : memref<79x128xi32, #tpu.memory_space<vmem>> -> memref<1x128xi32, #tpu.memory_space<vmem>>
        %dma_start3A_629 = tpu.memref_squeeze %dma_start3A_628 : memref<1x128xi32, #tpu.memory_space<vmem>> -> memref<128xi32, #tpu.memory_space<vmem>>
        %dma_start3A_630 = arith.constant 0 : i32
        %dma_start3A_631 = arith.constant 0 : i32
        %dma_start3A_632 = tpu.memref_slice %arg2[%dma_start3A_630, %dma_start3A_631] : memref<10240x16xf32, #tpu.memory_space<hbm>> -> memref<10240x16xf32, #tpu.memory_space<hbm>>
        tpu.enqueue_indirect_dma source(%dma_start3A_632 : memref<10240x16xf32, #tpu.memory_space<hbm>>) target(%arg13 : memref<128x16xf32, #tpu.memory_space<vmem>>) offsets(%dma_start3A_629 : memref<128xi32, #tpu.memory_space<vmem>>) semaphore(%arg22 : memref<!tpu.dma_semaphore, #tpu.memory_space<semaphore_mem>>)
      } else {
      }
      %scan3A_619 = arith.constant 0 : i32
      scf.yield %scan3A_619 : i32
    }
    %scan3A_255 = arith.constant 8 : i32
    %dma_wait3A_256 = arith.constant 0 : i32
    %dma_wait3A_257 = arith.constant 0 : i32
    %dma_wait3A_258 = tpu.memref_slice %arg7[%dma_wait3A_256, %dma_wait3A_257] : memref<79x128xi32, #tpu.memory_space<vmem>> -> memref<1x128xi32, #tpu.memory_space<vmem>>
    %dma_wait3A_259 = tpu.memref_squeeze %dma_wait3A_258 : memref<1x128xi32, #tpu.memory_space<vmem>> -> memref<128xi32, #tpu.memory_space<vmem>>
    %dma_wait3A_260 = arith.constant 0 : i32
    %dma_wait3A_261 = arith.constant 0 : i32
    %dma_wait3A_262 = tpu.memref_slice %arg2[%dma_wait3A_260, %dma_wait3A_261] : memref<10240x16xf32, #tpu.memory_space<hbm>> -> memref<10240x16xf32, #tpu.memory_space<hbm>>
    tpu.wait_indirect_dma semaphore(%arg18 : memref<!tpu.dma_semaphore, #tpu.memory_space<semaphore_mem>>) src(%dma_wait3A_262 : memref<10240x16xf32, #tpu.memory_space<hbm>>) dst(%arg9 : memref<128x16xf32, #tpu.memory_space<vmem>>)
    %dma_start3A_263 = arith.constant 72 : i32
    %dma_start3A_264 = arith.constant 0 : i32
    %dma_start3A_265 = tpu.memref_slice %arg8[%dma_start3A_263, %dma_start3A_264] : memref<79x128xi32, #tpu.memory_space<vmem>> -> memref<1x128xi32, #tpu.memory_space<vmem>>
    %dma_start3A_266 = tpu.memref_squeeze %dma_start3A_265 : memref<1x128xi32, #tpu.memory_space<vmem>> -> memref<128xi32, #tpu.memory_space<vmem>>
    %dma_start3A_267 = arith.constant 0 : i32
    %dma_start3A_268 = arith.constant 0 : i32
    %dma_start3A_269 = tpu.memref_slice %arg6[%dma_start3A_267, %dma_start3A_268] : memref<10240x16xf32, #tpu.memory_space<vmem_shared>> -> memref<10240x16xf32, #tpu.memory_space<vmem_shared>>
    tpu.enqueue_indirect_dma source(%arg9 : memref<128x16xf32, #tpu.memory_space<vmem>>) target(%dma_start3A_269 : memref<10240x16xf32, #tpu.memory_space<vmem_shared>>) offsets(%dma_start3A_266 : memref<128xi32, #tpu.memory_space<vmem>>) semaphore(%arg26 : memref<!tpu.dma_semaphore, #tpu.memory_space<semaphore_mem>>) {add = true}
    %dma_wait3A_270 = arith.constant 0 : i32
    %dma_wait3A_271 = arith.constant 0 : i32
    %dma_wait3A_272 = tpu.memref_slice %arg8[%dma_wait3A_270, %dma_wait3A_271] : memref<79x128xi32, #tpu.memory_space<vmem>> -> memref<1x128xi32, #tpu.memory_space<vmem>>
    %dma_wait3A_273 = tpu.memref_squeeze %dma_wait3A_272 : memref<1x128xi32, #tpu.memory_space<vmem>> -> memref<128xi32, #tpu.memory_space<vmem>>
    %dma_wait3A_274 = arith.constant 0 : i32
    %dma_wait3A_275 = arith.constant 0 : i32
    %dma_wait3A_276 = tpu.memref_slice %arg6[%dma_wait3A_274, %dma_wait3A_275] : memref<10240x16xf32, #tpu.memory_space<vmem_shared>> -> memref<10240x16xf32, #tpu.memory_space<vmem_shared>>
    tpu.wait_indirect_dma semaphore(%arg31 : memref<!tpu.dma_semaphore, #tpu.memory_space<semaphore_mem>>) src(%arg14 : memref<128x16xf32, #tpu.memory_space<vmem>>) dst(%dma_wait3A_276 : memref<10240x16xf32, #tpu.memory_space<vmem_shared>>)
    %dma_start3A_277 = arith.constant 77 : i32
    %dma_start3A_278 = arith.constant 0 : i32
    %dma_start3A_279 = tpu.memref_slice %arg7[%dma_start3A_277, %dma_start3A_278] : memref<79x128xi32, #tpu.memory_space<vmem>> -> memref<1x128xi32, #tpu.memory_space<vmem>>
    %dma_start3A_280 = tpu.memref_squeeze %dma_start3A_279 : memref<1x128xi32, #tpu.memory_space<vmem>> -> memref<128xi32, #tpu.memory_space<vmem>>
    %dma_start3A_281 = arith.constant 0 : i32
    %dma_start3A_282 = arith.constant 0 : i32
    %dma_start3A_283 = tpu.memref_slice %arg2[%dma_start3A_281, %dma_start3A_282] : memref<10240x16xf32, #tpu.memory_space<hbm>> -> memref<10240x16xf32, #tpu.memory_space<hbm>>
    tpu.enqueue_indirect_dma source(%dma_start3A_283 : memref<10240x16xf32, #tpu.memory_space<hbm>>) target(%arg14 : memref<128x16xf32, #tpu.memory_space<vmem>>) offsets(%dma_start3A_280 : memref<128xi32, #tpu.memory_space<vmem>>) semaphore(%arg23 : memref<!tpu.dma_semaphore, #tpu.memory_space<semaphore_mem>>)
    %dma_wait3A_284 = arith.constant 0 : i32
    %dma_wait3A_285 = arith.constant 0 : i32
    %dma_wait3A_286 = tpu.memref_slice %arg7[%dma_wait3A_284, %dma_wait3A_285] : memref<79x128xi32, #tpu.memory_space<vmem>> -> memref<1x128xi32, #tpu.memory_space<vmem>>
    %dma_wait3A_287 = tpu.memref_squeeze %dma_wait3A_286 : memref<1x128xi32, #tpu.memory_space<vmem>> -> memref<128xi32, #tpu.memory_space<vmem>>
    %dma_wait3A_288 = arith.constant 0 : i32
    %dma_wait3A_289 = arith.constant 0 : i32
    %dma_wait3A_290 = tpu.memref_slice %arg2[%dma_wait3A_288, %dma_wait3A_289] : memref<10240x16xf32, #tpu.memory_space<hbm>> -> memref<10240x16xf32, #tpu.memory_space<hbm>>
    tpu.wait_indirect_dma semaphore(%arg19 : memref<!tpu.dma_semaphore, #tpu.memory_space<semaphore_mem>>) src(%dma_wait3A_290 : memref<10240x16xf32, #tpu.memory_space<hbm>>) dst(%arg10 : memref<128x16xf32, #tpu.memory_space<vmem>>)
    %dma_start3A_291 = arith.constant 73 : i32
    %dma_start3A_292 = arith.constant 0 : i32
    %dma_start3A_293 = tpu.memref_slice %arg8[%dma_start3A_291, %dma_start3A_292] : memref<79x128xi32, #tpu.memory_space<vmem>> -> memref<1x128xi32, #tpu.memory_space<vmem>>
    %dma_start3A_294 = tpu.memref_squeeze %dma_start3A_293 : memref<1x128xi32, #tpu.memory_space<vmem>> -> memref<128xi32, #tpu.memory_space<vmem>>
    %dma_start3A_295 = arith.constant 0 : i32
    %dma_start3A_296 = arith.constant 0 : i32
    %dma_start3A_297 = tpu.memref_slice %arg6[%dma_start3A_295, %dma_start3A_296] : memref<10240x16xf32, #tpu.memory_space<vmem_shared>> -> memref<10240x16xf32, #tpu.memory_space<vmem_shared>>
    tpu.enqueue_indirect_dma source(%arg10 : memref<128x16xf32, #tpu.memory_space<vmem>>) target(%dma_start3A_297 : memref<10240x16xf32, #tpu.memory_space<vmem_shared>>) offsets(%dma_start3A_294 : memref<128xi32, #tpu.memory_space<vmem>>) semaphore(%arg27 : memref<!tpu.dma_semaphore, #tpu.memory_space<semaphore_mem>>) {add = true}
    %dma_wait3A_298 = arith.constant 0 : i32
    %dma_wait3A_299 = arith.constant 0 : i32
    %dma_wait3A_300 = tpu.memref_slice %arg8[%dma_wait3A_298, %dma_wait3A_299] : memref<79x128xi32, #tpu.memory_space<vmem>> -> memref<1x128xi32, #tpu.memory_space<vmem>>
    %dma_wait3A_301 = tpu.memref_squeeze %dma_wait3A_300 : memref<1x128xi32, #tpu.memory_space<vmem>> -> memref<128xi32, #tpu.memory_space<vmem>>
    %dma_wait3A_302 = arith.constant 0 : i32
    %dma_wait3A_303 = arith.constant 0 : i32
    %dma_wait3A_304 = tpu.memref_slice %arg6[%dma_wait3A_302, %dma_wait3A_303] : memref<10240x16xf32, #tpu.memory_space<vmem_shared>> -> memref<10240x16xf32, #tpu.memory_space<vmem_shared>>
    tpu.wait_indirect_dma semaphore(%arg32 : memref<!tpu.dma_semaphore, #tpu.memory_space<semaphore_mem>>) src(%arg15 : memref<128x16xf32, #tpu.memory_space<vmem>>) dst(%dma_wait3A_304 : memref<10240x16xf32, #tpu.memory_space<vmem_shared>>)
    %dma_start3A_305 = arith.constant 78 : i32
    %dma_start3A_306 = arith.constant 0 : i32
    %dma_start3A_307 = tpu.memref_slice %arg7[%dma_start3A_305, %dma_start3A_306] : memref<79x128xi32, #tpu.memory_space<vmem>> -> memref<1x128xi32, #tpu.memory_space<vmem>>
    %dma_start3A_308 = tpu.memref_squeeze %dma_start3A_307 : memref<1x128xi32, #tpu.memory_space<vmem>> -> memref<128xi32, #tpu.memory_space<vmem>>
    %dma_start3A_309 = arith.constant 0 : i32
    %dma_start3A_310 = arith.constant 0 : i32
    %dma_start3A_311 = tpu.memref_slice %arg2[%dma_start3A_309, %dma_start3A_310] : memref<10240x16xf32, #tpu.memory_space<hbm>> -> memref<10240x16xf32, #tpu.memory_space<hbm>>
    tpu.enqueue_indirect_dma source(%dma_start3A_311 : memref<10240x16xf32, #tpu.memory_space<hbm>>) target(%arg15 : memref<128x16xf32, #tpu.memory_space<vmem>>) offsets(%dma_start3A_308 : memref<128xi32, #tpu.memory_space<vmem>>) semaphore(%arg24 : memref<!tpu.dma_semaphore, #tpu.memory_space<semaphore_mem>>)
    %dma_wait3A_312 = arith.constant 0 : i32
    %dma_wait3A_313 = arith.constant 0 : i32
    %dma_wait3A_314 = tpu.memref_slice %arg7[%dma_wait3A_312, %dma_wait3A_313] : memref<79x128xi32, #tpu.memory_space<vmem>> -> memref<1x128xi32, #tpu.memory_space<vmem>>
    %dma_wait3A_315 = tpu.memref_squeeze %dma_wait3A_314 : memref<1x128xi32, #tpu.memory_space<vmem>> -> memref<128xi32, #tpu.memory_space<vmem>>
    %dma_wait3A_316 = arith.constant 0 : i32
    %dma_wait3A_317 = arith.constant 0 : i32
    %dma_wait3A_318 = tpu.memref_slice %arg2[%dma_wait3A_316, %dma_wait3A_317] : memref<10240x16xf32, #tpu.memory_space<hbm>> -> memref<10240x16xf32, #tpu.memory_space<hbm>>
    tpu.wait_indirect_dma semaphore(%arg20 : memref<!tpu.dma_semaphore, #tpu.memory_space<semaphore_mem>>) src(%dma_wait3A_318 : memref<10240x16xf32, #tpu.memory_space<hbm>>) dst(%arg11 : memref<128x16xf32, #tpu.memory_space<vmem>>)
    %dma_start3A_319 = arith.constant 74 : i32
    %dma_start3A_320 = arith.constant 0 : i32
    %dma_start3A_321 = tpu.memref_slice %arg8[%dma_start3A_319, %dma_start3A_320] : memref<79x128xi32, #tpu.memory_space<vmem>> -> memref<1x128xi32, #tpu.memory_space<vmem>>
    %dma_start3A_322 = tpu.memref_squeeze %dma_start3A_321 : memref<1x128xi32, #tpu.memory_space<vmem>> -> memref<128xi32, #tpu.memory_space<vmem>>
    %dma_start3A_323 = arith.constant 0 : i32
    %dma_start3A_324 = arith.constant 0 : i32
    %dma_start3A_325 = tpu.memref_slice %arg6[%dma_start3A_323, %dma_start3A_324] : memref<10240x16xf32, #tpu.memory_space<vmem_shared>> -> memref<10240x16xf32, #tpu.memory_space<vmem_shared>>
    tpu.enqueue_indirect_dma source(%arg11 : memref<128x16xf32, #tpu.memory_space<vmem>>) target(%dma_start3A_325 : memref<10240x16xf32, #tpu.memory_space<vmem_shared>>) offsets(%dma_start3A_322 : memref<128xi32, #tpu.memory_space<vmem>>) semaphore(%arg28 : memref<!tpu.dma_semaphore, #tpu.memory_space<semaphore_mem>>) {add = true}
    %dma_wait3A_326 = arith.constant 0 : i32
    %dma_wait3A_327 = arith.constant 0 : i32
    %dma_wait3A_328 = tpu.memref_slice %arg7[%dma_wait3A_326, %dma_wait3A_327] : memref<79x128xi32, #tpu.memory_space<vmem>> -> memref<1x128xi32, #tpu.memory_space<vmem>>
    %dma_wait3A_329 = tpu.memref_squeeze %dma_wait3A_328 : memref<1x128xi32, #tpu.memory_space<vmem>> -> memref<128xi32, #tpu.memory_space<vmem>>
    %dma_wait3A_330 = arith.constant 0 : i32
    %dma_wait3A_331 = arith.constant 0 : i32
    %dma_wait3A_332 = tpu.memref_slice %arg2[%dma_wait3A_330, %dma_wait3A_331] : memref<10240x16xf32, #tpu.memory_space<hbm>> -> memref<10240x16xf32, #tpu.memory_space<hbm>>
    tpu.wait_indirect_dma semaphore(%arg21 : memref<!tpu.dma_semaphore, #tpu.memory_space<semaphore_mem>>) src(%dma_wait3A_332 : memref<10240x16xf32, #tpu.memory_space<hbm>>) dst(%arg12 : memref<128x16xf32, #tpu.memory_space<vmem>>)
    %dma_start3A_333 = arith.constant 75 : i32
    %dma_start3A_334 = arith.constant 0 : i32
    %dma_start3A_335 = tpu.memref_slice %arg8[%dma_start3A_333, %dma_start3A_334] : memref<79x128xi32, #tpu.memory_space<vmem>> -> memref<1x128xi32, #tpu.memory_space<vmem>>
    %dma_start3A_336 = tpu.memref_squeeze %dma_start3A_335 : memref<1x128xi32, #tpu.memory_space<vmem>> -> memref<128xi32, #tpu.memory_space<vmem>>
    %dma_start3A_337 = arith.constant 0 : i32
    %dma_start3A_338 = arith.constant 0 : i32
    %dma_start3A_339 = tpu.memref_slice %arg6[%dma_start3A_337, %dma_start3A_338] : memref<10240x16xf32, #tpu.memory_space<vmem_shared>> -> memref<10240x16xf32, #tpu.memory_space<vmem_shared>>
    tpu.enqueue_indirect_dma source(%arg12 : memref<128x16xf32, #tpu.memory_space<vmem>>) target(%dma_start3A_339 : memref<10240x16xf32, #tpu.memory_space<vmem_shared>>) offsets(%dma_start3A_336 : memref<128xi32, #tpu.memory_space<vmem>>) semaphore(%arg29 : memref<!tpu.dma_semaphore, #tpu.memory_space<semaphore_mem>>) {add = true}
    %dma_wait3A_340 = arith.constant 0 : i32
    %dma_wait3A_341 = arith.constant 0 : i32
    %dma_wait3A_342 = tpu.memref_slice %arg7[%dma_wait3A_340, %dma_wait3A_341] : memref<79x128xi32, #tpu.memory_space<vmem>> -> memref<1x128xi32, #tpu.memory_space<vmem>>
    %dma_wait3A_343 = tpu.memref_squeeze %dma_wait3A_342 : memref<1x128xi32, #tpu.memory_space<vmem>> -> memref<128xi32, #tpu.memory_space<vmem>>
    %dma_wait3A_344 = arith.constant 0 : i32
    %dma_wait3A_345 = arith.constant 0 : i32
    %dma_wait3A_346 = tpu.memref_slice %arg2[%dma_wait3A_344, %dma_wait3A_345] : memref<10240x16xf32, #tpu.memory_space<hbm>> -> memref<10240x16xf32, #tpu.memory_space<hbm>>
    tpu.wait_indirect_dma semaphore(%arg22 : memref<!tpu.dma_semaphore, #tpu.memory_space<semaphore_mem>>) src(%dma_wait3A_346 : memref<10240x16xf32, #tpu.memory_space<hbm>>) dst(%arg13 : memref<128x16xf32, #tpu.memory_space<vmem>>)
    %dma_start3A_347 = arith.constant 76 : i32
    %dma_start3A_348 = arith.constant 0 : i32
    %dma_start3A_349 = tpu.memref_slice %arg8[%dma_start3A_347, %dma_start3A_348] : memref<79x128xi32, #tpu.memory_space<vmem>> -> memref<1x128xi32, #tpu.memory_space<vmem>>
    %dma_start3A_350 = tpu.memref_squeeze %dma_start3A_349 : memref<1x128xi32, #tpu.memory_space<vmem>> -> memref<128xi32, #tpu.memory_space<vmem>>
    %dma_start3A_351 = arith.constant 0 : i32
    %dma_start3A_352 = arith.constant 0 : i32
    %dma_start3A_353 = tpu.memref_slice %arg6[%dma_start3A_351, %dma_start3A_352] : memref<10240x16xf32, #tpu.memory_space<vmem_shared>> -> memref<10240x16xf32, #tpu.memory_space<vmem_shared>>
    tpu.enqueue_indirect_dma source(%arg13 : memref<128x16xf32, #tpu.memory_space<vmem>>) target(%dma_start3A_353 : memref<10240x16xf32, #tpu.memory_space<vmem_shared>>) offsets(%dma_start3A_350 : memref<128xi32, #tpu.memory_space<vmem>>) semaphore(%arg30 : memref<!tpu.dma_semaphore, #tpu.memory_space<semaphore_mem>>) {add = true}
    %dma_wait3A_354 = arith.constant 0 : i32
    %dma_wait3A_355 = arith.constant 0 : i32
    %dma_wait3A_356 = tpu.memref_slice %arg7[%dma_wait3A_354, %dma_wait3A_355] : memref<79x128xi32, #tpu.memory_space<vmem>> -> memref<1x128xi32, #tpu.memory_space<vmem>>
    %dma_wait3A_357 = tpu.memref_squeeze %dma_wait3A_356 : memref<1x128xi32, #tpu.memory_space<vmem>> -> memref<128xi32, #tpu.memory_space<vmem>>
    %dma_wait3A_358 = arith.constant 0 : i32
    %dma_wait3A_359 = arith.constant 0 : i32
    %dma_wait3A_360 = tpu.memref_slice %arg2[%dma_wait3A_358, %dma_wait3A_359] : memref<10240x16xf32, #tpu.memory_space<hbm>> -> memref<10240x16xf32, #tpu.memory_space<hbm>>
    tpu.wait_indirect_dma semaphore(%arg23 : memref<!tpu.dma_semaphore, #tpu.memory_space<semaphore_mem>>) src(%dma_wait3A_360 : memref<10240x16xf32, #tpu.memory_space<hbm>>) dst(%arg14 : memref<128x16xf32, #tpu.memory_space<vmem>>)
    %dma_start3A_361 = arith.constant 77 : i32
    %dma_start3A_362 = arith.constant 0 : i32
    %dma_start3A_363 = tpu.memref_slice %arg8[%dma_start3A_361, %dma_start3A_362] : memref<79x128xi32, #tpu.memory_space<vmem>> -> memref<1x128xi32, #tpu.memory_space<vmem>>
    %dma_start3A_364 = tpu.memref_squeeze %dma_start3A_363 : memref<1x128xi32, #tpu.memory_space<vmem>> -> memref<128xi32, #tpu.memory_space<vmem>>
    %dma_start3A_365 = arith.constant 0 : i32
    %dma_start3A_366 = arith.constant 0 : i32
    %dma_start3A_367 = tpu.memref_slice %arg6[%dma_start3A_365, %dma_start3A_366] : memref<10240x16xf32, #tpu.memory_space<vmem_shared>> -> memref<10240x16xf32, #tpu.memory_space<vmem_shared>>
    tpu.enqueue_indirect_dma source(%arg14 : memref<128x16xf32, #tpu.memory_space<vmem>>) target(%dma_start3A_367 : memref<10240x16xf32, #tpu.memory_space<vmem_shared>>) offsets(%dma_start3A_364 : memref<128xi32, #tpu.memory_space<vmem>>) semaphore(%arg31 : memref<!tpu.dma_semaphore, #tpu.memory_space<semaphore_mem>>) {add = true}
    %dma_wait3A_368 = arith.constant 0 : i32
    %dma_wait3A_369 = arith.constant 0 : i32
    %dma_wait3A_370 = tpu.memref_slice %arg7[%dma_wait3A_368, %dma_wait3A_369] : memref<79x128xi32, #tpu.memory_space<vmem>> -> memref<1x128xi32, #tpu.memory_space<vmem>>
    %dma_wait3A_371 = tpu.memref_squeeze %dma_wait3A_370 : memref<1x128xi32, #tpu.memory_space<vmem>> -> memref<128xi32, #tpu.memory_space<vmem>>
    %dma_wait3A_372 = arith.constant 0 : i32
    %dma_wait3A_373 = arith.constant 0 : i32
    %dma_wait3A_374 = tpu.memref_slice %arg2[%dma_wait3A_372, %dma_wait3A_373] : memref<10240x16xf32, #tpu.memory_space<hbm>> -> memref<10240x16xf32, #tpu.memory_space<hbm>>
    tpu.wait_indirect_dma semaphore(%arg24 : memref<!tpu.dma_semaphore, #tpu.memory_space<semaphore_mem>>) src(%dma_wait3A_374 : memref<10240x16xf32, #tpu.memory_space<hbm>>) dst(%arg15 : memref<128x16xf32, #tpu.memory_space<vmem>>)
    %dma_start3A_375 = arith.constant 78 : i32
    %dma_start3A_376 = arith.constant 0 : i32
    %dma_start3A_377 = tpu.memref_slice %arg8[%dma_start3A_375, %dma_start3A_376] : memref<79x128xi32, #tpu.memory_space<vmem>> -> memref<1x128xi32, #tpu.memory_space<vmem>>
    %dma_start3A_378 = tpu.memref_squeeze %dma_start3A_377 : memref<1x128xi32, #tpu.memory_space<vmem>> -> memref<128xi32, #tpu.memory_space<vmem>>
    %dma_start3A_379 = arith.constant 0 : i32
    %dma_start3A_380 = arith.constant 0 : i32
    %dma_start3A_381 = tpu.memref_slice %arg6[%dma_start3A_379, %dma_start3A_380] : memref<10240x16xf32, #tpu.memory_space<vmem_shared>> -> memref<10240x16xf32, #tpu.memory_space<vmem_shared>>
    tpu.enqueue_indirect_dma source(%arg15 : memref<128x16xf32, #tpu.memory_space<vmem>>) target(%dma_start3A_381 : memref<10240x16xf32, #tpu.memory_space<vmem_shared>>) offsets(%dma_start3A_378 : memref<128xi32, #tpu.memory_space<vmem>>) semaphore(%arg32 : memref<!tpu.dma_semaphore, #tpu.memory_space<semaphore_mem>>) {add = true}
    %dma_wait3A_382 = arith.constant 0 : i32
    %dma_wait3A_383 = arith.constant 0 : i32
    %dma_wait3A_384 = tpu.memref_slice %arg8[%dma_wait3A_382, %dma_wait3A_383] : memref<79x128xi32, #tpu.memory_space<vmem>> -> memref<1x128xi32, #tpu.memory_space<vmem>>
    %dma_wait3A_385 = tpu.memref_squeeze %dma_wait3A_384 : memref<1x128xi32, #tpu.memory_space<vmem>> -> memref<128xi32, #tpu.memory_space<vmem>>
    %dma_wait3A_386 = arith.constant 0 : i32
    %dma_wait3A_387 = arith.constant 0 : i32
    %dma_wait3A_388 = tpu.memref_slice %arg6[%dma_wait3A_386, %dma_wait3A_387] : memref<10240x16xf32, #tpu.memory_space<vmem_shared>> -> memref<10240x16xf32, #tpu.memory_space<vmem_shared>>
    tpu.wait_indirect_dma semaphore(%arg33 : memref<!tpu.dma_semaphore, #tpu.memory_space<semaphore_mem>>) src(%arg16 : memref<128x16xf32, #tpu.memory_space<vmem>>) dst(%dma_wait3A_388 : memref<10240x16xf32, #tpu.memory_space<vmem_shared>>)
    %dma_wait3A_389 = arith.constant 0 : i32
    %dma_wait3A_390 = arith.constant 0 : i32
    %dma_wait3A_391 = tpu.memref_slice %arg8[%dma_wait3A_389, %dma_wait3A_390] : memref<79x128xi32, #tpu.memory_space<vmem>> -> memref<1x128xi32, #tpu.memory_space<vmem>>
    %dma_wait3A_392 = tpu.memref_squeeze %dma_wait3A_391 : memref<1x128xi32, #tpu.memory_space<vmem>> -> memref<128xi32, #tpu.memory_space<vmem>>
    %dma_wait3A_393 = arith.constant 0 : i32
    %dma_wait3A_394 = arith.constant 0 : i32
    %dma_wait3A_395 = tpu.memref_slice %arg6[%dma_wait3A_393, %dma_wait3A_394] : memref<10240x16xf32, #tpu.memory_space<vmem_shared>> -> memref<10240x16xf32, #tpu.memory_space<vmem_shared>>
    tpu.wait_indirect_dma semaphore(%arg26 : memref<!tpu.dma_semaphore, #tpu.memory_space<semaphore_mem>>) src(%arg9 : memref<128x16xf32, #tpu.memory_space<vmem>>) dst(%dma_wait3A_395 : memref<10240x16xf32, #tpu.memory_space<vmem_shared>>)
    %dma_wait3A_396 = arith.constant 0 : i32
    %dma_wait3A_397 = arith.constant 0 : i32
    %dma_wait3A_398 = tpu.memref_slice %arg8[%dma_wait3A_396, %dma_wait3A_397] : memref<79x128xi32, #tpu.memory_space<vmem>> -> memref<1x128xi32, #tpu.memory_space<vmem>>
    %dma_wait3A_399 = tpu.memref_squeeze %dma_wait3A_398 : memref<1x128xi32, #tpu.memory_space<vmem>> -> memref<128xi32, #tpu.memory_space<vmem>>
    %dma_wait3A_400 = arith.constant 0 : i32
    %dma_wait3A_401 = arith.constant 0 : i32
    %dma_wait3A_402 = tpu.memref_slice %arg6[%dma_wait3A_400, %dma_wait3A_401] : memref<10240x16xf32, #tpu.memory_space<vmem_shared>> -> memref<10240x16xf32, #tpu.memory_space<vmem_shared>>
    tpu.wait_indirect_dma semaphore(%arg27 : memref<!tpu.dma_semaphore, #tpu.memory_space<semaphore_mem>>) src(%arg10 : memref<128x16xf32, #tpu.memory_space<vmem>>) dst(%dma_wait3A_402 : memref<10240x16xf32, #tpu.memory_space<vmem_shared>>)
    %dma_wait3A_403 = arith.constant 0 : i32
    %dma_wait3A_404 = arith.constant 0 : i32
    %dma_wait3A_405 = tpu.memref_slice %arg8[%dma_wait3A_403, %dma_wait3A_404] : memref<79x128xi32, #tpu.memory_space<vmem>> -> memref<1x128xi32, #tpu.memory_space<vmem>>
    %dma_wait3A_406 = tpu.memref_squeeze %dma_wait3A_405 : memref<1x128xi32, #tpu.memory_space<vmem>> -> memref<128xi32, #tpu.memory_space<vmem>>
    %dma_wait3A_407 = arith.constant 0 : i32
    %dma_wait3A_408 = arith.constant 0 : i32
    %dma_wait3A_409 = tpu.memref_slice %arg6[%dma_wait3A_407, %dma_wait3A_408] : memref<10240x16xf32, #tpu.memory_space<vmem_shared>> -> memref<10240x16xf32, #tpu.memory_space<vmem_shared>>
    tpu.wait_indirect_dma semaphore(%arg28 : memref<!tpu.dma_semaphore, #tpu.memory_space<semaphore_mem>>) src(%arg11 : memref<128x16xf32, #tpu.memory_space<vmem>>) dst(%dma_wait3A_409 : memref<10240x16xf32, #tpu.memory_space<vmem_shared>>)
    %dma_wait3A_410 = arith.constant 0 : i32
    %dma_wait3A_411 = arith.constant 0 : i32
    %dma_wait3A_412 = tpu.memref_slice %arg8[%dma_wait3A_410, %dma_wait3A_411] : memref<79x128xi32, #tpu.memory_space<vmem>> -> memref<1x128xi32, #tpu.memory_space<vmem>>
    %dma_wait3A_413 = tpu.memref_squeeze %dma_wait3A_412 : memref<1x128xi32, #tpu.memory_space<vmem>> -> memref<128xi32, #tpu.memory_space<vmem>>
    %dma_wait3A_414 = arith.constant 0 : i32
    %dma_wait3A_415 = arith.constant 0 : i32
    %dma_wait3A_416 = tpu.memref_slice %arg6[%dma_wait3A_414, %dma_wait3A_415] : memref<10240x16xf32, #tpu.memory_space<vmem_shared>> -> memref<10240x16xf32, #tpu.memory_space<vmem_shared>>
    tpu.wait_indirect_dma semaphore(%arg29 : memref<!tpu.dma_semaphore, #tpu.memory_space<semaphore_mem>>) src(%arg12 : memref<128x16xf32, #tpu.memory_space<vmem>>) dst(%dma_wait3A_416 : memref<10240x16xf32, #tpu.memory_space<vmem_shared>>)
    %dma_wait3A_417 = arith.constant 0 : i32
    %dma_wait3A_418 = arith.constant 0 : i32
    %dma_wait3A_419 = tpu.memref_slice %arg8[%dma_wait3A_417, %dma_wait3A_418] : memref<79x128xi32, #tpu.memory_space<vmem>> -> memref<1x128xi32, #tpu.memory_space<vmem>>
    %dma_wait3A_420 = tpu.memref_squeeze %dma_wait3A_419 : memref<1x128xi32, #tpu.memory_space<vmem>> -> memref<128xi32, #tpu.memory_space<vmem>>
    %dma_wait3A_421 = arith.constant 0 : i32
    %dma_wait3A_422 = arith.constant 0 : i32
    %dma_wait3A_423 = tpu.memref_slice %arg6[%dma_wait3A_421, %dma_wait3A_422] : memref<10240x16xf32, #tpu.memory_space<vmem_shared>> -> memref<10240x16xf32, #tpu.memory_space<vmem_shared>>
    tpu.wait_indirect_dma semaphore(%arg30 : memref<!tpu.dma_semaphore, #tpu.memory_space<semaphore_mem>>) src(%arg13 : memref<128x16xf32, #tpu.memory_space<vmem>>) dst(%dma_wait3A_423 : memref<10240x16xf32, #tpu.memory_space<vmem_shared>>)
    %dma_wait3A_424 = arith.constant 0 : i32
    %dma_wait3A_425 = arith.constant 0 : i32
    %dma_wait3A_426 = tpu.memref_slice %arg8[%dma_wait3A_424, %dma_wait3A_425] : memref<79x128xi32, #tpu.memory_space<vmem>> -> memref<1x128xi32, #tpu.memory_space<vmem>>
    %dma_wait3A_427 = tpu.memref_squeeze %dma_wait3A_426 : memref<1x128xi32, #tpu.memory_space<vmem>> -> memref<128xi32, #tpu.memory_space<vmem>>
    %dma_wait3A_428 = arith.constant 0 : i32
    %dma_wait3A_429 = arith.constant 0 : i32
    %dma_wait3A_430 = tpu.memref_slice %arg6[%dma_wait3A_428, %dma_wait3A_429] : memref<10240x16xf32, #tpu.memory_space<vmem_shared>> -> memref<10240x16xf32, #tpu.memory_space<vmem_shared>>
    tpu.wait_indirect_dma semaphore(%arg31 : memref<!tpu.dma_semaphore, #tpu.memory_space<semaphore_mem>>) src(%arg14 : memref<128x16xf32, #tpu.memory_space<vmem>>) dst(%dma_wait3A_430 : memref<10240x16xf32, #tpu.memory_space<vmem_shared>>)
    %dma_wait3A_431 = arith.constant 0 : i32
    %dma_wait3A_432 = arith.constant 0 : i32
    %dma_wait3A_433 = tpu.memref_slice %arg8[%dma_wait3A_431, %dma_wait3A_432] : memref<79x128xi32, #tpu.memory_space<vmem>> -> memref<1x128xi32, #tpu.memory_space<vmem>>
    %dma_wait3A_434 = tpu.memref_squeeze %dma_wait3A_433 : memref<1x128xi32, #tpu.memory_space<vmem>> -> memref<128xi32, #tpu.memory_space<vmem>>
    %dma_wait3A_435 = arith.constant 0 : i32
    %dma_wait3A_436 = arith.constant 0 : i32
    %dma_wait3A_437 = tpu.memref_slice %arg6[%dma_wait3A_435, %dma_wait3A_436] : memref<10240x16xf32, #tpu.memory_space<vmem_shared>> -> memref<10240x16xf32, #tpu.memory_space<vmem_shared>>
    tpu.wait_indirect_dma semaphore(%arg32 : memref<!tpu.dma_semaphore, #tpu.memory_space<semaphore_mem>>) src(%arg15 : memref<128x16xf32, #tpu.memory_space<vmem>>) dst(%dma_wait3A_437 : memref<10240x16xf32, #tpu.memory_space<vmem_shared>>)
    %barrier3A_438 = arith.constant 0 : index
    tpu.barrier barrier_id(%barrier3A_438)
    %mul3A_439 = arith.constant 10240 : i32
    %mul3A_440 = arith.muli %arg0, %mul3A_439 : i32
    %add3A_441 = arith.addi %mul3A_440, %mul3A_2 : i32
    "tpu.region"() ({
      %run_scoped3A = tpu.sem_alloc : memref<!tpu.dma_semaphore, #tpu.memory_space<semaphore_mem>>
      %dma_start3A_442 = arith.constant 0 : i32
      %dma_start3A_443 = tpu.memref_slice %arg6[%mul3A_2, %dma_start3A_442] : memref<10240x16xf32, #tpu.memory_space<vmem_shared>> -> memref<640x16xf32, #tpu.memory_space<vmem_shared>>
      %dma_start3A_444 = arith.constant 0 : i32
      %dma_start3A_445 = tpu.memref_slice %arg6[%mul3A_2, %dma_start3A_444] : memref<10240x16xf32, #tpu.memory_space<vmem_shared>> -> memref<640x16xf32, #tpu.memory_space<vmem_shared>>
      tpu.enqueue_dma source(%dma_start3A_445 : memref<640x16xf32, #tpu.memory_space<vmem_shared>>) target(%arg17 : memref<640x16xf32, #tpu.memory_space<vmem>>) target_semaphore(%run_scoped3A : memref<!tpu.dma_semaphore, #tpu.memory_space<semaphore_mem>>)
      %dma_wait3A_446 = arith.constant 0 : i32
      %dma_wait3A_447 = tpu.memref_slice %arg6[%mul3A_2, %dma_wait3A_446] : memref<10240x16xf32, #tpu.memory_space<vmem_shared>> -> memref<640x16xf32, #tpu.memory_space<vmem_shared>>
      %dma_wait3A_448 = arith.constant 0 : i32
      %dma_wait3A_449 = tpu.memref_slice %arg6[%mul3A_2, %dma_wait3A_448] : memref<10240x16xf32, #tpu.memory_space<vmem_shared>> -> memref<640x16xf32, #tpu.memory_space<vmem_shared>>
      tpu.wait_dma2 semaphore(%run_scoped3A : memref<!tpu.dma_semaphore, #tpu.memory_space<semaphore_mem>>) src(%dma_wait3A_449 : memref<640x16xf32, #tpu.memory_space<vmem_shared>>) dst(%arg17 : memref<640x16xf32, #tpu.memory_space<vmem>>)
      tpu.yield
    }) : () -> ()
    "tpu.region"() ({
      %run_scoped3A = tpu.sem_alloc : memref<!tpu.dma_semaphore, #tpu.memory_space<semaphore_mem>>
      %dma_start3A_442 = arith.constant 0 : i32
      %dma_start3A_443 = tpu.memref_slice %arg5[%add3A_441, %dma_start3A_442] : memref<20480x16xf32, #tpu.memory_space<hbm>> -> memref<640x16xf32, #tpu.memory_space<hbm>>
      %dma_start3A_444 = arith.constant 0 : i32
      %dma_start3A_445 = tpu.memref_slice %arg5[%add3A_441, %dma_start3A_444] : memref<20480x16xf32, #tpu.memory_space<hbm>> -> memref<640x16xf32, #tpu.memory_space<hbm>>
      tpu.enqueue_dma source(%arg17 : memref<640x16xf32, #tpu.memory_space<vmem>>) target(%dma_start3A_445 : memref<640x16xf32, #tpu.memory_space<hbm>>) target_semaphore(%run_scoped3A : memref<!tpu.dma_semaphore, #tpu.memory_space<semaphore_mem>>)
      %dma_wait3A_446 = arith.constant 0 : i32
      %dma_wait3A_447 = tpu.memref_slice %arg5[%add3A_441, %dma_wait3A_446] : memref<20480x16xf32, #tpu.memory_space<hbm>> -> memref<640x16xf32, #tpu.memory_space<hbm>>
      %dma_wait3A_448 = arith.constant 0 : i32
      %dma_wait3A_449 = tpu.memref_slice %arg5[%add3A_441, %dma_wait3A_448] : memref<20480x16xf32, #tpu.memory_space<hbm>> -> memref<640x16xf32, #tpu.memory_space<hbm>>
      tpu.wait_dma2 semaphore(%run_scoped3A : memref<!tpu.dma_semaphore, #tpu.memory_space<semaphore_mem>>) src(%arg17 : memref<640x16xf32, #tpu.memory_space<vmem>>) dst(%dma_wait3A_449 : memref<640x16xf32, #tpu.memory_space<hbm>>)
      tpu.yield
    }) : () -> ()
    return
  }
}

module attributes {stable_mosaic.version = 14 : i64} {
  func.func @body(%arg0: memref<1280x1024xf32, #tpu.memory_space<vmem>>, %arg1: memref<1024x128xf32, #tpu.memory_space<vmem>>, %arg2: memref<1024x128xf32, #tpu.memory_space<vmem>>, %arg3: memref<1x128xf32, #tpu.memory_space<vmem>>, %arg4: memref<1280x128xf32, #tpu.memory_space<vmem>>, %arg5: memref<1280x128xf32, #tpu.memory_space<vmem>>) attributes {dimension_semantics = [], scalar_prefetch = 0 : i64, scratch_operands = 0 : i64, tpu.core_type = #tpu.core_type<tc>} {
    %get3A = arith.constant 0 : index
    %get3A_0 = arith.constant 0 : index
    %get3A_1 = vector.load %arg0[%get3A, %get3A_0] : memref<1280x1024xf32, #tpu.memory_space<vmem>>, vector<1280x1024xf32>
    %get3A_2 = arith.constant 0 : index
    %get3A_3 = arith.constant 0 : index
    %get3A_4 = vector.load %arg1[%get3A_2, %get3A_3] : memref<1024x128xf32, #tpu.memory_space<vmem>>, vector<1024x128xf32>
    %dot_general3A = arith.constant dense<0.000000e+00> : vector<1280x128xf32>
    %dot_general3A_5 = tpu.matmul %get3A_1, %get3A_4, %dot_general3A {dimension_numbers = #tpu.dot_dimension_numbers<[1], [0], [0], [1], [0, 0, 1, 1], [], []>, transpose_lhs_hint = false} : vector<1280x1024xf32>, vector<1024x128xf32>, vector<1280x128xf32> -> vector<1280x128xf32>
    %swap3A = arith.constant 0 : index
    %swap3A_6 = arith.constant 0 : index
    %swap3A_7 = vector.load %arg4[%swap3A, %swap3A_6] : memref<1280x128xf32, #tpu.memory_space<vmem>>, vector<1280x128xf32>
    tpu.vector_store %arg4[%swap3A, %swap3A_6], %dot_general3A_5 {strides = array<i32>} : memref<1280x128xf32, #tpu.memory_space<vmem>>, vector<1280x128xf32>,
    %get3A_8 = arith.constant 0 : index
    %get3A_9 = arith.constant 0 : index
    %get3A_10 = vector.load %arg2[%get3A_8, %get3A_9] : memref<1024x128xf32, #tpu.memory_space<vmem>>, vector<1024x128xf32>
    %dot_general3A_11 = arith.constant dense<0.000000e+00> : vector<1280x128xf32>
    %dot_general3A_12 = tpu.matmul %get3A_1, %get3A_10, %dot_general3A_11 {dimension_numbers = #tpu.dot_dimension_numbers<[1], [0], [0], [1], [0, 0, 1, 1], [], []>, transpose_lhs_hint = false} : vector<1280x1024xf32>, vector<1024x128xf32>, vector<1280x128xf32> -> vector<1280x128xf32>
    %get3A_13 = arith.constant 0 : index
    %get3A_14 = arith.constant 0 : index
    %get3A_15 = vector.load %arg3[%get3A_13, %get3A_14] : memref<1x128xf32, #tpu.memory_space<vmem>>, vector<1x128xf32>
    %add3A = vector.broadcast %get3A_15 : vector<1x128xf32> to vector<1280x128xf32>
    %add3A_16 = arith.addf %dot_general3A_12, %add3A : vector<1280x128xf32>
    %swap3A_17 = arith.constant 0 : index
    %swap3A_18 = arith.constant 0 : index
    %swap3A_19 = vector.load %arg5[%swap3A_17, %swap3A_18] : memref<1280x128xf32, #tpu.memory_space<vmem>>, vector<1280x128xf32>
    tpu.vector_store %arg5[%swap3A_17, %swap3A_18], %add3A_16 {strides = array<i32>} : memref<1280x128xf32, #tpu.memory_space<vmem>>, vector<1280x128xf32>,
    return
  }
}

module attributes {stable_mosaic.version = 14 : i64} {
  func.func @body(%arg0: memref<2x1280x128xf32, #tpu.memory_space<vmem>>, %arg1: memref<2x1280x8xf32, #tpu.memory_space<vmem>>, %arg2: memref<1280x128xf32, #tpu.memory_space<vmem>>, %arg3: memref<8x128xf32, #tpu.memory_space<vmem>>, %arg4: memref<128x128xf32, #tpu.memory_space<vmem>>, %arg5: memref<128x128xf32, #tpu.memory_space<vmem>>, %arg6: memref<1x128xf32, #tpu.memory_space<vmem>>, %arg7: memref<1280x128xf32, #tpu.memory_space<vmem>>, %arg8: memref<1280x128xf32, #tpu.memory_space<vmem>>) attributes {dimension_semantics = [], scalar_prefetch = 0 : i64, scratch_operands = 0 : i64, tpu.core_type = #tpu.core_type<tc>} {
    %get3A = arith.constant 0 : index
    %get3A_0 = arith.constant 0 : index
    %get3A_1 = arith.constant 0 : index
    %get3A_2 = vector.load %arg0[%get3A, %get3A_0, %get3A_1] : memref<2x1280x128xf32, #tpu.memory_space<vmem>>, vector<1x1280x128xf32>
    %get3A_3 = vector.shape_cast %get3A_2 : vector<1x1280x128xf32> to vector<1280x128xf32>
    %get3A_4 = arith.constant 1 : index
    %get3A_5 = arith.constant 0 : index
    %get3A_6 = arith.constant 0 : index
    %get3A_7 = vector.load %arg0[%get3A_4, %get3A_5, %get3A_6] : memref<2x1280x128xf32, #tpu.memory_space<vmem>>, vector<1x1280x128xf32>
    %get3A_8 = vector.shape_cast %get3A_7 : vector<1x1280x128xf32> to vector<1280x128xf32>
    %add3A = arith.addf %get3A_3, %get3A_8 : vector<1280x128xf32>
    %get3A_9 = arith.constant 0 : index
    %get3A_10 = arith.constant 0 : index
    %get3A_11 = arith.constant 0 : index
    %get3A_12 = vector.load %arg1[%get3A_9, %get3A_10, %get3A_11] : memref<2x1280x8xf32, #tpu.memory_space<vmem>>, vector<1x1280x8xf32>
    %get3A_13 = vector.shape_cast %get3A_12 : vector<1x1280x8xf32> to vector<1280x8xf32>
    %get3A_14 = arith.constant 1 : index
    %get3A_15 = arith.constant 0 : index
    %get3A_16 = arith.constant 0 : index
    %get3A_17 = vector.load %arg1[%get3A_14, %get3A_15, %get3A_16] : memref<2x1280x8xf32, #tpu.memory_space<vmem>>, vector<1x1280x8xf32>
    %get3A_18 = vector.shape_cast %get3A_17 : vector<1x1280x8xf32> to vector<1280x8xf32>
    %add3A_19 = arith.addf %get3A_13, %get3A_18 : vector<1280x8xf32>
    %jit3A = arith.constant 1.000000e+00 : f32
    %max3A = vector.broadcast %jit3A : f32 to vector<1280x8xf32>
    %max3A_20 = arith.maximumf %max3A, %add3A_19 : vector<1280x8xf32>
    %div3A = arith.constant 1.000000e+00 : f32
    %div3A_21 = vector.broadcast %div3A : f32 to vector<1280x8xf32>
    %div3A_22 = arith.divf %div3A_21, %max3A_20 : vector<1280x8xf32>
    %get3A_23 = arith.constant 0 : index
    %get3A_24 = arith.constant 0 : index
    %get3A_25 = vector.load %arg3[%get3A_23, %get3A_24] : memref<8x128xf32, #tpu.memory_space<vmem>>, vector<8x128xf32>
    %dot_general3A = arith.constant dense<0.000000e+00> : vector<1280x128xf32>
    %dot_general3A_26 = tpu.matmul %div3A_22, %get3A_25, %dot_general3A {dimension_numbers = #tpu.dot_dimension_numbers<[1], [0], [0], [1], [0, 0, 1, 1], [], []>, transpose_lhs_hint = false} : vector<1280x8xf32>, vector<8x128xf32>, vector<1280x128xf32> -> vector<1280x128xf32>
    %mul3A = arith.mulf %add3A, %dot_general3A_26 : vector<1280x128xf32>
    %get3A_27 = arith.constant 0 : index
    %get3A_28 = arith.constant 0 : index
    %get3A_29 = vector.load %arg2[%get3A_27, %get3A_28] : memref<1280x128xf32, #tpu.memory_space<vmem>>, vector<1280x128xf32>
    %add3A_30 = arith.addf %mul3A, %get3A_29 : vector<1280x128xf32>
    %max3A_31 = arith.constant 0.000000e+00 : f32
    %max3A_32 = vector.broadcast %max3A_31 : f32 to vector<1280x128xf32>
    %max3A_33 = arith.maximumf %add3A_30, %max3A_32 : vector<1280x128xf32>
    %get3A_34 = arith.constant 0 : index
    %get3A_35 = arith.constant 0 : index
    %get3A_36 = vector.load %arg4[%get3A_34, %get3A_35] : memref<128x128xf32, #tpu.memory_space<vmem>>, vector<128x128xf32>
    %dot_general3A_37 = arith.constant dense<0.000000e+00> : vector<1280x128xf32>
    %dot_general3A_38 = tpu.matmul %max3A_33, %get3A_36, %dot_general3A_37 {dimension_numbers = #tpu.dot_dimension_numbers<[1], [0], [0], [1], [0, 0, 1, 1], [], []>, transpose_lhs_hint = false} : vector<1280x128xf32>, vector<128x128xf32>, vector<1280x128xf32> -> vector<1280x128xf32>
    %swap3A = arith.constant 0 : index
    %swap3A_39 = arith.constant 0 : index
    %swap3A_40 = vector.load %arg7[%swap3A, %swap3A_39] : memref<1280x128xf32, #tpu.memory_space<vmem>>, vector<1280x128xf32>
    tpu.vector_store %arg7[%swap3A, %swap3A_39], %dot_general3A_38 {strides = array<i32>} : memref<1280x128xf32, #tpu.memory_space<vmem>>, vector<1280x128xf32>,
    %get3A_41 = arith.constant 0 : index
    %get3A_42 = arith.constant 0 : index
    %get3A_43 = vector.load %arg5[%get3A_41, %get3A_42] : memref<128x128xf32, #tpu.memory_space<vmem>>, vector<128x128xf32>
    %dot_general3A_44 = arith.constant dense<0.000000e+00> : vector<1280x128xf32>
    %dot_general3A_45 = tpu.matmul %max3A_33, %get3A_43, %dot_general3A_44 {dimension_numbers = #tpu.dot_dimension_numbers<[1], [0], [0], [1], [0, 0, 1, 1], [], []>, transpose_lhs_hint = false} : vector<1280x128xf32>, vector<128x128xf32>, vector<1280x128xf32> -> vector<1280x128xf32>
    %get3A_46 = arith.constant 0 : index
    %get3A_47 = arith.constant 0 : index
    %get3A_48 = vector.load %arg6[%get3A_46, %get3A_47] : memref<1x128xf32, #tpu.memory_space<vmem>>, vector<1x128xf32>
    %add3A_49 = vector.broadcast %get3A_48 : vector<1x128xf32> to vector<1280x128xf32>
    %add3A_50 = arith.addf %dot_general3A_45, %add3A_49 : vector<1280x128xf32>
    %swap3A_51 = arith.constant 0 : index
    %swap3A_52 = arith.constant 0 : index
    %swap3A_53 = vector.load %arg8[%swap3A_51, %swap3A_52] : memref<1280x128xf32, #tpu.memory_space<vmem>>, vector<1280x128xf32>
    tpu.vector_store %arg8[%swap3A_51, %swap3A_52], %add3A_50 {strides = array<i32>} : memref<1280x128xf32, #tpu.memory_space<vmem>>, vector<1280x128xf32>,
    return
  }
}

module attributes {stable_mosaic.version = 14 : i64} {
  func.func @body(%arg0: memref<2x1280x128xf32, #tpu.memory_space<vmem>>, %arg1: memref<2x1280x8xf32, #tpu.memory_space<vmem>>, %arg2: memref<1280x128xf32, #tpu.memory_space<vmem>>, %arg3: memref<8x128xf32, #tpu.memory_space<vmem>>, %arg4: memref<128x8xf32, #tpu.memory_space<vmem>>, %arg5: memref<1280x128xf32, #tpu.memory_space<vmem>>) attributes {dimension_semantics = [], scalar_prefetch = 0 : i64, scratch_operands = 0 : i64, tpu.core_type = #tpu.core_type<tc>} {
    %get3A = arith.constant 0 : index
    %get3A_0 = arith.constant 0 : index
    %get3A_1 = arith.constant 0 : index
    %get3A_2 = vector.load %arg0[%get3A, %get3A_0, %get3A_1] : memref<2x1280x128xf32, #tpu.memory_space<vmem>>, vector<1x1280x128xf32>
    %get3A_3 = vector.shape_cast %get3A_2 : vector<1x1280x128xf32> to vector<1280x128xf32>
    %get3A_4 = arith.constant 1 : index
    %get3A_5 = arith.constant 0 : index
    %get3A_6 = arith.constant 0 : index
    %get3A_7 = vector.load %arg0[%get3A_4, %get3A_5, %get3A_6] : memref<2x1280x128xf32, #tpu.memory_space<vmem>>, vector<1x1280x128xf32>
    %get3A_8 = vector.shape_cast %get3A_7 : vector<1x1280x128xf32> to vector<1280x128xf32>
    %add3A = arith.addf %get3A_3, %get3A_8 : vector<1280x128xf32>
    %get3A_9 = arith.constant 0 : index
    %get3A_10 = arith.constant 0 : index
    %get3A_11 = arith.constant 0 : index
    %get3A_12 = vector.load %arg1[%get3A_9, %get3A_10, %get3A_11] : memref<2x1280x8xf32, #tpu.memory_space<vmem>>, vector<1x1280x8xf32>
    %get3A_13 = vector.shape_cast %get3A_12 : vector<1x1280x8xf32> to vector<1280x8xf32>
    %get3A_14 = arith.constant 1 : index
    %get3A_15 = arith.constant 0 : index
    %get3A_16 = arith.constant 0 : index
    %get3A_17 = vector.load %arg1[%get3A_14, %get3A_15, %get3A_16] : memref<2x1280x8xf32, #tpu.memory_space<vmem>>, vector<1x1280x8xf32>
    %get3A_18 = vector.shape_cast %get3A_17 : vector<1x1280x8xf32> to vector<1280x8xf32>
    %add3A_19 = arith.addf %get3A_13, %get3A_18 : vector<1280x8xf32>
    %jit3A = arith.constant 1.000000e+00 : f32
    %max3A = vector.broadcast %jit3A : f32 to vector<1280x8xf32>
    %max3A_20 = arith.maximumf %max3A, %add3A_19 : vector<1280x8xf32>
    %div3A = arith.constant 1.000000e+00 : f32
    %div3A_21 = vector.broadcast %div3A : f32 to vector<1280x8xf32>
    %div3A_22 = arith.divf %div3A_21, %max3A_20 : vector<1280x8xf32>
    %get3A_23 = arith.constant 0 : index
    %get3A_24 = arith.constant 0 : index
    %get3A_25 = vector.load %arg3[%get3A_23, %get3A_24] : memref<8x128xf32, #tpu.memory_space<vmem>>, vector<8x128xf32>
    %dot_general3A = arith.constant dense<0.000000e+00> : vector<1280x128xf32>
    %dot_general3A_26 = tpu.matmul %div3A_22, %get3A_25, %dot_general3A {dimension_numbers = #tpu.dot_dimension_numbers<[1], [0], [0], [1], [0, 0, 1, 1], [], []>, transpose_lhs_hint = false} : vector<1280x8xf32>, vector<8x128xf32>, vector<1280x128xf32> -> vector<1280x128xf32>
    %mul3A = arith.mulf %add3A, %dot_general3A_26 : vector<1280x128xf32>
    %get3A_27 = arith.constant 0 : index
    %get3A_28 = arith.constant 0 : index
    %get3A_29 = vector.load %arg2[%get3A_27, %get3A_28] : memref<1280x128xf32, #tpu.memory_space<vmem>>, vector<1280x128xf32>
    %add3A_30 = arith.addf %mul3A, %get3A_29 : vector<1280x128xf32>
    %reduce_max3A = arith.constant dense<0xFF800000> : vector<1280xf32>
    %reduce_max3A_31 = vector.multi_reduction <maximumf>, %add3A_30, %reduce_max3A [1] : vector<1280x128xf32> to vector<1280xf32>
    %broadcast_in_dim3A = vector.shape_cast %reduce_max3A_31 : vector<1280xf32> to vector<1280x1xf32>
    %sub3A = vector.broadcast %broadcast_in_dim3A : vector<1280x1xf32> to vector<1280x128xf32>
    %sub3A_32 = arith.subf %add3A_30, %sub3A : vector<1280x128xf32>
    %exp3A = math.exp %sub3A_32 : vector<1280x128xf32>
    %get3A_33 = arith.constant 0 : index
    %get3A_34 = arith.constant 0 : index
    %get3A_35 = vector.load %arg4[%get3A_33, %get3A_34] : memref<128x8xf32, #tpu.memory_space<vmem>>, vector<128x8xf32>
    %dot_general3A_36 = arith.constant dense<0.000000e+00> : vector<1280x8xf32>
    %dot_general3A_37 = tpu.matmul %exp3A, %get3A_35, %dot_general3A_36 {dimension_numbers = #tpu.dot_dimension_numbers<[1], [0], [0], [1], [0, 0, 1, 1], [], []>, transpose_lhs_hint = false} : vector<1280x128xf32>, vector<128x8xf32>, vector<1280x8xf32> -> vector<1280x8xf32>
    %sub3A_38 = vector.broadcast %broadcast_in_dim3A : vector<1280x1xf32> to vector<1280x128xf32>
    %sub3A_39 = arith.subf %add3A_30, %sub3A_38 : vector<1280x128xf32>
    %log3A = math.log %dot_general3A_37 : vector<1280x8xf32>
    %get3A_40 = arith.constant 0 : index
    %get3A_41 = arith.constant 0 : index
    %get3A_42 = vector.load %arg3[%get3A_40, %get3A_41] : memref<8x128xf32, #tpu.memory_space<vmem>>, vector<8x128xf32>
    %dot_general3A_43 = arith.constant dense<0.000000e+00> : vector<1280x128xf32>
    %dot_general3A_44 = tpu.matmul %log3A, %get3A_42, %dot_general3A_43 {dimension_numbers = #tpu.dot_dimension_numbers<[1], [0], [0], [1], [0, 0, 1, 1], [], []>, transpose_lhs_hint = false} : vector<1280x8xf32>, vector<8x128xf32>, vector<1280x128xf32> -> vector<1280x128xf32>
    %sub3A_45 = arith.subf %sub3A_39, %dot_general3A_44 : vector<1280x128xf32>
    %swap3A = arith.constant 0 : index
    %swap3A_46 = arith.constant 0 : index
    %swap3A_47 = vector.load %arg5[%swap3A, %swap3A_46] : memref<1280x128xf32, #tpu.memory_space<vmem>>, vector<1280x128xf32>
    tpu.vector_store %arg5[%swap3A, %swap3A_46], %sub3A_45 {strides = array<i32>} : memref<1280x128xf32, #tpu.memory_space<vmem>>, vector<1280x128xf32>,
    return
  }
}

</mosaic_0001>

<sc_bundles>
// kernel: kernel.10.cloned.1.call-start
scs
__scs_entry_jumppad:
0x0: {  	(pc) =	sbr.rel $0x88, $3  }
0x1: {  	(tag) =	ssettag $0x0;
	lr =	simm.s32 $0x1  }
0x2: {  	[smem:$0x3F99] =	sst lr;
	_ =	strace $0xD0000000  }
0x3: {  	_ = 	snop  }
0x4: {  	_ = 	snop  }
0x5: {  	_ = 	snop  }
0x6: {  	_ = 	snop  }
0x7: {  	_ = 	snop  }
__scs_overlays_trampoline_lowered:
0x8: {  	[smem:$0x3FA8] =	sst s0  }
0x9: {  	[smem:$0x3FA9] =	sst s1  }
0xa: {  	[smem:$0x3FAA] =	sst s2  }
0xb: {  	[smem:$0x3FAB] =	sst s3  }
0xc: {  	[smem:$0x3FAC] =	sst s4  }
0xd: {  	[smem:$0x3FAD] =	sst s5  }
0xe: {  	[smem:$0x3FAE] =	sst s6  }
0xf: {  	[smem:$0x3FAF] =	sst s7  }
0x10: {  	[smem:$0x3FB0] =	sst s8  }
0x11: {  	[smem:$0x3FB1] =	sst s9;
	s0 =	simm.s32 @!p0 $0x0  }
0x12: {  	s1 =	sld [smem:$0x3F97];
	s0 =	simm.s32 @p0 $0x1  }
0x13: {  	[smem:$0x3FB2] =	sst s0;
	s0 =	simm.s32 @!p1 $0x0  }
0x14: {  	s2 =	sld [smem:$0x3F96];
	s0 =	simm.s32 @p1 $0x1  }
0x15: {  	[smem:$0x3FB3] =	sst s0;
	s0 =	simm.s32 @!p2 $0x0  }
0x16: {  	s3 =	sld [smem:$0x3FDB];
	s0 =	simm.s32 @p2 $0x1  }
0x17: {  	s4 =	simm.s32 $0x1BF5;
	[smem:$0x3FB5] =	sst s0  }
0x18: {  	s0 =	sld [smem:$0x3F98];
	_ =	swait.ge [sflag:s4], $0x0  }
0x19: {  	s7 =	sld [smem:$0x3F99]  }
0x1a: {  	s8 =	sadd.s32 $0xFFFFE003, lr  }
0x1b: {  	s9 =	sadd.s32 $0xFFFFFEF7, lr;
	s5 =	simm.s32 $0xFFFFFFFF;
	p2 =	slt.u32 s8, $0xFFFFF086  }
0x1c: {  	p1 =	slt.u32 s9, $0xF7A;
	s5 =	simm.s32 @!p2 $0x0  }
0x1d: {  	s5 =	simm.s32 @p1 $0x1;
	p0 =	seq.s32 s7, s2  }
0x1e: {  	s7 =	smul.u32 @!p0 $0xF7A, s2;
	p2 =	seq.s32 @!p0 s5, $0x0  }
0x1f: {  	s9 =	smul.u32 $0xF7A, s1;
	s8 =	simm.s32 @!p0 $0x1BF5;
	p2 =	por !p2, p0  }
0x20: {  	[sflag:s8] =	ssyncset.s32 @!p0 $0xFFFFF086;
	s6 =	sadd.s32 @!p0 s3, s7;
	s7 =	simm.s32 @!p0 $0x108  }
0x21: {  	s3 =	sadd.s32 s3, s9;
	s6 =	sadd.s32 @!p0 $0x88, s6;
	s7 =	simm.s32 @p2 $0x1082  }
0x22: {  	[simem:s7], [sflag:s8] =	dma.local @!p0 [hbm:s6], $0xF7A  }
0x23: {  	s9 =	sor.u32 $0xD0000000, s2;
	s6 =	simm.s32 $0x108;
	_ =	swait.ge @!p0 [sflag:s8], $0x0  }
0x24: {  	s3 =	sadd.s32 $0x88, s3;
	s6 =	simm.s32 @!p1 $0x1082;
	[sflag:s4] =	ssyncset.s32 $0xFFFFF086  }
0x25: {  	[simem:s6], [sflag:s4] =	dma.local [hbm:s3], $0xF7A  }
0x26: {  	[smem:$0x3F99] =	sst s1;
	(tag) =	ssettag s2;
	_ =	strace s9  }
0x27: {  	s1 =	sld [smem:$0x3FA9]  }
0x28: {  	s2 =	sld [smem:$0x3FAA]  }
0x29: {  	s4 =	sld [smem:$0x3FAC]  }
0x2a: {  	p0 =	seq.s32 s5, $0x0;
	s5 =	sld [smem:$0x3FAD]  }
0x2b: {  	s6 =	sld [smem:$0x3FAE]  }
0x2c: {  	s7 =	sld [smem:$0x3FAF]  }
0x2d: {  	s3 =	simm.s32 $0x108;
	s8 =	sld [smem:$0x3FB0]  }
0x2e: {  	s3 =	simm.s32 @!p0 $0x1082;
	s9 =	sld [smem:$0x3FB1]  }
0x2f: {  	lr =	sadd.s32 s0, s3;
	s0 =	sld [smem:$0x3FA8]  }
0x30: {  	s3 =	sld [smem:$0x3FAB]  }
0x31: {  	[smem:$0x3FB4] =	sst s10  }
0x32: {  	s10 =	sld [smem:$0x3FB2];
	_ =	sdelay $0x3  }
0x33: {  	p0 =	seq.s32 s10, $0x1;
	s10 =	sld [smem:$0x3FB4];
	_ =	sdelay $0x3  }
0x34: {  	[smem:$0x3FB4] =	sst s10  }
0x35: {  	s10 =	sld [smem:$0x3FB3];
	_ =	sdelay $0x3  }
0x36: {  	p1 =	seq.s32 s10, $0x1;
	s10 =	sld [smem:$0x3FB4];
	_ =	sdelay $0x3  }
0x37: {  	[smem:$0x3FB4] =	sst s10  }
0x38: {  	s10 =	sld [smem:$0x3FB5]  }
0x39: {  	_ = 	snop;
	(pc) =	sbr.ind lr, $3  }
0x3a: {  	_ = 	snop  }
0x3b: {  	_ = 	snop  }
0x3c: {  	p2 =	seq.s32 s10, $0x1;
	s10 =	sld [smem:$0x3FB4]  }
0x3d: {  	_ =	shalt  }
0x3e: {  	_ =	shalt  }
0x3f: {  	_ =	shalt  }
0x40: {  	_ =	shalt  }
0x41: {  	_ =	shalt  }
0x42: {  	_ =	shalt  }
0x43: {  	_ =	shalt  }
0x44: {  	_ =	shalt  }
0x45: {  	_ =	shalt  }
0x46: {  	_ =	shalt  }
0x47: {  	_ =	shalt  }
0x48: {  	_ =	shalt  }
0x49: {  	_ =	shalt  }
0x4a: {  	_ =	shalt  }
0x4b: {  	_ =	shalt  }
0x4c: {  	_ =	shalt  }
0x4d: {  	_ =	shalt  }
0x4e: {  	_ =	shalt  }
0x4f: {  	_ =	shalt  }
0x50: {  	_ =	shalt  }
0x51: {  	_ =	shalt  }
0x52: {  	_ =	shalt  }
0x53: {  	_ =	shalt  }
0x54: {  	_ =	shalt  }
0x55: {  	_ =	shalt  }
0x56: {  	_ =	shalt  }
0x57: {  	_ =	shalt  }
0x58: {  	_ =	shalt  }
0x59: {  	_ =	shalt  }
0x5a: {  	_ =	shalt  }
0x5b: {  	_ =	shalt  }
0x5c: {  	_ =	shalt  }
0x5d: {  	_ =	shalt  }
0x5e: {  	_ =	shalt  }
0x5f: {  	_ =	shalt  }
0x60: {  	_ =	shalt  }
0x61: {  	_ =	shalt  }
0x62: {  	_ =	shalt  }
0x63: {  	_ =	shalt  }
0x64: {  	_ =	shalt  }
0x65: {  	_ =	shalt  }
0x66: {  	_ =	shalt  }
0x67: {  	_ =	shalt  }
0x68: {  	_ =	shalt  }
0x69: {  	_ =	shalt  }
0x6a: {  	_ =	shalt  }
0x6b: {  	_ =	shalt  }
0x6c: {  	_ =	shalt  }
0x6d: {  	_ =	shalt  }
0x6e: {  	_ =	shalt  }
0x6f: {  	_ =	shalt  }
0x70: {  	_ =	shalt  }
0x71: {  	_ =	shalt  }
0x72: {  	_ =	shalt  }
0x73: {  	_ =	shalt  }
0x74: {  	_ =	shalt  }
0x75: {  	_ =	shalt  }
0x76: {  	_ =	shalt  }
0x77: {  	_ =	shalt  }
0x78: {  	_ =	shalt  }
0x79: {  	_ =	shalt  }
0x7a: {  	_ =	shalt  }
0x7b: {  	_ =	shalt  }
0x7c: {  	_ =	shalt  }
0x7d: {  	_ =	shalt  }
0x7e: {  	_ =	shalt  }
0x7f: {  	_ =	shalt  }
0x80: {  	_ =	shalt  }
0x81: {  	_ =	shalt  }
0x82: {  	_ =	shalt  }
0x83: {  	_ =	shalt  }
0x84: {  	_ =	shalt  }
0x85: {  	_ =	shalt  }
0x86: {  	_ =	shalt  }
0x87: {  	_ =	shalt  }
.Lfunc_end0:
.L_simem_size_0:
called_computation.1_lowered:
.L_overlay_start_0:
0x88: {  	s2 =	sld [smem:$0x3FD9]  }
0x89: {  	s3 =	sld [smem:$0x3FFE];
	_ =	sdelay $0x1  }
0x8a: {  	s1 =	srdreg.scid  }
0x8b: {  	s0 =	sand.u32 $0x1, s1  }
0x8c: {  	s16 =	sshll.u32 s0, $0xA;
	s2 =	sadd.s32 s3, s2  }
0x8d: {  	s2 =	sadd.s32 s2, s16  }
0x8e: {  	[smem:$0x3FC0] =	sst s2  }
0x8f: {  	_ = 	snop  }
0x90: {  	(tm) =	ssettm $0x1  }
0x91: {  	s17 =	sld [smem:$0x3FFB];
	_ =	sdelay $0x3  }
0x92: {  	_ =	strace s17  }
0x93: {  	s2 =	sld [smem:$0x3FFC];
	_ =	sdelay $0x3  }
0x94: {  	_ =	strace s2  }
0x95: {  	s2 =	sld [smem:$0x3FFD];
	_ =	sdelay $0x3  }
0x96: {  	_ =	strace s2  }
0x97: {  	_ =	strace $0x8FFFFFFF  }
0x98: {  	s18 =	sld [smem:$0x3FDB];
	_ =	sdelay $0x1  }
0x99: {  	s19 =	simm.s32 $_scs_section_size  }
0x9a: {  	s4 =	simm.s32 $_size__tile_overlayer_lowered;
	s5 =	simm.s32 $_tile_overlayer_lowered  }
0x9b: {  	s22 =	simm.s32 $0x1BFF;
	s21 =	sshll.u32 s5, $0x1;
	s2 =	sadd.s32 s19, s18  }
0x9c: {  	s6 =	simm.s32 $0x0;
	s20 =	sshll.u32 s4, $0x1;
	s4 =	sadd.s32 s21, s2  }
0x9d: {  	[timem:s6], [sflag:s22] =	dma.local [hbm:s4], s20  }
0x9e: {  	_ =	swait.ge [sflag:s22], s20  }
0x9f: {  	s3 =	ssub.s32 $0x0, s20;
	[sflag:s22] =	ssyncset.done $0x0  }
0xa0: {  	[sflag:s22] =	ssyncadd.s32 s3;
	_ =	sdelay $0x1  }
0xa1: {  	s23 =	simm.s32 $0x1B8B  }
0xa2: {  	_ =	swait.ge [sflag:s23], $0x1  }
0xa3: {  	[sflag:s23] =	ssyncset.done $0x0  }
0xa4: {  	s25 =	simm.s32 $0x1B8E;
	s24 =	sld [smem:$0x3FFE];
	[sflag:s23] =	ssyncadd.s32 $0xFFFFFFFF  }
0xa5: {  	s26 =	simm.s32 $execute0_lowered;
	[smem:$0x3FD2] =	sst s25  }
0xa6: {  	s4 =	sshll.u32 s26, $0x1;
	_ =	strace $0x80000049;
	[dreg:$0x1] =	wrdreg $0xFFFFFFFF  }
0xa7: {  	s28 =	simm.s32 $_size_execute0_lowered;
	s2 =	sadd.s32 s2, s4;
	[dreg:$0x0] =	wrdreg $0x0  }
0xa8: {  	s4 =	sshll.u32 s28, $0x1;
	[dreg:$0x2] =	wrdreg s2  }
0xa9: {  	[dreg:$0x3] =	wrdreg s4  }
0xaa: {  	[dreg:$0x4] =	wrdreg $0xC0  }
0xab: {  	_ =	task [dreg:s6], $0x5FFFF  }
0xac: {  	[dreg:$0x1] =	wrdreg $0xFFFFFFFF  }
0xad: {  	[dreg:$0x0] =	wrdreg $0x60  }
0xae: {  	[dreg:$0x2] =	wrdreg s24  }
0xaf: {  	[dreg:$0x3] =	wrdreg $0x0  }
0xb0: {  	[dreg:$0x4] =	wrdreg $0x9  }
0xb1: {  	_ =	task.clear_ibuf [dreg:s6], $0x5FFFF;
	_ =	strace $0x90000049  }
0xb2: {  	s29 =	simm.s32 $0x9;
	_ =	strace $0x8000004B  }
0xb3: {  	_ =	swait.ge [sflag:s29], $0x1  }
0xb4: {  	[sflag:s29] =	ssyncadd.s32 $0xFFFFFFFF  }
0xb5: {  	_ =	strace $0x9000004B  }
0xb6: {  	_ =	sfence  }
0xb7: {  	s30 =	sld [smem:$0x0];
	_ =	sdelay $0x2  }
0xb8: {  	s31 =	sshll.u32 s1, $0xD;
	s1 =	sshrl.u32 s1, $0x2  }
0xb9: {  	s3 =	sand.u32 $0x4000, s31;
	s1 =	sadd.s32 s1, s30  }
0xba: {  	s0 =	sor.u32 s3, s0;
	s1 =	sshll.u32 s1, $0x11  }
0xbb: {  	s0 =	sor.u32 s1, s0  }
0xbc: {  	s0 =	sadd.s32 $0x8F2B, s0  }
0xbd: {  	[sflag:s0] =	ssyncadd.remote.s32 $0x1  }
0xbe: {  	_ =	sfence.sel $0xFFFF  }
0xbf: {  	[dreg:$0x0] =	wrdreg $0xFFFFFFFF;
	(pc) =	sbr.abs _section_cstart, $3  }
0xc0: {  	[dreg:$0x1] =	wrdreg $0xFFFFFFFF  }
0xc1: {  	_ =	task.clear_ibuf [dreg:s6], $0x2FFFF;
	_ =	strace $0x9FFFFFFF  }
0xc2: {  	(tm) =	ssettm $0x7FFFFFFF  }
0xc3: {  	_ =	shalt  }
tec
execute0_lowered:
.L_overlay_start_1:
0x0: {  	(tag) =	ssettag $0x1  }
0x1: {  	s0 =	srdreg.scid;
	s1 =	rddreg [dreg:$0x0]  }
0x2: {  	s7 =	stileid.u32;
	s2 =	rddreg [dreg:$0x1]  }
0x3: {  	s11 =	simm.s32 $0x0;
	s14 =	simm.s32 $0x80;
	s15 =	simm.s32 $0x7700  }
0x4: {  	s17 =	simm.s32 $0x7F00;
	s19 =	simm.s32 $0x8700;
	s21 =	simm.s32 $0x8F00  }
0x5: {  	s28 =	simm.s32 $0x2;
	s31 =	simm.s32 $0xA700;
	s18 =	simm.s32 $0xAF00  }
0x6: {  	s20 =	simm.s32 $0x4;
	s30 =	simm.s32 $0x5;
	s16 =	simm.s32 $0xA  }
0x7: {  	s29 =	simm.s32 $0x6;
	s22 =	simm.s32 $0xB;
	s10 =	simm.s32 $0xC  }
0x8: {  	s12 =	simm.s32 $0x8;
	s8 =	simm.s32 $0xF;
	s9 =	simm.s32 $0x10  }
0x9: {  	s13 =	simm.s32 $0x0;
	s0 =	sand.u32 $0x1, s0;
	s5 =	smul.u32 $0x500, s7  }
0xa: {  	s3 =	sshll.u32 s7, $0x1;
	[smem:$0x7FF] =	sst s11;
	s7 =	smul.u32 $0xA000, s7  }
0xb: {  	s4 =	sadd.s32 $0x16400, s1;
	s3 =	sor.u32 s0, s3;
	s6 =	smul.u32 $0x5000, s0  }
0xc: {  	_ =	strace $0x8000004A;
	s0 =	ssub.s32 $0x2, s0;
	s3 =	smul.u32 $0x4F0, s3  }
0xd: {  	s23 =	sshrl.u32 s0, $0x1;
	s24 =	sshrl.u32 s7, $0x2;
	s5 =	sadd.s32 s5, s6  }
0xe: {  	s0 =	ssub.s32 s0, s23;
	s26 =	sadd.s32 s24, s2;
	s23 =	simm.s32 $0x9700  }
0xf: {  	s24 =	simm.s32 $0x1;
	s6 =	simm.s32 $0xE;
	s3 =	sadd.s32 s3, s1  }
0x10: {  	s1 =	sadd.s32 s5, s1;
	[dreg:$0x5] =	wrdreg s26;
	s0 =	smax.u32 s0, $0x1  }
0x11: {  	s26 =	simm.s32 $0x9F00;
	s25 =	sadd.s32 $0x2800, s3;
	[dreg:$0x7] =	wrdreg s0  }
0x12: {  	s5 =	simm.s32 $0xD;
	s3 =	sadd.s32 $0xC600, s3;
	[dreg:$0x3] =	wrdreg s25  }
0x13: {  	s1 =	sadd.s32 $0x1B400, s1;
	s0 =	simm.s32 $0x7;
	[dreg:$0x4] =	wrdreg s3  }
0x14: {  	v0 =	vimm.f32 $0.0e+00;
	[dreg:$0x6] =	wrdreg s1;
	s1 =	simm.s32 $0x3;
	s25 =	simm.s32 $0x9  }
.LBB2_1:
0x15: {  	[dreg:$0x8] =	wrdreg s13  }
0x16: {  	s7 =	rddreg [dreg:$0x3];
	s3 =	simm.s32 $0x11;
	s13 =	simm.s32 $0x2800  }
0x17: {  	[tilespmem:s13], [sflag:$0x11] =	stream.linear.gather [hbm4b:s7+s11], $0x2780, $0x38;
	[tilespmem:$0xDF00] =	vst v63  }
0x18: {  	_ =	swait.ge [sflag:s3], $0x2780  }
0x19: {  	[sflag:s3] =	ssyncset.done $0x0  }
0x1a: {  	s13 =	simm.s32 $0x4F80;
	s7 =	rddreg [dreg:$0x4];
	[sflag:s3] =	ssyncadd.s32 $0xFFFFD880  }
0x1b: {  	[tilespmem:s13], [sflag:$0x11] =	stream.linear.gather [hbm4b:s7+s11], $0x2780, $0x38;
	[tilespmem:$0xDF00] =	vst v63  }
0x1c: {  	_ =	swait.ge [sflag:s3], $0x2780  }
0x1d: {  	[sflag:s3] =	ssyncset.done $0x0  }
0x1e: {  	s7 =	simm.s32 $0x40;
	s13 =	simm.s32 $0x0;
	[sflag:s3] =	ssyncadd.s32 $0xFFFFD880  }
.LBB2_2:
0x1f: {  	p0 =	sne.s32 s7, $0x9FC0;
	[tilespmem:s13+$0xB700] =	vst v0;
	s13 =	smov.u32 s7;
	s7 =	sadd.s32 $0x40, s7  }
.Ltmp0:
0x20: {  	(pc) =	sbr.rel @p0 .LBB2_2-.Ltmp0, $2  }
0x21: {  	_ =	sdelay $0x2  }
0x22: {  	s13 =	sshra.s32 s13, $0x2  }
0x23: {  	[tilespmem:s13+$0xB700] =	vst v0;
	s7 =	rddreg [dreg:$0x5];
	s3 =	simm.s32 $0xB700;
	s13 =	simm.s32 $0x11  }
0x24: {  	[spmem:s7] =	stream.linear.scatter [tilespmem:s3], [sflag:$0x11], $0x2800, $0x38;
	[tilespmem:$0xDF00] =	vst v63  }
0x25: {  	_ =	swait.ge [sflag:s13], $0x2800  }
0x26: {  	[sflag:s13] =	ssyncset.done $0x0  }
0x27: {  	[sflag:s13] =	ssyncadd.s32 $0xFFFFD800  }
0x28: {  	s3 =	simm.s32 $0x2800;
	[bflag:$0x0] =	sbarrier.arrive $0xFFFF  }
0x29: {  	[tilespmem:s15], [sflag:$0x1] =	stream.indirect.gather [hbm4b:s4+s14], $0x10, s3, s14, $0xb8;
	[tilespmem:$0xDF00] =	vst v63  }
0x2a: {  	s11 =	simm.s32 $0x2880  }
0x2b: {  	[tilespmem:s17], [sflag:$0x2] =	stream.indirect.gather [hbm4b:s4+s14], $0x10, s11, s14, $0xb8;
	[tilespmem:$0xDF00] =	vst v63  }
0x2c: {  	s13 =	simm.s32 $0x2900  }
0x2d: {  	[tilespmem:s19], [sflag:$0x3] =	stream.indirect.gather [hbm4b:s4+s14], $0x10, s13, s14, $0xb8;
	[tilespmem:$0xDF00] =	vst v63  }
0x2e: {  	s7 =	simm.s32 $0x2980  }
0x2f: {  	[tilespmem:s21], [sflag:$0x4] =	stream.indirect.gather [hbm4b:s4+s14], $0x10, s7, s14, $0xb8;
	[tilespmem:$0xDF00] =	vst v63  }
0x30: {  	s11 =	simm.s32 $0x2A00  }
0x31: {  	[tilespmem:s23], [sflag:$0x5] =	stream.indirect.gather [hbm4b:s4+s14], $0x10, s11, s14, $0xb8;
	[tilespmem:$0xDF00] =	vst v63  }
0x32: {  	_ =	swait.ge [sflag:s24], $0x800  }
0x33: {  	[sflag:s24] =	ssyncset.done $0x0  }
0x34: {  	s13 =	simm.s32 $0x4F80;
	[sflag:s24] =	ssyncadd.s32 $0xFFFFF800  }
0x35: {  	[spmem:s2] =	stream.indirect.scatter.add.f32 [tilespmem:s15], [sflag:$0x9], $0x10, s13, s14, $0xb8;
	[tilespmem:$0xDF00] =	vst v63  }
0x36: {  	s7 =	simm.s32 $0x2A80  }
0x37: {  	[tilespmem:s26], [sflag:$0x6] =	stream.indirect.gather [hbm4b:s4+s14], $0x10, s7, s14, $0xb8;
	[tilespmem:$0xDF00] =	vst v63  }
0x38: {  	_ =	swait.ge [sflag:s28], $0x800  }
0x39: {  	[sflag:s28] =	ssyncset.done $0x0  }
0x3a: {  	s11 =	simm.s32 $0x5000;
	[sflag:s28] =	ssyncadd.s32 $0xFFFFF800  }
0x3b: {  	[spmem:s2] =	stream.indirect.scatter.add.f32 [tilespmem:s17], [sflag:$0xA], $0x10, s11, s14, $0xb8;
	[tilespmem:$0xDF00] =	vst v63  }
0x3c: {  	s13 =	simm.s32 $0x2B00  }
0x3d: {  	[tilespmem:s31], [sflag:$0x7] =	stream.indirect.gather [hbm4b:s4+s14], $0x10, s13, s14, $0xb8;
	[tilespmem:$0xDF00] =	vst v63  }
0x3e: {  	_ =	swait.ge [sflag:s1], $0x800  }
0x3f: {  	[sflag:s1] =	ssyncset.done $0x0  }
0x40: {  	s7 =	simm.s32 $0x5080;
	[sflag:s1] =	ssyncadd.s32 $0xFFFFF800  }
0x41: {  	[spmem:s2] =	stream.indirect.scatter.add.f32 [tilespmem:s19], [sflag:$0xB], $0x10, s7, s14, $0xb8;
	[tilespmem:$0xDF00] =	vst v63  }
0x42: {  	s11 =	simm.s32 $0x2B80  }
0x43: {  	[tilespmem:s18], [sflag:$0x8] =	stream.indirect.gather [hbm4b:s4+s14], $0x10, s11, s14, $0xb8;
	[tilespmem:$0xDF00] =	vst v63  }
0x44: {  	_ =	swait.ge [sflag:s20], $0x800  }
0x45: {  	[sflag:s20] =	ssyncset.done $0x0  }
0x46: {  	s13 =	simm.s32 $0x5100;
	[sflag:s20] =	ssyncadd.s32 $0xFFFFF800  }
0x47: {  	[spmem:s2] =	stream.indirect.scatter.add.f32 [tilespmem:s21], [sflag:$0xC], $0x10, s13, s14, $0xb8;
	[tilespmem:$0xDF00] =	vst v63  }
0x48: {  	_ =	swait.ge [sflag:s25], $0x800  }
0x49: {  	[sflag:s25] =	ssyncset.done $0x0  }
0x4a: {  	s7 =	simm.s32 $0x2C00;
	[sflag:s25] =	ssyncadd.s32 $0xFFFFF800  }
0x4b: {  	[tilespmem:s15], [sflag:$0x1] =	stream.indirect.gather [hbm4b:s4+s14], $0x10, s7, s14, $0xb8;
	[tilespmem:$0xDF00] =	vst v63  }
0x4c: {  	_ =	swait.ge [sflag:s30], $0x800  }
0x4d: {  	[sflag:s30] =	ssyncset.done $0x0  }
0x4e: {  	s11 =	simm.s32 $0x5180;
	[sflag:s30] =	ssyncadd.s32 $0xFFFFF800  }
0x4f: {  	[spmem:s2] =	stream.indirect.scatter.add.f32 [tilespmem:s23], [sflag:$0xD], $0x10, s11, s14, $0xb8;
	[tilespmem:$0xDF00] =	vst v63  }
0x50: {  	_ =	swait.ge [sflag:s16], $0x800  }
0x51: {  	[sflag:s16] =	ssyncset.done $0x0  }
0x52: {  	s13 =	simm.s32 $0x2C80;
	[sflag:s16] =	ssyncadd.s32 $0xFFFFF800  }
0x53: {  	[tilespmem:s17], [sflag:$0x2] =	stream.indirect.gather [hbm4b:s4+s14], $0x10, s13, s14, $0xb8;
	[tilespmem:$0xDF00] =	vst v63  }
0x54: {  	_ =	swait.ge [sflag:s29], $0x800  }
0x55: {  	[sflag:s29] =	ssyncset.done $0x0  }
0x56: {  	s7 =	simm.s32 $0x5200;
	[sflag:s29] =	ssyncadd.s32 $0xFFFFF800  }
0x57: {  	[spmem:s2] =	stream.indirect.scatter.add.f32 [tilespmem:s26], [sflag:$0xE], $0x10, s7, s14, $0xb8;
	[tilespmem:$0xDF00] =	vst v63  }
0x58: {  	_ =	swait.ge [sflag:s22], $0x800  }
0x59: {  	[sflag:s22] =	ssyncset.done $0x0  }
0x5a: {  	s11 =	simm.s32 $0x2D00;
	[sflag:s22] =	ssyncadd.s32 $0xFFFFF800  }
0x5b: {  	[tilespmem:s19], [sflag:$0x3] =	stream.indirect.gather [hbm4b:s4+s14], $0x10, s11, s14, $0xb8;
	[tilespmem:$0xDF00] =	vst v63  }
0x5c: {  	_ =	swait.ge [sflag:s0], $0x800  }
0x5d: {  	[sflag:s0] =	ssyncset.done $0x0  }
0x5e: {  	s13 =	simm.s32 $0x5280;
	[sflag:s0] =	ssyncadd.s32 $0xFFFFF800  }
0x5f: {  	[spmem:s2] =	stream.indirect.scatter.add.f32 [tilespmem:s31], [sflag:$0xF], $0x10, s13, s14, $0xb8;
	[tilespmem:$0xDF00] =	vst v63  }
0x60: {  	_ =	swait.ge [sflag:s10], $0x800  }
0x61: {  	[sflag:s10] =	ssyncset.done $0x0  }
0x62: {  	s7 =	simm.s32 $0x2D80;
	[sflag:s10] =	ssyncadd.s32 $0xFFFFF800  }
0x63: {  	[tilespmem:s21], [sflag:$0x4] =	stream.indirect.gather [hbm4b:s4+s14], $0x10, s7, s14, $0xb8;
	[tilespmem:$0xDF00] =	vst v63  }
0x64: {  	_ =	swait.ge [sflag:s12], $0x800  }
0x65: {  	[sflag:s12] =	ssyncset.done $0x0  }
0x66: {  	s11 =	simm.s32 $0x5300;
	[sflag:s12] =	ssyncadd.s32 $0xFFFFF800  }
0x67: {  	[spmem:s2] =	stream.indirect.scatter.add.f32 [tilespmem:s18], [sflag:$0x10], $0x10, s11, s14, $0xb8;
	[tilespmem:$0xDF00] =	vst v63  }
0x68: {  	_ =	swait.ge [sflag:s5], $0x800  }
0x69: {  	[sflag:s5] =	ssyncset.done $0x0  }
0x6a: {  	s13 =	simm.s32 $0x2E00;
	[sflag:s5] =	ssyncadd.s32 $0xFFFFF800  }
0x6b: {  	[tilespmem:s23], [sflag:$0x5] =	stream.indirect.gather [hbm4b:s4+s14], $0x10, s13, s14, $0xb8;
	[tilespmem:$0xDF00] =	vst v63  }
0x6c: {  	_ =	swait.ge [sflag:s24], $0x800  }
0x6d: {  	[sflag:s24] =	ssyncset.done $0x0  }
0x6e: {  	s3 =	simm.s32 $0x5380;
	[sflag:s24] =	ssyncadd.s32 $0xFFFFF800  }
0x6f: {  	[spmem:s2] =	stream.indirect.scatter.add.f32 [tilespmem:s15], [sflag:$0x9], $0x10, s3, s14, $0xb8;
	[tilespmem:$0xDF00] =	vst v63  }
0x70: {  	_ =	swait.ge [sflag:s6], $0x800  }
0x71: {  	[sflag:s6] =	ssyncset.done $0x0  }
0x72: {  	s11 =	simm.s32 $0x2E80;
	[sflag:s6] =	ssyncadd.s32 $0xFFFFF800  }
0x73: {  	[tilespmem:s26], [sflag:$0x6] =	stream.indirect.gather [hbm4b:s4+s14], $0x10, s11, s14, $0xb8;
	[tilespmem:$0xDF00] =	vst v63  }
0x74: {  	_ =	swait.ge [sflag:s28], $0x800  }
0x75: {  	[sflag:s28] =	ssyncset.done $0x0  }
0x76: {  	s13 =	simm.s32 $0x5400;
	[sflag:s28] =	ssyncadd.s32 $0xFFFFF800  }
0x77: {  	[spmem:s2] =	stream.indirect.scatter.add.f32 [tilespmem:s17], [sflag:$0xA], $0x10, s13, s14, $0xb8;
	[tilespmem:$0xDF00] =	vst v63  }
0x78: {  	_ =	swait.ge [sflag:s8], $0x800  }
0x79: {  	[sflag:s8] =	ssyncset.done $0x0  }
0x7a: {  	s3 =	simm.s32 $0x2F00;
	[sflag:s8] =	ssyncadd.s32 $0xFFFFF800  }
0x7b: {  	[tilespmem:s31], [sflag:$0x7] =	stream.indirect.gather [hbm4b:s4+s14], $0x10, s3, s14, $0xb8;
	[tilespmem:$0xDF00] =	vst v63  }
0x7c: {  	_ =	swait.ge [sflag:s1], $0x800  }
0x7d: {  	[sflag:s1] =	ssyncset.done $0x0  }
0x7e: {  	s11 =	simm.s32 $0x5480;
	[sflag:s1] =	ssyncadd.s32 $0xFFFFF800  }
0x7f: {  	[spmem:s2] =	stream.indirect.scatter.add.f32 [tilespmem:s19], [sflag:$0xB], $0x10, s11, s14, $0xb8;
	[tilespmem:$0xDF00] =	vst v63  }
0x80: {  	_ =	swait.ge [sflag:s9], $0x800  }
0x81: {  	[sflag:s9] =	ssyncset.done $0x0  }
0x82: {  	s13 =	simm.s32 $0x2F80;
	[sflag:s9] =	ssyncadd.s32 $0xFFFFF800  }
0x83: {  	[tilespmem:s18], [sflag:$0x8] =	stream.indirect.gather [hbm4b:s4+s14], $0x10, s13, s14, $0xb8;
	[tilespmem:$0xDF00] =	vst v63  }
0x84: {  	_ =	swait.ge [sflag:s20], $0x800  }
0x85: {  	[sflag:s20] =	ssyncset.done $0x0  }
0x86: {  	s3 =	simm.s32 $0x5500;
	[sflag:s20] =	ssyncadd.s32 $0xFFFFF800  }
0x87: {  	[spmem:s2] =	stream.indirect.scatter.add.f32 [tilespmem:s21], [sflag:$0xC], $0x10, s3, s14, $0xb8;
	[tilespmem:$0xDF00] =	vst v63  }
0x88: {  	_ =	swait.ge [sflag:s25], $0x800  }
0x89: {  	[sflag:s25] =	ssyncset.done $0x0  }
0x8a: {  	s11 =	simm.s32 $0x3000;
	[sflag:s25] =	ssyncadd.s32 $0xFFFFF800  }
0x8b: {  	[tilespmem:s15], [sflag:$0x1] =	stream.indirect.gather [hbm4b:s4+s14], $0x10, s11, s14, $0xb8;
	[tilespmem:$0xDF00] =	vst v63  }
0x8c: {  	_ =	swait.ge [sflag:s30], $0x800  }
0x8d: {  	[sflag:s30] =	ssyncset.done $0x0  }
0x8e: {  	s13 =	simm.s32 $0x5580;
	[sflag:s30] =	ssyncadd.s32 $0xFFFFF800  }
0x8f: {  	[spmem:s2] =	stream.indirect.scatter.add.f32 [tilespmem:s23], [sflag:$0xD], $0x10, s13, s14, $0xb8;
	[tilespmem:$0xDF00] =	vst v63  }
0x90: {  	_ =	swait.ge [sflag:s16], $0x800  }
0x91: {  	[sflag:s16] =	ssyncset.done $0x0  }
0x92: {  	s3 =	simm.s32 $0x3080;
	[sflag:s16] =	ssyncadd.s32 $0xFFFFF800  }
0x93: {  	[tilespmem:s17], [sflag:$0x2] =	stream.indirect.gather [hbm4b:s4+s14], $0x10, s3, s14, $0xb8;
	[tilespmem:$0xDF00] =	vst v63  }
0x94: {  	_ =	swait.ge [sflag:s29], $0x800  }
0x95: {  	[sflag:s29] =	ssyncset.done $0x0  }
0x96: {  	s11 =	simm.s32 $0x5600;
	[sflag:s29] =	ssyncadd.s32 $0xFFFFF800  }
0x97: {  	[spmem:s2] =	stream.indirect.scatter.add.f32 [tilespmem:s26], [sflag:$0xE], $0x10, s11, s14, $0xb8;
	[tilespmem:$0xDF00] =	vst v63  }
0x98: {  	_ =	swait.ge [sflag:s22], $0x800  }
0x99: {  	[sflag:s22] =	ssyncset.done $0x0  }
0x9a: {  	s13 =	simm.s32 $0x3100;
	[sflag:s22] =	ssyncadd.s32 $0xFFFFF800  }
0x9b: {  	[tilespmem:s19], [sflag:$0x3] =	stream.indirect.gather [hbm4b:s4+s14], $0x10, s13, s14, $0xb8;
	[tilespmem:$0xDF00] =	vst v63  }
0x9c: {  	_ =	swait.ge [sflag:s0], $0x800  }
0x9d: {  	[sflag:s0] =	ssyncset.done $0x0  }
0x9e: {  	s3 =	simm.s32 $0x5680;
	[sflag:s0] =	ssyncadd.s32 $0xFFFFF800  }
0x9f: {  	[spmem:s2] =	stream.indirect.scatter.add.f32 [tilespmem:s31], [sflag:$0xF], $0x10, s3, s14, $0xb8;
	[tilespmem:$0xDF00] =	vst v63  }
0xa0: {  	_ =	swait.ge [sflag:s10], $0x800  }
0xa1: {  	[sflag:s10] =	ssyncset.done $0x0  }
0xa2: {  	s11 =	simm.s32 $0x3180;
	[sflag:s10] =	ssyncadd.s32 $0xFFFFF800  }
0xa3: {  	[tilespmem:s21], [sflag:$0x4] =	stream.indirect.gather [hbm4b:s4+s14], $0x10, s11, s14, $0xb8;
	[tilespmem:$0xDF00] =	vst v63  }
0xa4: {  	_ =	swait.ge [sflag:s12], $0x800  }
0xa5: {  	[sflag:s12] =	ssyncset.done $0x0  }
0xa6: {  	s13 =	simm.s32 $0x5700;
	[sflag:s12] =	ssyncadd.s32 $0xFFFFF800  }
0xa7: {  	[spmem:s2] =	stream.indirect.scatter.add.f32 [tilespmem:s18], [sflag:$0x10], $0x10, s13, s14, $0xb8;
	[tilespmem:$0xDF00] =	vst v63  }
0xa8: {  	_ =	swait.ge [sflag:s5], $0x800  }
0xa9: {  	[sflag:s5] =	ssyncset.done $0x0  }
0xaa: {  	s7 =	simm.s32 $0x3200;
	s13 =	simm.s32 $0x1000;
	[sflag:s5] =	ssyncadd.s32 $0xFFFFF800  }
.LBB2_4:
0xab: {  	[tilespmem:s23], [sflag:$0x5] =	stream.indirect.gather [hbm4b:s4+s14], $0x10, s7, s14, $0xb8;
	[tilespmem:$0xDF00] =	vst v63  }
0xac: {  	s7 =	smov.u32 s13  }
0xad: {  	p0 =	sne.s32 s13, $0x7000;
	s13 =	sadd.s32 $0x1000, s13;
	_ =	swait.ge [sflag:s24], $0x800  }
0xae: {  	s7 =	sshra.s32 s7, $0x2;
	[sflag:s24] =	ssyncset.done $0x0  }
0xaf: {  	s11 =	sadd.s32 $0x5380, s7;
	[sflag:s24] =	ssyncadd.s32 $0xFFFFF800  }
0xb0: {  	[spmem:s2] =	stream.indirect.scatter.add.f32 [tilespmem:s15], [sflag:$0x9], $0x10, s11, s14, $0xb8;
	[tilespmem:$0xDF00] =	vst v63  }
0xb1: {  	_ =	swait.ge [sflag:s6], $0x800  }
0xb2: {  	[sflag:s6] =	ssyncset.done $0x0  }
0xb3: {  	s11 =	sadd.s32 $0x2E80, s7;
	[sflag:s6] =	ssyncadd.s32 $0xFFFFF800  }
0xb4: {  	[tilespmem:s26], [sflag:$0x6] =	stream.indirect.gather [hbm4b:s4+s14], $0x10, s11, s14, $0xb8;
	[tilespmem:$0xDF00] =	vst v63  }
0xb5: {  	_ =	swait.ge [sflag:s28], $0x800  }
0xb6: {  	[sflag:s28] =	ssyncset.done $0x0  }
0xb7: {  	s11 =	sadd.s32 $0x5400, s7;
	[sflag:s28] =	ssyncadd.s32 $0xFFFFF800  }
0xb8: {  	[spmem:s2] =	stream.indirect.scatter.add.f32 [tilespmem:s17], [sflag:$0xA], $0x10, s11, s14, $0xb8;
	[tilespmem:$0xDF00] =	vst v63  }
0xb9: {  	_ =	swait.ge [sflag:s8], $0x800  }
0xba: {  	[sflag:s8] =	ssyncset.done $0x0  }
0xbb: {  	s11 =	sadd.s32 $0x2F00, s7;
	[sflag:s8] =	ssyncadd.s32 $0xFFFFF800  }
0xbc: {  	[tilespmem:s31], [sflag:$0x7] =	stream.indirect.gather [hbm4b:s4+s14], $0x10, s11, s14, $0xb8;
	[tilespmem:$0xDF00] =	vst v63  }
0xbd: {  	_ =	swait.ge [sflag:s1], $0x800  }
0xbe: {  	[sflag:s1] =	ssyncset.done $0x0  }
0xbf: {  	s11 =	sadd.s32 $0x5480, s7;
	[sflag:s1] =	ssyncadd.s32 $0xFFFFF800  }
0xc0: {  	[spmem:s2] =	stream.indirect.scatter.add.f32 [tilespmem:s19], [sflag:$0xB], $0x10, s11, s14, $0xb8;
	[tilespmem:$0xDF00] =	vst v63  }
0xc1: {  	_ =	swait.ge [sflag:s9], $0x800  }
0xc2: {  	[sflag:s9] =	ssyncset.done $0x0  }
0xc3: {  	s11 =	sadd.s32 $0x2F80, s7;
	[sflag:s9] =	ssyncadd.s32 $0xFFFFF800  }
0xc4: {  	[tilespmem:s18], [sflag:$0x8] =	stream.indirect.gather [hbm4b:s4+s14], $0x10, s11, s14, $0xb8;
	[tilespmem:$0xDF00] =	vst v63  }
0xc5: {  	_ =	swait.ge [sflag:s20], $0x800  }
0xc6: {  	[sflag:s20] =	ssyncset.done $0x0  }
0xc7: {  	s11 =	sadd.s32 $0x5500, s7;
	[sflag:s20] =	ssyncadd.s32 $0xFFFFF800  }
0xc8: {  	[spmem:s2] =	stream.indirect.scatter.add.f32 [tilespmem:s21], [sflag:$0xC], $0x10, s11, s14, $0xb8;
	[tilespmem:$0xDF00] =	vst v63  }
0xc9: {  	_ =	swait.ge [sflag:s25], $0x800  }
0xca: {  	[sflag:s25] =	ssyncset.done $0x0  }
0xcb: {  	s11 =	sadd.s32 $0x3000, s7;
	[sflag:s25] =	ssyncadd.s32 $0xFFFFF800  }
0xcc: {  	[tilespmem:s15], [sflag:$0x1] =	stream.indirect.gather [hbm4b:s4+s14], $0x10, s11, s14, $0xb8;
	[tilespmem:$0xDF00] =	vst v63  }
0xcd: {  	_ =	swait.ge [sflag:s30], $0x800  }
0xce: {  	[sflag:s30] =	ssyncset.done $0x0  }
0xcf: {  	s11 =	sadd.s32 $0x5580, s7;
	[sflag:s30] =	ssyncadd.s32 $0xFFFFF800  }
0xd0: {  	[spmem:s2] =	stream.indirect.scatter.add.f32 [tilespmem:s23], [sflag:$0xD], $0x10, s11, s14, $0xb8;
	[tilespmem:$0xDF00] =	vst v63  }
0xd1: {  	_ =	swait.ge [sflag:s16], $0x800  }
0xd2: {  	[sflag:s16] =	ssyncset.done $0x0  }
0xd3: {  	s11 =	sadd.s32 $0x3080, s7;
	[sflag:s16] =	ssyncadd.s32 $0xFFFFF800  }
0xd4: {  	[tilespmem:s17], [sflag:$0x2] =	stream.indirect.gather [hbm4b:s4+s14], $0x10, s11, s14, $0xb8;
	[tilespmem:$0xDF00] =	vst v63  }
0xd5: {  	_ =	swait.ge [sflag:s29], $0x800  }
0xd6: {  	[sflag:s29] =	ssyncset.done $0x0  }
0xd7: {  	s11 =	sadd.s32 $0x5600, s7;
	[sflag:s29] =	ssyncadd.s32 $0xFFFFF800  }
0xd8: {  	[spmem:s2] =	stream.indirect.scatter.add.f32 [tilespmem:s26], [sflag:$0xE], $0x10, s11, s14, $0xb8;
	[tilespmem:$0xDF00] =	vst v63  }
0xd9: {  	_ =	swait.ge [sflag:s22], $0x800  }
0xda: {  	[sflag:s22] =	ssyncset.done $0x0  }
0xdb: {  	s11 =	sadd.s32 $0x3100, s7;
	[sflag:s22] =	ssyncadd.s32 $0xFFFFF800  }
0xdc: {  	[tilespmem:s19], [sflag:$0x3] =	stream.indirect.gather [hbm4b:s4+s14], $0x10, s11, s14, $0xb8;
	[tilespmem:$0xDF00] =	vst v63  }
0xdd: {  	_ =	swait.ge [sflag:s0], $0x800  }
0xde: {  	[sflag:s0] =	ssyncset.done $0x0  }
0xdf: {  	s11 =	sadd.s32 $0x5680, s7;
	[sflag:s0] =	ssyncadd.s32 $0xFFFFF800  }
0xe0: {  	[spmem:s2] =	stream.indirect.scatter.add.f32 [tilespmem:s31], [sflag:$0xF], $0x10, s11, s14, $0xb8;
	[tilespmem:$0xDF00] =	vst v63  }
0xe1: {  	_ =	swait.ge [sflag:s10], $0x800  }
0xe2: {  	[sflag:s10] =	ssyncset.done $0x0  }
0xe3: {  	s11 =	sadd.s32 $0x3180, s7;
	[sflag:s10] =	ssyncadd.s32 $0xFFFFF800  }
0xe4: {  	[tilespmem:s21], [sflag:$0x4] =	stream.indirect.gather [hbm4b:s4+s14], $0x10, s11, s14, $0xb8;
	[tilespmem:$0xDF00] =	vst v63  }
0xe5: {  	_ =	swait.ge [sflag:s12], $0x800  }
0xe6: {  	[sflag:s12] =	ssyncset.done $0x0  }
.Ltmp1:
0xe7: {  	s11 =	sadd.s32 $0x5700, s7;
	[sflag:s12] =	ssyncadd.s32 $0xFFFFF800;
	(pc) =	sbr.rel @p0 .LBB2_4-.Ltmp1, $4  }
0xe8: {  	[spmem:s2] =	stream.indirect.scatter.add.f32 [tilespmem:s18], [sflag:$0x10], $0x10, s11, s14, $0xb8;
	[tilespmem:$0xDF00] =	vst v63  }
0xe9: {  	_ =	swait.ge [sflag:s5], $0x800  }
0xea: {  	[sflag:s5] =	ssyncset.done $0x0  }
0xeb: {  	s7 =	sadd.s32 $0x3200, s7;
	[sflag:s5] =	ssyncadd.s32 $0xFFFFF800  }
0xec: {  	[tilespmem:s23], [sflag:$0x5] =	stream.indirect.gather [hbm4b:s4+s14], $0x10, s7, s14, $0xb8;
	[tilespmem:$0xDF00] =	vst v63  }
0xed: {  	_ =	swait.ge [sflag:s24], $0x800  }
0xee: {  	[sflag:s24] =	ssyncset.done $0x0  }
0xef: {  	s3 =	simm.s32 $0x7380;
	[sflag:s24] =	ssyncadd.s32 $0xFFFFF800  }
0xf0: {  	[spmem:s2] =	stream.indirect.scatter.add.f32 [tilespmem:s15], [sflag:$0x9], $0x10, s3, s14, $0xb8;
	[tilespmem:$0xDF00] =	vst v63  }
0xf1: {  	_ =	swait.ge [sflag:s6], $0x800  }
0xf2: {  	[sflag:s6] =	ssyncset.done $0x0  }
0xf3: {  	s11 =	simm.s32 $0x4E80;
	[sflag:s6] =	ssyncadd.s32 $0xFFFFF800  }
0xf4: {  	[tilespmem:s26], [sflag:$0x6] =	stream.indirect.gather [hbm4b:s4+s14], $0x10, s11, s14, $0xb8;
	[tilespmem:$0xDF00] =	vst v63  }
0xf5: {  	_ =	swait.ge [sflag:s28], $0x800  }
0xf6: {  	[sflag:s28] =	ssyncset.done $0x0  }
0xf7: {  	s13 =	simm.s32 $0x7400;
	[sflag:s28] =	ssyncadd.s32 $0xFFFFF800  }
0xf8: {  	[spmem:s2] =	stream.indirect.scatter.add.f32 [tilespmem:s17], [sflag:$0xA], $0x10, s13, s14, $0xb8;
	[tilespmem:$0xDF00] =	vst v63  }
0xf9: {  	_ =	swait.ge [sflag:s8], $0x800  }
0xfa: {  	[sflag:s8] =	ssyncset.done $0x0  }
0xfb: {  	s7 =	simm.s32 $0x4F00;
	[sflag:s8] =	ssyncadd.s32 $0xFFFFF800  }
0xfc: {  	[tilespmem:s31], [sflag:$0x7] =	stream.indirect.gather [hbm4b:s4+s14], $0x10, s7, s14, $0xb8;
	[tilespmem:$0xDF00] =	vst v63  }
0xfd: {  	_ =	swait.ge [sflag:s1], $0x800  }
0xfe: {  	[sflag:s1] =	ssyncset.done $0x0  }
0xff: {  	s11 =	simm.s32 $0x7480;
	[sflag:s1] =	ssyncadd.s32 $0xFFFFF800  }
0x100: {  	[spmem:s2] =	stream.indirect.scatter.add.f32 [tilespmem:s19], [sflag:$0xB], $0x10, s11, s14, $0xb8;
	[tilespmem:$0xDF00] =	vst v63  }
0x101: {  	_ =	swait.ge [sflag:s20], $0x800  }
0x102: {  	[sflag:s20] =	ssyncset.done $0x0  }
0x103: {  	s13 =	simm.s32 $0x7500;
	[sflag:s20] =	ssyncadd.s32 $0xFFFFF800  }
0x104: {  	[spmem:s2] =	stream.indirect.scatter.add.f32 [tilespmem:s21], [sflag:$0xC], $0x10, s13, s14, $0xb8;
	[tilespmem:$0xDF00] =	vst v63  }
0x105: {  	_ =	swait.ge [sflag:s30], $0x800  }
0x106: {  	[sflag:s30] =	ssyncset.done $0x0  }
0x107: {  	s7 =	simm.s32 $0x7580;
	[sflag:s30] =	ssyncadd.s32 $0xFFFFF800  }
0x108: {  	[spmem:s2] =	stream.indirect.scatter.add.f32 [tilespmem:s23], [sflag:$0xD], $0x10, s7, s14, $0xb8;
	[tilespmem:$0xDF00] =	vst v63  }
0x109: {  	_ =	swait.ge [sflag:s29], $0x800  }
0x10a: {  	[sflag:s29] =	ssyncset.done $0x0  }
0x10b: {  	s11 =	simm.s32 $0x7600;
	[sflag:s29] =	ssyncadd.s32 $0xFFFFF800  }
0x10c: {  	[spmem:s2] =	stream.indirect.scatter.add.f32 [tilespmem:s26], [sflag:$0xE], $0x10, s11, s14, $0xb8;
	[tilespmem:$0xDF00] =	vst v63  }
0x10d: {  	_ =	swait.ge [sflag:s0], $0x800  }
0x10e: {  	[sflag:s0] =	ssyncset.done $0x0  }
0x10f: {  	s13 =	simm.s32 $0x7680;
	[sflag:s0] =	ssyncadd.s32 $0xFFFFF800  }
0x110: {  	[spmem:s2] =	stream.indirect.scatter.add.f32 [tilespmem:s31], [sflag:$0xF], $0x10, s13, s14, $0xb8;
	[tilespmem:$0xDF00] =	vst v63  }
0x111: {  	_ =	swait.ge [sflag:s9], $0x800  }
0x112: {  	[sflag:s9] =	ssyncset.done $0x0  }
0x113: {  	[sflag:s9] =	ssyncadd.s32 $0xFFFFF800  }
0x114: {  	_ =	swait.ge [sflag:s25], $0x800  }
0x115: {  	[sflag:s25] =	ssyncset.done $0x0  }
0x116: {  	[sflag:s25] =	ssyncadd.s32 $0xFFFFF800  }
0x117: {  	_ =	swait.ge [sflag:s16], $0x800  }
0x118: {  	[sflag:s16] =	ssyncset.done $0x0  }
0x119: {  	[sflag:s16] =	ssyncadd.s32 $0xFFFFF800  }
0x11a: {  	_ =	swait.ge [sflag:s22], $0x800  }
0x11b: {  	[sflag:s22] =	ssyncset.done $0x0  }
0x11c: {  	[sflag:s22] =	ssyncadd.s32 $0xFFFFF800  }
0x11d: {  	_ =	swait.ge [sflag:s10], $0x800  }
0x11e: {  	[sflag:s10] =	ssyncset.done $0x0  }
0x11f: {  	[sflag:s10] =	ssyncadd.s32 $0xFFFFF800  }
0x120: {  	_ =	swait.ge [sflag:s5], $0x800  }
0x121: {  	[sflag:s5] =	ssyncset.done $0x0  }
0x122: {  	[sflag:s5] =	ssyncadd.s32 $0xFFFFF800  }
0x123: {  	_ =	swait.ge [sflag:s6], $0x800  }
0x124: {  	[sflag:s6] =	ssyncset.done $0x0  }
0x125: {  	[sflag:s6] =	ssyncadd.s32 $0xFFFFF800  }
0x126: {  	_ =	swait.ge [sflag:s8], $0x800  }
0x127: {  	[sflag:s8] =	ssyncset.done $0x0  }
0x128: {  	[sflag:s8] =	ssyncadd.s32 $0xFFFFF800  }
0x129: {  	[bflag:$0x0] =	sbarrier.arrive $0xFFFF  }
0x12a: {  	s13 =	simm.s32 $0xB700;
	s3 =	rddreg [dreg:$0x5]  }
0x12b: {  	[tilespmem:s13], [sflag:$0x11] =	stream.linear.gather [spmem:s3], $0x2800, $0x38;
	[tilespmem:$0xDF00] =	vst v63  }
0x12c: {  	s3 =	simm.s32 $0x11  }
0x12d: {  	_ =	swait.ge [sflag:s3], $0x2800  }
0x12e: {  	[sflag:s3] =	ssyncset.done $0x0  }
0x12f: {  	s11 =	simm.s32 $0x0;
	s7 =	rddreg [dreg:$0x6];
	[sflag:s3] =	ssyncadd.s32 $0xFFFFD800  }
0x130: {  	[hbm4b:s7+s11] =	stream.linear.scatter [tilespmem:s13], [sflag:$0x11], $0x2800, $0x38;
	[tilespmem:$0xDF00] =	vst v63  }
0x131: {  	_ =	swait.ge [sflag:s3], $0x2800  }
0x132: {  	s7 =	rddreg [dreg:$0x8]  }
0x133: {  	s13 =	sadd.s32 $0x1, s7;
	s7 =	rddreg [dreg:$0x7]  }
0x134: {  	p0 =	sne.s32 s13, s7  }
.Ltmp2:
0x135: {  	_ = 	snop;
	(pc) =	sbr.rel @p0 .LBB2_1-.Ltmp2, $3  }
0x136: {  	_ =	sdelay $0x1  }
0x137: {  	[sflag:s3] =	ssyncset.done $0x0  }
0x138: {  	[sflag:s3] =	ssyncadd.s32 $0xFFFFD800  }
0x139: {  	_ =	sfence.sel $0x180000  }
0x13a: {  	[bflag:$0x0] =	sbarrier.arrive $0xFFFF  }
0x13b: {  	_ =	strace $0x9000004A  }
0x13c: {  	s0 =	stileid.u32;
	[bflag:$0x2] =	sbarrier.arrive $0xFFFF  }
0x13d: {  	p0 =	sne.s32 s0, $0x0;
	s0 =	rddreg [dreg:$0x2]  }
0x13e: {  	s0 =	sadd.s32 @!p0 $0x100000, s0  }
0x13f: {  	[sflag:s0] =	ssyncadd.tile.s32 @!p0 $0x1;
	_ =	shalt  }
.Lfunc_end2:
_tile_overlayer_lowered:
.L_overlay_start_2:
0x140: {  	(tag) =	ssettag $0x2  }
0x141: {  	s0 =	rddreg [dreg:$0x0];
	s2 =	stileid.u32  }
0x142: {  	s1 =	rddreg [dreg:$0x1];
	p0 =	sne.s32 s2, $0x0  }
0x143: {  	s3 =	rddreg [dreg:$0x2];
	[bflag:$0x3] =	sbarrier.arrive $0xFFFF;
	s2 =	simm.s32 @!p0 $0x1C11  }
0x144: {  	[timem:s3], [sflag:s2] =	dma.local @!p0 [hbm:s0], s1  }
0x145: {  	s0 =	simm.s32 @!p0 $0x11  }
0x146: {  	_ =	swait.ge @!p0 [sflag:s0], s1  }
0x147: {  	s1 =	ssub.s32 @!p0 $0x0, s1;
	[sflag:s0] =	ssyncset.done @!p0 $0x0  }
0x148: {  	[sflag:s0] =	ssyncadd.s32 @!p0 s1  }
0x149: {  	[bflag:$0x3] =	sbarrier.arrive $0xFFFF  }
0x14a: {  	_ =	shalt  }

// kernel: kernel.7.cloned.1.call-start
scs
__scs_entry_jumppad:
0x0: {  	(pc) =	sbr.rel $0x88, $3  }
0x1: {  	(tag) =	ssettag $0x0;
	lr =	simm.s32 $0x1  }
0x2: {  	[smem:$0x3F99] =	sst lr;
	_ =	strace $0xD0000000  }
0x3: {  	_ = 	snop  }
0x4: {  	_ = 	snop  }
0x5: {  	_ = 	snop  }
0x6: {  	_ = 	snop  }
0x7: {  	_ = 	snop  }
__scs_overlays_trampoline_lowered:
0x8: {  	[smem:$0x3FA8] =	sst s0  }
0x9: {  	[smem:$0x3FA9] =	sst s1  }
0xa: {  	[smem:$0x3FAA] =	sst s2  }
0xb: {  	[smem:$0x3FAB] =	sst s3  }
0xc: {  	[smem:$0x3FAC] =	sst s4  }
0xd: {  	[smem:$0x3FAD] =	sst s5  }
0xe: {  	[smem:$0x3FAE] =	sst s6  }
0xf: {  	[smem:$0x3FAF] =	sst s7  }
0x10: {  	[smem:$0x3FB0] =	sst s8  }
0x11: {  	[smem:$0x3FB1] =	sst s9;
	s0 =	simm.s32 @!p0 $0x0  }
0x12: {  	s1 =	sld [smem:$0x3F97];
	s0 =	simm.s32 @p0 $0x1  }
0x13: {  	[smem:$0x3FB2] =	sst s0;
	s0 =	simm.s32 @!p1 $0x0  }
0x14: {  	s2 =	sld [smem:$0x3F96];
	s0 =	simm.s32 @p1 $0x1  }
0x15: {  	[smem:$0x3FB3] =	sst s0;
	s0 =	simm.s32 @!p2 $0x0  }
0x16: {  	s3 =	sld [smem:$0x3FDB];
	s0 =	simm.s32 @p2 $0x1  }
0x17: {  	s4 =	simm.s32 $0x1BF5;
	[smem:$0x3FB5] =	sst s0  }
0x18: {  	s0 =	sld [smem:$0x3F98];
	_ =	swait.ge [sflag:s4], $0x0  }
0x19: {  	s7 =	sld [smem:$0x3F99]  }
0x1a: {  	s8 =	sadd.s32 $0xFFFFE003, lr  }
0x1b: {  	s9 =	sadd.s32 $0xFFFFFEF7, lr;
	s5 =	simm.s32 $0xFFFFFFFF;
	p2 =	slt.u32 s8, $0xFFFFF086  }
0x1c: {  	p1 =	slt.u32 s9, $0xF7A;
	s5 =	simm.s32 @!p2 $0x0  }
0x1d: {  	s5 =	simm.s32 @p1 $0x1;
	p0 =	seq.s32 s7, s2  }
0x1e: {  	s7 =	smul.u32 @!p0 $0xF7A, s2;
	p2 =	seq.s32 @!p0 s5, $0x0  }
0x1f: {  	s9 =	smul.u32 $0xF7A, s1;
	s8 =	simm.s32 @!p0 $0x1BF5;
	p2 =	por !p2, p0  }
0x20: {  	[sflag:s8] =	ssyncset.s32 @!p0 $0xFFFFF086;
	s6 =	sadd.s32 @!p0 s3, s7;
	s7 =	simm.s32 @!p0 $0x108  }
0x21: {  	s3 =	sadd.s32 s3, s9;
	s6 =	sadd.s32 @!p0 $0x88, s6;
	s7 =	simm.s32 @p2 $0x1082  }
0x22: {  	[simem:s7], [sflag:s8] =	dma.local @!p0 [hbm:s6], $0xF7A  }
0x23: {  	s9 =	sor.u32 $0xD0000000, s2;
	s6 =	simm.s32 $0x108;
	_ =	swait.ge @!p0 [sflag:s8], $0x0  }
0x24: {  	s3 =	sadd.s32 $0x88, s3;
	s6 =	simm.s32 @!p1 $0x1082;
	[sflag:s4] =	ssyncset.s32 $0xFFFFF086  }
0x25: {  	[simem:s6], [sflag:s4] =	dma.local [hbm:s3], $0xF7A  }
0x26: {  	[smem:$0x3F99] =	sst s1;
	(tag) =	ssettag s2;
	_ =	strace s9  }
0x27: {  	s1 =	sld [smem:$0x3FA9]  }
0x28: {  	s2 =	sld [smem:$0x3FAA]  }
0x29: {  	s4 =	sld [smem:$0x3FAC]  }
0x2a: {  	p0 =	seq.s32 s5, $0x0;
	s5 =	sld [smem:$0x3FAD]  }
0x2b: {  	s6 =	sld [smem:$0x3FAE]  }
0x2c: {  	s7 =	sld [smem:$0x3FAF]  }
0x2d: {  	s3 =	simm.s32 $0x108;
	s8 =	sld [smem:$0x3FB0]  }
0x2e: {  	s3 =	simm.s32 @!p0 $0x1082;
	s9 =	sld [smem:$0x3FB1]  }
0x2f: {  	lr =	sadd.s32 s0, s3;
	s0 =	sld [smem:$0x3FA8]  }
0x30: {  	s3 =	sld [smem:$0x3FAB]  }
0x31: {  	[smem:$0x3FB4] =	sst s10  }
0x32: {  	s10 =	sld [smem:$0x3FB2];
	_ =	sdelay $0x3  }
0x33: {  	p0 =	seq.s32 s10, $0x1;
	s10 =	sld [smem:$0x3FB4];
	_ =	sdelay $0x3  }
0x34: {  	[smem:$0x3FB4] =	sst s10  }
0x35: {  	s10 =	sld [smem:$0x3FB3];
	_ =	sdelay $0x3  }
0x36: {  	p1 =	seq.s32 s10, $0x1;
	s10 =	sld [smem:$0x3FB4];
	_ =	sdelay $0x3  }
0x37: {  	[smem:$0x3FB4] =	sst s10  }
0x38: {  	s10 =	sld [smem:$0x3FB5]  }
0x39: {  	_ = 	snop;
	(pc) =	sbr.ind lr, $3  }
0x3a: {  	_ = 	snop  }
0x3b: {  	_ = 	snop  }
0x3c: {  	p2 =	seq.s32 s10, $0x1;
	s10 =	sld [smem:$0x3FB4]  }
0x3d: {  	_ =	shalt  }
0x3e: {  	_ =	shalt  }
0x3f: {  	_ =	shalt  }
0x40: {  	_ =	shalt  }
0x41: {  	_ =	shalt  }
0x42: {  	_ =	shalt  }
0x43: {  	_ =	shalt  }
0x44: {  	_ =	shalt  }
0x45: {  	_ =	shalt  }
0x46: {  	_ =	shalt  }
0x47: {  	_ =	shalt  }
0x48: {  	_ =	shalt  }
0x49: {  	_ =	shalt  }
0x4a: {  	_ =	shalt  }
0x4b: {  	_ =	shalt  }
0x4c: {  	_ =	shalt  }
0x4d: {  	_ =	shalt  }
0x4e: {  	_ =	shalt  }
0x4f: {  	_ =	shalt  }
0x50: {  	_ =	shalt  }
0x51: {  	_ =	shalt  }
0x52: {  	_ =	shalt  }
0x53: {  	_ =	shalt  }
0x54: {  	_ =	shalt  }
0x55: {  	_ =	shalt  }
0x56: {  	_ =	shalt  }
0x57: {  	_ =	shalt  }
0x58: {  	_ =	shalt  }
0x59: {  	_ =	shalt  }
0x5a: {  	_ =	shalt  }
0x5b: {  	_ =	shalt  }
0x5c: {  	_ =	shalt  }
0x5d: {  	_ =	shalt  }
0x5e: {  	_ =	shalt  }
0x5f: {  	_ =	shalt  }
0x60: {  	_ =	shalt  }
0x61: {  	_ =	shalt  }
0x62: {  	_ =	shalt  }
0x63: {  	_ =	shalt  }
0x64: {  	_ =	shalt  }
0x65: {  	_ =	shalt  }
0x66: {  	_ =	shalt  }
0x67: {  	_ =	shalt  }
0x68: {  	_ =	shalt  }
0x69: {  	_ =	shalt  }
0x6a: {  	_ =	shalt  }
0x6b: {  	_ =	shalt  }
0x6c: {  	_ =	shalt  }
0x6d: {  	_ =	shalt  }
0x6e: {  	_ =	shalt  }
0x6f: {  	_ =	shalt  }
0x70: {  	_ =	shalt  }
0x71: {  	_ =	shalt  }
0x72: {  	_ =	shalt  }
0x73: {  	_ =	shalt  }
0x74: {  	_ =	shalt  }
0x75: {  	_ =	shalt  }
0x76: {  	_ =	shalt  }
0x77: {  	_ =	shalt  }
0x78: {  	_ =	shalt  }
0x79: {  	_ =	shalt  }
0x7a: {  	_ =	shalt  }
0x7b: {  	_ =	shalt  }
0x7c: {  	_ =	shalt  }
0x7d: {  	_ =	shalt  }
0x7e: {  	_ =	shalt  }
0x7f: {  	_ =	shalt  }
0x80: {  	_ =	shalt  }
0x81: {  	_ =	shalt  }
0x82: {  	_ =	shalt  }
0x83: {  	_ =	shalt  }
0x84: {  	_ =	shalt  }
0x85: {  	_ =	shalt  }
0x86: {  	_ =	shalt  }
0x87: {  	_ =	shalt  }
.Lfunc_end0:
.L_simem_size_0:
called_computation_lowered:
.L_overlay_start_0:
0x88: {  	s2 =	sld [smem:$0x3FD9]  }
0x89: {  	s3 =	sld [smem:$0x3FFE];
	_ =	sdelay $0x1  }
0x8a: {  	s1 =	srdreg.scid  }
0x8b: {  	s0 =	sand.u32 $0x1, s1  }
0x8c: {  	s17 =	sshll.u32 s0, $0xA;
	s2 =	sadd.s32 s3, s2  }
0x8d: {  	s2 =	sadd.s32 s2, s17  }
0x8e: {  	[smem:$0x3FC0] =	sst s2  }
0x8f: {  	_ = 	snop  }
0x90: {  	s2 =	sld [smem:$0x3FD0];
	(tm) =	ssettm $0x1  }
0x91: {  	s18 =	sld [smem:$0x3FFB];
	_ =	sdelay $0x3  }
0x92: {  	_ =	strace s18  }
0x93: {  	s3 =	sld [smem:$0x3FFC];
	_ =	sdelay $0x3  }
0x94: {  	_ =	strace s3  }
0x95: {  	s3 =	sld [smem:$0x3FFD];
	_ =	sdelay $0x3  }
0x96: {  	_ =	strace s3  }
0x97: {  	_ =	strace $0x8FFFFFFF  }
0x98: {  	s19 =	sld [smem:$0x3FDB];
	_ =	sdelay $0x1  }
0x99: {  	s4 =	simm.s32 $_scs_section_size  }
0x9a: {  	s5 =	simm.s32 $_size__tile_overlayer_lowered;
	s6 =	simm.s32 $_tile_overlayer_lowered  }
0x9b: {  	s22 =	simm.s32 $0x1BFF;
	s21 =	sshll.u32 s6, $0x1;
	s3 =	sadd.s32 s4, s19  }
0x9c: {  	s7 =	simm.s32 $0x0;
	s20 =	sshll.u32 s5, $0x1;
	s5 =	sadd.s32 s21, s3  }
0x9d: {  	[timem:s7], [sflag:s22] =	dma.local [hbm:s5], s20  }
0x9e: {  	_ =	swait.ge [sflag:s22], s20  }
0x9f: {  	s4 =	ssub.s32 $0x0, s20;
	[sflag:s22] =	ssyncset.done $0x0  }
0xa0: {  	[sflag:s22] =	ssyncadd.s32 s4;
	_ =	sdelay $0x1  }
0xa1: {  	s23 =	simm.s32 $0x1B8B  }
0xa2: {  	_ =	swait.ge [sflag:s23], $0x1  }
0xa3: {  	[sflag:s23] =	ssyncset.done $0x0  }
0xa4: {  	s25 =	simm.s32 $0x1B8E;
	s24 =	sld [smem:$0x3FFE];
	[sflag:s23] =	ssyncadd.s32 $0xFFFFFFFF  }
0xa5: {  	s26 =	simm.s32 $execute0_lowered;
	[smem:$0x3FD2] =	sst s25  }
0xa6: {  	s5 =	sshll.u32 s26, $0x1;
	_ =	strace $0x80000046;
	[dreg:$0x1] =	wrdreg $0xFFFFFFFF  }
0xa7: {  	s28 =	simm.s32 $_size_execute0_lowered;
	s3 =	sadd.s32 s3, s5;
	[dreg:$0x0] =	wrdreg $0x0  }
0xa8: {  	s5 =	sshll.u32 s28, $0x1;
	[dreg:$0x2] =	wrdreg s3  }
0xa9: {  	[dreg:$0x3] =	wrdreg s5  }
0xaa: {  	[dreg:$0x4] =	wrdreg $0xC0  }
0xab: {  	_ =	task [dreg:s7], $0x5FFFF  }
0xac: {  	[dreg:$0x1] =	wrdreg $0xFFFFFFFF  }
0xad: {  	[dreg:$0x0] =	wrdreg $0x60  }
0xae: {  	[dreg:$0x2] =	wrdreg s24  }
0xaf: {  	[dreg:$0x3] =	wrdreg s2  }
0xb0: {  	[dreg:$0x4] =	wrdreg $0x0  }
0xb1: {  	[dreg:$0x5] =	wrdreg $0xDF000  }
0xb2: {  	[dreg:$0x6] =	wrdreg $0x9  }
0xb3: {  	_ =	task.clear_ibuf [dreg:s7], $0x7FFFF;
	_ =	strace $0x90000046  }
0xb4: {  	s29 =	simm.s32 $0x9;
	_ =	strace $0x80000048  }
0xb5: {  	_ =	swait.ge [sflag:s29], $0x1  }
0xb6: {  	[sflag:s29] =	ssyncadd.s32 $0xFFFFFFFF  }
0xb7: {  	_ =	strace $0x90000048  }
0xb8: {  	_ =	sfence  }
0xb9: {  	s30 =	sld [smem:$0x0];
	_ =	sdelay $0x2  }
0xba: {  	s31 =	sshll.u32 s1, $0xD;
	s1 =	sshrl.u32 s1, $0x2  }
0xbb: {  	s3 =	sand.u32 $0x4000, s31;
	s1 =	sadd.s32 s1, s30  }
0xbc: {  	s0 =	sor.u32 s3, s0;
	s1 =	sshll.u32 s1, $0x11  }
0xbd: {  	s0 =	sor.u32 s1, s0  }
0xbe: {  	s0 =	sadd.s32 $0x8F2B, s0  }
0xbf: {  	[sflag:s0] =	ssyncadd.remote.s32 $0x1  }
0xc0: {  	_ =	sfence.sel $0xFFFF  }
0xc1: {  	[dreg:$0x0] =	wrdreg $0xFFFFFFFF;
	(pc) =	sbr.abs _section_cstart, $3  }
0xc2: {  	[dreg:$0x1] =	wrdreg $0xFFFFFFFF  }
0xc3: {  	_ =	task.clear_ibuf [dreg:s7], $0x2FFFF;
	_ =	strace $0x9FFFFFFF  }
0xc4: {  	(tm) =	ssettm $0x7FFFFFFF  }
0xc5: {  	_ =	shalt  }
tec
execute0_lowered:
.L_overlay_start_1:
0x0: {  	(tag) =	ssettag $0x1  }
0x1: {  	s0 =	rddreg [dreg:$0x0]  }
0x2: {  	s2 =	rddreg [dreg:$0x1]  }
0x3: {  	s1 =	rddreg [dreg:$0x2]  }
0x4: {  	s3 =	rddreg [dreg:$0x3];
	s12 =	simm.s32 $0x0;
	s4 =	srdreg.scid  }
0x5: {  	s9 =	stileid.u32;
	s18 =	simm.s32 $0x80;
	s30 =	simm.s32 $0xE180  }
0x6: {  	s13 =	simm.s32 $0x3;
	s20 =	simm.s32 $0x6;
	s31 =	simm.s32 $0xC  }
0x7: {  	s15 =	simm.s32 $0x8;
	s16 =	simm.s32 $0xD;
	s17 =	simm.s32 $0xE  }
0x8: {  	s23 =	simm.s32 $0x7700;
	s28 =	simm.s32 $0x8700;
	s22 =	simm.s32 $0x9F00  }
0x9: {  	s29 =	simm.s32 $0xA700;
	s4 =	sand.u32 $0x1, s4;
	s6 =	smul.u32 $0x280, s9  }
0xa: {  	s5 =	sshll.u32 s9, $0x1;
	[smem:$0x7FF] =	sst s12;
	s9 =	smul.u32 $0xA000, s9  }
0xb: {  	s7 =	sor.u32 s4, s5;
	s8 =	smul.u32 $0x2800, s4;
	_ =	strace $0x80000047  }
0xc: {  	s5 =	sadd.s32 $0x16400, s0;
	s4 =	ssub.s32 $0x2, s4;
	s7 =	smul.u32 $0x4F0, s7  }
0xd: {  	s11 =	sshrl.u32 s4, $0x1;
	s9 =	sshrl.u32 s9, $0x2;
	s8 =	sadd.s32 s6, s8  }
0xe: {  	s4 =	ssub.s32 s4, s11;
	s6 =	sadd.s32 s6, s3;
	s11 =	simm.s32 $0x7  }
0xf: {  	s7 =	sadd.s32 s7, s0;
	s10 =	sshll.u32 s8, $0x1;
	[dreg:$0x8] =	wrdreg s6  }
0x10: {  	s25 =	sshrl.u32 s8, $0x3;
	s26 =	smax.u32 s4, $0x1;
	s6 =	simm.s32 $0xB  }
0x11: {  	s4 =	simm.s32 $0xF;
	s8 =	simm.s32 $0x10;
	s0 =	sadd.s32 s10, s0  }
0x12: {  	s24 =	sadd.s32 $0x2800, s7;
	s7 =	sadd.s32 $0xC600, s7;
	[dreg:$0xb] =	wrdreg s26  }
0x13: {  	s26 =	simm.s32 $0x2;
	s10 =	simm.s32 $0x9;
	[dreg:$0x5] =	wrdreg s24  }
0x14: {  	[dreg:$0x6] =	wrdreg s7;
	s7 =	sadd.s32 s9, s1;
	s0 =	sadd.s32 $0x1B400, s0  }
0x15: {  	s9 =	simm.s32 $0x11;
	s24 =	simm.s32 $0xA;
	[dreg:$0x9] =	wrdreg s0  }
0x16: {  	s0 =	sadd.s32 s2, s25;
	s2 =	simm.s32 $0x2;
	[dreg:$0x7] =	wrdreg s7  }
0x17: {  	v0 =	vimm.f32 $0.0e+00;
	v1 =	vimm.f32 $1.000000000e+00;
	s25 =	simm.s32 $0x7F00;
	[dreg:$0xa] =	wrdreg s0;
	s0 =	simm.s32 $0x0  }
.LBB2_1:
0x18: {  	s19 =	rddreg [dreg:$0x5];
	s21 =	simm.s32 $0x2800  }
0x19: {  	[tilespmem:s21], [sflag:$0x12] =	stream.linear.gather [hbm4b:s19+s12], $0x2780, $0x38;
	[tilespmem:$0xE480] =	vst v63  }
0x1a: {  	[dreg:$0xc] =	wrdreg s0;
	s21 =	simm.s32 $0x12  }
0x1b: {  	_ =	swait.ge [sflag:s21], $0x2780  }
0x1c: {  	[sflag:s21] =	ssyncset.done $0x0  }
0x1d: {  	s14 =	simm.s32 $0x4F80;
	s0 =	rddreg [dreg:$0x6];
	[sflag:s21] =	ssyncadd.s32 $0xFFFFD880  }
0x1e: {  	[tilespmem:s14], [sflag:$0x12] =	stream.linear.gather [hbm4b:s0+s12], $0x2780, $0x38;
	[tilespmem:$0xE480] =	vst v63  }
0x1f: {  	_ =	swait.ge [sflag:s21], $0x2780  }
0x20: {  	[sflag:s21] =	ssyncset.done $0x0  }
0x21: {  	s19 =	simm.s32 $0x0;
	s14 =	simm.s32 $0x40;
	[sflag:s21] =	ssyncadd.s32 $0xFFFFD880  }
.LBB2_2:
0x22: {  	p0 =	sne.s32 s14, $0x9FC0;
	[tilespmem:s19+$0xB700] =	vst v0;
	s19 =	smov.u32 s14;
	s14 =	sadd.s32 $0x40, s14  }
.Ltmp0:
0x23: {  	(pc) =	sbr.rel @p0 .LBB2_2-.Ltmp0, $2  }
0x24: {  	_ =	sdelay $0x2  }
0x25: {  	s19 =	sshra.s32 s19, $0x2  }
0x26: {  	[tilespmem:s19+$0xB700] =	vst v0;
	s14 =	simm.s32 $0xB700  }
0x27: {  	[spmem:s7] =	stream.linear.scatter [tilespmem:s14], [sflag:$0x12], $0x2800, $0x38;
	[tilespmem:$0xE480] =	vst v63  }
0x28: {  	_ =	swait.ge [sflag:s21], $0x2800  }
0x29: {  	[sflag:s21] =	ssyncset.done $0x0  }
0x2a: {  	[sflag:s21] =	ssyncadd.s32 $0xFFFFD800  }
0x2b: {  	[tilespmem:$0xE200] =	vst v0  }
0x2c: {  	[tilespmem:$0xE210] =	vst v0  }
0x2d: {  	[tilespmem:$0xE220] =	vst v0  }
0x2e: {  	[tilespmem:$0xE230] =	vst v0  }
0x2f: {  	[tilespmem:$0xE240] =	vst v0  }
0x30: {  	[tilespmem:$0xE250] =	vst v0  }
0x31: {  	[tilespmem:$0xE260] =	vst v0  }
0x32: {  	[tilespmem:$0xE270] =	vst v0  }
0x33: {  	[tilespmem:$0xE280] =	vst v0  }
0x34: {  	[tilespmem:$0xE290] =	vst v0  }
0x35: {  	[tilespmem:$0xE2A0] =	vst v0  }
0x36: {  	[tilespmem:$0xE2B0] =	vst v0  }
0x37: {  	[tilespmem:$0xE2C0] =	vst v0  }
0x38: {  	[tilespmem:$0xE2D0] =	vst v0  }
0x39: {  	[tilespmem:$0xE2E0] =	vst v0  }
0x3a: {  	[tilespmem:$0xE2F0] =	vst v0  }
0x3b: {  	[tilespmem:$0xE300] =	vst v0  }
0x3c: {  	[tilespmem:$0xE310] =	vst v0  }
0x3d: {  	[tilespmem:$0xE320] =	vst v0  }
0x3e: {  	[tilespmem:$0xE330] =	vst v0  }
0x3f: {  	[tilespmem:$0xE340] =	vst v0  }
0x40: {  	[tilespmem:$0xE350] =	vst v0  }
0x41: {  	[tilespmem:$0xE360] =	vst v0  }
0x42: {  	[tilespmem:$0xE370] =	vst v0  }
0x43: {  	[tilespmem:$0xE380] =	vst v0  }
0x44: {  	[tilespmem:$0xE390] =	vst v0  }
0x45: {  	[tilespmem:$0xE3A0] =	vst v0  }
0x46: {  	[tilespmem:$0xE3B0] =	vst v0  }
0x47: {  	[tilespmem:$0xE3C0] =	vst v0  }
0x48: {  	[tilespmem:$0xE3D0] =	vst v0  }
0x49: {  	[tilespmem:$0xE3E0] =	vst v0  }
0x4a: {  	[tilespmem:$0xE3F0] =	vst v0  }
0x4b: {  	[tilespmem:$0xE400] =	vst v0  }
0x4c: {  	[tilespmem:$0xE410] =	vst v0  }
0x4d: {  	[tilespmem:$0xE420] =	vst v0  }
0x4e: {  	[tilespmem:$0xE430] =	vst v0  }
0x4f: {  	[tilespmem:$0xE440] =	vst v0  }
0x50: {  	[tilespmem:$0xE450] =	vst v0  }
0x51: {  	[tilespmem:$0xE460] =	vst v0  }
0x52: {  	s12 =	simm.s32 $0xE200;
	s7 =	rddreg [dreg:$0x8];
	[tilespmem:$0xE470] =	vst v0  }
0x53: {  	[spmem:s7] =	stream.linear.scatter [tilespmem:s12], [sflag:$0x12], $0x280, $0x38;
	[tilespmem:$0xE480] =	vst v63  }
0x54: {  	_ =	swait.ge [sflag:s21], $0x280  }
0x55: {  	[sflag:s21] =	ssyncset.done $0x0  }
0x56: {  	[sflag:s21] =	ssyncadd.s32 $0xFFFFFD80  }
0x57: {  	[tilespmem:$0xE180] =	vst v1  }
0x58: {  	[tilespmem:$0xE190] =	vst v1  }
0x59: {  	[tilespmem:$0xE1A0] =	vst v1  }
0x5a: {  	[tilespmem:$0xE1B0] =	vst v1  }
0x5b: {  	[tilespmem:$0xE1C0] =	vst v1  }
0x5c: {  	[tilespmem:$0xE1D0] =	vst v1  }
0x5d: {  	[tilespmem:$0xE1E0] =	vst v1  }
0x5e: {  	[tilespmem:$0xE1F0] =	vst v1  }
0x5f: {  	s0 =	simm.s32 $0x2800;
	[bflag:$0x0] =	sbarrier.arrive $0xFFFF  }
0x60: {  	[tilespmem:s23], [sflag:$0x1] =	stream.indirect.gather [hbm4b:s5+s18], $0x10, s0, s18, $0xb8;
	[tilespmem:$0xE480] =	vst v63  }
0x61: {  	s7 =	simm.s32 $0x2880  }
0x62: {  	[tilespmem:s25], [sflag:$0x2] =	stream.indirect.gather [hbm4b:s5+s18], $0x10, s7, s18, $0xb8;
	[tilespmem:$0xE480] =	vst v63  }
0x63: {  	s12 =	simm.s32 $0x2900  }
0x64: {  	[tilespmem:s28], [sflag:$0x3] =	stream.indirect.gather [hbm4b:s5+s18], $0x10, s12, s18, $0xb8;
	[tilespmem:$0xE480] =	vst v63  }
0x65: {  	s19 =	simm.s32 $0x2980;
	s0 =	simm.s32 $0x8F00  }
0x66: {  	[tilespmem:s0], [sflag:$0x4] =	stream.indirect.gather [hbm4b:s5+s18], $0x10, s19, s18, $0xb8;
	[tilespmem:$0xE480] =	vst v63  }
0x67: {  	s21 =	simm.s32 $0x2A00;
	s19 =	simm.s32 $0x9700  }
0x68: {  	[tilespmem:s19], [sflag:$0x5] =	stream.indirect.gather [hbm4b:s5+s18], $0x10, s21, s18, $0xb8;
	[tilespmem:$0xE480] =	vst v63  }
0x69: {  	s21 =	simm.s32 $0x1  }
0x6a: {  	_ =	swait.ge [sflag:s21], $0x800  }
0x6b: {  	[sflag:s21] =	ssyncset.done $0x0  }
0x6c: {  	s7 =	simm.s32 $0x4F80;
	[sflag:s21] =	ssyncadd.s32 $0xFFFFF800  }
0x6d: {  	[spmem:s1] =	stream.indirect.scatter.add.f32 [tilespmem:s23], [sflag:$0x9], $0x10, s7, s18, $0xb8;
	[tilespmem:$0xE480] =	vst v63  }
0x6e: {  	_ = 	snop  }
0x6f: {  	[spmem:s3] =	stream.indirect.scatter.add.f32 [tilespmem:s30], [sflag:$0x11], $0x1, s7, s18, $0xb8;
	[tilespmem:$0xE480] =	vst v63  }
0x70: {  	s12 =	simm.s32 $0x2A80  }
0x71: {  	[tilespmem:s22], [sflag:$0x6] =	stream.indirect.gather [hbm4b:s5+s18], $0x10, s12, s18, $0xb8;
	[tilespmem:$0xE480] =	vst v63  }
0x72: {  	_ =	swait.ge [sflag:s2], $0x800  }
0x73: {  	[sflag:s2] =	ssyncset.done $0x0  }
0x74: {  	s7 =	simm.s32 $0x5000;
	[sflag:s2] =	ssyncadd.s32 $0xFFFFF800  }
0x75: {  	[spmem:s1] =	stream.indirect.scatter.add.f32 [tilespmem:s25], [sflag:$0xA], $0x10, s7, s18, $0xb8;
	[tilespmem:$0xE480] =	vst v63  }
0x76: {  	_ = 	snop  }
0x77: {  	[spmem:s3] =	stream.indirect.scatter.add.f32 [tilespmem:s30], [sflag:$0x11], $0x1, s7, s18, $0xb8;
	[tilespmem:$0xE480] =	vst v63  }
0x78: {  	s12 =	simm.s32 $0x2B00  }
0x79: {  	[tilespmem:s29], [sflag:$0x7] =	stream.indirect.gather [hbm4b:s5+s18], $0x10, s12, s18, $0xb8;
	[tilespmem:$0xE480] =	vst v63  }
0x7a: {  	_ =	swait.ge [sflag:s13], $0x800  }
0x7b: {  	[sflag:s13] =	ssyncset.done $0x0  }
0x7c: {  	s2 =	simm.s32 $0x5080;
	[sflag:s13] =	ssyncadd.s32 $0xFFFFF800  }
0x7d: {  	[spmem:s1] =	stream.indirect.scatter.add.f32 [tilespmem:s28], [sflag:$0xB], $0x10, s2, s18, $0xb8;
	[tilespmem:$0xE480] =	vst v63  }
0x7e: {  	_ = 	snop  }
0x7f: {  	[spmem:s3] =	stream.indirect.scatter.add.f32 [tilespmem:s30], [sflag:$0x11], $0x1, s2, s18, $0xb8;
	[tilespmem:$0xE480] =	vst v63  }
0x80: {  	s7 =	simm.s32 $0x2B80;
	s2 =	simm.s32 $0xAF00  }
0x81: {  	[tilespmem:s2], [sflag:$0x8] =	stream.indirect.gather [hbm4b:s5+s18], $0x10, s7, s18, $0xb8;
	[tilespmem:$0xE480] =	vst v63  }
0x82: {  	s7 =	simm.s32 $0x4  }
0x83: {  	_ =	swait.ge [sflag:s7], $0x800  }
0x84: {  	[sflag:s7] =	ssyncset.done $0x0  }
0x85: {  	s12 =	simm.s32 $0x5100;
	[sflag:s7] =	ssyncadd.s32 $0xFFFFF800  }
0x86: {  	[spmem:s1] =	stream.indirect.scatter.add.f32 [tilespmem:s0], [sflag:$0xC], $0x10, s12, s18, $0xb8;
	[tilespmem:$0xE480] =	vst v63  }
0x87: {  	_ = 	snop  }
0x88: {  	[spmem:s3] =	stream.indirect.scatter.add.f32 [tilespmem:s30], [sflag:$0x11], $0x1, s12, s18, $0xb8;
	[tilespmem:$0xE480] =	vst v63  }
0x89: {  	_ =	swait.ge [sflag:s10], $0x800  }
0x8a: {  	[sflag:s10] =	ssyncset.done $0x0  }
0x8b: {  	s12 =	simm.s32 $0x2C00;
	[sflag:s10] =	ssyncadd.s32 $0xFFFFF800  }
0x8c: {  	[tilespmem:s23], [sflag:$0x1] =	stream.indirect.gather [hbm4b:s5+s18], $0x10, s12, s18, $0xb8;
	[tilespmem:$0xE480] =	vst v63  }
0x8d: {  	s12 =	simm.s32 $0x5  }
0x8e: {  	_ =	swait.ge [sflag:s12], $0x800  }
0x8f: {  	[sflag:s12] =	ssyncset.done $0x0  }
0x90: {  	s14 =	simm.s32 $0x5180;
	[sflag:s12] =	ssyncadd.s32 $0xFFFFF800  }
0x91: {  	[spmem:s1] =	stream.indirect.scatter.add.f32 [tilespmem:s19], [sflag:$0xD], $0x10, s14, s18, $0xb8;
	[tilespmem:$0xE480] =	vst v63  }
0x92: {  	_ = 	snop  }
0x93: {  	[spmem:s3] =	stream.indirect.scatter.add.f32 [tilespmem:s30], [sflag:$0x11], $0x1, s14, s18, $0xb8;
	[tilespmem:$0xE480] =	vst v63  }
0x94: {  	_ =	swait.ge [sflag:s24], $0x800  }
0x95: {  	[sflag:s24] =	ssyncset.done $0x0  }
0x96: {  	s14 =	simm.s32 $0x2C80;
	[sflag:s24] =	ssyncadd.s32 $0xFFFFF800  }
0x97: {  	[tilespmem:s25], [sflag:$0x2] =	stream.indirect.gather [hbm4b:s5+s18], $0x10, s14, s18, $0xb8;
	[tilespmem:$0xE480] =	vst v63  }
0x98: {  	_ =	swait.ge [sflag:s20], $0x800  }
0x99: {  	[sflag:s20] =	ssyncset.done $0x0  }
0x9a: {  	s14 =	simm.s32 $0x5200;
	[sflag:s20] =	ssyncadd.s32 $0xFFFFF800  }
0x9b: {  	[spmem:s1] =	stream.indirect.scatter.add.f32 [tilespmem:s22], [sflag:$0xE], $0x10, s14, s18, $0xb8;
	[tilespmem:$0xE480] =	vst v63  }
0x9c: {  	_ = 	snop  }
0x9d: {  	[spmem:s3] =	stream.indirect.scatter.add.f32 [tilespmem:s30], [sflag:$0x11], $0x1, s14, s18, $0xb8;
	[tilespmem:$0xE480] =	vst v63  }
0x9e: {  	_ =	swait.ge [sflag:s6], $0x800  }
0x9f: {  	[sflag:s6] =	ssyncset.done $0x0  }
0xa0: {  	s14 =	simm.s32 $0x2D00;
	[sflag:s6] =	ssyncadd.s32 $0xFFFFF800  }
0xa1: {  	[tilespmem:s28], [sflag:$0x3] =	stream.indirect.gather [hbm4b:s5+s18], $0x10, s14, s18, $0xb8;
	[tilespmem:$0xE480] =	vst v63  }
0xa2: {  	_ =	swait.ge [sflag:s11], $0x800  }
0xa3: {  	[sflag:s11] =	ssyncset.done $0x0  }
0xa4: {  	s14 =	simm.s32 $0x5280;
	[sflag:s11] =	ssyncadd.s32 $0xFFFFF800  }
0xa5: {  	[spmem:s1] =	stream.indirect.scatter.add.f32 [tilespmem:s29], [sflag:$0xF], $0x10, s14, s18, $0xb8;
	[tilespmem:$0xE480] =	vst v63  }
0xa6: {  	_ = 	snop  }
0xa7: {  	[spmem:s3] =	stream.indirect.scatter.add.f32 [tilespmem:s30], [sflag:$0x11], $0x1, s14, s18, $0xb8;
	[tilespmem:$0xE480] =	vst v63  }
0xa8: {  	_ =	swait.ge [sflag:s31], $0x800  }
0xa9: {  	[sflag:s31] =	ssyncset.done $0x0  }
0xaa: {  	s14 =	simm.s32 $0x2D80;
	[sflag:s31] =	ssyncadd.s32 $0xFFFFF800  }
0xab: {  	[tilespmem:s0], [sflag:$0x4] =	stream.indirect.gather [hbm4b:s5+s18], $0x10, s14, s18, $0xb8;
	[tilespmem:$0xE480] =	vst v63  }
0xac: {  	_ =	swait.ge [sflag:s15], $0x800  }
0xad: {  	[sflag:s15] =	ssyncset.done $0x0  }
0xae: {  	s14 =	simm.s32 $0x5300;
	[sflag:s15] =	ssyncadd.s32 $0xFFFFF800  }
0xaf: {  	[spmem:s1] =	stream.indirect.scatter.add.f32 [tilespmem:s2], [sflag:$0x10], $0x10, s14, s18, $0xb8;
	[tilespmem:$0xE480] =	vst v63  }
0xb0: {  	_ = 	snop  }
0xb1: {  	[spmem:s3] =	stream.indirect.scatter.add.f32 [tilespmem:s30], [sflag:$0x11], $0x1, s14, s18, $0xb8;
	[tilespmem:$0xE480] =	vst v63  }
0xb2: {  	_ =	swait.ge [sflag:s16], $0x800  }
0xb3: {  	[sflag:s16] =	ssyncset.done $0x0  }
0xb4: {  	s14 =	simm.s32 $0x2E00;
	[sflag:s16] =	ssyncadd.s32 $0xFFFFF800  }
0xb5: {  	[tilespmem:s19], [sflag:$0x5] =	stream.indirect.gather [hbm4b:s5+s18], $0x10, s14, s18, $0xb8;
	[tilespmem:$0xE480] =	vst v63  }
0xb6: {  	_ =	swait.ge [sflag:s21], $0x800  }
0xb7: {  	[sflag:s21] =	ssyncset.done $0x0  }
0xb8: {  	s14 =	simm.s32 $0x5380;
	[sflag:s21] =	ssyncadd.s32 $0xFFFFF800  }
0xb9: {  	[spmem:s1] =	stream.indirect.scatter.add.f32 [tilespmem:s23], [sflag:$0x9], $0x10, s14, s18, $0xb8;
	[tilespmem:$0xE480] =	vst v63  }
0xba: {  	_ = 	snop  }
0xbb: {  	[spmem:s3] =	stream.indirect.scatter.add.f32 [tilespmem:s30], [sflag:$0x11], $0x1, s14, s18, $0xb8;
	[tilespmem:$0xE480] =	vst v63  }
0xbc: {  	_ =	swait.ge [sflag:s17], $0x800  }
0xbd: {  	[sflag:s17] =	ssyncset.done $0x0  }
0xbe: {  	s14 =	simm.s32 $0x2E80;
	[sflag:s17] =	ssyncadd.s32 $0xFFFFF800  }
0xbf: {  	[tilespmem:s22], [sflag:$0x6] =	stream.indirect.gather [hbm4b:s5+s18], $0x10, s14, s18, $0xb8;
	[tilespmem:$0xE480] =	vst v63  }
0xc0: {  	_ =	swait.ge [sflag:s26], $0x800  }
0xc1: {  	[sflag:s26] =	ssyncset.done $0x0  }
0xc2: {  	s14 =	simm.s32 $0x5400;
	[sflag:s26] =	ssyncadd.s32 $0xFFFFF800  }
0xc3: {  	[spmem:s1] =	stream.indirect.scatter.add.f32 [tilespmem:s25], [sflag:$0xA], $0x10, s14, s18, $0xb8;
	[tilespmem:$0xE480] =	vst v63  }
0xc4: {  	_ = 	snop  }
0xc5: {  	[spmem:s3] =	stream.indirect.scatter.add.f32 [tilespmem:s30], [sflag:$0x11], $0x1, s14, s18, $0xb8;
	[tilespmem:$0xE480] =	vst v63  }
0xc6: {  	_ =	swait.ge [sflag:s4], $0x800  }
0xc7: {  	[sflag:s4] =	ssyncset.done $0x0  }
0xc8: {  	s13 =	simm.s32 $0x3;
	s14 =	simm.s32 $0x2F00;
	[sflag:s4] =	ssyncadd.s32 $0xFFFFF800  }
0xc9: {  	[tilespmem:s29], [sflag:$0x7] =	stream.indirect.gather [hbm4b:s5+s18], $0x10, s14, s18, $0xb8;
	[tilespmem:$0xE480] =	vst v63  }
0xca: {  	_ =	swait.ge [sflag:s13], $0x800  }
0xcb: {  	[sflag:s13] =	ssyncset.done $0x0  }
0xcc: {  	s14 =	simm.s32 $0x5480;
	[sflag:s13] =	ssyncadd.s32 $0xFFFFF800  }
0xcd: {  	[spmem:s1] =	stream.indirect.scatter.add.f32 [tilespmem:s28], [sflag:$0xB], $0x10, s14, s18, $0xb8;
	[tilespmem:$0xE480] =	vst v63  }
0xce: {  	_ = 	snop  }
0xcf: {  	[spmem:s3] =	stream.indirect.scatter.add.f32 [tilespmem:s30], [sflag:$0x11], $0x1, s14, s18, $0xb8;
	[tilespmem:$0xE480] =	vst v63  }
0xd0: {  	_ =	swait.ge [sflag:s8], $0x800  }
0xd1: {  	[sflag:s8] =	ssyncset.done $0x0  }
0xd2: {  	s14 =	simm.s32 $0x2F80;
	[sflag:s8] =	ssyncadd.s32 $0xFFFFF800  }
0xd3: {  	[tilespmem:s2], [sflag:$0x8] =	stream.indirect.gather [hbm4b:s5+s18], $0x10, s14, s18, $0xb8;
	[tilespmem:$0xE480] =	vst v63  }
0xd4: {  	_ =	swait.ge [sflag:s7], $0x800  }
0xd5: {  	[sflag:s7] =	ssyncset.done $0x0  }
0xd6: {  	s14 =	simm.s32 $0x5500;
	[sflag:s7] =	ssyncadd.s32 $0xFFFFF800  }
0xd7: {  	[spmem:s1] =	stream.indirect.scatter.add.f32 [tilespmem:s0], [sflag:$0xC], $0x10, s14, s18, $0xb8;
	[tilespmem:$0xE480] =	vst v63  }
0xd8: {  	_ = 	snop  }
0xd9: {  	[spmem:s3] =	stream.indirect.scatter.add.f32 [tilespmem:s30], [sflag:$0x11], $0x1, s14, s18, $0xb8;
	[tilespmem:$0xE480] =	vst v63  }
0xda: {  	_ =	swait.ge [sflag:s10], $0x800  }
0xdb: {  	[sflag:s10] =	ssyncset.done $0x0  }
0xdc: {  	s14 =	simm.s32 $0x3000;
	[sflag:s10] =	ssyncadd.s32 $0xFFFFF800  }
0xdd: {  	[tilespmem:s23], [sflag:$0x1] =	stream.indirect.gather [hbm4b:s5+s18], $0x10, s14, s18, $0xb8;
	[tilespmem:$0xE480] =	vst v63  }
0xde: {  	_ =	swait.ge [sflag:s12], $0x800  }
0xdf: {  	[sflag:s12] =	ssyncset.done $0x0  }
0xe0: {  	s14 =	simm.s32 $0x5580;
	[sflag:s12] =	ssyncadd.s32 $0xFFFFF800  }
0xe1: {  	[spmem:s1] =	stream.indirect.scatter.add.f32 [tilespmem:s19], [sflag:$0xD], $0x10, s14, s18, $0xb8;
	[tilespmem:$0xE480] =	vst v63  }
0xe2: {  	_ = 	snop  }
0xe3: {  	[spmem:s3] =	stream.indirect.scatter.add.f32 [tilespmem:s30], [sflag:$0x11], $0x1, s14, s18, $0xb8;
	[tilespmem:$0xE480] =	vst v63  }
0xe4: {  	_ =	swait.ge [sflag:s24], $0x800  }
0xe5: {  	[sflag:s24] =	ssyncset.done $0x0  }
0xe6: {  	s19 =	simm.s32 $0x3080;
	[sflag:s24] =	ssyncadd.s32 $0xFFFFF800  }
0xe7: {  	[tilespmem:s25], [sflag:$0x2] =	stream.indirect.gather [hbm4b:s5+s18], $0x10, s19, s18, $0xb8;
	[tilespmem:$0xE480] =	vst v63  }
0xe8: {  	_ =	swait.ge [sflag:s20], $0x800  }
0xe9: {  	[sflag:s20] =	ssyncset.done $0x0  }
0xea: {  	[sflag:s20] =	ssyncadd.s32 $0xFFFFF800;
	s20 =	simm.s32 $0x5600  }
0xeb: {  	[spmem:s1] =	stream.indirect.scatter.add.f32 [tilespmem:s22], [sflag:$0xE], $0x10, s20, s18, $0xb8;
	[tilespmem:$0xE480] =	vst v63  }
0xec: {  	_ = 	snop  }
0xed: {  	[spmem:s3] =	stream.indirect.scatter.add.f32 [tilespmem:s30], [sflag:$0x11], $0x1, s20, s18, $0xb8;
	[tilespmem:$0xE480] =	vst v63  }
0xee: {  	_ =	swait.ge [sflag:s6], $0x800  }
0xef: {  	[sflag:s6] =	ssyncset.done $0x0  }
0xf0: {  	s19 =	simm.s32 $0x3100;
	[sflag:s6] =	ssyncadd.s32 $0xFFFFF800  }
0xf1: {  	[tilespmem:s28], [sflag:$0x3] =	stream.indirect.gather [hbm4b:s5+s18], $0x10, s19, s18, $0xb8;
	[tilespmem:$0xE480] =	vst v63  }
0xf2: {  	_ =	swait.ge [sflag:s11], $0x800  }
0xf3: {  	[sflag:s11] =	ssyncset.done $0x0  }
0xf4: {  	s20 =	simm.s32 $0x5680;
	[sflag:s11] =	ssyncadd.s32 $0xFFFFF800  }
0xf5: {  	[spmem:s1] =	stream.indirect.scatter.add.f32 [tilespmem:s29], [sflag:$0xF], $0x10, s20, s18, $0xb8;
	[tilespmem:$0xE480] =	vst v63  }
0xf6: {  	_ = 	snop  }
0xf7: {  	[spmem:s3] =	stream.indirect.scatter.add.f32 [tilespmem:s30], [sflag:$0x11], $0x1, s20, s18, $0xb8;
	[tilespmem:$0xE480] =	vst v63  }
0xf8: {  	_ =	swait.ge [sflag:s31], $0x800  }
0xf9: {  	[sflag:s31] =	ssyncset.done $0x0  }
0xfa: {  	s19 =	simm.s32 $0x3180;
	[sflag:s31] =	ssyncadd.s32 $0xFFFFF800  }
0xfb: {  	[tilespmem:s0], [sflag:$0x4] =	stream.indirect.gather [hbm4b:s5+s18], $0x10, s19, s18, $0xb8;
	[tilespmem:$0xE480] =	vst v63  }
0xfc: {  	_ =	swait.ge [sflag:s15], $0x800  }
0xfd: {  	[sflag:s15] =	ssyncset.done $0x0  }
0xfe: {  	s20 =	simm.s32 $0x5700;
	[sflag:s15] =	ssyncadd.s32 $0xFFFFF800  }
0xff: {  	[spmem:s1] =	stream.indirect.scatter.add.f32 [tilespmem:s2], [sflag:$0x10], $0x10, s20, s18, $0xb8;
	[tilespmem:$0xE480] =	vst v63  }
0x100: {  	_ = 	snop  }
0x101: {  	[spmem:s3] =	stream.indirect.scatter.add.f32 [tilespmem:s30], [sflag:$0x11], $0x1, s20, s18, $0xb8;
	[tilespmem:$0xE480] =	vst v63  }
0x102: {  	_ =	swait.ge [sflag:s16], $0x800  }
0x103: {  	[sflag:s16] =	ssyncset.done $0x0  }
0x104: {  	s14 =	simm.s32 $0x1000;
	s19 =	simm.s32 $0x3200;
	[sflag:s16] =	ssyncadd.s32 $0xFFFFF800  }
.LBB2_4:
0x105: {  	s20 =	simm.s32 $0x9700  }
0x106: {  	[tilespmem:s20], [sflag:$0x5] =	stream.indirect.gather [hbm4b:s5+s18], $0x10, s19, s18, $0xb8;
	[tilespmem:$0xE480] =	vst v63  }
0x107: {  	s19 =	smov.u32 s14  }
0x108: {  	p0 =	sne.s32 s14, $0x7000;
	s14 =	sadd.s32 $0x1000, s14;
	_ =	swait.ge [sflag:s21], $0x800  }
0x109: {  	s19 =	sshra.s32 s19, $0x2;
	[sflag:s21] =	ssyncset.done $0x0  }
0x10a: {  	[sflag:s21] =	ssyncadd.s32 $0xFFFFF800;
	s21 =	sadd.s32 $0x5380, s19  }
0x10b: {  	[spmem:s1] =	stream.indirect.scatter.add.f32 [tilespmem:s23], [sflag:$0x9], $0x10, s21, s18, $0xb8;
	[tilespmem:$0xE480] =	vst v63  }
0x10c: {  	_ = 	snop  }
0x10d: {  	[spmem:s3] =	stream.indirect.scatter.add.f32 [tilespmem:s30], [sflag:$0x11], $0x1, s21, s18, $0xb8;
	[tilespmem:$0xE480] =	vst v63  }
0x10e: {  	_ =	swait.ge [sflag:s17], $0x800  }
0x10f: {  	[sflag:s17] =	ssyncset.done $0x0  }
0x110: {  	s21 =	sadd.s32 $0x2E80, s19;
	[sflag:s17] =	ssyncadd.s32 $0xFFFFF800  }
0x111: {  	[tilespmem:s22], [sflag:$0x6] =	stream.indirect.gather [hbm4b:s5+s18], $0x10, s21, s18, $0xb8;
	[tilespmem:$0xE480] =	vst v63  }
0x112: {  	_ =	swait.ge [sflag:s26], $0x800  }
0x113: {  	[sflag:s26] =	ssyncset.done $0x0  }
0x114: {  	s21 =	sadd.s32 $0x5400, s19;
	[sflag:s26] =	ssyncadd.s32 $0xFFFFF800  }
0x115: {  	[spmem:s1] =	stream.indirect.scatter.add.f32 [tilespmem:s25], [sflag:$0xA], $0x10, s21, s18, $0xb8;
	[tilespmem:$0xE480] =	vst v63  }
0x116: {  	_ = 	snop  }
0x117: {  	[spmem:s3] =	stream.indirect.scatter.add.f32 [tilespmem:s30], [sflag:$0x11], $0x1, s21, s18, $0xb8;
	[tilespmem:$0xE480] =	vst v63  }
0x118: {  	_ =	swait.ge [sflag:s4], $0x800  }
0x119: {  	[sflag:s4] =	ssyncset.done $0x0  }
0x11a: {  	s21 =	sadd.s32 $0x2F00, s19;
	[sflag:s4] =	ssyncadd.s32 $0xFFFFF800  }
0x11b: {  	[tilespmem:s29], [sflag:$0x7] =	stream.indirect.gather [hbm4b:s5+s18], $0x10, s21, s18, $0xb8;
	[tilespmem:$0xE480] =	vst v63  }
0x11c: {  	_ =	swait.ge [sflag:s13], $0x800  }
0x11d: {  	[sflag:s13] =	ssyncset.done $0x0  }
0x11e: {  	s21 =	sadd.s32 $0x5480, s19;
	[sflag:s13] =	ssyncadd.s32 $0xFFFFF800  }
0x11f: {  	[spmem:s1] =	stream.indirect.scatter.add.f32 [tilespmem:s28], [sflag:$0xB], $0x10, s21, s18, $0xb8;
	[tilespmem:$0xE480] =	vst v63  }
0x120: {  	_ = 	snop  }
0x121: {  	[spmem:s3] =	stream.indirect.scatter.add.f32 [tilespmem:s30], [sflag:$0x11], $0x1, s21, s18, $0xb8;
	[tilespmem:$0xE480] =	vst v63  }
0x122: {  	_ =	swait.ge [sflag:s8], $0x800  }
0x123: {  	[sflag:s8] =	ssyncset.done $0x0  }
0x124: {  	s21 =	sadd.s32 $0x2F80, s19;
	[sflag:s8] =	ssyncadd.s32 $0xFFFFF800  }
0x125: {  	[tilespmem:s2], [sflag:$0x8] =	stream.indirect.gather [hbm4b:s5+s18], $0x10, s21, s18, $0xb8;
	[tilespmem:$0xE480] =	vst v63  }
0x126: {  	_ =	swait.ge [sflag:s7], $0x800  }
0x127: {  	[sflag:s7] =	ssyncset.done $0x0  }
0x128: {  	s21 =	sadd.s32 $0x5500, s19;
	[sflag:s7] =	ssyncadd.s32 $0xFFFFF800  }
0x129: {  	[spmem:s1] =	stream.indirect.scatter.add.f32 [tilespmem:s0], [sflag:$0xC], $0x10, s21, s18, $0xb8;
	[tilespmem:$0xE480] =	vst v63  }
0x12a: {  	_ = 	snop  }
0x12b: {  	[spmem:s3] =	stream.indirect.scatter.add.f32 [tilespmem:s30], [sflag:$0x11], $0x1, s21, s18, $0xb8;
	[tilespmem:$0xE480] =	vst v63  }
0x12c: {  	_ =	swait.ge [sflag:s10], $0x800  }
0x12d: {  	[sflag:s10] =	ssyncset.done $0x0  }
0x12e: {  	s21 =	sadd.s32 $0x3000, s19;
	[sflag:s10] =	ssyncadd.s32 $0xFFFFF800  }
0x12f: {  	[tilespmem:s23], [sflag:$0x1] =	stream.indirect.gather [hbm4b:s5+s18], $0x10, s21, s18, $0xb8;
	[tilespmem:$0xE480] =	vst v63  }
0x130: {  	_ =	swait.ge [sflag:s12], $0x800  }
0x131: {  	[sflag:s12] =	ssyncset.done $0x0  }
0x132: {  	s21 =	sadd.s32 $0x5580, s19;
	[sflag:s12] =	ssyncadd.s32 $0xFFFFF800  }
0x133: {  	[spmem:s1] =	stream.indirect.scatter.add.f32 [tilespmem:s20], [sflag:$0xD], $0x10, s21, s18, $0xb8;
	[tilespmem:$0xE480] =	vst v63  }
0x134: {  	s20 =	simm.s32 $0x6;
	_ =	sdelay $0x1  }
0x135: {  	[spmem:s3] =	stream.indirect.scatter.add.f32 [tilespmem:s30], [sflag:$0x11], $0x1, s21, s18, $0xb8;
	[tilespmem:$0xE480] =	vst v63  }
0x136: {  	_ =	swait.ge [sflag:s24], $0x800  }
0x137: {  	[sflag:s24] =	ssyncset.done $0x0  }
0x138: {  	s21 =	sadd.s32 $0x3080, s19;
	[sflag:s24] =	ssyncadd.s32 $0xFFFFF800  }
0x139: {  	[tilespmem:s25], [sflag:$0x2] =	stream.indirect.gather [hbm4b:s5+s18], $0x10, s21, s18, $0xb8;
	[tilespmem:$0xE480] =	vst v63  }
0x13a: {  	_ =	swait.ge [sflag:s20], $0x800  }
0x13b: {  	[sflag:s20] =	ssyncset.done $0x0  }
0x13c: {  	s21 =	sadd.s32 $0x5600, s19;
	[sflag:s20] =	ssyncadd.s32 $0xFFFFF800  }
0x13d: {  	[spmem:s1] =	stream.indirect.scatter.add.f32 [tilespmem:s22], [sflag:$0xE], $0x10, s21, s18, $0xb8;
	[tilespmem:$0xE480] =	vst v63  }
0x13e: {  	_ = 	snop  }
0x13f: {  	[spmem:s3] =	stream.indirect.scatter.add.f32 [tilespmem:s30], [sflag:$0x11], $0x1, s21, s18, $0xb8;
	[tilespmem:$0xE480] =	vst v63  }
0x140: {  	_ =	swait.ge [sflag:s6], $0x800  }
0x141: {  	[sflag:s6] =	ssyncset.done $0x0  }
0x142: {  	s21 =	sadd.s32 $0x3100, s19;
	[sflag:s6] =	ssyncadd.s32 $0xFFFFF800  }
0x143: {  	[tilespmem:s28], [sflag:$0x3] =	stream.indirect.gather [hbm4b:s5+s18], $0x10, s21, s18, $0xb8;
	[tilespmem:$0xE480] =	vst v63  }
0x144: {  	_ =	swait.ge [sflag:s11], $0x800  }
0x145: {  	[sflag:s11] =	ssyncset.done $0x0  }
0x146: {  	s21 =	sadd.s32 $0x5680, s19;
	[sflag:s11] =	ssyncadd.s32 $0xFFFFF800  }
0x147: {  	[spmem:s1] =	stream.indirect.scatter.add.f32 [tilespmem:s29], [sflag:$0xF], $0x10, s21, s18, $0xb8;
	[tilespmem:$0xE480] =	vst v63  }
0x148: {  	_ = 	snop  }
0x149: {  	[spmem:s3] =	stream.indirect.scatter.add.f32 [tilespmem:s30], [sflag:$0x11], $0x1, s21, s18, $0xb8;
	[tilespmem:$0xE480] =	vst v63  }
0x14a: {  	_ =	swait.ge [sflag:s31], $0x800  }
0x14b: {  	[sflag:s31] =	ssyncset.done $0x0  }
0x14c: {  	s21 =	sadd.s32 $0x3180, s19;
	[sflag:s31] =	ssyncadd.s32 $0xFFFFF800  }
0x14d: {  	[tilespmem:s0], [sflag:$0x4] =	stream.indirect.gather [hbm4b:s5+s18], $0x10, s21, s18, $0xb8;
	[tilespmem:$0xE480] =	vst v63  }
0x14e: {  	_ =	swait.ge [sflag:s15], $0x800  }
0x14f: {  	[sflag:s15] =	ssyncset.done $0x0  }
0x150: {  	s21 =	sadd.s32 $0x5700, s19;
	[sflag:s15] =	ssyncadd.s32 $0xFFFFF800  }
0x151: {  	[spmem:s1] =	stream.indirect.scatter.add.f32 [tilespmem:s2], [sflag:$0x10], $0x10, s21, s18, $0xb8;
	[tilespmem:$0xE480] =	vst v63  }
0x152: {  	_ = 	snop  }
0x153: {  	[spmem:s3] =	stream.indirect.scatter.add.f32 [tilespmem:s30], [sflag:$0x11], $0x1, s21, s18, $0xb8;
	[tilespmem:$0xE480] =	vst v63  }
.Ltmp1:
0x154: {  	_ = 	snop;
	(pc) =	sbr.rel @p0 .LBB2_4-.Ltmp1, $4  }
0x155: {  	s21 =	simm.s32 $0x1  }
0x156: {  	_ =	swait.ge [sflag:s16], $0x800  }
0x157: {  	[sflag:s16] =	ssyncset.done $0x0  }
0x158: {  	s19 =	sadd.s32 $0x3200, s19;
	[sflag:s16] =	ssyncadd.s32 $0xFFFFF800  }
0x159: {  	s14 =	simm.s32 $0x9700  }
0x15a: {  	[tilespmem:s14], [sflag:$0x5] =	stream.indirect.gather [hbm4b:s5+s18], $0x10, s19, s18, $0xb8;
	[tilespmem:$0xE480] =	vst v63  }
0x15b: {  	_ =	swait.ge [sflag:s21], $0x800  }
0x15c: {  	[sflag:s21] =	ssyncset.done $0x0  }
0x15d: {  	s2 =	simm.s32 $0x7380;
	[sflag:s21] =	ssyncadd.s32 $0xFFFFF800  }
0x15e: {  	[spmem:s1] =	stream.indirect.scatter.add.f32 [tilespmem:s23], [sflag:$0x9], $0x10, s2, s18, $0xb8;
	[tilespmem:$0xE480] =	vst v63  }
0x15f: {  	_ = 	snop  }
0x160: {  	[spmem:s3] =	stream.indirect.scatter.add.f32 [tilespmem:s30], [sflag:$0x11], $0x1, s2, s18, $0xb8;
	[tilespmem:$0xE480] =	vst v63  }
0x161: {  	_ =	swait.ge [sflag:s17], $0x800  }
0x162: {  	[sflag:s17] =	ssyncset.done $0x0  }
0x163: {  	s19 =	simm.s32 $0x4E80;
	[sflag:s17] =	ssyncadd.s32 $0xFFFFF800  }
0x164: {  	[tilespmem:s22], [sflag:$0x6] =	stream.indirect.gather [hbm4b:s5+s18], $0x10, s19, s18, $0xb8;
	[tilespmem:$0xE480] =	vst v63  }
0x165: {  	_ =	swait.ge [sflag:s26], $0x800  }
0x166: {  	[sflag:s26] =	ssyncset.done $0x0  }
0x167: {  	s21 =	simm.s32 $0x7400;
	[sflag:s26] =	ssyncadd.s32 $0xFFFFF800  }
0x168: {  	[spmem:s1] =	stream.indirect.scatter.add.f32 [tilespmem:s25], [sflag:$0xA], $0x10, s21, s18, $0xb8;
	[tilespmem:$0xE480] =	vst v63  }
0x169: {  	_ = 	snop  }
0x16a: {  	[spmem:s3] =	stream.indirect.scatter.add.f32 [tilespmem:s30], [sflag:$0x11], $0x1, s21, s18, $0xb8;
	[tilespmem:$0xE480] =	vst v63  }
0x16b: {  	_ =	swait.ge [sflag:s4], $0x800  }
0x16c: {  	[sflag:s4] =	ssyncset.done $0x0  }
0x16d: {  	s19 =	simm.s32 $0x4F00;
	[sflag:s4] =	ssyncadd.s32 $0xFFFFF800  }
0x16e: {  	[tilespmem:s29], [sflag:$0x7] =	stream.indirect.gather [hbm4b:s5+s18], $0x10, s19, s18, $0xb8;
	[tilespmem:$0xE480] =	vst v63  }
0x16f: {  	_ =	swait.ge [sflag:s13], $0x800  }
0x170: {  	[sflag:s13] =	ssyncset.done $0x0  }
0x171: {  	s21 =	simm.s32 $0x7480;
	[sflag:s13] =	ssyncadd.s32 $0xFFFFF800  }
0x172: {  	[spmem:s1] =	stream.indirect.scatter.add.f32 [tilespmem:s28], [sflag:$0xB], $0x10, s21, s18, $0xb8;
	[tilespmem:$0xE480] =	vst v63  }
0x173: {  	_ = 	snop  }
0x174: {  	[spmem:s3] =	stream.indirect.scatter.add.f32 [tilespmem:s30], [sflag:$0x11], $0x1, s21, s18, $0xb8;
	[tilespmem:$0xE480] =	vst v63  }
0x175: {  	_ =	swait.ge [sflag:s7], $0x800  }
0x176: {  	[sflag:s7] =	ssyncset.done $0x0  }
0x177: {  	[sflag:s7] =	ssyncadd.s32 $0xFFFFF800;
	s7 =	simm.s32 $0x7500  }
0x178: {  	[spmem:s1] =	stream.indirect.scatter.add.f32 [tilespmem:s0], [sflag:$0xC], $0x10, s7, s18, $0xb8;
	[tilespmem:$0xE480] =	vst v63  }
0x179: {  	_ = 	snop  }
0x17a: {  	[spmem:s3] =	stream.indirect.scatter.add.f32 [tilespmem:s30], [sflag:$0x11], $0x1, s7, s18, $0xb8;
	[tilespmem:$0xE480] =	vst v63  }
0x17b: {  	_ =	swait.ge [sflag:s12], $0x800  }
0x17c: {  	[sflag:s12] =	ssyncset.done $0x0  }
0x17d: {  	s13 =	simm.s32 $0x7580;
	[sflag:s12] =	ssyncadd.s32 $0xFFFFF800  }
0x17e: {  	[spmem:s1] =	stream.indirect.scatter.add.f32 [tilespmem:s14], [sflag:$0xD], $0x10, s13, s18, $0xb8;
	[tilespmem:$0xE480] =	vst v63  }
0x17f: {  	_ = 	snop  }
0x180: {  	[spmem:s3] =	stream.indirect.scatter.add.f32 [tilespmem:s30], [sflag:$0x11], $0x1, s13, s18, $0xb8;
	[tilespmem:$0xE480] =	vst v63  }
0x181: {  	_ =	swait.ge [sflag:s20], $0x800  }
0x182: {  	[sflag:s20] =	ssyncset.done $0x0  }
0x183: {  	s19 =	simm.s32 $0x7600;
	[sflag:s20] =	ssyncadd.s32 $0xFFFFF800  }
0x184: {  	[spmem:s1] =	stream.indirect.scatter.add.f32 [tilespmem:s22], [sflag:$0xE], $0x10, s19, s18, $0xb8;
	[tilespmem:$0xE480] =	vst v63  }
0x185: {  	_ = 	snop  }
0x186: {  	[spmem:s3] =	stream.indirect.scatter.add.f32 [tilespmem:s30], [sflag:$0x11], $0x1, s19, s18, $0xb8;
	[tilespmem:$0xE480] =	vst v63  }
0x187: {  	_ =	swait.ge [sflag:s11], $0x800  }
0x188: {  	[sflag:s11] =	ssyncset.done $0x0  }
0x189: {  	s21 =	simm.s32 $0x7680;
	[sflag:s11] =	ssyncadd.s32 $0xFFFFF800  }
0x18a: {  	[spmem:s1] =	stream.indirect.scatter.add.f32 [tilespmem:s29], [sflag:$0xF], $0x10, s21, s18, $0xb8;
	[tilespmem:$0xE480] =	vst v63  }
0x18b: {  	_ = 	snop  }
0x18c: {  	[spmem:s3] =	stream.indirect.scatter.add.f32 [tilespmem:s30], [sflag:$0x11], $0x1, s21, s18, $0xb8;
	[tilespmem:$0xE480] =	vst v63  }
0x18d: {  	_ =	swait.ge [sflag:s8], $0x800  }
0x18e: {  	[sflag:s8] =	ssyncset.done $0x0  }
0x18f: {  	[sflag:s8] =	ssyncadd.s32 $0xFFFFF800  }
0x190: {  	_ =	swait.ge [sflag:s10], $0x800  }
0x191: {  	[sflag:s10] =	ssyncset.done $0x0  }
0x192: {  	[sflag:s10] =	ssyncadd.s32 $0xFFFFF800  }
0x193: {  	_ =	swait.ge [sflag:s24], $0x800  }
0x194: {  	[sflag:s24] =	ssyncset.done $0x0  }
0x195: {  	[sflag:s24] =	ssyncadd.s32 $0xFFFFF800  }
0x196: {  	_ =	swait.ge [sflag:s6], $0x800  }
0x197: {  	[sflag:s6] =	ssyncset.done $0x0  }
0x198: {  	[sflag:s6] =	ssyncadd.s32 $0xFFFFF800  }
0x199: {  	_ =	swait.ge [sflag:s31], $0x800  }
0x19a: {  	[sflag:s31] =	ssyncset.done $0x0  }
0x19b: {  	[sflag:s31] =	ssyncadd.s32 $0xFFFFF800  }
0x19c: {  	_ =	swait.ge [sflag:s16], $0x800  }
0x19d: {  	[sflag:s16] =	ssyncset.done $0x0  }
0x19e: {  	[sflag:s16] =	ssyncadd.s32 $0xFFFFF800  }
0x19f: {  	_ =	swait.ge [sflag:s17], $0x800  }
0x1a0: {  	[sflag:s17] =	ssyncset.done $0x0  }
0x1a1: {  	[sflag:s17] =	ssyncadd.s32 $0xFFFFF800  }
0x1a2: {  	_ =	swait.ge [sflag:s4], $0x800  }
0x1a3: {  	[sflag:s4] =	ssyncset.done $0x0  }
0x1a4: {  	[sflag:s4] =	ssyncadd.s32 $0xFFFFF800  }
0x1a5: {  	s2 =	simm.s32 $0x2;
	_ =	swait.ge [sflag:s9], $0x80  }
0x1a6: {  	s14 =	simm.s32 $0x4E;
	s13 =	simm.s32 $0x3;
	[sflag:s9] =	ssyncset.done $0x0  }
.LBB2_6:
0x1a7: {  	p0 =	sne.s32 s14, $0x1;
	s14 =	sadd.s32 $0xFFFFFFFF, s14;
	[sflag:s9] =	ssyncadd.s32 $0xFFFFFF80  }
.Ltmp2:
0x1a8: {  	(pc) =	sbr.rel @p0 .LBB2_6-.Ltmp2, $3  }
0x1a9: {  	_ =	sdelay $0x1  }
0x1aa: {  	_ =	swait.ge [sflag:s9], $0x80  }
0x1ab: {  	[sflag:s9] =	ssyncset.done $0x0  }
0x1ac: {  	[sflag:s9] =	ssyncadd.s32 $0xFFFFFF80  }
0x1ad: {  	[bflag:$0x0] =	sbarrier.arrive $0xFFFF  }
0x1ae: {  	s14 =	simm.s32 $0xB700;
	s21 =	simm.s32 $0x12;
	s7 =	rddreg [dreg:$0x7]  }
0x1af: {  	[tilespmem:s14], [sflag:$0x12] =	stream.linear.gather [spmem:s7], $0x2800, $0x38;
	[tilespmem:$0xE480] =	vst v63  }
0x1b0: {  	_ =	swait.ge [sflag:s21], $0x2800  }
0x1b1: {  	[sflag:s21] =	ssyncset.done $0x0  }
0x1b2: {  	s12 =	simm.s32 $0x0;
	s19 =	rddreg [dreg:$0x9];
	[sflag:s21] =	ssyncadd.s32 $0xFFFFD800  }
0x1b3: {  	[hbm4b:s19+s12] =	stream.linear.scatter [tilespmem:s14], [sflag:$0x12], $0x2800, $0x38;
	[tilespmem:$0xE480] =	vst v63  }
0x1b4: {  	_ =	swait.ge [sflag:s21], $0x2800  }
0x1b5: {  	[sflag:s21] =	ssyncset.done $0x0  }
0x1b6: {  	s14 =	simm.s32 $0xE200;
	s0 =	rddreg [dreg:$0x8];
	[sflag:s21] =	ssyncadd.s32 $0xFFFFD800  }
0x1b7: {  	[tilespmem:s14], [sflag:$0x12] =	stream.linear.gather [spmem:s0], $0x280, $0x38;
	[tilespmem:$0xE480] =	vst v63  }
0x1b8: {  	_ =	swait.ge [sflag:s21], $0x280  }
0x1b9: {  	[sflag:s21] =	ssyncset.done $0x0  }
0x1ba: {  	s0 =	rddreg [dreg:$0xa];
	[sflag:s21] =	ssyncadd.s32 $0xFFFFFD80  }
0x1bb: {  	[hbm4b:s0+s12] =	stream.linear.scatter [tilespmem:s14], [sflag:$0x12], $0x280, $0x38;
	[tilespmem:$0xE480] =	vst v63  }
0x1bc: {  	_ =	swait.ge [sflag:s21], $0x280  }
0x1bd: {  	s0 =	rddreg [dreg:$0xc]  }
0x1be: {  	s14 =	rddreg [dreg:$0xb];
	s0 =	sadd.s32 $0x1, s0  }
0x1bf: {  	p0 =	sne.s32 s0, s14  }
.Ltmp3:
0x1c0: {  	_ = 	snop;
	(pc) =	sbr.rel @p0 .LBB2_1-.Ltmp3, $3  }
0x1c1: {  	_ =	sdelay $0x1  }
0x1c2: {  	[sflag:s21] =	ssyncset.done $0x0  }
0x1c3: {  	[sflag:s21] =	ssyncadd.s32 $0xFFFFFD80  }
0x1c4: {  	_ =	sfence.sel $0x180000  }
0x1c5: {  	[bflag:$0x0] =	sbarrier.arrive $0xFFFF  }
0x1c6: {  	_ =	strace $0x90000047  }
0x1c7: {  	s0 =	stileid.u32;
	[bflag:$0x2] =	sbarrier.arrive $0xFFFF  }
0x1c8: {  	p0 =	sne.s32 s0, $0x0;
	s0 =	rddreg [dreg:$0x4]  }
0x1c9: {  	s0 =	sadd.s32 @!p0 $0x100000, s0  }
0x1ca: {  	[sflag:s0] =	ssyncadd.tile.s32 @!p0 $0x1;
	_ =	shalt  }
.Lfunc_end2:
_tile_overlayer_lowered:
.L_overlay_start_2:
0x1cb: {  	(tag) =	ssettag $0x2  }
0x1cc: {  	s0 =	rddreg [dreg:$0x0];
	s2 =	stileid.u32  }
0x1cd: {  	s1 =	rddreg [dreg:$0x1];
	p0 =	sne.s32 s2, $0x0  }
0x1ce: {  	s3 =	rddreg [dreg:$0x2];
	[bflag:$0x3] =	sbarrier.arrive $0xFFFF;
	s2 =	simm.s32 @!p0 $0x1C12  }
0x1cf: {  	[timem:s3], [sflag:s2] =	dma.local @!p0 [hbm:s0], s1  }
0x1d0: {  	s0 =	simm.s32 @!p0 $0x12  }
0x1d1: {  	_ =	swait.ge @!p0 [sflag:s0], s1  }
0x1d2: {  	s1 =	ssub.s32 @!p0 $0x0, s1;
	[sflag:s0] =	ssyncset.done @!p0 $0x0  }
0x1d3: {  	[sflag:s0] =	ssyncadd.s32 @!p0 s1  }
0x1d4: {  	[bflag:$0x3] =	sbarrier.arrive $0xFFFF  }
0x1d5: {  	_ =	shalt  }

</sc_bundles>
